<compile_context>
chip_gen: v7x
topology: tpu7x:2x2x1
jax: 0.10.2.dev20260603
libtpu: 0.0.44.dev20260713+nightly
codegen_flags: <defaults>
</compile_context>

<pallas_src>
import jax
import jax.numpy as jnp
from jax import lax
from jax.experimental import pallas as pl
from jax.experimental.pallas import tpu as pltpu
from jax.experimental.pallas import tpu_sc as plsc

N, P, M, NUM_CLASSES = 16, 16384, 20, 81
NEG_POS_RATIO, ALPHA, THRESHOLD = 3, 1.0, 0.5
PC = 4096
NCHUNK = P // PC
BIG = 1e9

NP_TOT = N * P
NWORK = 32
SLICE = NP_TOT // NWORK
GCH = 128
CPAD = 128
CAP_W = 2048
CAP_HALF = 16 * CAP_W
TOTCAP = 2 * CAP_HALF
RBLK = 512


def _fiota(shape, dim):
    return lax.broadcasted_iota(jnp.int32, shape, dim).astype(jnp.float32)



def _match_kernel(boxes_ref, labels_ref, priors_ref, pboxes_ref, pobj_ref,
                  scal_ref, tcn_ref,
                  ioufp_s, ofp_s, neg_s, posf_s, acc_s):
    i = pl.program_id(0)

    @pl.when(i == 0)
    def _init():
        acc_s[0] = 0.0
        acc_s[1] = 0.0

    boxes = boxes_ref[0]
    bx0 = boxes[:, 0:1]
    by0 = boxes[:, 1:2]
    bx1 = boxes[:, 2:3]
    by1 = boxes[:, 3:4]
    area_b = (bx1 - bx0) * (by1 - by0)
    bcx = (bx0 + bx1) * 0.5
    bcy = (by0 + by1) * 0.5
    bw = bx1 - bx0
    bh = by1 - by0
    labels = labels_ref[0]
    jcol = _fiota((M, 1), 0)

    best_v = jnp.full((M, 1), -1.0, jnp.float32)
    best_p = jnp.zeros((M, 1), jnp.float32)

    for c in range(NCHUNK):
        sl = slice(c * PC, (c + 1) * PC)
        px0 = priors_ref[0:1, sl]
        py0 = priors_ref[1:2, sl]
        px1 = priors_ref[2:3, sl]
        py1 = priors_ref[3:4, sl]
        wx = jnp.maximum(jnp.minimum(bx1, px1) - jnp.maximum(bx0, px0), 0.0)
        wy = jnp.maximum(jnp.minimum(by1, py1) - jnp.maximum(by0, py0), 0.0)
        inter = wx * wy
        area_p = (px1 - px0) * (py1 - py0)
        iou = inter / (area_b + area_p - inter)
        fp = jnp.max(iou, axis=0, keepdims=True)
        jmat = _fiota((M, PC), 0)
        ofp_c = jnp.min(jnp.where(iou == fp, jmat, BIG), axis=0, keepdims=True)
        ioufp_s[0:1, sl] = fp
        ofp_s[0:1, sl] = ofp_c
        cm = jnp.max(iou, axis=1, keepdims=True)
        pmat = _fiota((M, PC), 1) + float(c * PC)
        cam = jnp.min(jnp.where(iou == cm, pmat, BIG), axis=1, keepdims=True)
        upd = cm > best_v
        best_v = jnp.where(upd, cm, best_v)
        best_p = jnp.where(upd, cam, best_p)

    pfo = best_p

    loc_sum = jnp.float32(0.0)
    obj_pos = jnp.float32(0.0)
    pb_all = pboxes_ref[0]

    for c in range(NCHUNK):
        sl = slice(c * PC, (c + 1) * PC)
        fp = ioufp_s[0:1, sl]
        ofp_c = ofp_s[0:1, sl]
        pg = _fiota((1, PC), 1) + float(c * PC)
        match = pfo == pg
        fj = jnp.max(jnp.where(match, jcol, -1.0), axis=0, keepdims=True)
        has = fj >= 0.0
        ofp2 = jnp.where(has, fj, ofp_c)
        iou2 = jnp.where(has, 1.0, fp)
        posf = (iou2 >= THRESHOLD).astype(jnp.float32)
        onehot = (ofp2 == jcol).astype(jnp.float32)
        lab = jnp.sum(onehot * labels, axis=0, keepdims=True)
        tcn_ref[0, 0:1, sl] = jnp.where(posf > 0.0, lab, -1.0)

        ocx = jnp.sum(onehot * bcx, axis=0, keepdims=True)
        ocy = jnp.sum(onehot * bcy, axis=0, keepdims=True)
        ow = jnp.sum(onehot * bw, axis=0, keepdims=True)
        oh = jnp.sum(onehot * bh, axis=0, keepdims=True)
        px0 = priors_ref[0:1, sl]
        py0 = priors_ref[1:2, sl]
        px1 = priors_ref[2:3, sl]
        py1 = priors_ref[3:4, sl]
        pcx = (px0 + px1) * 0.5
        pcy = (py0 + py1) * 0.5
        pw = px1 - px0
        ph = py1 - py0
        g = jnp.concatenate([
            (ocx - pcx) / (pw * 0.1),
            (ocy - pcy) / (ph * 0.1),
            jnp.log(ow / pw) * 5.0,
            jnp.log(oh / ph) * 5.0,
        ], axis=0)
        d = pb_all[:, sl] - g
        ad = jnp.abs(d)
        sl1 = jnp.where(ad < 1.0, 0.5 * d * d, ad - 0.5)
        loc_sum = loc_sum + jnp.sum(sl1 * posf)

        po = pobj_ref[0, 0:1, sl]
        oel = (po - posf) ** 2
        obj_pos = obj_pos + jnp.sum(oel * posf)
        neg_s[pl.ds(i, 1), sl] = jnp.where(posf > 0.0, 0.0, oel)
        posf_s[pl.ds(i, 1), sl] = posf

    acc_s[0] = acc_s[0] + loc_sum
    acc_s[1] = acc_s[1] + obj_pos

    @pl.when(i == N - 1)
    def _finalize():
        negs = neg_s[:, :]
        posv = posf_s[:, :]
        npv = jnp.sum(posv, axis=1, keepdims=True)
        kv = jnp.minimum(jnp.float32(NEG_POS_RATIO) * npv, jnp.float32(P))
        bits = lax.bitcast_convert_type(negs, jnp.int32)
        lo = jnp.zeros((N, 1), jnp.int32)
        hi = jnp.max(bits, axis=1, keepdims=True)
        for _ in range(31):
            mid = lo + lax.div(hi - lo + 1, 2)
            cnt = jnp.sum((bits >= mid).astype(jnp.float32), axis=1,
                          keepdims=True)
            ok = cnt >= kv
            lo = jnp.where(ok, mid, lo)
            hi = jnp.where(ok, hi, mid - 1)
        tval = jnp.max(jnp.where(bits <= lo, negs, -1.0), axis=1, keepdims=True)
        cgt = jnp.sum(jnp.where(bits > lo, 1.0, 0.0), axis=1, keepdims=True)
        sgt = jnp.sum(jnp.where(bits > lo, negs, 0.0), axis=1, keepdims=True)
        topk = sgt + (kv - cgt) * tval
        topk = jnp.where(kv > 0.0, topk, 0.0)
        lane = _fiota((1, 128), 1)
        out = (jnp.where(lane == 0.0, acc_s[0], 0.0)
               + jnp.where(lane == 1.0, acc_s[1], 0.0)
               + jnp.where(lane == 2.0, jnp.sum(topk), 0.0)
               + jnp.where(lane == 3.0, jnp.sum(npv), 0.0)
               + jnp.where(lane == 4.0, jnp.sum(kv), 0.0))
        scal_ref[:, :] = out


def _sc_compact_gather(tcn_hbm, cd_hbm, rows_hbm, tcv_hbm, counts_hbm,
                       tcn_v, idx_v, tcv_v, rows_v, cvec_v, sem):
    c = lax.axis_index("c")
    s = lax.axis_index("s")
    wid = c * 16 + s
    base = pl.multiple_of(wid * SLICE, 256)

    pltpu.sync_copy(tcn_hbm.at[pl.ds(base, SLICE)], tcn_v)

    iota16 = lax.broadcasted_iota(jnp.int32, (16,), 0)

    def sbody(b, ptr):
        sm = tcn_v[pl.ds(b * 256, 16)]
        for q in range(1, 16):
            sm = jnp.maximum(sm, tcn_v[pl.ds(b * 256 + q * 16, 16)])
        sm = jnp.maximum(sm, sm[iota16 ^ 1])
        sm = jnp.maximum(sm, sm[iota16 ^ 2])
        sm = jnp.maximum(sm, sm[iota16 ^ 4])
        sm = jnp.maximum(sm, sm[iota16 ^ 8])

        def _desc(p0):
            def gbody2(q, pp0):
                v = tcn_v[pl.ds(b * 256 + q * 16, 16)]
                m = jnp.maximum(v, v[iota16 ^ 1])
                m = jnp.maximum(m, m[iota16 ^ 2])
                m = jnp.maximum(m, m[iota16 ^ 4])
                m = jnp.maximum(m, m[iota16 ^ 8])

                def _grp(p):
                    for j in range(16):
                        def _take(pp, j=j):
                            exi = idx_v[pl.ds(pp, 16)]
                            idx_v[pl.ds(pp, 16)] = jnp.where(
                                iota16 == 0, base + b * 256 + q * 16 + j, exi)
                            exv = tcv_v[pl.ds(pp, 16)]
                            tcv_v[pl.ds(pp, 16)] = jnp.where(
                                iota16 == 0, v[j], exv)
                            return pp + 1

                        p = lax.cond(v[j] >= 0.0, _take, lambda pp: pp, p)
                    return p

                return lax.cond(m[0] >= 0.0, _grp, lambda pp: pp, pp0)

            return lax.fori_loop(0, 16, gbody2, p0)

        return lax.cond(sm[0] >= 0.0, _desc, lambda p: p, ptr)

    n = lax.fori_loop(0, SLICE // 256, sbody, jnp.int32(0))

    for t in range(GCH // 16):
        idx_v[pl.ds(n + t * 16, 16)] = jnp.zeros((16,), jnp.int32)
        tcv_v[pl.ds(n + t * 16, 16)] = jnp.full((16,), -1.0, jnp.float32)

    nr = jnp.minimum(((n + GCH - 1) // GCH) * GCH, CAP_W)
    out_base = pl.multiple_of(wid * CAP_W, GCH)

    def gbody(t, carry):
        pltpu.async_copy(cd_hbm.at[idx_v.at[pl.ds(t * GCH, GCH)]],
                         rows_v, sem).wait()
        pltpu.sync_copy(rows_v, rows_hbm.at[pl.ds(out_base + t * GCH, GCH)])
        pltpu.sync_copy(tcv_v.at[pl.ds(t * GCH, GCH)],
                        tcv_hbm.at[pl.ds(out_base + t * GCH, GCH)])
        return carry

    lax.fori_loop(0, nr // GCH, gbody, jnp.int32(0))

    cvec_v[...] = jnp.where(iota16 == 0, n, 0)
    pltpu.sync_copy(cvec_v, counts_hbm.at[pl.ds(pl.multiple_of(wid * 16, 16), 16)])


def _reduce_kernel(counts_sref, rows_ref, tcv_ref, out_ref):
    i = pl.program_id(0)
    bpw = CAP_W // RBLK
    w = i // bpw
    local = (i % bpw) * RBLK
    cnt = counts_sref[w * 16]
    active = local < cnt

    @pl.when(i == 0)
    def _init():
        out_ref[:, :] = jnp.zeros_like(out_ref)

    @pl.when(active)
    def _acc():
        cid = _fiota((RBLK, CPAD), 1)
        x = jnp.where(cid < float(NUM_CLASSES), rows_ref[:, :], -1e30)
        m = jnp.max(x, axis=1, keepdims=True)
        lse = m + jnp.log(jnp.sum(jnp.exp(x - m), axis=1, keepdims=True))
        tc = tcv_ref[:, :]
        take = jnp.sum(jnp.where(cid == tc, x, 0.0), axis=1, keepdims=True)
        nll = lse - take
        riota = lax.broadcasted_iota(jnp.int32, (RBLK, 1), 0) + local
        msk = (tc >= 0.0) & (riota < cnt)
        partial = jnp.sum(jnp.where(msk, nll, 0.0))
        lane = _fiota((1, 128), 1)
        out_ref[:, :] += jnp.where(lane == 0.0, partial, 0.0)


def _block_sel(i, cref):
    bpw = CAP_W // RBLK
    w = i // bpw
    local = (i % bpw) * RBLK
    cnt = cref[w * 16]
    return jnp.where(local < cnt, i, w * bpw)


@jax.jit
def kernel(predicted_boxes, predicted_class_dist, predicted_objectness,
           boxes, labels, anchor_priors):
    priors_t = anchor_priors.T
    pboxes_t = jnp.transpose(predicted_boxes, (0, 2, 1))
    pobj = predicted_objectness.reshape(N, 1, P)
    labels_f = labels.astype(jnp.float32).reshape(N, M, 1)

    scal, tcn = pl.pallas_call(
        _match_kernel,
        grid=(N,),
        in_specs=[
            pl.BlockSpec((1, M, 4), lambda i: (i, 0, 0)),
            pl.BlockSpec((1, M, 1), lambda i: (i, 0, 0)),
            pl.BlockSpec((4, P), lambda i: (0, 0)),
            pl.BlockSpec((1, 4, P), lambda i: (i, 0, 0)),
            pl.BlockSpec((1, 1, P), lambda i: (i, 0, 0)),
        ],
        out_specs=[
            pl.BlockSpec((1, 128), lambda i: (0, 0)),
            pl.BlockSpec((1, 1, P), lambda i: (i, 0, 0)),
        ],
        out_shape=[
            jax.ShapeDtypeStruct((1, 128), jnp.float32),
            jax.ShapeDtypeStruct((N, 1, P), jnp.float32),
        ],
        scratch_shapes=[
            pltpu.VMEM((1, P), jnp.float32),
            pltpu.VMEM((1, P), jnp.float32),
            pltpu.VMEM((N, P), jnp.float32),
            pltpu.VMEM((N, P), jnp.float32),
            pltpu.SMEM((4,), jnp.float32),
        ],
    )(boxes, labels_f, priors_t, pboxes_t, pobj)

    tcn_flat = tcn.reshape(NP_TOT)
    cd128 = jnp.pad(predicted_class_dist, ((0, 0), (0, 0), (0, CPAD - NUM_CLASSES)))
    cd_flat = cd128.reshape(NP_TOT, CPAD)

    sc_fn = pl.kernel(
        _sc_compact_gather,
        out_type=[
            jax.ShapeDtypeStruct((TOTCAP, CPAD), jnp.float32),
            jax.ShapeDtypeStruct((TOTCAP,), jnp.float32),
            jax.ShapeDtypeStruct((NWORK * 16,), jnp.int32),
        ],
        mesh=plsc.VectorSubcoreMesh(core_axis_name="c", subcore_axis_name="s"),
        scratch_types=[
            pltpu.VMEM((SLICE,), jnp.float32),
            pltpu.VMEM((SLICE + 2 * GCH, ), jnp.int32),
            pltpu.VMEM((SLICE + 2 * GCH, ), jnp.float32),
            pltpu.VMEM((GCH, CPAD), jnp.float32),
            pltpu.VMEM((16,), jnp.int32),
            pltpu.SemaphoreType.DMA,
        ],
    )
    rows, tcv, counts = sc_fn(tcn_flat, cd_flat)

    scal2 = pl.pallas_call(
        _reduce_kernel,
        grid_spec=pltpu.PrefetchScalarGridSpec(
            num_scalar_prefetch=1,
            grid=(TOTCAP // RBLK,),
            in_specs=[
                pl.BlockSpec((RBLK, CPAD),
                             lambda i, cref: (_block_sel(i, cref), 0)),
                pl.BlockSpec((RBLK, 1),
                             lambda i, cref: (_block_sel(i, cref), 0)),
            ],
            out_specs=pl.BlockSpec((1, 128), lambda i, cref: (0, 0)),
        ),
        out_shape=jax.ShapeDtypeStruct((1, 128), jnp.float32),
    )(counts, rows, tcv.reshape(TOTCAP, 1))

    loc_sum = scal[0, 0]
    obj_pos = scal[0, 1]
    neg_topk = scal[0, 2]
    n_pos = scal[0, 3]
    k_tot = scal[0, 4]
    class_sum = scal2[0, 0]
    return (class_sum / n_pos + obj_pos / n_pos
            + neg_topk / jnp.maximum(k_tot, 1.0)
            + ALPHA * loc_sum / (n_pos * 4.0))

# --- scband reference (transcript-rebuilt; emitter-appended) ---
"""Pipeline reference for scband-hard-negative-multi-boxes-loss-17497696764061 (READ-ONLY COPY).

The authoritative reference and input builder live on the scoring server;
editing this copy changes nothing except your own understanding.
"""

import jax, jax.numpy as jnp
import numpy as np

N, P, M, NUM_CLASSES = 16, 16384, 20, 81
NEG_POS_RATIO, ALPHA, THRESHOLD = 3, 1.0, 0.5
BACKGROUND = NUM_CLASSES  # background class index == n_classes, as in the torch module


def xy_to_cxcy(xy):
    return jnp.concatenate([(xy[..., :2] + xy[..., 2:]) / 2.0, xy[..., 2:] - xy[..., :2]], axis=-1)


def cxcy_to_gcxgcy(cxcy, priors_cxcy):
    return jnp.concatenate([
        (cxcy[..., :2] - priors_cxcy[..., :2]) / (priors_cxcy[..., 2:] / 10.0),
        jnp.log(cxcy[..., 2:] / priors_cxcy[..., 2:]) * 5.0,
    ], axis=-1)


def box_iou(a, b):
    lt = jnp.maximum(a[:, None, :2], b[None, :, :2])
    rb = jnp.minimum(a[:, None, 2:], b[None, :, 2:])
    wh = jnp.clip(rb - lt, 0.0)
    inter = wh[..., 0] * wh[..., 1]
    area_a = (a[:, 2] - a[:, 0]) * (a[:, 3] - a[:, 1])
    area_b = (b[:, 2] - b[:, 0]) * (b[:, 3] - b[:, 1])
    return inter / (area_a[:, None] + area_b[None, :] - inter)


def _forward(predicted_boxes, predicted_class_dist, predicted_objectness, boxes, labels, anchor_priors):
    priors_cxcy = xy_to_cxcy(anchor_priors)

    def per_image(boxes_i, labels_i):
        iou = box_iou(boxes_i, anchor_priors)  # [M, P]
        iou_for_each_prior = iou.max(axis=0)
        object_for_each_prior = jnp.argmax(iou, axis=0)
        prior_for_each_object = jnp.argmax(iou, axis=1)  # [M]
        object_for_each_prior = object_for_each_prior.at[prior_for_each_object].set(jnp.arange(M))
        iou_for_each_prior = iou_for_each_prior.at[prior_for_each_object].set(1.0)
        label_for_each_prior = labels_i[object_for_each_prior]
        label_for_each_prior = jnp.where(iou_for_each_prior < THRESHOLD, BACKGROUND, label_for_each_prior)
        true_locs_i = cxcy_to_gcxgcy(xy_to_cxcy(boxes_i[object_for_each_prior]), priors_cxcy)
        return true_locs_i, label_for_each_prior

    true_locs, true_classes = jax.vmap(per_image)(boxes, labels)
    pos = true_classes != BACKGROUND  # [N, P]
    posf = pos.astype(jnp.float32)
    n_pos_total = posf.sum()

    # smooth L1 (beta=1) over positive priors, mean over selected elements
    d = predicted_boxes - true_locs
    ad = jnp.abs(d)
    sl1 = jnp.where(ad < 1.0, 0.5 * d * d, ad - 0.5)
    loc_loss = (sl1 * posf[..., None]).sum() / (n_pos_total * 4.0)

    # cross entropy over positive priors
    logp = jax.nn.log_softmax(predicted_class_dist, axis=-1)
    tc = jnp.clip(true_classes, 0, NUM_CLASSES - 1)
    nll = -jnp.take_along_axis(logp, tc[..., None], axis=-1)[..., 0]
    class_loss_pos = (nll * posf).sum() / n_pos_total

    # objectness MSE + hard negative mining
    true_obj = posf
    obj_el = (predicted_objectness - true_obj) ** 2
    obj_loss_pos = (obj_el * posf).sum() / n_pos_total
    neg_loss = jnp.where(pos, 0.0, obj_el)
    neg_sorted = jnp.sort(neg_loss, axis=1)[:, ::-1]  # descending
    n_pos_per = posf.sum(axis=1)
    n_hard = NEG_POS_RATIO * n_pos_per
    rankmask = (jnp.arange(P)[None, :] < n_hard[:, None]).astype(jnp.float32)
    obj_loss_hardneg = (neg_sorted * rankmask).sum() / jnp.maximum(rankmask.sum(), 1.0)

    obj_loss = obj_loss_pos + obj_loss_hardneg
    return class_loss_pos + obj_loss + ALPHA * loc_loss


def setup_inputs(seed: int = 0):
    key = jax.random.key(seed)
    ks = jax.random.split(key, 6)
    predicted_boxes = jax.random.normal(ks[0], (N, P, 4), jnp.float32)
    predicted_class_dist = jax.random.normal(ks[1], (N, P, NUM_CLASSES), jnp.float32)
    predicted_objectness = jax.random.uniform(ks[2], (N, P), jnp.float32)
    # valid normalized GT boxes in xyxy
    cxy = jax.random.uniform(ks[3], (N, M, 2), jnp.float32, 0.2, 0.8)
    wh = jax.random.uniform(ks[4], (N, M, 2), jnp.float32, 0.05, 0.3)
    boxes = jnp.concatenate([cxy - wh / 2.0, cxy + wh / 2.0], axis=-1)
    labels = jax.random.randint(ks[5], (N, M), 0, NUM_CLASSES)
    # anchor priors: 128x128 grid, size 0.1, xyxy
    g = int(np.sqrt(P))
    cs = (jnp.arange(g, dtype=jnp.float32) + 0.5) / g
    cx, cy = jnp.meshgrid(cs, cs, indexing='xy')
    cgrid = jnp.stack([cx.ravel(), cy.ravel()], axis=-1)
    size = 0.1
    anchor_priors = jnp.concatenate([cgrid - size / 2.0, cgrid + size / 2.0], axis=-1).astype(jnp.float32)
    return {
        'predicted_boxes': predicted_boxes,
        'predicted_class_dist': predicted_class_dist,
        'predicted_objectness': predicted_objectness,
        'boxes': boxes,
        'labels': labels,
        'anchor_priors': anchor_priors,
    }


def reference(predicted_boxes, predicted_class_dist, predicted_objectness, boxes, labels, anchor_priors):
    return _forward(predicted_boxes, predicted_class_dist, predicted_objectness, boxes, labels, anchor_priors)

if __name__ == "__main__":
    import jax
    _d = setup_inputs()
    print(jax.jit(kernel)(*tuple(_d.values())))

</pallas_src>

<mosaic_0001>
#map = affine_map<(d0, d1) -> (0)>
#map1 = affine_map<(d0, d1) -> (0, 0)>
module attributes {stable_mosaic.version = 14 : i64} {
  func.func @_sc_compact_gather(%arg0: i32, %arg1: i32, %arg2: memref<262144xf32, #tpu.memory_space<hbm>>, %arg3: memref<262144x128xf32, #tpu.memory_space<hbm>>, %arg4: memref<65536x128xf32, #tpu.memory_space<hbm>>, %arg5: memref<65536xf32, #tpu.memory_space<hbm>>, %arg6: memref<512xi32, #tpu.memory_space<hbm>>, %arg7: memref<8192xf32, #tpu.memory_space<vmem>>, %arg8: memref<8448xi32, #tpu.memory_space<vmem>>, %arg9: memref<8448xf32, #tpu.memory_space<vmem>>, %arg10: memref<128x128xf32, #tpu.memory_space<vmem>>, %arg11: memref<16xi32, #tpu.memory_space<vmem>>, %arg12: memref<!tpu.dma_semaphore, #tpu.memory_space<semaphore_mem>>) attributes {dimension_semantics = [#tpu.dimension_semantics<core_parallel>, #tpu.dimension_semantics<subcore_parallel>], iteration_bounds = array<i64: 2, 16>, scalar_prefetch = 0 : i64, scratch_operands = 6 : i64, tpu.core_type = #tpu.core_type<sc_vector_subcore>, window_params = [{transform_indices = #map}, {transform_indices = #map1}, {transform_indices = #map1}, {transform_indices = #map}, {transform_indices = #map}]} {
    %mul3A = arith.constant 16 : i32
    %mul3A_0 = arith.muli %arg0, %mul3A : i32
    %add3A = arith.addi %mul3A_0, %arg1 : i32
    %mul3A_1 = arith.constant 8192 : i32
    %mul3A_2 = arith.muli %add3A, %mul3A_1 : i32
    %multiple_of3A = tpu.assume_multiple %mul3A_2, 256 : i32
    "tpu.region"() ({
      %run_scoped3A = tpu.sem_alloc : memref<!tpu.dma_semaphore, #tpu.memory_space<semaphore_mem>>
      %dma_start3A = tpu.memref_slice %arg2[%multiple_of3A] : memref<262144xf32, #tpu.memory_space<hbm>> -> memref<8192xf32, #tpu.memory_space<hbm>>
      %dma_start3A_207 = tpu.memref_slice %arg2[%multiple_of3A] : memref<262144xf32, #tpu.memory_space<hbm>> -> memref<8192xf32, #tpu.memory_space<hbm>>
      tpu.enqueue_dma source(%dma_start3A_207 : memref<8192xf32, #tpu.memory_space<hbm>>) target(%arg7 : memref<8192xf32, #tpu.memory_space<vmem>>) target_semaphore(%run_scoped3A : memref<!tpu.dma_semaphore, #tpu.memory_space<semaphore_mem>>)
      %dma_wait3A = tpu.memref_slice %arg2[%multiple_of3A] : memref<262144xf32, #tpu.memory_space<hbm>> -> memref<8192xf32, #tpu.memory_space<hbm>>
      %dma_wait3A_208 = tpu.memref_slice %arg2[%multiple_of3A] : memref<262144xf32, #tpu.memory_space<hbm>> -> memref<8192xf32, #tpu.memory_space<hbm>>
      tpu.wait_dma2 semaphore(%run_scoped3A : memref<!tpu.dma_semaphore, #tpu.memory_space<semaphore_mem>>) src(%dma_wait3A_208 : memref<8192xf32, #tpu.memory_space<hbm>>) dst(%arg7 : memref<8192xf32, #tpu.memory_space<vmem>>)
      tpu.yield
    }) : () -> ()
    %iota3A = tpu.iota {dimensions = array<i32: 0>} : vector<16xi32>
    %scan3A = arith.constant 0 : i32
    %scan3A_3 = arith.constant 0 : i32
    %scan3A_4 = arith.constant 32 : i32
    %scan3A_5 = arith.addi %scan3A_3, %scan3A_4 : i32
    %scan3A_6 = arith.constant 1 : i32
    %scan3A_7 = scf.for %scan3A_207 = %scan3A_3 to %scan3A_5 step %scan3A_6 iter_args(%scan3A_208 = %scan3A) -> (i32)  : i32 {
      %mul3A_209 = arith.constant 256 : i32
      %mul3A_210 = arith.muli %scan3A_207, %mul3A_209 : i32
      %get3A = arith.index_cast %mul3A_210 : i32 to index
      %get3A_211 = tpu.vector_load %arg7[%get3A] {strides = array<i32>} : memref<8192xf32, #tpu.memory_space<vmem>>, vector<16xf32>,
      %get3A_212 = vector.shape_cast %get3A_211 : vector<16xf32> to vector<16xf32>
      %mul3A_213 = arith.constant 256 : i32
      %mul3A_214 = arith.muli %scan3A_207, %mul3A_213 : i32
      %add3A_215 = arith.constant 16 : i32
      %add3A_216 = arith.addi %mul3A_214, %add3A_215 : i32
      %get3A_217 = arith.index_cast %add3A_216 : i32 to index
      %get3A_218 = tpu.vector_load %arg7[%get3A_217] {strides = array<i32>} : memref<8192xf32, #tpu.memory_space<vmem>>, vector<16xf32>,
      %get3A_219 = vector.shape_cast %get3A_218 : vector<16xf32> to vector<16xf32>
      %max3A = arith.maximumf %get3A_212, %get3A_219 : vector<16xf32>
      %mul3A_220 = arith.constant 256 : i32
      %mul3A_221 = arith.muli %scan3A_207, %mul3A_220 : i32
      %add3A_222 = arith.constant 32 : i32
      %add3A_223 = arith.addi %mul3A_221, %add3A_222 : i32
      %get3A_224 = arith.index_cast %add3A_223 : i32 to index
      %get3A_225 = tpu.vector_load %arg7[%get3A_224] {strides = array<i32>} : memref<8192xf32, #tpu.memory_space<vmem>>, vector<16xf32>,
      %get3A_226 = vector.shape_cast %get3A_225 : vector<16xf32> to vector<16xf32>
      %max3A_227 = arith.maximumf %max3A, %get3A_226 : vector<16xf32>
      %mul3A_228 = arith.constant 256 : i32
      %mul3A_229 = arith.muli %scan3A_207, %mul3A_228 : i32
      %add3A_230 = arith.constant 48 : i32
      %add3A_231 = arith.addi %mul3A_229, %add3A_230 : i32
      %get3A_232 = arith.index_cast %add3A_231 : i32 to index
      %get3A_233 = tpu.vector_load %arg7[%get3A_232] {strides = array<i32>} : memref<8192xf32, #tpu.memory_space<vmem>>, vector<16xf32>,
      %get3A_234 = vector.shape_cast %get3A_233 : vector<16xf32> to vector<16xf32>
      %max3A_235 = arith.maximumf %max3A_227, %get3A_234 : vector<16xf32>
      %mul3A_236 = arith.constant 256 : i32
      %mul3A_237 = arith.muli %scan3A_207, %mul3A_236 : i32
      %add3A_238 = arith.constant 64 : i32
      %add3A_239 = arith.addi %mul3A_237, %add3A_238 : i32
      %get3A_240 = arith.index_cast %add3A_239 : i32 to index
      %get3A_241 = tpu.vector_load %arg7[%get3A_240] {strides = array<i32>} : memref<8192xf32, #tpu.memory_space<vmem>>, vector<16xf32>,
      %get3A_242 = vector.shape_cast %get3A_241 : vector<16xf32> to vector<16xf32>
      %max3A_243 = arith.maximumf %max3A_235, %get3A_242 : vector<16xf32>
      %mul3A_244 = arith.constant 256 : i32
      %mul3A_245 = arith.muli %scan3A_207, %mul3A_244 : i32
      %add3A_246 = arith.constant 80 : i32
      %add3A_247 = arith.addi %mul3A_245, %add3A_246 : i32
      %get3A_248 = arith.index_cast %add3A_247 : i32 to index
      %get3A_249 = tpu.vector_load %arg7[%get3A_248] {strides = array<i32>} : memref<8192xf32, #tpu.memory_space<vmem>>, vector<16xf32>,
      %get3A_250 = vector.shape_cast %get3A_249 : vector<16xf32> to vector<16xf32>
      %max3A_251 = arith.maximumf %max3A_243, %get3A_250 : vector<16xf32>
      %mul3A_252 = arith.constant 256 : i32
      %mul3A_253 = arith.muli %scan3A_207, %mul3A_252 : i32
      %add3A_254 = arith.constant 96 : i32
      %add3A_255 = arith.addi %mul3A_253, %add3A_254 : i32
      %get3A_256 = arith.index_cast %add3A_255 : i32 to index
      %get3A_257 = tpu.vector_load %arg7[%get3A_256] {strides = array<i32>} : memref<8192xf32, #tpu.memory_space<vmem>>, vector<16xf32>,
      %get3A_258 = vector.shape_cast %get3A_257 : vector<16xf32> to vector<16xf32>
      %max3A_259 = arith.maximumf %max3A_251, %get3A_258 : vector<16xf32>
      %mul3A_260 = arith.constant 256 : i32
      %mul3A_261 = arith.muli %scan3A_207, %mul3A_260 : i32
      %add3A_262 = arith.constant 112 : i32
      %add3A_263 = arith.addi %mul3A_261, %add3A_262 : i32
      %get3A_264 = arith.index_cast %add3A_263 : i32 to index
      %get3A_265 = tpu.vector_load %arg7[%get3A_264] {strides = array<i32>} : memref<8192xf32, #tpu.memory_space<vmem>>, vector<16xf32>,
      %get3A_266 = vector.shape_cast %get3A_265 : vector<16xf32> to vector<16xf32>
      %max3A_267 = arith.maximumf %max3A_259, %get3A_266 : vector<16xf32>
      %mul3A_268 = arith.constant 256 : i32
      %mul3A_269 = arith.muli %scan3A_207, %mul3A_268 : i32
      %add3A_270 = arith.constant 128 : i32
      %add3A_271 = arith.addi %mul3A_269, %add3A_270 : i32
      %get3A_272 = arith.index_cast %add3A_271 : i32 to index
      %get3A_273 = tpu.vector_load %arg7[%get3A_272] {strides = array<i32>} : memref<8192xf32, #tpu.memory_space<vmem>>, vector<16xf32>,
      %get3A_274 = vector.shape_cast %get3A_273 : vector<16xf32> to vector<16xf32>
      %max3A_275 = arith.maximumf %max3A_267, %get3A_274 : vector<16xf32>
      %mul3A_276 = arith.constant 256 : i32
      %mul3A_277 = arith.muli %scan3A_207, %mul3A_276 : i32
      %add3A_278 = arith.constant 144 : i32
      %add3A_279 = arith.addi %mul3A_277, %add3A_278 : i32
      %get3A_280 = arith.index_cast %add3A_279 : i32 to index
      %get3A_281 = tpu.vector_load %arg7[%get3A_280] {strides = array<i32>} : memref<8192xf32, #tpu.memory_space<vmem>>, vector<16xf32>,
      %get3A_282 = vector.shape_cast %get3A_281 : vector<16xf32> to vector<16xf32>
      %max3A_283 = arith.maximumf %max3A_275, %get3A_282 : vector<16xf32>
      %mul3A_284 = arith.constant 256 : i32
      %mul3A_285 = arith.muli %scan3A_207, %mul3A_284 : i32
      %add3A_286 = arith.constant 160 : i32
      %add3A_287 = arith.addi %mul3A_285, %add3A_286 : i32
      %get3A_288 = arith.index_cast %add3A_287 : i32 to index
      %get3A_289 = tpu.vector_load %arg7[%get3A_288] {strides = array<i32>} : memref<8192xf32, #tpu.memory_space<vmem>>, vector<16xf32>,
      %get3A_290 = vector.shape_cast %get3A_289 : vector<16xf32> to vector<16xf32>
      %max3A_291 = arith.maximumf %max3A_283, %get3A_290 : vector<16xf32>
      %mul3A_292 = arith.constant 256 : i32
      %mul3A_293 = arith.muli %scan3A_207, %mul3A_292 : i32
      %add3A_294 = arith.constant 176 : i32
      %add3A_295 = arith.addi %mul3A_293, %add3A_294 : i32
      %get3A_296 = arith.index_cast %add3A_295 : i32 to index
      %get3A_297 = tpu.vector_load %arg7[%get3A_296] {strides = array<i32>} : memref<8192xf32, #tpu.memory_space<vmem>>, vector<16xf32>,
      %get3A_298 = vector.shape_cast %get3A_297 : vector<16xf32> to vector<16xf32>
      %max3A_299 = arith.maximumf %max3A_291, %get3A_298 : vector<16xf32>
      %mul3A_300 = arith.constant 256 : i32
      %mul3A_301 = arith.muli %scan3A_207, %mul3A_300 : i32
      %add3A_302 = arith.constant 192 : i32
      %add3A_303 = arith.addi %mul3A_301, %add3A_302 : i32
      %get3A_304 = arith.index_cast %add3A_303 : i32 to index
      %get3A_305 = tpu.vector_load %arg7[%get3A_304] {strides = array<i32>} : memref<8192xf32, #tpu.memory_space<vmem>>, vector<16xf32>,
      %get3A_306 = vector.shape_cast %get3A_305 : vector<16xf32> to vector<16xf32>
      %max3A_307 = arith.maximumf %max3A_299, %get3A_306 : vector<16xf32>
      %mul3A_308 = arith.constant 256 : i32
      %mul3A_309 = arith.muli %scan3A_207, %mul3A_308 : i32
      %add3A_310 = arith.constant 208 : i32
      %add3A_311 = arith.addi %mul3A_309, %add3A_310 : i32
      %get3A_312 = arith.index_cast %add3A_311 : i32 to index
      %get3A_313 = tpu.vector_load %arg7[%get3A_312] {strides = array<i32>} : memref<8192xf32, #tpu.memory_space<vmem>>, vector<16xf32>,
      %get3A_314 = vector.shape_cast %get3A_313 : vector<16xf32> to vector<16xf32>
      %max3A_315 = arith.maximumf %max3A_307, %get3A_314 : vector<16xf32>
      %mul3A_316 = arith.constant 256 : i32
      %mul3A_317 = arith.muli %scan3A_207, %mul3A_316 : i32
      %add3A_318 = arith.constant 224 : i32
      %add3A_319 = arith.addi %mul3A_317, %add3A_318 : i32
      %get3A_320 = arith.index_cast %add3A_319 : i32 to index
      %get3A_321 = tpu.vector_load %arg7[%get3A_320] {strides = array<i32>} : memref<8192xf32, #tpu.memory_space<vmem>>, vector<16xf32>,
      %get3A_322 = vector.shape_cast %get3A_321 : vector<16xf32> to vector<16xf32>
      %max3A_323 = arith.maximumf %max3A_315, %get3A_322 : vector<16xf32>
      %mul3A_324 = arith.constant 256 : i32
      %mul3A_325 = arith.muli %scan3A_207, %mul3A_324 : i32
      %add3A_326 = arith.constant 240 : i32
      %add3A_327 = arith.addi %mul3A_325, %add3A_326 : i32
      %get3A_328 = arith.index_cast %add3A_327 : i32 to index
      %get3A_329 = tpu.vector_load %arg7[%get3A_328] {strides = array<i32>} : memref<8192xf32, #tpu.memory_space<vmem>>, vector<16xf32>,
      %get3A_330 = vector.shape_cast %get3A_329 : vector<16xf32> to vector<16xf32>
      %max3A_331 = arith.maximumf %max3A_323, %get3A_330 : vector<16xf32>
      %xor3A = arith.constant 1 : i32
      %xor3A_332 = vector.broadcast %xor3A : i32 to vector<16xi32>
      %xor3A_333 = arith.xori %iota3A, %xor3A_332 : vector<16xi32>
      %lt3A = arith.constant 0 : i32
      %lt3A_334 = vector.broadcast %lt3A : i32 to vector<16xi32>
      %lt3A_335 = arith.cmpi slt, %xor3A_333, %lt3A_334 : vector<16xi32>
      %add3A_336 = arith.constant 16 : i32
      %add3A_337 = vector.broadcast %add3A_336 : i32 to vector<16xi32>
      %add3A_338 = arith.addi %xor3A_333, %add3A_337 : vector<16xi32>
      %select_n3A_339 = arith.select %lt3A_335, %add3A_338, %xor3A_333 : vector<16xi1>, vector<16xi32>
      %broadcast_in_dim3A_340 = vector.shape_cast %select_n3A_339 : vector<16xi32> to vector<16x1xi32>
      %gather3A = vector.shape_cast %broadcast_in_dim3A_340 : vector<16x1xi32> to vector<16xi32>
      %gather3A_341 = tpu.dynamic_gather %max3A_331[%gather3A] in [0] : vector<16xf32>, vector<16xi32> -> vector<16xf32>
      %max3A_342 = arith.maximumf %max3A_331, %gather3A_341 : vector<16xf32>
      %xor3A_343 = arith.constant 2 : i32
      %xor3A_344 = vector.broadcast %xor3A_343 : i32 to vector<16xi32>
      %xor3A_345 = arith.xori %iota3A, %xor3A_344 : vector<16xi32>
      %lt3A_346 = arith.constant 0 : i32
      %lt3A_347 = vector.broadcast %lt3A_346 : i32 to vector<16xi32>
      %lt3A_348 = arith.cmpi slt, %xor3A_345, %lt3A_347 : vector<16xi32>
      %add3A_349 = arith.constant 16 : i32
      %add3A_350 = vector.broadcast %add3A_349 : i32 to vector<16xi32>
      %add3A_351 = arith.addi %xor3A_345, %add3A_350 : vector<16xi32>
      %select_n3A_352 = arith.select %lt3A_348, %add3A_351, %xor3A_345 : vector<16xi1>, vector<16xi32>
      %broadcast_in_dim3A_353 = vector.shape_cast %select_n3A_352 : vector<16xi32> to vector<16x1xi32>
      %gather3A_354 = vector.shape_cast %broadcast_in_dim3A_353 : vector<16x1xi32> to vector<16xi32>
      %gather3A_355 = tpu.dynamic_gather %max3A_342[%gather3A_354] in [0] : vector<16xf32>, vector<16xi32> -> vector<16xf32>
      %max3A_356 = arith.maximumf %max3A_342, %gather3A_355 : vector<16xf32>
      %xor3A_357 = arith.constant 4 : i32
      %xor3A_358 = vector.broadcast %xor3A_357 : i32 to vector<16xi32>
      %xor3A_359 = arith.xori %iota3A, %xor3A_358 : vector<16xi32>
      %lt3A_360 = arith.constant 0 : i32
      %lt3A_361 = vector.broadcast %lt3A_360 : i32 to vector<16xi32>
      %lt3A_362 = arith.cmpi slt, %xor3A_359, %lt3A_361 : vector<16xi32>
      %add3A_363 = arith.constant 16 : i32
      %add3A_364 = vector.broadcast %add3A_363 : i32 to vector<16xi32>
      %add3A_365 = arith.addi %xor3A_359, %add3A_364 : vector<16xi32>
      %select_n3A_366 = arith.select %lt3A_362, %add3A_365, %xor3A_359 : vector<16xi1>, vector<16xi32>
      %broadcast_in_dim3A_367 = vector.shape_cast %select_n3A_366 : vector<16xi32> to vector<16x1xi32>
      %gather3A_368 = vector.shape_cast %broadcast_in_dim3A_367 : vector<16x1xi32> to vector<16xi32>
      %gather3A_369 = tpu.dynamic_gather %max3A_356[%gather3A_368] in [0] : vector<16xf32>, vector<16xi32> -> vector<16xf32>
      %max3A_370 = arith.maximumf %max3A_356, %gather3A_369 : vector<16xf32>
      %xor3A_371 = arith.constant 8 : i32
      %xor3A_372 = vector.broadcast %xor3A_371 : i32 to vector<16xi32>
      %xor3A_373 = arith.xori %iota3A, %xor3A_372 : vector<16xi32>
      %lt3A_374 = arith.constant 0 : i32
      %lt3A_375 = vector.broadcast %lt3A_374 : i32 to vector<16xi32>
      %lt3A_376 = arith.cmpi slt, %xor3A_373, %lt3A_375 : vector<16xi32>
      %add3A_377 = arith.constant 16 : i32
      %add3A_378 = vector.broadcast %add3A_377 : i32 to vector<16xi32>
      %add3A_379 = arith.addi %xor3A_373, %add3A_378 : vector<16xi32>
      %select_n3A_380 = arith.select %lt3A_376, %add3A_379, %xor3A_373 : vector<16xi1>, vector<16xi32>
      %broadcast_in_dim3A_381 = vector.shape_cast %select_n3A_380 : vector<16xi32> to vector<16x1xi32>
      %gather3A_382 = vector.shape_cast %broadcast_in_dim3A_381 : vector<16x1xi32> to vector<16xi32>
      %gather3A_383 = tpu.dynamic_gather %max3A_370[%gather3A_382] in [0] : vector<16xf32>, vector<16xi32> -> vector<16xf32>
      %max3A_384 = arith.maximumf %max3A_370, %gather3A_383 : vector<16xf32>
      %slice3A = vector.extract_strided_slice %max3A_384 {offsets = [0], sizes = [1], strides = [1]} : vector<16xf32> to vector<1xf32>
      %squeeze3A = vector.extract %slice3A[0] : f32 from vector<1xf32>
      %ge3A = arith.constant 0.000000e+00 : f32
      %ge3A_385 = arith.cmpf oge, %squeeze3A, %ge3A : f32
      %convert_element_type3A = arith.extui %ge3A_385 : i1 to i32
      %cond3A = arith.constant 0 : i32
      %cond3A_386 = arith.cmpi ne, %convert_element_type3A, %cond3A : i32
      %cond3A_387 = scf.if %cond3A_386 -> (i32) {
        %scan3A_388 = arith.constant 0 : i32
        %scan3A_389 = arith.constant 16 : i32
        %scan3A_390 = arith.addi %scan3A_388, %scan3A_389 : i32
        %scan3A_391 = arith.constant 1 : i32
        %scan3A_392 = scf.for %scan3A_394 = %scan3A_388 to %scan3A_390 step %scan3A_391 iter_args(%scan3A_395 = %scan3A_208) -> (i32)  : i32 {
          %mul3A_396 = arith.constant 256 : i32
          %mul3A_397 = arith.muli %scan3A_207, %mul3A_396 : i32
          %mul3A_398 = arith.constant 16 : i32
          %mul3A_399 = arith.muli %scan3A_394, %mul3A_398 : i32
          %add3A_400 = arith.addi %mul3A_397, %mul3A_399 : i32
          %get3A_401 = arith.index_cast %add3A_400 : i32 to index
          %get3A_402 = tpu.vector_load %arg7[%get3A_401] {strides = array<i32>} : memref<8192xf32, #tpu.memory_space<vmem>>, vector<16xf32>,
          %get3A_403 = vector.shape_cast %get3A_402 : vector<16xf32> to vector<16xf32>
          %xor3A_404 = arith.constant 1 : i32
          %xor3A_405 = vector.broadcast %xor3A_404 : i32 to vector<16xi32>
          %xor3A_406 = arith.xori %iota3A, %xor3A_405 : vector<16xi32>
          %lt3A_407 = arith.constant 0 : i32
          %lt3A_408 = vector.broadcast %lt3A_407 : i32 to vector<16xi32>
          %lt3A_409 = arith.cmpi slt, %xor3A_406, %lt3A_408 : vector<16xi32>
          %add3A_410 = arith.constant 16 : i32
          %add3A_411 = vector.broadcast %add3A_410 : i32 to vector<16xi32>
          %add3A_412 = arith.addi %xor3A_406, %add3A_411 : vector<16xi32>
          %select_n3A_413 = arith.select %lt3A_409, %add3A_412, %xor3A_406 : vector<16xi1>, vector<16xi32>
          %broadcast_in_dim3A_414 = vector.shape_cast %select_n3A_413 : vector<16xi32> to vector<16x1xi32>
          %gather3A_415 = vector.shape_cast %broadcast_in_dim3A_414 : vector<16x1xi32> to vector<16xi32>
          %gather3A_416 = tpu.dynamic_gather %get3A_403[%gather3A_415] in [0] : vector<16xf32>, vector<16xi32> -> vector<16xf32>
          %max3A_417 = arith.maximumf %get3A_403, %gather3A_416 : vector<16xf32>
          %xor3A_418 = arith.constant 2 : i32
          %xor3A_419 = vector.broadcast %xor3A_418 : i32 to vector<16xi32>
          %xor3A_420 = arith.xori %iota3A, %xor3A_419 : vector<16xi32>
          %lt3A_421 = arith.constant 0 : i32
          %lt3A_422 = vector.broadcast %lt3A_421 : i32 to vector<16xi32>
          %lt3A_423 = arith.cmpi slt, %xor3A_420, %lt3A_422 : vector<16xi32>
          %add3A_424 = arith.constant 16 : i32
          %add3A_425 = vector.broadcast %add3A_424 : i32 to vector<16xi32>
          %add3A_426 = arith.addi %xor3A_420, %add3A_425 : vector<16xi32>
          %select_n3A_427 = arith.select %lt3A_423, %add3A_426, %xor3A_420 : vector<16xi1>, vector<16xi32>
          %broadcast_in_dim3A_428 = vector.shape_cast %select_n3A_427 : vector<16xi32> to vector<16x1xi32>
          %gather3A_429 = vector.shape_cast %broadcast_in_dim3A_428 : vector<16x1xi32> to vector<16xi32>
          %gather3A_430 = tpu.dynamic_gather %max3A_417[%gather3A_429] in [0] : vector<16xf32>, vector<16xi32> -> vector<16xf32>
          %max3A_431 = arith.maximumf %max3A_417, %gather3A_430 : vector<16xf32>
          %xor3A_432 = arith.constant 4 : i32
          %xor3A_433 = vector.broadcast %xor3A_432 : i32 to vector<16xi32>
          %xor3A_434 = arith.xori %iota3A, %xor3A_433 : vector<16xi32>
          %lt3A_435 = arith.constant 0 : i32
          %lt3A_436 = vector.broadcast %lt3A_435 : i32 to vector<16xi32>
          %lt3A_437 = arith.cmpi slt, %xor3A_434, %lt3A_436 : vector<16xi32>
          %add3A_438 = arith.constant 16 : i32
          %add3A_439 = vector.broadcast %add3A_438 : i32 to vector<16xi32>
          %add3A_440 = arith.addi %xor3A_434, %add3A_439 : vector<16xi32>
          %select_n3A_441 = arith.select %lt3A_437, %add3A_440, %xor3A_434 : vector<16xi1>, vector<16xi32>
          %broadcast_in_dim3A_442 = vector.shape_cast %select_n3A_441 : vector<16xi32> to vector<16x1xi32>
          %gather3A_443 = vector.shape_cast %broadcast_in_dim3A_442 : vector<16x1xi32> to vector<16xi32>
          %gather3A_444 = tpu.dynamic_gather %max3A_431[%gather3A_443] in [0] : vector<16xf32>, vector<16xi32> -> vector<16xf32>
          %max3A_445 = arith.maximumf %max3A_431, %gather3A_444 : vector<16xf32>
          %xor3A_446 = arith.constant 8 : i32
          %xor3A_447 = vector.broadcast %xor3A_446 : i32 to vector<16xi32>
          %xor3A_448 = arith.xori %iota3A, %xor3A_447 : vector<16xi32>
          %lt3A_449 = arith.constant 0 : i32
          %lt3A_450 = vector.broadcast %lt3A_449 : i32 to vector<16xi32>
          %lt3A_451 = arith.cmpi slt, %xor3A_448, %lt3A_450 : vector<16xi32>
          %add3A_452 = arith.constant 16 : i32
          %add3A_453 = vector.broadcast %add3A_452 : i32 to vector<16xi32>
          %add3A_454 = arith.addi %xor3A_448, %add3A_453 : vector<16xi32>
          %select_n3A_455 = arith.select %lt3A_451, %add3A_454, %xor3A_448 : vector<16xi1>, vector<16xi32>
          %broadcast_in_dim3A_456 = vector.shape_cast %select_n3A_455 : vector<16xi32> to vector<16x1xi32>
          %gather3A_457 = vector.shape_cast %broadcast_in_dim3A_456 : vector<16x1xi32> to vector<16xi32>
          %gather3A_458 = tpu.dynamic_gather %max3A_445[%gather3A_457] in [0] : vector<16xf32>, vector<16xi32> -> vector<16xf32>
          %max3A_459 = arith.maximumf %max3A_445, %gather3A_458 : vector<16xf32>
          %slice3A_460 = vector.extract_strided_slice %max3A_459 {offsets = [0], sizes = [1], strides = [1]} : vector<16xf32> to vector<1xf32>
          %squeeze3A_461 = vector.extract %slice3A_460[0] : f32 from vector<1xf32>
          %ge3A_462 = arith.constant 0.000000e+00 : f32
          %ge3A_463 = arith.cmpf oge, %squeeze3A_461, %ge3A_462 : f32
          %convert_element_type3A_464 = arith.extui %ge3A_463 : i1 to i32
          %cond3A_465 = arith.constant 0 : i32
          %cond3A_466 = arith.cmpi ne, %convert_element_type3A_464, %cond3A_465 : i32
          %cond3A_467 = scf.if %cond3A_466 -> (i32) {
            %slice3A_468 = vector.extract_strided_slice %get3A_403 {offsets = [0], sizes = [1], strides = [1]} : vector<16xf32> to vector<1xf32>
            %squeeze3A_469 = vector.extract %slice3A_468[0] : f32 from vector<1xf32>
            %ge3A_470 = arith.constant 0.000000e+00 : f32
            %ge3A_471 = arith.cmpf oge, %squeeze3A_469, %ge3A_470 : f32
            %convert_element_type3A_472 = arith.extui %ge3A_471 : i1 to i32
            %cond3A_473 = arith.constant 0 : i32
            %cond3A_474 = arith.cmpi ne, %convert_element_type3A_472, %cond3A_473 : i32
            %cond3A_475 = scf.if %cond3A_474 -> (i32) {
              %get3A_596 = arith.index_cast %scan3A_395 : i32 to index
              %get3A_597 = tpu.vector_load %arg8[%get3A_596] {strides = array<i32>} : memref<8448xi32, #tpu.memory_space<vmem>>, vector<16xi32>,
              %get3A_598 = vector.shape_cast %get3A_597 : vector<16xi32> to vector<16xi32>
              %eq3A_599 = arith.constant 0 : i32
              %eq3A_600 = vector.broadcast %eq3A_599 : i32 to vector<16xi32>
              %eq3A_601 = arith.cmpi eq, %iota3A, %eq3A_600 : vector<16xi32>
              %mul3A_602 = arith.constant 256 : i32
              %mul3A_603 = arith.muli %scan3A_207, %mul3A_602 : i32
              %add3A_604 = arith.addi %multiple_of3A, %mul3A_603 : i32
              %mul3A_605 = arith.constant 16 : i32
              %mul3A_606 = arith.muli %scan3A_394, %mul3A_605 : i32
              %add3A_607 = arith.addi %add3A_604, %mul3A_606 : i32
              %add3A_608 = arith.constant 0 : i32
              %add3A_609 = arith.addi %add3A_607, %add3A_608 : i32
              %broadcast_in_dim3A_610 = vector.broadcast %add3A_609 : i32 to vector<16xi32>
              %select_n3A_611 = arith.select %eq3A_601, %broadcast_in_dim3A_610, %get3A_598 : vector<16xi1>, vector<16xi32>
              %swap3A_612 = arith.index_cast %scan3A_395 : i32 to index
              %swap3A_613 = tpu.vector_load %arg8[%swap3A_612] {strides = array<i32>} : memref<8448xi32, #tpu.memory_space<vmem>>, vector<16xi32>,
              %swap3A_614 = vector.shape_cast %swap3A_613 : vector<16xi32> to vector<16xi32>
              %swap3A_615 = vector.shape_cast %select_n3A_611 : vector<16xi32> to vector<16xi32>
              tpu.vector_store %arg8[%swap3A_612], %swap3A_615 {strides = array<i32>} : memref<8448xi32, #tpu.memory_space<vmem>>, vector<16xi32>,
              %get3A_616 = arith.index_cast %scan3A_395 : i32 to index
              %get3A_617 = tpu.vector_load %arg9[%get3A_616] {strides = array<i32>} : memref<8448xf32, #tpu.memory_space<vmem>>, vector<16xf32>,
              %get3A_618 = vector.shape_cast %get3A_617 : vector<16xf32> to vector<16xf32>
              %eq3A_619 = arith.constant 0 : i32
              %eq3A_620 = vector.broadcast %eq3A_619 : i32 to vector<16xi32>
              %eq3A_621 = arith.cmpi eq, %iota3A, %eq3A_620 : vector<16xi32>
              %slice3A_622 = vector.extract_strided_slice %get3A_403 {offsets = [0], sizes = [1], strides = [1]} : vector<16xf32> to vector<1xf32>
              %squeeze3A_623 = vector.extract %slice3A_622[0] : f32 from vector<1xf32>
              %broadcast_in_dim3A_624 = vector.broadcast %squeeze3A_623 : f32 to vector<16xf32>
              %select_n3A_625 = arith.select %eq3A_621, %broadcast_in_dim3A_624, %get3A_618 : vector<16xi1>, vector<16xf32>
              %swap3A_626 = arith.index_cast %scan3A_395 : i32 to index
              %swap3A_627 = tpu.vector_load %arg9[%swap3A_626] {strides = array<i32>} : memref<8448xf32, #tpu.memory_space<vmem>>, vector<16xf32>,
              %swap3A_628 = vector.shape_cast %swap3A_627 : vector<16xf32> to vector<16xf32>
              %swap3A_629 = vector.shape_cast %select_n3A_625 : vector<16xf32> to vector<16xf32>
              tpu.vector_store %arg9[%swap3A_626], %swap3A_629 {strides = array<i32>} : memref<8448xf32, #tpu.memory_space<vmem>>, vector<16xf32>,
              %add3A_630 = arith.constant 1 : i32
              %add3A_631 = arith.addi %scan3A_395, %add3A_630 : i32
              scf.yield %add3A_631 : i32
            } else {
              scf.yield %scan3A_395 : i32
            }
            %slice3A_476 = vector.extract_strided_slice %get3A_403 {offsets = [1], sizes = [1], strides = [1]} : vector<16xf32> to vector<1xf32>
            %squeeze3A_477 = vector.extract %slice3A_476[0] : f32 from vector<1xf32>
            %ge3A_478 = arith.constant 0.000000e+00 : f32
            %ge3A_479 = arith.cmpf oge, %squeeze3A_477, %ge3A_478 : f32
            %convert_element_type3A_480 = arith.extui %ge3A_479 : i1 to i32
            %cond3A_481 = arith.constant 0 : i32
            %cond3A_482 = arith.cmpi ne, %convert_element_type3A_480, %cond3A_481 : i32
            %cond3A_483 = scf.if %cond3A_482 -> (i32) {
              %get3A_596 = arith.index_cast %cond3A_475 : i32 to index
              %get3A_597 = tpu.vector_load %arg8[%get3A_596] {strides = array<i32>} : memref<8448xi32, #tpu.memory_space<vmem>>, vector<16xi32>,
              %get3A_598 = vector.shape_cast %get3A_597 : vector<16xi32> to vector<16xi32>
              %eq3A_599 = arith.constant 0 : i32
              %eq3A_600 = vector.broadcast %eq3A_599 : i32 to vector<16xi32>
              %eq3A_601 = arith.cmpi eq, %iota3A, %eq3A_600 : vector<16xi32>
              %mul3A_602 = arith.constant 256 : i32
              %mul3A_603 = arith.muli %scan3A_207, %mul3A_602 : i32
              %add3A_604 = arith.addi %multiple_of3A, %mul3A_603 : i32
              %mul3A_605 = arith.constant 16 : i32
              %mul3A_606 = arith.muli %scan3A_394, %mul3A_605 : i32
              %add3A_607 = arith.addi %add3A_604, %mul3A_606 : i32
              %add3A_608 = arith.constant 1 : i32
              %add3A_609 = arith.addi %add3A_607, %add3A_608 : i32
              %broadcast_in_dim3A_610 = vector.broadcast %add3A_609 : i32 to vector<16xi32>
              %select_n3A_611 = arith.select %eq3A_601, %broadcast_in_dim3A_610, %get3A_598 : vector<16xi1>, vector<16xi32>
              %swap3A_612 = arith.index_cast %cond3A_475 : i32 to index
              %swap3A_613 = tpu.vector_load %arg8[%swap3A_612] {strides = array<i32>} : memref<8448xi32, #tpu.memory_space<vmem>>, vector<16xi32>,
              %swap3A_614 = vector.shape_cast %swap3A_613 : vector<16xi32> to vector<16xi32>
              %swap3A_615 = vector.shape_cast %select_n3A_611 : vector<16xi32> to vector<16xi32>
              tpu.vector_store %arg8[%swap3A_612], %swap3A_615 {strides = array<i32>} : memref<8448xi32, #tpu.memory_space<vmem>>, vector<16xi32>,
              %get3A_616 = arith.index_cast %cond3A_475 : i32 to index
              %get3A_617 = tpu.vector_load %arg9[%get3A_616] {strides = array<i32>} : memref<8448xf32, #tpu.memory_space<vmem>>, vector<16xf32>,
              %get3A_618 = vector.shape_cast %get3A_617 : vector<16xf32> to vector<16xf32>
              %eq3A_619 = arith.constant 0 : i32
              %eq3A_620 = vector.broadcast %eq3A_619 : i32 to vector<16xi32>
              %eq3A_621 = arith.cmpi eq, %iota3A, %eq3A_620 : vector<16xi32>
              %slice3A_622 = vector.extract_strided_slice %get3A_403 {offsets = [1], sizes = [1], strides = [1]} : vector<16xf32> to vector<1xf32>
              %squeeze3A_623 = vector.extract %slice3A_622[0] : f32 from vector<1xf32>
              %broadcast_in_dim3A_624 = vector.broadcast %squeeze3A_623 : f32 to vector<16xf32>
              %select_n3A_625 = arith.select %eq3A_621, %broadcast_in_dim3A_624, %get3A_618 : vector<16xi1>, vector<16xf32>
              %swap3A_626 = arith.index_cast %cond3A_475 : i32 to index
              %swap3A_627 = tpu.vector_load %arg9[%swap3A_626] {strides = array<i32>} : memref<8448xf32, #tpu.memory_space<vmem>>, vector<16xf32>,
              %swap3A_628 = vector.shape_cast %swap3A_627 : vector<16xf32> to vector<16xf32>
              %swap3A_629 = vector.shape_cast %select_n3A_625 : vector<16xf32> to vector<16xf32>
              tpu.vector_store %arg9[%swap3A_626], %swap3A_629 {strides = array<i32>} : memref<8448xf32, #tpu.memory_space<vmem>>, vector<16xf32>,
              %add3A_630 = arith.constant 1 : i32
              %add3A_631 = arith.addi %cond3A_475, %add3A_630 : i32
              scf.yield %add3A_631 : i32
            } else {
              scf.yield %cond3A_475 : i32
            }
            %slice3A_484 = vector.extract_strided_slice %get3A_403 {offsets = [2], sizes = [1], strides = [1]} : vector<16xf32> to vector<1xf32>
            %squeeze3A_485 = vector.extract %slice3A_484[0] : f32 from vector<1xf32>
            %ge3A_486 = arith.constant 0.000000e+00 : f32
            %ge3A_487 = arith.cmpf oge, %squeeze3A_485, %ge3A_486 : f32
            %convert_element_type3A_488 = arith.extui %ge3A_487 : i1 to i32
            %cond3A_489 = arith.constant 0 : i32
            %cond3A_490 = arith.cmpi ne, %convert_element_type3A_488, %cond3A_489 : i32
            %cond3A_491 = scf.if %cond3A_490 -> (i32) {
              %get3A_596 = arith.index_cast %cond3A_483 : i32 to index
              %get3A_597 = tpu.vector_load %arg8[%get3A_596] {strides = array<i32>} : memref<8448xi32, #tpu.memory_space<vmem>>, vector<16xi32>,
              %get3A_598 = vector.shape_cast %get3A_597 : vector<16xi32> to vector<16xi32>
              %eq3A_599 = arith.constant 0 : i32
              %eq3A_600 = vector.broadcast %eq3A_599 : i32 to vector<16xi32>
              %eq3A_601 = arith.cmpi eq, %iota3A, %eq3A_600 : vector<16xi32>
              %mul3A_602 = arith.constant 256 : i32
              %mul3A_603 = arith.muli %scan3A_207, %mul3A_602 : i32
              %add3A_604 = arith.addi %multiple_of3A, %mul3A_603 : i32
              %mul3A_605 = arith.constant 16 : i32
              %mul3A_606 = arith.muli %scan3A_394, %mul3A_605 : i32
              %add3A_607 = arith.addi %add3A_604, %mul3A_606 : i32
              %add3A_608 = arith.constant 2 : i32
              %add3A_609 = arith.addi %add3A_607, %add3A_608 : i32
              %broadcast_in_dim3A_610 = vector.broadcast %add3A_609 : i32 to vector<16xi32>
              %select_n3A_611 = arith.select %eq3A_601, %broadcast_in_dim3A_610, %get3A_598 : vector<16xi1>, vector<16xi32>
              %swap3A_612 = arith.index_cast %cond3A_483 : i32 to index
              %swap3A_613 = tpu.vector_load %arg8[%swap3A_612] {strides = array<i32>} : memref<8448xi32, #tpu.memory_space<vmem>>, vector<16xi32>,
              %swap3A_614 = vector.shape_cast %swap3A_613 : vector<16xi32> to vector<16xi32>
              %swap3A_615 = vector.shape_cast %select_n3A_611 : vector<16xi32> to vector<16xi32>
              tpu.vector_store %arg8[%swap3A_612], %swap3A_615 {strides = array<i32>} : memref<8448xi32, #tpu.memory_space<vmem>>, vector<16xi32>,
              %get3A_616 = arith.index_cast %cond3A_483 : i32 to index
              %get3A_617 = tpu.vector_load %arg9[%get3A_616] {strides = array<i32>} : memref<8448xf32, #tpu.memory_space<vmem>>, vector<16xf32>,
              %get3A_618 = vector.shape_cast %get3A_617 : vector<16xf32> to vector<16xf32>
              %eq3A_619 = arith.constant 0 : i32
              %eq3A_620 = vector.broadcast %eq3A_619 : i32 to vector<16xi32>
              %eq3A_621 = arith.cmpi eq, %iota3A, %eq3A_620 : vector<16xi32>
              %slice3A_622 = vector.extract_strided_slice %get3A_403 {offsets = [2], sizes = [1], strides = [1]} : vector<16xf32> to vector<1xf32>
              %squeeze3A_623 = vector.extract %slice3A_622[0] : f32 from vector<1xf32>
              %broadcast_in_dim3A_624 = vector.broadcast %squeeze3A_623 : f32 to vector<16xf32>
              %select_n3A_625 = arith.select %eq3A_621, %broadcast_in_dim3A_624, %get3A_618 : vector<16xi1>, vector<16xf32>
              %swap3A_626 = arith.index_cast %cond3A_483 : i32 to index
              %swap3A_627 = tpu.vector_load %arg9[%swap3A_626] {strides = array<i32>} : memref<8448xf32, #tpu.memory_space<vmem>>, vector<16xf32>,
              %swap3A_628 = vector.shape_cast %swap3A_627 : vector<16xf32> to vector<16xf32>
              %swap3A_629 = vector.shape_cast %select_n3A_625 : vector<16xf32> to vector<16xf32>
              tpu.vector_store %arg9[%swap3A_626], %swap3A_629 {strides = array<i32>} : memref<8448xf32, #tpu.memory_space<vmem>>, vector<16xf32>,
              %add3A_630 = arith.constant 1 : i32
              %add3A_631 = arith.addi %cond3A_483, %add3A_630 : i32
              scf.yield %add3A_631 : i32
            } else {
              scf.yield %cond3A_483 : i32
            }
            %slice3A_492 = vector.extract_strided_slice %get3A_403 {offsets = [3], sizes = [1], strides = [1]} : vector<16xf32> to vector<1xf32>
            %squeeze3A_493 = vector.extract %slice3A_492[0] : f32 from vector<1xf32>
            %ge3A_494 = arith.constant 0.000000e+00 : f32
            %ge3A_495 = arith.cmpf oge, %squeeze3A_493, %ge3A_494 : f32
            %convert_element_type3A_496 = arith.extui %ge3A_495 : i1 to i32
            %cond3A_497 = arith.constant 0 : i32
            %cond3A_498 = arith.cmpi ne, %convert_element_type3A_496, %cond3A_497 : i32
            %cond3A_499 = scf.if %cond3A_498 -> (i32) {
              %get3A_596 = arith.index_cast %cond3A_491 : i32 to index
              %get3A_597 = tpu.vector_load %arg8[%get3A_596] {strides = array<i32>} : memref<8448xi32, #tpu.memory_space<vmem>>, vector<16xi32>,
              %get3A_598 = vector.shape_cast %get3A_597 : vector<16xi32> to vector<16xi32>
              %eq3A_599 = arith.constant 0 : i32
              %eq3A_600 = vector.broadcast %eq3A_599 : i32 to vector<16xi32>
              %eq3A_601 = arith.cmpi eq, %iota3A, %eq3A_600 : vector<16xi32>
              %mul3A_602 = arith.constant 256 : i32
              %mul3A_603 = arith.muli %scan3A_207, %mul3A_602 : i32
              %add3A_604 = arith.addi %multiple_of3A, %mul3A_603 : i32
              %mul3A_605 = arith.constant 16 : i32
              %mul3A_606 = arith.muli %scan3A_394, %mul3A_605 : i32
              %add3A_607 = arith.addi %add3A_604, %mul3A_606 : i32
              %add3A_608 = arith.constant 3 : i32
              %add3A_609 = arith.addi %add3A_607, %add3A_608 : i32
              %broadcast_in_dim3A_610 = vector.broadcast %add3A_609 : i32 to vector<16xi32>
              %select_n3A_611 = arith.select %eq3A_601, %broadcast_in_dim3A_610, %get3A_598 : vector<16xi1>, vector<16xi32>
              %swap3A_612 = arith.index_cast %cond3A_491 : i32 to index
              %swap3A_613 = tpu.vector_load %arg8[%swap3A_612] {strides = array<i32>} : memref<8448xi32, #tpu.memory_space<vmem>>, vector<16xi32>,
              %swap3A_614 = vector.shape_cast %swap3A_613 : vector<16xi32> to vector<16xi32>
              %swap3A_615 = vector.shape_cast %select_n3A_611 : vector<16xi32> to vector<16xi32>
              tpu.vector_store %arg8[%swap3A_612], %swap3A_615 {strides = array<i32>} : memref<8448xi32, #tpu.memory_space<vmem>>, vector<16xi32>,
              %get3A_616 = arith.index_cast %cond3A_491 : i32 to index
              %get3A_617 = tpu.vector_load %arg9[%get3A_616] {strides = array<i32>} : memref<8448xf32, #tpu.memory_space<vmem>>, vector<16xf32>,
              %get3A_618 = vector.shape_cast %get3A_617 : vector<16xf32> to vector<16xf32>
              %eq3A_619 = arith.constant 0 : i32
              %eq3A_620 = vector.broadcast %eq3A_619 : i32 to vector<16xi32>
              %eq3A_621 = arith.cmpi eq, %iota3A, %eq3A_620 : vector<16xi32>
              %slice3A_622 = vector.extract_strided_slice %get3A_403 {offsets = [3], sizes = [1], strides = [1]} : vector<16xf32> to vector<1xf32>
              %squeeze3A_623 = vector.extract %slice3A_622[0] : f32 from vector<1xf32>
              %broadcast_in_dim3A_624 = vector.broadcast %squeeze3A_623 : f32 to vector<16xf32>
              %select_n3A_625 = arith.select %eq3A_621, %broadcast_in_dim3A_624, %get3A_618 : vector<16xi1>, vector<16xf32>
              %swap3A_626 = arith.index_cast %cond3A_491 : i32 to index
              %swap3A_627 = tpu.vector_load %arg9[%swap3A_626] {strides = array<i32>} : memref<8448xf32, #tpu.memory_space<vmem>>, vector<16xf32>,
              %swap3A_628 = vector.shape_cast %swap3A_627 : vector<16xf32> to vector<16xf32>
              %swap3A_629 = vector.shape_cast %select_n3A_625 : vector<16xf32> to vector<16xf32>
              tpu.vector_store %arg9[%swap3A_626], %swap3A_629 {strides = array<i32>} : memref<8448xf32, #tpu.memory_space<vmem>>, vector<16xf32>,
              %add3A_630 = arith.constant 1 : i32
              %add3A_631 = arith.addi %cond3A_491, %add3A_630 : i32
              scf.yield %add3A_631 : i32
            } else {
              scf.yield %cond3A_491 : i32
            }
            %slice3A_500 = vector.extract_strided_slice %get3A_403 {offsets = [4], sizes = [1], strides = [1]} : vector<16xf32> to vector<1xf32>
            %squeeze3A_501 = vector.extract %slice3A_500[0] : f32 from vector<1xf32>
            %ge3A_502 = arith.constant 0.000000e+00 : f32
            %ge3A_503 = arith.cmpf oge, %squeeze3A_501, %ge3A_502 : f32
            %convert_element_type3A_504 = arith.extui %ge3A_503 : i1 to i32
            %cond3A_505 = arith.constant 0 : i32
            %cond3A_506 = arith.cmpi ne, %convert_element_type3A_504, %cond3A_505 : i32
            %cond3A_507 = scf.if %cond3A_506 -> (i32) {
              %get3A_596 = arith.index_cast %cond3A_499 : i32 to index
              %get3A_597 = tpu.vector_load %arg8[%get3A_596] {strides = array<i32>} : memref<8448xi32, #tpu.memory_space<vmem>>, vector<16xi32>,
              %get3A_598 = vector.shape_cast %get3A_597 : vector<16xi32> to vector<16xi32>
              %eq3A_599 = arith.constant 0 : i32
              %eq3A_600 = vector.broadcast %eq3A_599 : i32 to vector<16xi32>
              %eq3A_601 = arith.cmpi eq, %iota3A, %eq3A_600 : vector<16xi32>
              %mul3A_602 = arith.constant 256 : i32
              %mul3A_603 = arith.muli %scan3A_207, %mul3A_602 : i32
              %add3A_604 = arith.addi %multiple_of3A, %mul3A_603 : i32
              %mul3A_605 = arith.constant 16 : i32
              %mul3A_606 = arith.muli %scan3A_394, %mul3A_605 : i32
              %add3A_607 = arith.addi %add3A_604, %mul3A_606 : i32
              %add3A_608 = arith.constant 4 : i32
              %add3A_609 = arith.addi %add3A_607, %add3A_608 : i32
              %broadcast_in_dim3A_610 = vector.broadcast %add3A_609 : i32 to vector<16xi32>
              %select_n3A_611 = arith.select %eq3A_601, %broadcast_in_dim3A_610, %get3A_598 : vector<16xi1>, vector<16xi32>
              %swap3A_612 = arith.index_cast %cond3A_499 : i32 to index
              %swap3A_613 = tpu.vector_load %arg8[%swap3A_612] {strides = array<i32>} : memref<8448xi32, #tpu.memory_space<vmem>>, vector<16xi32>,
              %swap3A_614 = vector.shape_cast %swap3A_613 : vector<16xi32> to vector<16xi32>
              %swap3A_615 = vector.shape_cast %select_n3A_611 : vector<16xi32> to vector<16xi32>
              tpu.vector_store %arg8[%swap3A_612], %swap3A_615 {strides = array<i32>} : memref<8448xi32, #tpu.memory_space<vmem>>, vector<16xi32>,
              %get3A_616 = arith.index_cast %cond3A_499 : i32 to index
              %get3A_617 = tpu.vector_load %arg9[%get3A_616] {strides = array<i32>} : memref<8448xf32, #tpu.memory_space<vmem>>, vector<16xf32>,
              %get3A_618 = vector.shape_cast %get3A_617 : vector<16xf32> to vector<16xf32>
              %eq3A_619 = arith.constant 0 : i32
              %eq3A_620 = vector.broadcast %eq3A_619 : i32 to vector<16xi32>
              %eq3A_621 = arith.cmpi eq, %iota3A, %eq3A_620 : vector<16xi32>
              %slice3A_622 = vector.extract_strided_slice %get3A_403 {offsets = [4], sizes = [1], strides = [1]} : vector<16xf32> to vector<1xf32>
              %squeeze3A_623 = vector.extract %slice3A_622[0] : f32 from vector<1xf32>
              %broadcast_in_dim3A_624 = vector.broadcast %squeeze3A_623 : f32 to vector<16xf32>
              %select_n3A_625 = arith.select %eq3A_621, %broadcast_in_dim3A_624, %get3A_618 : vector<16xi1>, vector<16xf32>
              %swap3A_626 = arith.index_cast %cond3A_499 : i32 to index
              %swap3A_627 = tpu.vector_load %arg9[%swap3A_626] {strides = array<i32>} : memref<8448xf32, #tpu.memory_space<vmem>>, vector<16xf32>,
              %swap3A_628 = vector.shape_cast %swap3A_627 : vector<16xf32> to vector<16xf32>
              %swap3A_629 = vector.shape_cast %select_n3A_625 : vector<16xf32> to vector<16xf32>
              tpu.vector_store %arg9[%swap3A_626], %swap3A_629 {strides = array<i32>} : memref<8448xf32, #tpu.memory_space<vmem>>, vector<16xf32>,
              %add3A_630 = arith.constant 1 : i32
              %add3A_631 = arith.addi %cond3A_499, %add3A_630 : i32
              scf.yield %add3A_631 : i32
            } else {
              scf.yield %cond3A_499 : i32
            }
            %slice3A_508 = vector.extract_strided_slice %get3A_403 {offsets = [5], sizes = [1], strides = [1]} : vector<16xf32> to vector<1xf32>
            %squeeze3A_509 = vector.extract %slice3A_508[0] : f32 from vector<1xf32>
            %ge3A_510 = arith.constant 0.000000e+00 : f32
            %ge3A_511 = arith.cmpf oge, %squeeze3A_509, %ge3A_510 : f32
            %convert_element_type3A_512 = arith.extui %ge3A_511 : i1 to i32
            %cond3A_513 = arith.constant 0 : i32
            %cond3A_514 = arith.cmpi ne, %convert_element_type3A_512, %cond3A_513 : i32
            %cond3A_515 = scf.if %cond3A_514 -> (i32) {
              %get3A_596 = arith.index_cast %cond3A_507 : i32 to index
              %get3A_597 = tpu.vector_load %arg8[%get3A_596] {strides = array<i32>} : memref<8448xi32, #tpu.memory_space<vmem>>, vector<16xi32>,
              %get3A_598 = vector.shape_cast %get3A_597 : vector<16xi32> to vector<16xi32>
              %eq3A_599 = arith.constant 0 : i32
              %eq3A_600 = vector.broadcast %eq3A_599 : i32 to vector<16xi32>
              %eq3A_601 = arith.cmpi eq, %iota3A, %eq3A_600 : vector<16xi32>
              %mul3A_602 = arith.constant 256 : i32
              %mul3A_603 = arith.muli %scan3A_207, %mul3A_602 : i32
              %add3A_604 = arith.addi %multiple_of3A, %mul3A_603 : i32
              %mul3A_605 = arith.constant 16 : i32
              %mul3A_606 = arith.muli %scan3A_394, %mul3A_605 : i32
              %add3A_607 = arith.addi %add3A_604, %mul3A_606 : i32
              %add3A_608 = arith.constant 5 : i32
              %add3A_609 = arith.addi %add3A_607, %add3A_608 : i32
              %broadcast_in_dim3A_610 = vector.broadcast %add3A_609 : i32 to vector<16xi32>
              %select_n3A_611 = arith.select %eq3A_601, %broadcast_in_dim3A_610, %get3A_598 : vector<16xi1>, vector<16xi32>
              %swap3A_612 = arith.index_cast %cond3A_507 : i32 to index
              %swap3A_613 = tpu.vector_load %arg8[%swap3A_612] {strides = array<i32>} : memref<8448xi32, #tpu.memory_space<vmem>>, vector<16xi32>,
              %swap3A_614 = vector.shape_cast %swap3A_613 : vector<16xi32> to vector<16xi32>
              %swap3A_615 = vector.shape_cast %select_n3A_611 : vector<16xi32> to vector<16xi32>
              tpu.vector_store %arg8[%swap3A_612], %swap3A_615 {strides = array<i32>} : memref<8448xi32, #tpu.memory_space<vmem>>, vector<16xi32>,
              %get3A_616 = arith.index_cast %cond3A_507 : i32 to index
              %get3A_617 = tpu.vector_load %arg9[%get3A_616] {strides = array<i32>} : memref<8448xf32, #tpu.memory_space<vmem>>, vector<16xf32>,
              %get3A_618 = vector.shape_cast %get3A_617 : vector<16xf32> to vector<16xf32>
              %eq3A_619 = arith.constant 0 : i32
              %eq3A_620 = vector.broadcast %eq3A_619 : i32 to vector<16xi32>
              %eq3A_621 = arith.cmpi eq, %iota3A, %eq3A_620 : vector<16xi32>
              %slice3A_622 = vector.extract_strided_slice %get3A_403 {offsets = [5], sizes = [1], strides = [1]} : vector<16xf32> to vector<1xf32>
              %squeeze3A_623 = vector.extract %slice3A_622[0] : f32 from vector<1xf32>
              %broadcast_in_dim3A_624 = vector.broadcast %squeeze3A_623 : f32 to vector<16xf32>
              %select_n3A_625 = arith.select %eq3A_621, %broadcast_in_dim3A_624, %get3A_618 : vector<16xi1>, vector<16xf32>
              %swap3A_626 = arith.index_cast %cond3A_507 : i32 to index
              %swap3A_627 = tpu.vector_load %arg9[%swap3A_626] {strides = array<i32>} : memref<8448xf32, #tpu.memory_space<vmem>>, vector<16xf32>,
              %swap3A_628 = vector.shape_cast %swap3A_627 : vector<16xf32> to vector<16xf32>
              %swap3A_629 = vector.shape_cast %select_n3A_625 : vector<16xf32> to vector<16xf32>
              tpu.vector_store %arg9[%swap3A_626], %swap3A_629 {strides = array<i32>} : memref<8448xf32, #tpu.memory_space<vmem>>, vector<16xf32>,
              %add3A_630 = arith.constant 1 : i32
              %add3A_631 = arith.addi %cond3A_507, %add3A_630 : i32
              scf.yield %add3A_631 : i32
            } else {
              scf.yield %cond3A_507 : i32
            }
            %slice3A_516 = vector.extract_strided_slice %get3A_403 {offsets = [6], sizes = [1], strides = [1]} : vector<16xf32> to vector<1xf32>
            %squeeze3A_517 = vector.extract %slice3A_516[0] : f32 from vector<1xf32>
            %ge3A_518 = arith.constant 0.000000e+00 : f32
            %ge3A_519 = arith.cmpf oge, %squeeze3A_517, %ge3A_518 : f32
            %convert_element_type3A_520 = arith.extui %ge3A_519 : i1 to i32
            %cond3A_521 = arith.constant 0 : i32
            %cond3A_522 = arith.cmpi ne, %convert_element_type3A_520, %cond3A_521 : i32
            %cond3A_523 = scf.if %cond3A_522 -> (i32) {
              %get3A_596 = arith.index_cast %cond3A_515 : i32 to index
              %get3A_597 = tpu.vector_load %arg8[%get3A_596] {strides = array<i32>} : memref<8448xi32, #tpu.memory_space<vmem>>, vector<16xi32>,
              %get3A_598 = vector.shape_cast %get3A_597 : vector<16xi32> to vector<16xi32>
              %eq3A_599 = arith.constant 0 : i32
              %eq3A_600 = vector.broadcast %eq3A_599 : i32 to vector<16xi32>
              %eq3A_601 = arith.cmpi eq, %iota3A, %eq3A_600 : vector<16xi32>
              %mul3A_602 = arith.constant 256 : i32
              %mul3A_603 = arith.muli %scan3A_207, %mul3A_602 : i32
              %add3A_604 = arith.addi %multiple_of3A, %mul3A_603 : i32
              %mul3A_605 = arith.constant 16 : i32
              %mul3A_606 = arith.muli %scan3A_394, %mul3A_605 : i32
              %add3A_607 = arith.addi %add3A_604, %mul3A_606 : i32
              %add3A_608 = arith.constant 6 : i32
              %add3A_609 = arith.addi %add3A_607, %add3A_608 : i32
              %broadcast_in_dim3A_610 = vector.broadcast %add3A_609 : i32 to vector<16xi32>
              %select_n3A_611 = arith.select %eq3A_601, %broadcast_in_dim3A_610, %get3A_598 : vector<16xi1>, vector<16xi32>
              %swap3A_612 = arith.index_cast %cond3A_515 : i32 to index
              %swap3A_613 = tpu.vector_load %arg8[%swap3A_612] {strides = array<i32>} : memref<8448xi32, #tpu.memory_space<vmem>>, vector<16xi32>,
              %swap3A_614 = vector.shape_cast %swap3A_613 : vector<16xi32> to vector<16xi32>
              %swap3A_615 = vector.shape_cast %select_n3A_611 : vector<16xi32> to vector<16xi32>
              tpu.vector_store %arg8[%swap3A_612], %swap3A_615 {strides = array<i32>} : memref<8448xi32, #tpu.memory_space<vmem>>, vector<16xi32>,
              %get3A_616 = arith.index_cast %cond3A_515 : i32 to index
              %get3A_617 = tpu.vector_load %arg9[%get3A_616] {strides = array<i32>} : memref<8448xf32, #tpu.memory_space<vmem>>, vector<16xf32>,
              %get3A_618 = vector.shape_cast %get3A_617 : vector<16xf32> to vector<16xf32>
              %eq3A_619 = arith.constant 0 : i32
              %eq3A_620 = vector.broadcast %eq3A_619 : i32 to vector<16xi32>
              %eq3A_621 = arith.cmpi eq, %iota3A, %eq3A_620 : vector<16xi32>
              %slice3A_622 = vector.extract_strided_slice %get3A_403 {offsets = [6], sizes = [1], strides = [1]} : vector<16xf32> to vector<1xf32>
              %squeeze3A_623 = vector.extract %slice3A_622[0] : f32 from vector<1xf32>
              %broadcast_in_dim3A_624 = vector.broadcast %squeeze3A_623 : f32 to vector<16xf32>
              %select_n3A_625 = arith.select %eq3A_621, %broadcast_in_dim3A_624, %get3A_618 : vector<16xi1>, vector<16xf32>
              %swap3A_626 = arith.index_cast %cond3A_515 : i32 to index
              %swap3A_627 = tpu.vector_load %arg9[%swap3A_626] {strides = array<i32>} : memref<8448xf32, #tpu.memory_space<vmem>>, vector<16xf32>,
              %swap3A_628 = vector.shape_cast %swap3A_627 : vector<16xf32> to vector<16xf32>
              %swap3A_629 = vector.shape_cast %select_n3A_625 : vector<16xf32> to vector<16xf32>
              tpu.vector_store %arg9[%swap3A_626], %swap3A_629 {strides = array<i32>} : memref<8448xf32, #tpu.memory_space<vmem>>, vector<16xf32>,
              %add3A_630 = arith.constant 1 : i32
              %add3A_631 = arith.addi %cond3A_515, %add3A_630 : i32
              scf.yield %add3A_631 : i32
            } else {
              scf.yield %cond3A_515 : i32
            }
            %slice3A_524 = vector.extract_strided_slice %get3A_403 {offsets = [7], sizes = [1], strides = [1]} : vector<16xf32> to vector<1xf32>
            %squeeze3A_525 = vector.extract %slice3A_524[0] : f32 from vector<1xf32>
            %ge3A_526 = arith.constant 0.000000e+00 : f32
            %ge3A_527 = arith.cmpf oge, %squeeze3A_525, %ge3A_526 : f32
            %convert_element_type3A_528 = arith.extui %ge3A_527 : i1 to i32
            %cond3A_529 = arith.constant 0 : i32
            %cond3A_530 = arith.cmpi ne, %convert_element_type3A_528, %cond3A_529 : i32
            %cond3A_531 = scf.if %cond3A_530 -> (i32) {
              %get3A_596 = arith.index_cast %cond3A_523 : i32 to index
              %get3A_597 = tpu.vector_load %arg8[%get3A_596] {strides = array<i32>} : memref<8448xi32, #tpu.memory_space<vmem>>, vector<16xi32>,
              %get3A_598 = vector.shape_cast %get3A_597 : vector<16xi32> to vector<16xi32>
              %eq3A_599 = arith.constant 0 : i32
              %eq3A_600 = vector.broadcast %eq3A_599 : i32 to vector<16xi32>
              %eq3A_601 = arith.cmpi eq, %iota3A, %eq3A_600 : vector<16xi32>
              %mul3A_602 = arith.constant 256 : i32
              %mul3A_603 = arith.muli %scan3A_207, %mul3A_602 : i32
              %add3A_604 = arith.addi %multiple_of3A, %mul3A_603 : i32
              %mul3A_605 = arith.constant 16 : i32
              %mul3A_606 = arith.muli %scan3A_394, %mul3A_605 : i32
              %add3A_607 = arith.addi %add3A_604, %mul3A_606 : i32
              %add3A_608 = arith.constant 7 : i32
              %add3A_609 = arith.addi %add3A_607, %add3A_608 : i32
              %broadcast_in_dim3A_610 = vector.broadcast %add3A_609 : i32 to vector<16xi32>
              %select_n3A_611 = arith.select %eq3A_601, %broadcast_in_dim3A_610, %get3A_598 : vector<16xi1>, vector<16xi32>
              %swap3A_612 = arith.index_cast %cond3A_523 : i32 to index
              %swap3A_613 = tpu.vector_load %arg8[%swap3A_612] {strides = array<i32>} : memref<8448xi32, #tpu.memory_space<vmem>>, vector<16xi32>,
              %swap3A_614 = vector.shape_cast %swap3A_613 : vector<16xi32> to vector<16xi32>
              %swap3A_615 = vector.shape_cast %select_n3A_611 : vector<16xi32> to vector<16xi32>
              tpu.vector_store %arg8[%swap3A_612], %swap3A_615 {strides = array<i32>} : memref<8448xi32, #tpu.memory_space<vmem>>, vector<16xi32>,
              %get3A_616 = arith.index_cast %cond3A_523 : i32 to index
              %get3A_617 = tpu.vector_load %arg9[%get3A_616] {strides = array<i32>} : memref<8448xf32, #tpu.memory_space<vmem>>, vector<16xf32>,
              %get3A_618 = vector.shape_cast %get3A_617 : vector<16xf32> to vector<16xf32>
              %eq3A_619 = arith.constant 0 : i32
              %eq3A_620 = vector.broadcast %eq3A_619 : i32 to vector<16xi32>
              %eq3A_621 = arith.cmpi eq, %iota3A, %eq3A_620 : vector<16xi32>
              %slice3A_622 = vector.extract_strided_slice %get3A_403 {offsets = [7], sizes = [1], strides = [1]} : vector<16xf32> to vector<1xf32>
              %squeeze3A_623 = vector.extract %slice3A_622[0] : f32 from vector<1xf32>
              %broadcast_in_dim3A_624 = vector.broadcast %squeeze3A_623 : f32 to vector<16xf32>
              %select_n3A_625 = arith.select %eq3A_621, %broadcast_in_dim3A_624, %get3A_618 : vector<16xi1>, vector<16xf32>
              %swap3A_626 = arith.index_cast %cond3A_523 : i32 to index
              %swap3A_627 = tpu.vector_load %arg9[%swap3A_626] {strides = array<i32>} : memref<8448xf32, #tpu.memory_space<vmem>>, vector<16xf32>,
              %swap3A_628 = vector.shape_cast %swap3A_627 : vector<16xf32> to vector<16xf32>
              %swap3A_629 = vector.shape_cast %select_n3A_625 : vector<16xf32> to vector<16xf32>
              tpu.vector_store %arg9[%swap3A_626], %swap3A_629 {strides = array<i32>} : memref<8448xf32, #tpu.memory_space<vmem>>, vector<16xf32>,
              %add3A_630 = arith.constant 1 : i32
              %add3A_631 = arith.addi %cond3A_523, %add3A_630 : i32
              scf.yield %add3A_631 : i32
            } else {
              scf.yield %cond3A_523 : i32
            }
            %slice3A_532 = vector.extract_strided_slice %get3A_403 {offsets = [8], sizes = [1], strides = [1]} : vector<16xf32> to vector<1xf32>
            %squeeze3A_533 = vector.extract %slice3A_532[0] : f32 from vector<1xf32>
            %ge3A_534 = arith.constant 0.000000e+00 : f32
            %ge3A_535 = arith.cmpf oge, %squeeze3A_533, %ge3A_534 : f32
            %convert_element_type3A_536 = arith.extui %ge3A_535 : i1 to i32
            %cond3A_537 = arith.constant 0 : i32
            %cond3A_538 = arith.cmpi ne, %convert_element_type3A_536, %cond3A_537 : i32
            %cond3A_539 = scf.if %cond3A_538 -> (i32) {
              %get3A_596 = arith.index_cast %cond3A_531 : i32 to index
              %get3A_597 = tpu.vector_load %arg8[%get3A_596] {strides = array<i32>} : memref<8448xi32, #tpu.memory_space<vmem>>, vector<16xi32>,
              %get3A_598 = vector.shape_cast %get3A_597 : vector<16xi32> to vector<16xi32>
              %eq3A_599 = arith.constant 0 : i32
              %eq3A_600 = vector.broadcast %eq3A_599 : i32 to vector<16xi32>
              %eq3A_601 = arith.cmpi eq, %iota3A, %eq3A_600 : vector<16xi32>
              %mul3A_602 = arith.constant 256 : i32
              %mul3A_603 = arith.muli %scan3A_207, %mul3A_602 : i32
              %add3A_604 = arith.addi %multiple_of3A, %mul3A_603 : i32
              %mul3A_605 = arith.constant 16 : i32
              %mul3A_606 = arith.muli %scan3A_394, %mul3A_605 : i32
              %add3A_607 = arith.addi %add3A_604, %mul3A_606 : i32
              %add3A_608 = arith.constant 8 : i32
              %add3A_609 = arith.addi %add3A_607, %add3A_608 : i32
              %broadcast_in_dim3A_610 = vector.broadcast %add3A_609 : i32 to vector<16xi32>
              %select_n3A_611 = arith.select %eq3A_601, %broadcast_in_dim3A_610, %get3A_598 : vector<16xi1>, vector<16xi32>
              %swap3A_612 = arith.index_cast %cond3A_531 : i32 to index
              %swap3A_613 = tpu.vector_load %arg8[%swap3A_612] {strides = array<i32>} : memref<8448xi32, #tpu.memory_space<vmem>>, vector<16xi32>,
              %swap3A_614 = vector.shape_cast %swap3A_613 : vector<16xi32> to vector<16xi32>
              %swap3A_615 = vector.shape_cast %select_n3A_611 : vector<16xi32> to vector<16xi32>
              tpu.vector_store %arg8[%swap3A_612], %swap3A_615 {strides = array<i32>} : memref<8448xi32, #tpu.memory_space<vmem>>, vector<16xi32>,
              %get3A_616 = arith.index_cast %cond3A_531 : i32 to index
              %get3A_617 = tpu.vector_load %arg9[%get3A_616] {strides = array<i32>} : memref<8448xf32, #tpu.memory_space<vmem>>, vector<16xf32>,
              %get3A_618 = vector.shape_cast %get3A_617 : vector<16xf32> to vector<16xf32>
              %eq3A_619 = arith.constant 0 : i32
              %eq3A_620 = vector.broadcast %eq3A_619 : i32 to vector<16xi32>
              %eq3A_621 = arith.cmpi eq, %iota3A, %eq3A_620 : vector<16xi32>
              %slice3A_622 = vector.extract_strided_slice %get3A_403 {offsets = [8], sizes = [1], strides = [1]} : vector<16xf32> to vector<1xf32>
              %squeeze3A_623 = vector.extract %slice3A_622[0] : f32 from vector<1xf32>
              %broadcast_in_dim3A_624 = vector.broadcast %squeeze3A_623 : f32 to vector<16xf32>
              %select_n3A_625 = arith.select %eq3A_621, %broadcast_in_dim3A_624, %get3A_618 : vector<16xi1>, vector<16xf32>
              %swap3A_626 = arith.index_cast %cond3A_531 : i32 to index
              %swap3A_627 = tpu.vector_load %arg9[%swap3A_626] {strides = array<i32>} : memref<8448xf32, #tpu.memory_space<vmem>>, vector<16xf32>,
              %swap3A_628 = vector.shape_cast %swap3A_627 : vector<16xf32> to vector<16xf32>
              %swap3A_629 = vector.shape_cast %select_n3A_625 : vector<16xf32> to vector<16xf32>
              tpu.vector_store %arg9[%swap3A_626], %swap3A_629 {strides = array<i32>} : memref<8448xf32, #tpu.memory_space<vmem>>, vector<16xf32>,
              %add3A_630 = arith.constant 1 : i32
              %add3A_631 = arith.addi %cond3A_531, %add3A_630 : i32
              scf.yield %add3A_631 : i32
            } else {
              scf.yield %cond3A_531 : i32
            }
            %slice3A_540 = vector.extract_strided_slice %get3A_403 {offsets = [9], sizes = [1], strides = [1]} : vector<16xf32> to vector<1xf32>
            %squeeze3A_541 = vector.extract %slice3A_540[0] : f32 from vector<1xf32>
            %ge3A_542 = arith.constant 0.000000e+00 : f32
            %ge3A_543 = arith.cmpf oge, %squeeze3A_541, %ge3A_542 : f32
            %convert_element_type3A_544 = arith.extui %ge3A_543 : i1 to i32
            %cond3A_545 = arith.constant 0 : i32
            %cond3A_546 = arith.cmpi ne, %convert_element_type3A_544, %cond3A_545 : i32
            %cond3A_547 = scf.if %cond3A_546 -> (i32) {
              %get3A_596 = arith.index_cast %cond3A_539 : i32 to index
              %get3A_597 = tpu.vector_load %arg8[%get3A_596] {strides = array<i32>} : memref<8448xi32, #tpu.memory_space<vmem>>, vector<16xi32>,
              %get3A_598 = vector.shape_cast %get3A_597 : vector<16xi32> to vector<16xi32>
              %eq3A_599 = arith.constant 0 : i32
              %eq3A_600 = vector.broadcast %eq3A_599 : i32 to vector<16xi32>
              %eq3A_601 = arith.cmpi eq, %iota3A, %eq3A_600 : vector<16xi32>
              %mul3A_602 = arith.constant 256 : i32
              %mul3A_603 = arith.muli %scan3A_207, %mul3A_602 : i32
              %add3A_604 = arith.addi %multiple_of3A, %mul3A_603 : i32
              %mul3A_605 = arith.constant 16 : i32
              %mul3A_606 = arith.muli %scan3A_394, %mul3A_605 : i32
              %add3A_607 = arith.addi %add3A_604, %mul3A_606 : i32
              %add3A_608 = arith.constant 9 : i32
              %add3A_609 = arith.addi %add3A_607, %add3A_608 : i32
              %broadcast_in_dim3A_610 = vector.broadcast %add3A_609 : i32 to vector<16xi32>
              %select_n3A_611 = arith.select %eq3A_601, %broadcast_in_dim3A_610, %get3A_598 : vector<16xi1>, vector<16xi32>
              %swap3A_612 = arith.index_cast %cond3A_539 : i32 to index
              %swap3A_613 = tpu.vector_load %arg8[%swap3A_612] {strides = array<i32>} : memref<8448xi32, #tpu.memory_space<vmem>>, vector<16xi32>,
              %swap3A_614 = vector.shape_cast %swap3A_613 : vector<16xi32> to vector<16xi32>
              %swap3A_615 = vector.shape_cast %select_n3A_611 : vector<16xi32> to vector<16xi32>
              tpu.vector_store %arg8[%swap3A_612], %swap3A_615 {strides = array<i32>} : memref<8448xi32, #tpu.memory_space<vmem>>, vector<16xi32>,
              %get3A_616 = arith.index_cast %cond3A_539 : i32 to index
              %get3A_617 = tpu.vector_load %arg9[%get3A_616] {strides = array<i32>} : memref<8448xf32, #tpu.memory_space<vmem>>, vector<16xf32>,
              %get3A_618 = vector.shape_cast %get3A_617 : vector<16xf32> to vector<16xf32>
              %eq3A_619 = arith.constant 0 : i32
              %eq3A_620 = vector.broadcast %eq3A_619 : i32 to vector<16xi32>
              %eq3A_621 = arith.cmpi eq, %iota3A, %eq3A_620 : vector<16xi32>
              %slice3A_622 = vector.extract_strided_slice %get3A_403 {offsets = [9], sizes = [1], strides = [1]} : vector<16xf32> to vector<1xf32>
              %squeeze3A_623 = vector.extract %slice3A_622[0] : f32 from vector<1xf32>
              %broadcast_in_dim3A_624 = vector.broadcast %squeeze3A_623 : f32 to vector<16xf32>
              %select_n3A_625 = arith.select %eq3A_621, %broadcast_in_dim3A_624, %get3A_618 : vector<16xi1>, vector<16xf32>
              %swap3A_626 = arith.index_cast %cond3A_539 : i32 to index
              %swap3A_627 = tpu.vector_load %arg9[%swap3A_626] {strides = array<i32>} : memref<8448xf32, #tpu.memory_space<vmem>>, vector<16xf32>,
              %swap3A_628 = vector.shape_cast %swap3A_627 : vector<16xf32> to vector<16xf32>
              %swap3A_629 = vector.shape_cast %select_n3A_625 : vector<16xf32> to vector<16xf32>
              tpu.vector_store %arg9[%swap3A_626], %swap3A_629 {strides = array<i32>} : memref<8448xf32, #tpu.memory_space<vmem>>, vector<16xf32>,
              %add3A_630 = arith.constant 1 : i32
              %add3A_631 = arith.addi %cond3A_539, %add3A_630 : i32
              scf.yield %add3A_631 : i32
            } else {
              scf.yield %cond3A_539 : i32
            }
            %slice3A_548 = vector.extract_strided_slice %get3A_403 {offsets = [10], sizes = [1], strides = [1]} : vector<16xf32> to vector<1xf32>
            %squeeze3A_549 = vector.extract %slice3A_548[0] : f32 from vector<1xf32>
            %ge3A_550 = arith.constant 0.000000e+00 : f32
            %ge3A_551 = arith.cmpf oge, %squeeze3A_549, %ge3A_550 : f32
            %convert_element_type3A_552 = arith.extui %ge3A_551 : i1 to i32
            %cond3A_553 = arith.constant 0 : i32
            %cond3A_554 = arith.cmpi ne, %convert_element_type3A_552, %cond3A_553 : i32
            %cond3A_555 = scf.if %cond3A_554 -> (i32) {
              %get3A_596 = arith.index_cast %cond3A_547 : i32 to index
              %get3A_597 = tpu.vector_load %arg8[%get3A_596] {strides = array<i32>} : memref<8448xi32, #tpu.memory_space<vmem>>, vector<16xi32>,
              %get3A_598 = vector.shape_cast %get3A_597 : vector<16xi32> to vector<16xi32>
              %eq3A_599 = arith.constant 0 : i32
              %eq3A_600 = vector.broadcast %eq3A_599 : i32 to vector<16xi32>
              %eq3A_601 = arith.cmpi eq, %iota3A, %eq3A_600 : vector<16xi32>
              %mul3A_602 = arith.constant 256 : i32
              %mul3A_603 = arith.muli %scan3A_207, %mul3A_602 : i32
              %add3A_604 = arith.addi %multiple_of3A, %mul3A_603 : i32
              %mul3A_605 = arith.constant 16 : i32
              %mul3A_606 = arith.muli %scan3A_394, %mul3A_605 : i32
              %add3A_607 = arith.addi %add3A_604, %mul3A_606 : i32
              %add3A_608 = arith.constant 10 : i32
              %add3A_609 = arith.addi %add3A_607, %add3A_608 : i32
              %broadcast_in_dim3A_610 = vector.broadcast %add3A_609 : i32 to vector<16xi32>
              %select_n3A_611 = arith.select %eq3A_601, %broadcast_in_dim3A_610, %get3A_598 : vector<16xi1>, vector<16xi32>
              %swap3A_612 = arith.index_cast %cond3A_547 : i32 to index
              %swap3A_613 = tpu.vector_load %arg8[%swap3A_612] {strides = array<i32>} : memref<8448xi32, #tpu.memory_space<vmem>>, vector<16xi32>,
              %swap3A_614 = vector.shape_cast %swap3A_613 : vector<16xi32> to vector<16xi32>
              %swap3A_615 = vector.shape_cast %select_n3A_611 : vector<16xi32> to vector<16xi32>
              tpu.vector_store %arg8[%swap3A_612], %swap3A_615 {strides = array<i32>} : memref<8448xi32, #tpu.memory_space<vmem>>, vector<16xi32>,
              %get3A_616 = arith.index_cast %cond3A_547 : i32 to index
              %get3A_617 = tpu.vector_load %arg9[%get3A_616] {strides = array<i32>} : memref<8448xf32, #tpu.memory_space<vmem>>, vector<16xf32>,
              %get3A_618 = vector.shape_cast %get3A_617 : vector<16xf32> to vector<16xf32>
              %eq3A_619 = arith.constant 0 : i32
              %eq3A_620 = vector.broadcast %eq3A_619 : i32 to vector<16xi32>
              %eq3A_621 = arith.cmpi eq, %iota3A, %eq3A_620 : vector<16xi32>
              %slice3A_622 = vector.extract_strided_slice %get3A_403 {offsets = [10], sizes = [1], strides = [1]} : vector<16xf32> to vector<1xf32>
              %squeeze3A_623 = vector.extract %slice3A_622[0] : f32 from vector<1xf32>
              %broadcast_in_dim3A_624 = vector.broadcast %squeeze3A_623 : f32 to vector<16xf32>
              %select_n3A_625 = arith.select %eq3A_621, %broadcast_in_dim3A_624, %get3A_618 : vector<16xi1>, vector<16xf32>
              %swap3A_626 = arith.index_cast %cond3A_547 : i32 to index
              %swap3A_627 = tpu.vector_load %arg9[%swap3A_626] {strides = array<i32>} : memref<8448xf32, #tpu.memory_space<vmem>>, vector<16xf32>,
              %swap3A_628 = vector.shape_cast %swap3A_627 : vector<16xf32> to vector<16xf32>
              %swap3A_629 = vector.shape_cast %select_n3A_625 : vector<16xf32> to vector<16xf32>
              tpu.vector_store %arg9[%swap3A_626], %swap3A_629 {strides = array<i32>} : memref<8448xf32, #tpu.memory_space<vmem>>, vector<16xf32>,
              %add3A_630 = arith.constant 1 : i32
              %add3A_631 = arith.addi %cond3A_547, %add3A_630 : i32
              scf.yield %add3A_631 : i32
            } else {
              scf.yield %cond3A_547 : i32
            }
            %slice3A_556 = vector.extract_strided_slice %get3A_403 {offsets = [11], sizes = [1], strides = [1]} : vector<16xf32> to vector<1xf32>
            %squeeze3A_557 = vector.extract %slice3A_556[0] : f32 from vector<1xf32>
            %ge3A_558 = arith.constant 0.000000e+00 : f32
            %ge3A_559 = arith.cmpf oge, %squeeze3A_557, %ge3A_558 : f32
            %convert_element_type3A_560 = arith.extui %ge3A_559 : i1 to i32
            %cond3A_561 = arith.constant 0 : i32
            %cond3A_562 = arith.cmpi ne, %convert_element_type3A_560, %cond3A_561 : i32
            %cond3A_563 = scf.if %cond3A_562 -> (i32) {
              %get3A_596 = arith.index_cast %cond3A_555 : i32 to index
              %get3A_597 = tpu.vector_load %arg8[%get3A_596] {strides = array<i32>} : memref<8448xi32, #tpu.memory_space<vmem>>, vector<16xi32>,
              %get3A_598 = vector.shape_cast %get3A_597 : vector<16xi32> to vector<16xi32>
              %eq3A_599 = arith.constant 0 : i32
              %eq3A_600 = vector.broadcast %eq3A_599 : i32 to vector<16xi32>
              %eq3A_601 = arith.cmpi eq, %iota3A, %eq3A_600 : vector<16xi32>
              %mul3A_602 = arith.constant 256 : i32
              %mul3A_603 = arith.muli %scan3A_207, %mul3A_602 : i32
              %add3A_604 = arith.addi %multiple_of3A, %mul3A_603 : i32
              %mul3A_605 = arith.constant 16 : i32
              %mul3A_606 = arith.muli %scan3A_394, %mul3A_605 : i32
              %add3A_607 = arith.addi %add3A_604, %mul3A_606 : i32
              %add3A_608 = arith.constant 11 : i32
              %add3A_609 = arith.addi %add3A_607, %add3A_608 : i32
              %broadcast_in_dim3A_610 = vector.broadcast %add3A_609 : i32 to vector<16xi32>
              %select_n3A_611 = arith.select %eq3A_601, %broadcast_in_dim3A_610, %get3A_598 : vector<16xi1>, vector<16xi32>
              %swap3A_612 = arith.index_cast %cond3A_555 : i32 to index
              %swap3A_613 = tpu.vector_load %arg8[%swap3A_612] {strides = array<i32>} : memref<8448xi32, #tpu.memory_space<vmem>>, vector<16xi32>,
              %swap3A_614 = vector.shape_cast %swap3A_613 : vector<16xi32> to vector<16xi32>
              %swap3A_615 = vector.shape_cast %select_n3A_611 : vector<16xi32> to vector<16xi32>
              tpu.vector_store %arg8[%swap3A_612], %swap3A_615 {strides = array<i32>} : memref<8448xi32, #tpu.memory_space<vmem>>, vector<16xi32>,
              %get3A_616 = arith.index_cast %cond3A_555 : i32 to index
              %get3A_617 = tpu.vector_load %arg9[%get3A_616] {strides = array<i32>} : memref<8448xf32, #tpu.memory_space<vmem>>, vector<16xf32>,
              %get3A_618 = vector.shape_cast %get3A_617 : vector<16xf32> to vector<16xf32>
              %eq3A_619 = arith.constant 0 : i32
              %eq3A_620 = vector.broadcast %eq3A_619 : i32 to vector<16xi32>
              %eq3A_621 = arith.cmpi eq, %iota3A, %eq3A_620 : vector<16xi32>
              %slice3A_622 = vector.extract_strided_slice %get3A_403 {offsets = [11], sizes = [1], strides = [1]} : vector<16xf32> to vector<1xf32>
              %squeeze3A_623 = vector.extract %slice3A_622[0] : f32 from vector<1xf32>
              %broadcast_in_dim3A_624 = vector.broadcast %squeeze3A_623 : f32 to vector<16xf32>
              %select_n3A_625 = arith.select %eq3A_621, %broadcast_in_dim3A_624, %get3A_618 : vector<16xi1>, vector<16xf32>
              %swap3A_626 = arith.index_cast %cond3A_555 : i32 to index
              %swap3A_627 = tpu.vector_load %arg9[%swap3A_626] {strides = array<i32>} : memref<8448xf32, #tpu.memory_space<vmem>>, vector<16xf32>,
              %swap3A_628 = vector.shape_cast %swap3A_627 : vector<16xf32> to vector<16xf32>
              %swap3A_629 = vector.shape_cast %select_n3A_625 : vector<16xf32> to vector<16xf32>
              tpu.vector_store %arg9[%swap3A_626], %swap3A_629 {strides = array<i32>} : memref<8448xf32, #tpu.memory_space<vmem>>, vector<16xf32>,
              %add3A_630 = arith.constant 1 : i32
              %add3A_631 = arith.addi %cond3A_555, %add3A_630 : i32
              scf.yield %add3A_631 : i32
            } else {
              scf.yield %cond3A_555 : i32
            }
            %slice3A_564 = vector.extract_strided_slice %get3A_403 {offsets = [12], sizes = [1], strides = [1]} : vector<16xf32> to vector<1xf32>
            %squeeze3A_565 = vector.extract %slice3A_564[0] : f32 from vector<1xf32>
            %ge3A_566 = arith.constant 0.000000e+00 : f32
            %ge3A_567 = arith.cmpf oge, %squeeze3A_565, %ge3A_566 : f32
            %convert_element_type3A_568 = arith.extui %ge3A_567 : i1 to i32
            %cond3A_569 = arith.constant 0 : i32
            %cond3A_570 = arith.cmpi ne, %convert_element_type3A_568, %cond3A_569 : i32
            %cond3A_571 = scf.if %cond3A_570 -> (i32) {
              %get3A_596 = arith.index_cast %cond3A_563 : i32 to index
              %get3A_597 = tpu.vector_load %arg8[%get3A_596] {strides = array<i32>} : memref<8448xi32, #tpu.memory_space<vmem>>, vector<16xi32>,
              %get3A_598 = vector.shape_cast %get3A_597 : vector<16xi32> to vector<16xi32>
              %eq3A_599 = arith.constant 0 : i32
              %eq3A_600 = vector.broadcast %eq3A_599 : i32 to vector<16xi32>
              %eq3A_601 = arith.cmpi eq, %iota3A, %eq3A_600 : vector<16xi32>
              %mul3A_602 = arith.constant 256 : i32
              %mul3A_603 = arith.muli %scan3A_207, %mul3A_602 : i32
              %add3A_604 = arith.addi %multiple_of3A, %mul3A_603 : i32
              %mul3A_605 = arith.constant 16 : i32
              %mul3A_606 = arith.muli %scan3A_394, %mul3A_605 : i32
              %add3A_607 = arith.addi %add3A_604, %mul3A_606 : i32
              %add3A_608 = arith.constant 12 : i32
              %add3A_609 = arith.addi %add3A_607, %add3A_608 : i32
              %broadcast_in_dim3A_610 = vector.broadcast %add3A_609 : i32 to vector<16xi32>
              %select_n3A_611 = arith.select %eq3A_601, %broadcast_in_dim3A_610, %get3A_598 : vector<16xi1>, vector<16xi32>
              %swap3A_612 = arith.index_cast %cond3A_563 : i32 to index
              %swap3A_613 = tpu.vector_load %arg8[%swap3A_612] {strides = array<i32>} : memref<8448xi32, #tpu.memory_space<vmem>>, vector<16xi32>,
              %swap3A_614 = vector.shape_cast %swap3A_613 : vector<16xi32> to vector<16xi32>
              %swap3A_615 = vector.shape_cast %select_n3A_611 : vector<16xi32> to vector<16xi32>
              tpu.vector_store %arg8[%swap3A_612], %swap3A_615 {strides = array<i32>} : memref<8448xi32, #tpu.memory_space<vmem>>, vector<16xi32>,
              %get3A_616 = arith.index_cast %cond3A_563 : i32 to index
              %get3A_617 = tpu.vector_load %arg9[%get3A_616] {strides = array<i32>} : memref<8448xf32, #tpu.memory_space<vmem>>, vector<16xf32>,
              %get3A_618 = vector.shape_cast %get3A_617 : vector<16xf32> to vector<16xf32>
              %eq3A_619 = arith.constant 0 : i32
              %eq3A_620 = vector.broadcast %eq3A_619 : i32 to vector<16xi32>
              %eq3A_621 = arith.cmpi eq, %iota3A, %eq3A_620 : vector<16xi32>
              %slice3A_622 = vector.extract_strided_slice %get3A_403 {offsets = [12], sizes = [1], strides = [1]} : vector<16xf32> to vector<1xf32>
              %squeeze3A_623 = vector.extract %slice3A_622[0] : f32 from vector<1xf32>
              %broadcast_in_dim3A_624 = vector.broadcast %squeeze3A_623 : f32 to vector<16xf32>
              %select_n3A_625 = arith.select %eq3A_621, %broadcast_in_dim3A_624, %get3A_618 : vector<16xi1>, vector<16xf32>
              %swap3A_626 = arith.index_cast %cond3A_563 : i32 to index
              %swap3A_627 = tpu.vector_load %arg9[%swap3A_626] {strides = array<i32>} : memref<8448xf32, #tpu.memory_space<vmem>>, vector<16xf32>,
              %swap3A_628 = vector.shape_cast %swap3A_627 : vector<16xf32> to vector<16xf32>
              %swap3A_629 = vector.shape_cast %select_n3A_625 : vector<16xf32> to vector<16xf32>
              tpu.vector_store %arg9[%swap3A_626], %swap3A_629 {strides = array<i32>} : memref<8448xf32, #tpu.memory_space<vmem>>, vector<16xf32>,
              %add3A_630 = arith.constant 1 : i32
              %add3A_631 = arith.addi %cond3A_563, %add3A_630 : i32
              scf.yield %add3A_631 : i32
            } else {
              scf.yield %cond3A_563 : i32
            }
            %slice3A_572 = vector.extract_strided_slice %get3A_403 {offsets = [13], sizes = [1], strides = [1]} : vector<16xf32> to vector<1xf32>
            %squeeze3A_573 = vector.extract %slice3A_572[0] : f32 from vector<1xf32>
            %ge3A_574 = arith.constant 0.000000e+00 : f32
            %ge3A_575 = arith.cmpf oge, %squeeze3A_573, %ge3A_574 : f32
            %convert_element_type3A_576 = arith.extui %ge3A_575 : i1 to i32
            %cond3A_577 = arith.constant 0 : i32
            %cond3A_578 = arith.cmpi ne, %convert_element_type3A_576, %cond3A_577 : i32
            %cond3A_579 = scf.if %cond3A_578 -> (i32) {
              %get3A_596 = arith.index_cast %cond3A_571 : i32 to index
              %get3A_597 = tpu.vector_load %arg8[%get3A_596] {strides = array<i32>} : memref<8448xi32, #tpu.memory_space<vmem>>, vector<16xi32>,
              %get3A_598 = vector.shape_cast %get3A_597 : vector<16xi32> to vector<16xi32>
              %eq3A_599 = arith.constant 0 : i32
              %eq3A_600 = vector.broadcast %eq3A_599 : i32 to vector<16xi32>
              %eq3A_601 = arith.cmpi eq, %iota3A, %eq3A_600 : vector<16xi32>
              %mul3A_602 = arith.constant 256 : i32
              %mul3A_603 = arith.muli %scan3A_207, %mul3A_602 : i32
              %add3A_604 = arith.addi %multiple_of3A, %mul3A_603 : i32
              %mul3A_605 = arith.constant 16 : i32
              %mul3A_606 = arith.muli %scan3A_394, %mul3A_605 : i32
              %add3A_607 = arith.addi %add3A_604, %mul3A_606 : i32
              %add3A_608 = arith.constant 13 : i32
              %add3A_609 = arith.addi %add3A_607, %add3A_608 : i32
              %broadcast_in_dim3A_610 = vector.broadcast %add3A_609 : i32 to vector<16xi32>
              %select_n3A_611 = arith.select %eq3A_601, %broadcast_in_dim3A_610, %get3A_598 : vector<16xi1>, vector<16xi32>
              %swap3A_612 = arith.index_cast %cond3A_571 : i32 to index
              %swap3A_613 = tpu.vector_load %arg8[%swap3A_612] {strides = array<i32>} : memref<8448xi32, #tpu.memory_space<vmem>>, vector<16xi32>,
              %swap3A_614 = vector.shape_cast %swap3A_613 : vector<16xi32> to vector<16xi32>
              %swap3A_615 = vector.shape_cast %select_n3A_611 : vector<16xi32> to vector<16xi32>
              tpu.vector_store %arg8[%swap3A_612], %swap3A_615 {strides = array<i32>} : memref<8448xi32, #tpu.memory_space<vmem>>, vector<16xi32>,
              %get3A_616 = arith.index_cast %cond3A_571 : i32 to index
              %get3A_617 = tpu.vector_load %arg9[%get3A_616] {strides = array<i32>} : memref<8448xf32, #tpu.memory_space<vmem>>, vector<16xf32>,
              %get3A_618 = vector.shape_cast %get3A_617 : vector<16xf32> to vector<16xf32>
              %eq3A_619 = arith.constant 0 : i32
              %eq3A_620 = vector.broadcast %eq3A_619 : i32 to vector<16xi32>
              %eq3A_621 = arith.cmpi eq, %iota3A, %eq3A_620 : vector<16xi32>
              %slice3A_622 = vector.extract_strided_slice %get3A_403 {offsets = [13], sizes = [1], strides = [1]} : vector<16xf32> to vector<1xf32>
              %squeeze3A_623 = vector.extract %slice3A_622[0] : f32 from vector<1xf32>
              %broadcast_in_dim3A_624 = vector.broadcast %squeeze3A_623 : f32 to vector<16xf32>
              %select_n3A_625 = arith.select %eq3A_621, %broadcast_in_dim3A_624, %get3A_618 : vector<16xi1>, vector<16xf32>
              %swap3A_626 = arith.index_cast %cond3A_571 : i32 to index
              %swap3A_627 = tpu.vector_load %arg9[%swap3A_626] {strides = array<i32>} : memref<8448xf32, #tpu.memory_space<vmem>>, vector<16xf32>,
              %swap3A_628 = vector.shape_cast %swap3A_627 : vector<16xf32> to vector<16xf32>
              %swap3A_629 = vector.shape_cast %select_n3A_625 : vector<16xf32> to vector<16xf32>
              tpu.vector_store %arg9[%swap3A_626], %swap3A_629 {strides = array<i32>} : memref<8448xf32, #tpu.memory_space<vmem>>, vector<16xf32>,
              %add3A_630 = arith.constant 1 : i32
              %add3A_631 = arith.addi %cond3A_571, %add3A_630 : i32
              scf.yield %add3A_631 : i32
            } else {
              scf.yield %cond3A_571 : i32
            }
            %slice3A_580 = vector.extract_strided_slice %get3A_403 {offsets = [14], sizes = [1], strides = [1]} : vector<16xf32> to vector<1xf32>
            %squeeze3A_581 = vector.extract %slice3A_580[0] : f32 from vector<1xf32>
            %ge3A_582 = arith.constant 0.000000e+00 : f32
            %ge3A_583 = arith.cmpf oge, %squeeze3A_581, %ge3A_582 : f32
            %convert_element_type3A_584 = arith.extui %ge3A_583 : i1 to i32
            %cond3A_585 = arith.constant 0 : i32
            %cond3A_586 = arith.cmpi ne, %convert_element_type3A_584, %cond3A_585 : i32
            %cond3A_587 = scf.if %cond3A_586 -> (i32) {
              %get3A_596 = arith.index_cast %cond3A_579 : i32 to index
              %get3A_597 = tpu.vector_load %arg8[%get3A_596] {strides = array<i32>} : memref<8448xi32, #tpu.memory_space<vmem>>, vector<16xi32>,
              %get3A_598 = vector.shape_cast %get3A_597 : vector<16xi32> to vector<16xi32>
              %eq3A_599 = arith.constant 0 : i32
              %eq3A_600 = vector.broadcast %eq3A_599 : i32 to vector<16xi32>
              %eq3A_601 = arith.cmpi eq, %iota3A, %eq3A_600 : vector<16xi32>
              %mul3A_602 = arith.constant 256 : i32
              %mul3A_603 = arith.muli %scan3A_207, %mul3A_602 : i32
              %add3A_604 = arith.addi %multiple_of3A, %mul3A_603 : i32
              %mul3A_605 = arith.constant 16 : i32
              %mul3A_606 = arith.muli %scan3A_394, %mul3A_605 : i32
              %add3A_607 = arith.addi %add3A_604, %mul3A_606 : i32
              %add3A_608 = arith.constant 14 : i32
              %add3A_609 = arith.addi %add3A_607, %add3A_608 : i32
              %broadcast_in_dim3A_610 = vector.broadcast %add3A_609 : i32 to vector<16xi32>
              %select_n3A_611 = arith.select %eq3A_601, %broadcast_in_dim3A_610, %get3A_598 : vector<16xi1>, vector<16xi32>
              %swap3A_612 = arith.index_cast %cond3A_579 : i32 to index
              %swap3A_613 = tpu.vector_load %arg8[%swap3A_612] {strides = array<i32>} : memref<8448xi32, #tpu.memory_space<vmem>>, vector<16xi32>,
              %swap3A_614 = vector.shape_cast %swap3A_613 : vector<16xi32> to vector<16xi32>
              %swap3A_615 = vector.shape_cast %select_n3A_611 : vector<16xi32> to vector<16xi32>
              tpu.vector_store %arg8[%swap3A_612], %swap3A_615 {strides = array<i32>} : memref<8448xi32, #tpu.memory_space<vmem>>, vector<16xi32>,
              %get3A_616 = arith.index_cast %cond3A_579 : i32 to index
              %get3A_617 = tpu.vector_load %arg9[%get3A_616] {strides = array<i32>} : memref<8448xf32, #tpu.memory_space<vmem>>, vector<16xf32>,
              %get3A_618 = vector.shape_cast %get3A_617 : vector<16xf32> to vector<16xf32>
              %eq3A_619 = arith.constant 0 : i32
              %eq3A_620 = vector.broadcast %eq3A_619 : i32 to vector<16xi32>
              %eq3A_621 = arith.cmpi eq, %iota3A, %eq3A_620 : vector<16xi32>
              %slice3A_622 = vector.extract_strided_slice %get3A_403 {offsets = [14], sizes = [1], strides = [1]} : vector<16xf32> to vector<1xf32>
              %squeeze3A_623 = vector.extract %slice3A_622[0] : f32 from vector<1xf32>
              %broadcast_in_dim3A_624 = vector.broadcast %squeeze3A_623 : f32 to vector<16xf32>
              %select_n3A_625 = arith.select %eq3A_621, %broadcast_in_dim3A_624, %get3A_618 : vector<16xi1>, vector<16xf32>
              %swap3A_626 = arith.index_cast %cond3A_579 : i32 to index
              %swap3A_627 = tpu.vector_load %arg9[%swap3A_626] {strides = array<i32>} : memref<8448xf32, #tpu.memory_space<vmem>>, vector<16xf32>,
              %swap3A_628 = vector.shape_cast %swap3A_627 : vector<16xf32> to vector<16xf32>
              %swap3A_629 = vector.shape_cast %select_n3A_625 : vector<16xf32> to vector<16xf32>
              tpu.vector_store %arg9[%swap3A_626], %swap3A_629 {strides = array<i32>} : memref<8448xf32, #tpu.memory_space<vmem>>, vector<16xf32>,
              %add3A_630 = arith.constant 1 : i32
              %add3A_631 = arith.addi %cond3A_579, %add3A_630 : i32
              scf.yield %add3A_631 : i32
            } else {
              scf.yield %cond3A_579 : i32
            }
            %slice3A_588 = vector.extract_strided_slice %get3A_403 {offsets = [15], sizes = [1], strides = [1]} : vector<16xf32> to vector<1xf32>
            %squeeze3A_589 = vector.extract %slice3A_588[0] : f32 from vector<1xf32>
            %ge3A_590 = arith.constant 0.000000e+00 : f32
            %ge3A_591 = arith.cmpf oge, %squeeze3A_589, %ge3A_590 : f32
            %convert_element_type3A_592 = arith.extui %ge3A_591 : i1 to i32
            %cond3A_593 = arith.constant 0 : i32
            %cond3A_594 = arith.cmpi ne, %convert_element_type3A_592, %cond3A_593 : i32
            %cond3A_595 = scf.if %cond3A_594 -> (i32) {
              %get3A_596 = arith.index_cast %cond3A_587 : i32 to index
              %get3A_597 = tpu.vector_load %arg8[%get3A_596] {strides = array<i32>} : memref<8448xi32, #tpu.memory_space<vmem>>, vector<16xi32>,
              %get3A_598 = vector.shape_cast %get3A_597 : vector<16xi32> to vector<16xi32>
              %eq3A_599 = arith.constant 0 : i32
              %eq3A_600 = vector.broadcast %eq3A_599 : i32 to vector<16xi32>
              %eq3A_601 = arith.cmpi eq, %iota3A, %eq3A_600 : vector<16xi32>
              %mul3A_602 = arith.constant 256 : i32
              %mul3A_603 = arith.muli %scan3A_207, %mul3A_602 : i32
              %add3A_604 = arith.addi %multiple_of3A, %mul3A_603 : i32
              %mul3A_605 = arith.constant 16 : i32
              %mul3A_606 = arith.muli %scan3A_394, %mul3A_605 : i32
              %add3A_607 = arith.addi %add3A_604, %mul3A_606 : i32
              %add3A_608 = arith.constant 15 : i32
              %add3A_609 = arith.addi %add3A_607, %add3A_608 : i32
              %broadcast_in_dim3A_610 = vector.broadcast %add3A_609 : i32 to vector<16xi32>
              %select_n3A_611 = arith.select %eq3A_601, %broadcast_in_dim3A_610, %get3A_598 : vector<16xi1>, vector<16xi32>
              %swap3A_612 = arith.index_cast %cond3A_587 : i32 to index
              %swap3A_613 = tpu.vector_load %arg8[%swap3A_612] {strides = array<i32>} : memref<8448xi32, #tpu.memory_space<vmem>>, vector<16xi32>,
              %swap3A_614 = vector.shape_cast %swap3A_613 : vector<16xi32> to vector<16xi32>
              %swap3A_615 = vector.shape_cast %select_n3A_611 : vector<16xi32> to vector<16xi32>
              tpu.vector_store %arg8[%swap3A_612], %swap3A_615 {strides = array<i32>} : memref<8448xi32, #tpu.memory_space<vmem>>, vector<16xi32>,
              %get3A_616 = arith.index_cast %cond3A_587 : i32 to index
              %get3A_617 = tpu.vector_load %arg9[%get3A_616] {strides = array<i32>} : memref<8448xf32, #tpu.memory_space<vmem>>, vector<16xf32>,
              %get3A_618 = vector.shape_cast %get3A_617 : vector<16xf32> to vector<16xf32>
              %eq3A_619 = arith.constant 0 : i32
              %eq3A_620 = vector.broadcast %eq3A_619 : i32 to vector<16xi32>
              %eq3A_621 = arith.cmpi eq, %iota3A, %eq3A_620 : vector<16xi32>
              %slice3A_622 = vector.extract_strided_slice %get3A_403 {offsets = [15], sizes = [1], strides = [1]} : vector<16xf32> to vector<1xf32>
              %squeeze3A_623 = vector.extract %slice3A_622[0] : f32 from vector<1xf32>
              %broadcast_in_dim3A_624 = vector.broadcast %squeeze3A_623 : f32 to vector<16xf32>
              %select_n3A_625 = arith.select %eq3A_621, %broadcast_in_dim3A_624, %get3A_618 : vector<16xi1>, vector<16xf32>
              %swap3A_626 = arith.index_cast %cond3A_587 : i32 to index
              %swap3A_627 = tpu.vector_load %arg9[%swap3A_626] {strides = array<i32>} : memref<8448xf32, #tpu.memory_space<vmem>>, vector<16xf32>,
              %swap3A_628 = vector.shape_cast %swap3A_627 : vector<16xf32> to vector<16xf32>
              %swap3A_629 = vector.shape_cast %select_n3A_625 : vector<16xf32> to vector<16xf32>
              tpu.vector_store %arg9[%swap3A_626], %swap3A_629 {strides = array<i32>} : memref<8448xf32, #tpu.memory_space<vmem>>, vector<16xf32>,
              %add3A_630 = arith.constant 1 : i32
              %add3A_631 = arith.addi %cond3A_587, %add3A_630 : i32
              scf.yield %add3A_631 : i32
            } else {
              scf.yield %cond3A_587 : i32
            }
            scf.yield %cond3A_595 : i32
          } else {
            scf.yield %scan3A_395 : i32
          }
          scf.yield %cond3A_467 : i32
        }
        %scan3A_393 = arith.constant 16 : i32
        scf.yield %scan3A_392 : i32
      } else {
        scf.yield %scan3A_208 : i32
      }
      scf.yield %cond3A_387 : i32
    }
    %scan3A_8 = arith.constant 32 : i32
    %broadcast_in_dim3A = arith.constant 0 : i32
    %broadcast_in_dim3A_9 = vector.broadcast %broadcast_in_dim3A : i32 to vector<16xi32>
    %add3A_10 = arith.constant 0 : i32
    %add3A_11 = arith.addi %scan3A_7, %add3A_10 : i32
    %swap3A = arith.index_cast %add3A_11 : i32 to index
    %swap3A_12 = tpu.vector_load %arg8[%swap3A] {strides = array<i32>} : memref<8448xi32, #tpu.memory_space<vmem>>, vector<16xi32>,
    %swap3A_13 = vector.shape_cast %swap3A_12 : vector<16xi32> to vector<16xi32>
    %swap3A_14 = vector.shape_cast %broadcast_in_dim3A_9 : vector<16xi32> to vector<16xi32>
    tpu.vector_store %arg8[%swap3A], %swap3A_14 {strides = array<i32>} : memref<8448xi32, #tpu.memory_space<vmem>>, vector<16xi32>,
    %broadcast_in_dim3A_15 = arith.constant -1.000000e+00 : f32
    %broadcast_in_dim3A_16 = vector.broadcast %broadcast_in_dim3A_15 : f32 to vector<16xf32>
    %add3A_17 = arith.constant 0 : i32
    %add3A_18 = arith.addi %scan3A_7, %add3A_17 : i32
    %swap3A_19 = arith.index_cast %add3A_18 : i32 to index
    %swap3A_20 = tpu.vector_load %arg9[%swap3A_19] {strides = array<i32>} : memref<8448xf32, #tpu.memory_space<vmem>>, vector<16xf32>,
    %swap3A_21 = vector.shape_cast %swap3A_20 : vector<16xf32> to vector<16xf32>
    %swap3A_22 = vector.shape_cast %broadcast_in_dim3A_16 : vector<16xf32> to vector<16xf32>
    tpu.vector_store %arg9[%swap3A_19], %swap3A_22 {strides = array<i32>} : memref<8448xf32, #tpu.memory_space<vmem>>, vector<16xf32>,
    %broadcast_in_dim3A_23 = arith.constant 0 : i32
    %broadcast_in_dim3A_24 = vector.broadcast %broadcast_in_dim3A_23 : i32 to vector<16xi32>
    %add3A_25 = arith.constant 16 : i32
    %add3A_26 = arith.addi %scan3A_7, %add3A_25 : i32
    %swap3A_27 = arith.index_cast %add3A_26 : i32 to index
    %swap3A_28 = tpu.vector_load %arg8[%swap3A_27] {strides = array<i32>} : memref<8448xi32, #tpu.memory_space<vmem>>, vector<16xi32>,
    %swap3A_29 = vector.shape_cast %swap3A_28 : vector<16xi32> to vector<16xi32>
    %swap3A_30 = vector.shape_cast %broadcast_in_dim3A_24 : vector<16xi32> to vector<16xi32>
    tpu.vector_store %arg8[%swap3A_27], %swap3A_30 {strides = array<i32>} : memref<8448xi32, #tpu.memory_space<vmem>>, vector<16xi32>,
    %broadcast_in_dim3A_31 = arith.constant -1.000000e+00 : f32
    %broadcast_in_dim3A_32 = vector.broadcast %broadcast_in_dim3A_31 : f32 to vector<16xf32>
    %add3A_33 = arith.constant 16 : i32
    %add3A_34 = arith.addi %scan3A_7, %add3A_33 : i32
    %swap3A_35 = arith.index_cast %add3A_34 : i32 to index
    %swap3A_36 = tpu.vector_load %arg9[%swap3A_35] {strides = array<i32>} : memref<8448xf32, #tpu.memory_space<vmem>>, vector<16xf32>,
    %swap3A_37 = vector.shape_cast %swap3A_36 : vector<16xf32> to vector<16xf32>
    %swap3A_38 = vector.shape_cast %broadcast_in_dim3A_32 : vector<16xf32> to vector<16xf32>
    tpu.vector_store %arg9[%swap3A_35], %swap3A_38 {strides = array<i32>} : memref<8448xf32, #tpu.memory_space<vmem>>, vector<16xf32>,
    %broadcast_in_dim3A_39 = arith.constant 0 : i32
    %broadcast_in_dim3A_40 = vector.broadcast %broadcast_in_dim3A_39 : i32 to vector<16xi32>
    %add3A_41 = arith.constant 32 : i32
    %add3A_42 = arith.addi %scan3A_7, %add3A_41 : i32
    %swap3A_43 = arith.index_cast %add3A_42 : i32 to index
    %swap3A_44 = tpu.vector_load %arg8[%swap3A_43] {strides = array<i32>} : memref<8448xi32, #tpu.memory_space<vmem>>, vector<16xi32>,
    %swap3A_45 = vector.shape_cast %swap3A_44 : vector<16xi32> to vector<16xi32>
    %swap3A_46 = vector.shape_cast %broadcast_in_dim3A_40 : vector<16xi32> to vector<16xi32>
    tpu.vector_store %arg8[%swap3A_43], %swap3A_46 {strides = array<i32>} : memref<8448xi32, #tpu.memory_space<vmem>>, vector<16xi32>,
    %broadcast_in_dim3A_47 = arith.constant -1.000000e+00 : f32
    %broadcast_in_dim3A_48 = vector.broadcast %broadcast_in_dim3A_47 : f32 to vector<16xf32>
    %add3A_49 = arith.constant 32 : i32
    %add3A_50 = arith.addi %scan3A_7, %add3A_49 : i32
    %swap3A_51 = arith.index_cast %add3A_50 : i32 to index
    %swap3A_52 = tpu.vector_load %arg9[%swap3A_51] {strides = array<i32>} : memref<8448xf32, #tpu.memory_space<vmem>>, vector<16xf32>,
    %swap3A_53 = vector.shape_cast %swap3A_52 : vector<16xf32> to vector<16xf32>
    %swap3A_54 = vector.shape_cast %broadcast_in_dim3A_48 : vector<16xf32> to vector<16xf32>
    tpu.vector_store %arg9[%swap3A_51], %swap3A_54 {strides = array<i32>} : memref<8448xf32, #tpu.memory_space<vmem>>, vector<16xf32>,
    %broadcast_in_dim3A_55 = arith.constant 0 : i32
    %broadcast_in_dim3A_56 = vector.broadcast %broadcast_in_dim3A_55 : i32 to vector<16xi32>
    %add3A_57 = arith.constant 48 : i32
    %add3A_58 = arith.addi %scan3A_7, %add3A_57 : i32
    %swap3A_59 = arith.index_cast %add3A_58 : i32 to index
    %swap3A_60 = tpu.vector_load %arg8[%swap3A_59] {strides = array<i32>} : memref<8448xi32, #tpu.memory_space<vmem>>, vector<16xi32>,
    %swap3A_61 = vector.shape_cast %swap3A_60 : vector<16xi32> to vector<16xi32>
    %swap3A_62 = vector.shape_cast %broadcast_in_dim3A_56 : vector<16xi32> to vector<16xi32>
    tpu.vector_store %arg8[%swap3A_59], %swap3A_62 {strides = array<i32>} : memref<8448xi32, #tpu.memory_space<vmem>>, vector<16xi32>,
    %broadcast_in_dim3A_63 = arith.constant -1.000000e+00 : f32
    %broadcast_in_dim3A_64 = vector.broadcast %broadcast_in_dim3A_63 : f32 to vector<16xf32>
    %add3A_65 = arith.constant 48 : i32
    %add3A_66 = arith.addi %scan3A_7, %add3A_65 : i32
    %swap3A_67 = arith.index_cast %add3A_66 : i32 to index
    %swap3A_68 = tpu.vector_load %arg9[%swap3A_67] {strides = array<i32>} : memref<8448xf32, #tpu.memory_space<vmem>>, vector<16xf32>,
    %swap3A_69 = vector.shape_cast %swap3A_68 : vector<16xf32> to vector<16xf32>
    %swap3A_70 = vector.shape_cast %broadcast_in_dim3A_64 : vector<16xf32> to vector<16xf32>
    tpu.vector_store %arg9[%swap3A_67], %swap3A_70 {strides = array<i32>} : memref<8448xf32, #tpu.memory_space<vmem>>, vector<16xf32>,
    %broadcast_in_dim3A_71 = arith.constant 0 : i32
    %broadcast_in_dim3A_72 = vector.broadcast %broadcast_in_dim3A_71 : i32 to vector<16xi32>
    %add3A_73 = arith.constant 64 : i32
    %add3A_74 = arith.addi %scan3A_7, %add3A_73 : i32
    %swap3A_75 = arith.index_cast %add3A_74 : i32 to index
    %swap3A_76 = tpu.vector_load %arg8[%swap3A_75] {strides = array<i32>} : memref<8448xi32, #tpu.memory_space<vmem>>, vector<16xi32>,
    %swap3A_77 = vector.shape_cast %swap3A_76 : vector<16xi32> to vector<16xi32>
    %swap3A_78 = vector.shape_cast %broadcast_in_dim3A_72 : vector<16xi32> to vector<16xi32>
    tpu.vector_store %arg8[%swap3A_75], %swap3A_78 {strides = array<i32>} : memref<8448xi32, #tpu.memory_space<vmem>>, vector<16xi32>,
    %broadcast_in_dim3A_79 = arith.constant -1.000000e+00 : f32
    %broadcast_in_dim3A_80 = vector.broadcast %broadcast_in_dim3A_79 : f32 to vector<16xf32>
    %add3A_81 = arith.constant 64 : i32
    %add3A_82 = arith.addi %scan3A_7, %add3A_81 : i32
    %swap3A_83 = arith.index_cast %add3A_82 : i32 to index
    %swap3A_84 = tpu.vector_load %arg9[%swap3A_83] {strides = array<i32>} : memref<8448xf32, #tpu.memory_space<vmem>>, vector<16xf32>,
    %swap3A_85 = vector.shape_cast %swap3A_84 : vector<16xf32> to vector<16xf32>
    %swap3A_86 = vector.shape_cast %broadcast_in_dim3A_80 : vector<16xf32> to vector<16xf32>
    tpu.vector_store %arg9[%swap3A_83], %swap3A_86 {strides = array<i32>} : memref<8448xf32, #tpu.memory_space<vmem>>, vector<16xf32>,
    %broadcast_in_dim3A_87 = arith.constant 0 : i32
    %broadcast_in_dim3A_88 = vector.broadcast %broadcast_in_dim3A_87 : i32 to vector<16xi32>
    %add3A_89 = arith.constant 80 : i32
    %add3A_90 = arith.addi %scan3A_7, %add3A_89 : i32
    %swap3A_91 = arith.index_cast %add3A_90 : i32 to index
    %swap3A_92 = tpu.vector_load %arg8[%swap3A_91] {strides = array<i32>} : memref<8448xi32, #tpu.memory_space<vmem>>, vector<16xi32>,
    %swap3A_93 = vector.shape_cast %swap3A_92 : vector<16xi32> to vector<16xi32>
    %swap3A_94 = vector.shape_cast %broadcast_in_dim3A_88 : vector<16xi32> to vector<16xi32>
    tpu.vector_store %arg8[%swap3A_91], %swap3A_94 {strides = array<i32>} : memref<8448xi32, #tpu.memory_space<vmem>>, vector<16xi32>,
    %broadcast_in_dim3A_95 = arith.constant -1.000000e+00 : f32
    %broadcast_in_dim3A_96 = vector.broadcast %broadcast_in_dim3A_95 : f32 to vector<16xf32>
    %add3A_97 = arith.constant 80 : i32
    %add3A_98 = arith.addi %scan3A_7, %add3A_97 : i32
    %swap3A_99 = arith.index_cast %add3A_98 : i32 to index
    %swap3A_100 = tpu.vector_load %arg9[%swap3A_99] {strides = array<i32>} : memref<8448xf32, #tpu.memory_space<vmem>>, vector<16xf32>,
    %swap3A_101 = vector.shape_cast %swap3A_100 : vector<16xf32> to vector<16xf32>
    %swap3A_102 = vector.shape_cast %broadcast_in_dim3A_96 : vector<16xf32> to vector<16xf32>
    tpu.vector_store %arg9[%swap3A_99], %swap3A_102 {strides = array<i32>} : memref<8448xf32, #tpu.memory_space<vmem>>, vector<16xf32>,
    %broadcast_in_dim3A_103 = arith.constant 0 : i32
    %broadcast_in_dim3A_104 = vector.broadcast %broadcast_in_dim3A_103 : i32 to vector<16xi32>
    %add3A_105 = arith.constant 96 : i32
    %add3A_106 = arith.addi %scan3A_7, %add3A_105 : i32
    %swap3A_107 = arith.index_cast %add3A_106 : i32 to index
    %swap3A_108 = tpu.vector_load %arg8[%swap3A_107] {strides = array<i32>} : memref<8448xi32, #tpu.memory_space<vmem>>, vector<16xi32>,
    %swap3A_109 = vector.shape_cast %swap3A_108 : vector<16xi32> to vector<16xi32>
    %swap3A_110 = vector.shape_cast %broadcast_in_dim3A_104 : vector<16xi32> to vector<16xi32>
    tpu.vector_store %arg8[%swap3A_107], %swap3A_110 {strides = array<i32>} : memref<8448xi32, #tpu.memory_space<vmem>>, vector<16xi32>,
    %broadcast_in_dim3A_111 = arith.constant -1.000000e+00 : f32
    %broadcast_in_dim3A_112 = vector.broadcast %broadcast_in_dim3A_111 : f32 to vector<16xf32>
    %add3A_113 = arith.constant 96 : i32
    %add3A_114 = arith.addi %scan3A_7, %add3A_113 : i32
    %swap3A_115 = arith.index_cast %add3A_114 : i32 to index
    %swap3A_116 = tpu.vector_load %arg9[%swap3A_115] {strides = array<i32>} : memref<8448xf32, #tpu.memory_space<vmem>>, vector<16xf32>,
    %swap3A_117 = vector.shape_cast %swap3A_116 : vector<16xf32> to vector<16xf32>
    %swap3A_118 = vector.shape_cast %broadcast_in_dim3A_112 : vector<16xf32> to vector<16xf32>
    tpu.vector_store %arg9[%swap3A_115], %swap3A_118 {strides = array<i32>} : memref<8448xf32, #tpu.memory_space<vmem>>, vector<16xf32>,
    %broadcast_in_dim3A_119 = arith.constant 0 : i32
    %broadcast_in_dim3A_120 = vector.broadcast %broadcast_in_dim3A_119 : i32 to vector<16xi32>
    %add3A_121 = arith.constant 112 : i32
    %add3A_122 = arith.addi %scan3A_7, %add3A_121 : i32
    %swap3A_123 = arith.index_cast %add3A_122 : i32 to index
    %swap3A_124 = tpu.vector_load %arg8[%swap3A_123] {strides = array<i32>} : memref<8448xi32, #tpu.memory_space<vmem>>, vector<16xi32>,
    %swap3A_125 = vector.shape_cast %swap3A_124 : vector<16xi32> to vector<16xi32>
    %swap3A_126 = vector.shape_cast %broadcast_in_dim3A_120 : vector<16xi32> to vector<16xi32>
    tpu.vector_store %arg8[%swap3A_123], %swap3A_126 {strides = array<i32>} : memref<8448xi32, #tpu.memory_space<vmem>>, vector<16xi32>,
    %broadcast_in_dim3A_127 = arith.constant -1.000000e+00 : f32
    %broadcast_in_dim3A_128 = vector.broadcast %broadcast_in_dim3A_127 : f32 to vector<16xf32>
    %add3A_129 = arith.constant 112 : i32
    %add3A_130 = arith.addi %scan3A_7, %add3A_129 : i32
    %swap3A_131 = arith.index_cast %add3A_130 : i32 to index
    %swap3A_132 = tpu.vector_load %arg9[%swap3A_131] {strides = array<i32>} : memref<8448xf32, #tpu.memory_space<vmem>>, vector<16xf32>,
    %swap3A_133 = vector.shape_cast %swap3A_132 : vector<16xf32> to vector<16xf32>
    %swap3A_134 = vector.shape_cast %broadcast_in_dim3A_128 : vector<16xf32> to vector<16xf32>
    tpu.vector_store %arg9[%swap3A_131], %swap3A_134 {strides = array<i32>} : memref<8448xf32, #tpu.memory_space<vmem>>, vector<16xf32>,
    %add3A_135 = arith.constant 128 : i32
    %add3A_136 = arith.addi %scan3A_7, %add3A_135 : i32
    %sub3A = arith.constant 1 : i32
    %sub3A_137 = arith.subi %add3A_136, %sub3A : i32
    %jit3A = arith.constant 128 : i32
    %div3A = arith.divsi %sub3A_137, %jit3A : i32
    %sign3A = arith.constant 0 : i32
    %sign3A_138 = arith.cmpi sgt, %sub3A_137, %sign3A : i32
    %sign3A_139 = arith.extui %sign3A_138 : i1 to i32
    %sign3A_140 = arith.constant 0 : i32
    %sign3A_141 = arith.cmpi slt, %sub3A_137, %sign3A_140 : i32
    %sign3A_142 = arith.extui %sign3A_141 : i1 to i32
    %sign3A_143 = arith.subi %sign3A_139, %sign3A_142 : i32
    %sign3A_144 = arith.constant 0 : i32
    %sign3A_145 = arith.cmpi sgt, %jit3A, %sign3A_144 : i32
    %sign3A_146 = arith.extui %sign3A_145 : i1 to i32
    %sign3A_147 = arith.constant 0 : i32
    %sign3A_148 = arith.cmpi slt, %jit3A, %sign3A_147 : i32
    %sign3A_149 = arith.extui %sign3A_148 : i1 to i32
    %sign3A_150 = arith.subi %sign3A_146, %sign3A_149 : i32
    %ne3A = arith.cmpi ne, %sign3A_143, %sign3A_150 : i32
    %rem3A = arith.remsi %sub3A_137, %jit3A : i32
    %ne3A_151 = arith.constant 0 : i32
    %ne3A_152 = arith.cmpi ne, %rem3A, %ne3A_151 : i32
    %and3A = arith.andi %ne3A, %ne3A_152 : i1
    %sub3A_153 = arith.constant 1 : i32
    %sub3A_154 = arith.subi %div3A, %sub3A_153 : i32
    %select_n3A = arith.select %and3A, %sub3A_154, %div3A : i32
    %mul3A_155 = arith.constant 128 : i32
    %mul3A_156 = arith.muli %select_n3A, %mul3A_155 : i32
    %min3A = arith.constant 2048 : i32
    %min3A_157 = arith.minsi %mul3A_156, %min3A : i32
    %mul3A_158 = arith.constant 2048 : i32
    %mul3A_159 = arith.muli %add3A, %mul3A_158 : i32
    %multiple_of3A_160 = tpu.assume_multiple %mul3A_159, 128 : i32
    %jit3A_161 = arith.constant 128 : i32
    %div3A_162 = arith.divsi %min3A_157, %jit3A_161 : i32
    %sign3A_163 = arith.constant 0 : i32
    %sign3A_164 = arith.cmpi sgt, %min3A_157, %sign3A_163 : i32
    %sign3A_165 = arith.extui %sign3A_164 : i1 to i32
    %sign3A_166 = arith.constant 0 : i32
    %sign3A_167 = arith.cmpi slt, %min3A_157, %sign3A_166 : i32
    %sign3A_168 = arith.extui %sign3A_167 : i1 to i32
    %sign3A_169 = arith.subi %sign3A_165, %sign3A_168 : i32
    %sign3A_170 = arith.constant 0 : i32
    %sign3A_171 = arith.cmpi sgt, %jit3A_161, %sign3A_170 : i32
    %sign3A_172 = arith.extui %sign3A_171 : i1 to i32
    %sign3A_173 = arith.constant 0 : i32
    %sign3A_174 = arith.cmpi slt, %jit3A_161, %sign3A_173 : i32
    %sign3A_175 = arith.extui %sign3A_174 : i1 to i32
    %sign3A_176 = arith.subi %sign3A_172, %sign3A_175 : i32
    %ne3A_177 = arith.cmpi ne, %sign3A_169, %sign3A_176 : i32
    %rem3A_178 = arith.remsi %min3A_157, %jit3A_161 : i32
    %ne3A_179 = arith.constant 0 : i32
    %ne3A_180 = arith.cmpi ne, %rem3A_178, %ne3A_179 : i32
    %and3A_181 = arith.andi %ne3A_177, %ne3A_180 : i1
    %sub3A_182 = arith.constant 1 : i32
    %sub3A_183 = arith.subi %div3A_162, %sub3A_182 : i32
    %select_n3A_184 = arith.select %and3A_181, %sub3A_183, %div3A_162 : i32
    %while3A = arith.constant 0 : i32
    %while3A_185 = arith.constant 0 : i32
    %while3A_186 = arith.subi %select_n3A_184, %while3A_185 : i32
    %while3A_187 = arith.addi %while3A_185, %while3A_186 : i32
    %while3A_188 = arith.constant 1 : i32
    %while3A_189 = arith.divsi %while3A_186, %while3A_188 : i32
    %while3A_190 = arith.muli %while3A_189, %while3A_188 : i32
    %while3A_191 = arith.addi %while3A_185, %while3A_190 : i32
    %while3A_192 = arith.constant 1 : i32
    scf.for %while3A_207 = %while3A_185 to %while3A_191 step %while3A_192  : i32 {
      %mul3A_208 = arith.constant 128 : i32
      %mul3A_209 = arith.muli %while3A_207, %mul3A_208 : i32
      %dma_start3A = tpu.memref_slice %arg8[%mul3A_209] : memref<8448xi32, #tpu.memory_space<vmem>> -> memref<128xi32, #tpu.memory_space<vmem>>
      %dma_start3A_210 = arith.constant 0 : i32
      %dma_start3A_211 = arith.constant 0 : i32
      %dma_start3A_212 = tpu.memref_slice %arg3[%dma_start3A_210, %dma_start3A_211] : memref<262144x128xf32, #tpu.memory_space<hbm>> -> memref<262144x128xf32, #tpu.memory_space<hbm>>
      tpu.enqueue_indirect_dma source(%dma_start3A_212 : memref<262144x128xf32, #tpu.memory_space<hbm>>) target(%arg10 : memref<128x128xf32, #tpu.memory_space<vmem>>) offsets(%dma_start3A : memref<128xi32, #tpu.memory_space<vmem>>) semaphore(%arg12 : memref<!tpu.dma_semaphore, #tpu.memory_space<semaphore_mem>>)
      %dma_wait3A = tpu.memref_slice %arg8[%mul3A_209] : memref<8448xi32, #tpu.memory_space<vmem>> -> memref<128xi32, #tpu.memory_space<vmem>>
      %dma_wait3A_213 = arith.constant 0 : i32
      %dma_wait3A_214 = arith.constant 0 : i32
      %dma_wait3A_215 = tpu.memref_slice %arg3[%dma_wait3A_213, %dma_wait3A_214] : memref<262144x128xf32, #tpu.memory_space<hbm>> -> memref<262144x128xf32, #tpu.memory_space<hbm>>
      tpu.wait_indirect_dma semaphore(%arg12 : memref<!tpu.dma_semaphore, #tpu.memory_space<semaphore_mem>>) src(%dma_wait3A_215 : memref<262144x128xf32, #tpu.memory_space<hbm>>) dst(%arg10 : memref<128x128xf32, #tpu.memory_space<vmem>>)
      %mul3A_216 = arith.constant 128 : i32
      %mul3A_217 = arith.muli %while3A_207, %mul3A_216 : i32
      %add3A_218 = arith.addi %multiple_of3A_160, %mul3A_217 : i32
      "tpu.region"() ({
        %run_scoped3A = tpu.sem_alloc : memref<!tpu.dma_semaphore, #tpu.memory_space<semaphore_mem>>
        %dma_start3A_224 = arith.constant 0 : i32
        %dma_start3A_225 = tpu.memref_slice %arg4[%add3A_218, %dma_start3A_224] : memref<65536x128xf32, #tpu.memory_space<hbm>> -> memref<128x128xf32, #tpu.memory_space<hbm>>
        %dma_start3A_226 = arith.constant 0 : i32
        %dma_start3A_227 = tpu.memref_slice %arg4[%add3A_218, %dma_start3A_226] : memref<65536x128xf32, #tpu.memory_space<hbm>> -> memref<128x128xf32, #tpu.memory_space<hbm>>
        tpu.enqueue_dma source(%arg10 : memref<128x128xf32, #tpu.memory_space<vmem>>) target(%dma_start3A_227 : memref<128x128xf32, #tpu.memory_space<hbm>>) target_semaphore(%run_scoped3A : memref<!tpu.dma_semaphore, #tpu.memory_space<semaphore_mem>>)
        %dma_wait3A_228 = arith.constant 0 : i32
        %dma_wait3A_229 = tpu.memref_slice %arg4[%add3A_218, %dma_wait3A_228] : memref<65536x128xf32, #tpu.memory_space<hbm>> -> memref<128x128xf32, #tpu.memory_space<hbm>>
        %dma_wait3A_230 = arith.constant 0 : i32
        %dma_wait3A_231 = tpu.memref_slice %arg4[%add3A_218, %dma_wait3A_230] : memref<65536x128xf32, #tpu.memory_space<hbm>> -> memref<128x128xf32, #tpu.memory_space<hbm>>
        tpu.wait_dma2 semaphore(%run_scoped3A : memref<!tpu.dma_semaphore, #tpu.memory_space<semaphore_mem>>) src(%arg10 : memref<128x128xf32, #tpu.memory_space<vmem>>) dst(%dma_wait3A_231 : memref<128x128xf32, #tpu.memory_space<hbm>>)
        tpu.yield
      }) : () -> ()
      %mul3A_219 = arith.constant 128 : i32
      %mul3A_220 = arith.muli %while3A_207, %mul3A_219 : i32
      %mul3A_221 = arith.constant 128 : i32
      %mul3A_222 = arith.muli %while3A_207, %mul3A_221 : i32
      %add3A_223 = arith.addi %multiple_of3A_160, %mul3A_222 : i32
      "tpu.region"() ({
        %run_scoped3A = tpu.sem_alloc : memref<!tpu.dma_semaphore, #tpu.memory_space<semaphore_mem>>
        %dma_start3A_224 = tpu.memref_slice %arg9[%mul3A_220] : memref<8448xf32, #tpu.memory_space<vmem>> -> memref<128xf32, #tpu.memory_space<vmem>>
        %dma_start3A_225 = tpu.memref_slice %arg5[%add3A_223] : memref<65536xf32, #tpu.memory_space<hbm>> -> memref<128xf32, #tpu.memory_space<hbm>>
        %dma_start3A_226 = tpu.memref_slice %arg5[%add3A_223] : memref<65536xf32, #tpu.memory_space<hbm>> -> memref<128xf32, #tpu.memory_space<hbm>>
        %dma_start3A_227 = tpu.memref_slice %arg9[%mul3A_220] : memref<8448xf32, #tpu.memory_space<vmem>> -> memref<128xf32, #tpu.memory_space<vmem>>
        tpu.enqueue_dma source(%dma_start3A_227 : memref<128xf32, #tpu.memory_space<vmem>>) target(%dma_start3A_226 : memref<128xf32, #tpu.memory_space<hbm>>) target_semaphore(%run_scoped3A : memref<!tpu.dma_semaphore, #tpu.memory_space<semaphore_mem>>)
        %dma_wait3A_228 = tpu.memref_slice %arg9[%mul3A_220] : memref<8448xf32, #tpu.memory_space<vmem>> -> memref<128xf32, #tpu.memory_space<vmem>>
        %dma_wait3A_229 = tpu.memref_slice %arg5[%add3A_223] : memref<65536xf32, #tpu.memory_space<hbm>> -> memref<128xf32, #tpu.memory_space<hbm>>
        %dma_wait3A_230 = tpu.memref_slice %arg5[%add3A_223] : memref<65536xf32, #tpu.memory_space<hbm>> -> memref<128xf32, #tpu.memory_space<hbm>>
        %dma_wait3A_231 = tpu.memref_slice %arg9[%mul3A_220] : memref<8448xf32, #tpu.memory_space<vmem>> -> memref<128xf32, #tpu.memory_space<vmem>>
        tpu.wait_dma2 semaphore(%run_scoped3A : memref<!tpu.dma_semaphore, #tpu.memory_space<semaphore_mem>>) src(%dma_wait3A_231 : memref<128xf32, #tpu.memory_space<vmem>>) dst(%dma_wait3A_230 : memref<128xf32, #tpu.memory_space<hbm>>)
        tpu.yield
      }) : () -> ()
    }
    %while3A_193 = arith.constant 1 : i32
    scf.for %while3A_207 = %while3A_191 to %while3A_187 step %while3A_193  : i32 {
      %mul3A_208 = arith.constant 128 : i32
      %mul3A_209 = arith.muli %while3A_207, %mul3A_208 : i32
      %dma_start3A = tpu.memref_slice %arg8[%mul3A_209] : memref<8448xi32, #tpu.memory_space<vmem>> -> memref<128xi32, #tpu.memory_space<vmem>>
      %dma_start3A_210 = arith.constant 0 : i32
      %dma_start3A_211 = arith.constant 0 : i32
      %dma_start3A_212 = tpu.memref_slice %arg3[%dma_start3A_210, %dma_start3A_211] : memref<262144x128xf32, #tpu.memory_space<hbm>> -> memref<262144x128xf32, #tpu.memory_space<hbm>>
      tpu.enqueue_indirect_dma source(%dma_start3A_212 : memref<262144x128xf32, #tpu.memory_space<hbm>>) target(%arg10 : memref<128x128xf32, #tpu.memory_space<vmem>>) offsets(%dma_start3A : memref<128xi32, #tpu.memory_space<vmem>>) semaphore(%arg12 : memref<!tpu.dma_semaphore, #tpu.memory_space<semaphore_mem>>)
      %dma_wait3A = tpu.memref_slice %arg8[%mul3A_209] : memref<8448xi32, #tpu.memory_space<vmem>> -> memref<128xi32, #tpu.memory_space<vmem>>
      %dma_wait3A_213 = arith.constant 0 : i32
      %dma_wait3A_214 = arith.constant 0 : i32
      %dma_wait3A_215 = tpu.memref_slice %arg3[%dma_wait3A_213, %dma_wait3A_214] : memref<262144x128xf32, #tpu.memory_space<hbm>> -> memref<262144x128xf32, #tpu.memory_space<hbm>>
      tpu.wait_indirect_dma semaphore(%arg12 : memref<!tpu.dma_semaphore, #tpu.memory_space<semaphore_mem>>) src(%dma_wait3A_215 : memref<262144x128xf32, #tpu.memory_space<hbm>>) dst(%arg10 : memref<128x128xf32, #tpu.memory_space<vmem>>)
      %mul3A_216 = arith.constant 128 : i32
      %mul3A_217 = arith.muli %while3A_207, %mul3A_216 : i32
      %add3A_218 = arith.addi %multiple_of3A_160, %mul3A_217 : i32
      "tpu.region"() ({
        %run_scoped3A = tpu.sem_alloc : memref<!tpu.dma_semaphore, #tpu.memory_space<semaphore_mem>>
        %dma_start3A_224 = arith.constant 0 : i32
        %dma_start3A_225 = tpu.memref_slice %arg4[%add3A_218, %dma_start3A_224] : memref<65536x128xf32, #tpu.memory_space<hbm>> -> memref<128x128xf32, #tpu.memory_space<hbm>>
        %dma_start3A_226 = arith.constant 0 : i32
        %dma_start3A_227 = tpu.memref_slice %arg4[%add3A_218, %dma_start3A_226] : memref<65536x128xf32, #tpu.memory_space<hbm>> -> memref<128x128xf32, #tpu.memory_space<hbm>>
        tpu.enqueue_dma source(%arg10 : memref<128x128xf32, #tpu.memory_space<vmem>>) target(%dma_start3A_227 : memref<128x128xf32, #tpu.memory_space<hbm>>) target_semaphore(%run_scoped3A : memref<!tpu.dma_semaphore, #tpu.memory_space<semaphore_mem>>)
        %dma_wait3A_228 = arith.constant 0 : i32
        %dma_wait3A_229 = tpu.memref_slice %arg4[%add3A_218, %dma_wait3A_228] : memref<65536x128xf32, #tpu.memory_space<hbm>> -> memref<128x128xf32, #tpu.memory_space<hbm>>
        %dma_wait3A_230 = arith.constant 0 : i32
        %dma_wait3A_231 = tpu.memref_slice %arg4[%add3A_218, %dma_wait3A_230] : memref<65536x128xf32, #tpu.memory_space<hbm>> -> memref<128x128xf32, #tpu.memory_space<hbm>>
        tpu.wait_dma2 semaphore(%run_scoped3A : memref<!tpu.dma_semaphore, #tpu.memory_space<semaphore_mem>>) src(%arg10 : memref<128x128xf32, #tpu.memory_space<vmem>>) dst(%dma_wait3A_231 : memref<128x128xf32, #tpu.memory_space<hbm>>)
        tpu.yield
      }) : () -> ()
      %mul3A_219 = arith.constant 128 : i32
      %mul3A_220 = arith.muli %while3A_207, %mul3A_219 : i32
      %mul3A_221 = arith.constant 128 : i32
      %mul3A_222 = arith.muli %while3A_207, %mul3A_221 : i32
      %add3A_223 = arith.addi %multiple_of3A_160, %mul3A_222 : i32
      "tpu.region"() ({
        %run_scoped3A = tpu.sem_alloc : memref<!tpu.dma_semaphore, #tpu.memory_space<semaphore_mem>>
        %dma_start3A_224 = tpu.memref_slice %arg9[%mul3A_220] : memref<8448xf32, #tpu.memory_space<vmem>> -> memref<128xf32, #tpu.memory_space<vmem>>
        %dma_start3A_225 = tpu.memref_slice %arg5[%add3A_223] : memref<65536xf32, #tpu.memory_space<hbm>> -> memref<128xf32, #tpu.memory_space<hbm>>
        %dma_start3A_226 = tpu.memref_slice %arg5[%add3A_223] : memref<65536xf32, #tpu.memory_space<hbm>> -> memref<128xf32, #tpu.memory_space<hbm>>
        %dma_start3A_227 = tpu.memref_slice %arg9[%mul3A_220] : memref<8448xf32, #tpu.memory_space<vmem>> -> memref<128xf32, #tpu.memory_space<vmem>>
        tpu.enqueue_dma source(%dma_start3A_227 : memref<128xf32, #tpu.memory_space<vmem>>) target(%dma_start3A_226 : memref<128xf32, #tpu.memory_space<hbm>>) target_semaphore(%run_scoped3A : memref<!tpu.dma_semaphore, #tpu.memory_space<semaphore_mem>>)
        %dma_wait3A_228 = tpu.memref_slice %arg9[%mul3A_220] : memref<8448xf32, #tpu.memory_space<vmem>> -> memref<128xf32, #tpu.memory_space<vmem>>
        %dma_wait3A_229 = tpu.memref_slice %arg5[%add3A_223] : memref<65536xf32, #tpu.memory_space<hbm>> -> memref<128xf32, #tpu.memory_space<hbm>>
        %dma_wait3A_230 = tpu.memref_slice %arg5[%add3A_223] : memref<65536xf32, #tpu.memory_space<hbm>> -> memref<128xf32, #tpu.memory_space<hbm>>
        %dma_wait3A_231 = tpu.memref_slice %arg9[%mul3A_220] : memref<8448xf32, #tpu.memory_space<vmem>> -> memref<128xf32, #tpu.memory_space<vmem>>
        tpu.wait_dma2 semaphore(%run_scoped3A : memref<!tpu.dma_semaphore, #tpu.memory_space<semaphore_mem>>) src(%dma_wait3A_231 : memref<128xf32, #tpu.memory_space<vmem>>) dst(%dma_wait3A_230 : memref<128xf32, #tpu.memory_space<hbm>>)
        tpu.yield
      }) : () -> ()
    }
    %eq3A = arith.constant 0 : i32
    %eq3A_194 = vector.broadcast %eq3A : i32 to vector<16xi32>
    %eq3A_195 = arith.cmpi eq, %iota3A, %eq3A_194 : vector<16xi32>
    %jit3A_196 = arith.constant 0 : i32
    %broadcast_in_dim3A_197 = vector.broadcast %scan3A_7 : i32 to vector<16xi32>
    %broadcast_in_dim3A_198 = vector.broadcast %jit3A_196 : i32 to vector<16xi32>
    %select_n3A_199 = arith.select %eq3A_195, %broadcast_in_dim3A_197, %broadcast_in_dim3A_198 : vector<16xi1>, vector<16xi32>
    %swap3A_200 = arith.constant 0 : index
    %swap3A_201 = tpu.vector_load %arg11[%swap3A_200] {strides = array<i32>} : memref<16xi32, #tpu.memory_space<vmem>>, vector<16xi32>,
    %swap3A_202 = vector.shape_cast %swap3A_201 : vector<16xi32> to vector<16xi32>
    %swap3A_203 = vector.shape_cast %select_n3A_199 : vector<16xi32> to vector<16xi32>
    tpu.vector_store %arg11[%swap3A_200], %swap3A_203 {strides = array<i32>} : memref<16xi32, #tpu.memory_space<vmem>>, vector<16xi32>,
    %mul3A_204 = arith.constant 16 : i32
    %mul3A_205 = arith.muli %add3A, %mul3A_204 : i32
    %multiple_of3A_206 = tpu.assume_multiple %mul3A_205, 16 : i32
    "tpu.region"() ({
      %run_scoped3A = tpu.sem_alloc : memref<!tpu.dma_semaphore, #tpu.memory_space<semaphore_mem>>
      %dma_start3A = tpu.memref_slice %arg6[%multiple_of3A_206] : memref<512xi32, #tpu.memory_space<hbm>> -> memref<16xi32, #tpu.memory_space<hbm>>
      %dma_start3A_207 = tpu.memref_slice %arg6[%multiple_of3A_206] : memref<512xi32, #tpu.memory_space<hbm>> -> memref<16xi32, #tpu.memory_space<hbm>>
      tpu.enqueue_dma source(%arg11 : memref<16xi32, #tpu.memory_space<vmem>>) target(%dma_start3A_207 : memref<16xi32, #tpu.memory_space<hbm>>) target_semaphore(%run_scoped3A : memref<!tpu.dma_semaphore, #tpu.memory_space<semaphore_mem>>)
      %dma_wait3A = tpu.memref_slice %arg6[%multiple_of3A_206] : memref<512xi32, #tpu.memory_space<hbm>> -> memref<16xi32, #tpu.memory_space<hbm>>
      %dma_wait3A_208 = tpu.memref_slice %arg6[%multiple_of3A_206] : memref<512xi32, #tpu.memory_space<hbm>> -> memref<16xi32, #tpu.memory_space<hbm>>
      tpu.wait_dma2 semaphore(%run_scoped3A : memref<!tpu.dma_semaphore, #tpu.memory_space<semaphore_mem>>) src(%arg11 : memref<16xi32, #tpu.memory_space<vmem>>) dst(%dma_wait3A_208 : memref<16xi32, #tpu.memory_space<hbm>>)
      tpu.yield
    }) : () -> ()
    return
  }
}

module attributes {stable_mosaic.version = 14 : i64} {
  func.func @_match_kernel(%arg0: i32, %arg1: memref<1x20x4xf32, #tpu.memory_space<vmem>>, %arg2: memref<1x20x1xf32, #tpu.memory_space<vmem>>, %arg3: memref<4x16384xf32, #tpu.memory_space<vmem>>, %arg4: memref<1x4x16384xf32, #tpu.memory_space<vmem>>, %arg5: memref<1x1x16384xf32, #tpu.memory_space<vmem>>, %arg6: memref<1x128xf32, #tpu.memory_space<vmem>>, %arg7: memref<1x1x16384xf32, #tpu.memory_space<vmem>>, %arg8: memref<1x16384xf32, #tpu.memory_space<vmem>>, %arg9: memref<1x16384xf32, #tpu.memory_space<vmem>>, %arg10: memref<16x16384xf32, #tpu.memory_space<vmem>>, %arg11: memref<16x16384xf32, #tpu.memory_space<vmem>>, %arg12: memref<4xf32, #tpu.memory_space<smem>>) attributes {dimension_semantics = [#tpu.dimension_semantics<arbitrary>], iteration_bounds = array<i64: 16>, scalar_prefetch = 0 : i64, scratch_operands = 5 : i64, tpu.core_type = #tpu.core_type<tc>, window_params = [{transform_indices = @transform_0, window_bounds = array<i64: 1, 20, 4>}, {transform_indices = @transform_1, window_bounds = array<i64: 1, 20, 1>}, {pipeline_mode = #tpu.pipeline_mode<synchronous>, transform_indices = @transform_2, window_bounds = array<i64: 4, 16384>}, {transform_indices = @transform_3, window_bounds = array<i64: 1, 4, 16384>}, {transform_indices = @transform_4, window_bounds = array<i64: 1, 1, 16384>}, {pipeline_mode = #tpu.pipeline_mode<synchronous>, transform_indices = @transform_5, window_bounds = array<i64: 1, 128>}, {transform_indices = @transform_6, window_bounds = array<i64: 1, 1, 16384>}]} {
    %eq3A = arith.constant 0 : i32
    %eq3A_0 = arith.cmpi eq, %arg0, %eq3A : i32
    %convert_element_type3A = arith.extui %eq3A_0 : i1 to i32
    %cond3A = arith.constant 0 : i32
    %cond3A_1 = arith.cmpi ne, %convert_element_type3A, %cond3A : i32
    scf.if %cond3A_1 {
      %swap3A_1017 = arith.constant 0.000000e+00 : f32
      %swap3A_1018 = arith.constant 0 : index
      %swap3A_1019 = memref.load %arg12[%swap3A_1018] : memref<4xf32, #tpu.memory_space<smem>>
      memref.store %swap3A_1017, %arg12[%swap3A_1018] : memref<4xf32, #tpu.memory_space<smem>>
      %swap3A_1020 = arith.constant 0.000000e+00 : f32
      %swap3A_1021 = arith.constant 1 : index
      %swap3A_1022 = memref.load %arg12[%swap3A_1021] : memref<4xf32, #tpu.memory_space<smem>>
      memref.store %swap3A_1020, %arg12[%swap3A_1021] : memref<4xf32, #tpu.memory_space<smem>>
    } else {
    }
    %get3A = arith.constant 0 : index
    %get3A_2 = arith.constant 0 : index
    %get3A_3 = arith.constant 0 : index
    %get3A_4 = vector.load %arg1[%get3A, %get3A_2, %get3A_3] : memref<1x20x4xf32, #tpu.memory_space<vmem>>, vector<1x20x4xf32>
    %get3A_5 = vector.shape_cast %get3A_4 : vector<1x20x4xf32> to vector<20x4xf32>
    %slice3A = vector.extract_strided_slice %get3A_5 {offsets = [0, 0], sizes = [20, 1], strides = [1, 1]} : vector<20x4xf32> to vector<20x1xf32>
    %slice3A_6 = vector.extract_strided_slice %get3A_5 {offsets = [0, 1], sizes = [20, 1], strides = [1, 1]} : vector<20x4xf32> to vector<20x1xf32>
    %slice3A_7 = vector.extract_strided_slice %get3A_5 {offsets = [0, 2], sizes = [20, 1], strides = [1, 1]} : vector<20x4xf32> to vector<20x1xf32>
    %slice3A_8 = vector.extract_strided_slice %get3A_5 {offsets = [0, 3], sizes = [20, 1], strides = [1, 1]} : vector<20x4xf32> to vector<20x1xf32>
    %sub3A = arith.subf %slice3A_7, %slice3A : vector<20x1xf32>
    %sub3A_9 = arith.subf %slice3A_8, %slice3A_6 : vector<20x1xf32>
    %mul3A = arith.mulf %sub3A, %sub3A_9 : vector<20x1xf32>
    %add3A = arith.addf %slice3A, %slice3A_7 : vector<20x1xf32>
    %mul3A_10 = arith.constant 5.000000e-01 : f32
    %mul3A_11 = vector.broadcast %mul3A_10 : f32 to vector<20x1xf32>
    %mul3A_12 = arith.mulf %add3A, %mul3A_11 : vector<20x1xf32>
    %add3A_13 = arith.addf %slice3A_6, %slice3A_8 : vector<20x1xf32>
    %mul3A_14 = arith.constant 5.000000e-01 : f32
    %mul3A_15 = vector.broadcast %mul3A_14 : f32 to vector<20x1xf32>
    %mul3A_16 = arith.mulf %add3A_13, %mul3A_15 : vector<20x1xf32>
    %sub3A_17 = arith.subf %slice3A_7, %slice3A : vector<20x1xf32>
    %sub3A_18 = arith.subf %slice3A_8, %slice3A_6 : vector<20x1xf32>
    %get3A_19 = arith.constant 0 : index
    %get3A_20 = arith.constant 0 : index
    %get3A_21 = arith.constant 0 : index
    %get3A_22 = vector.load %arg2[%get3A_19, %get3A_20, %get3A_21] : memref<1x20x1xf32, #tpu.memory_space<vmem>>, vector<1x20x1xf32>
    %get3A_23 = vector.shape_cast %get3A_22 : vector<1x20x1xf32> to vector<20x1xf32>
    %iota3A = tpu.iota {dimensions = array<i32: 0>} : vector<20x1xi32>
    %convert_element_type3A_24 = arith.sitofp %iota3A : vector<20x1xi32> to vector<20x1xf32>
    %broadcast_in_dim3A = arith.constant -1.000000e+00 : f32
    %broadcast_in_dim3A_25 = vector.broadcast %broadcast_in_dim3A : f32 to vector<20x1xf32>
    %broadcast_in_dim3A_26 = arith.constant 0.000000e+00 : f32
    %broadcast_in_dim3A_27 = vector.broadcast %broadcast_in_dim3A_26 : f32 to vector<20x1xf32>
    %get3A_28 = arith.constant 0 : index
    %get3A_29 = arith.constant 0 : index
    %get3A_30 = vector.load %arg3[%get3A_28, %get3A_29] : memref<4x16384xf32, #tpu.memory_space<vmem>>, vector<1x4096xf32>
    %get3A_31 = arith.constant 1 : index
    %get3A_32 = arith.constant 0 : index
    %get3A_33 = vector.load %arg3[%get3A_31, %get3A_32] : memref<4x16384xf32, #tpu.memory_space<vmem>>, vector<1x4096xf32>
    %get3A_34 = arith.constant 2 : index
    %get3A_35 = arith.constant 0 : index
    %get3A_36 = vector.load %arg3[%get3A_34, %get3A_35] : memref<4x16384xf32, #tpu.memory_space<vmem>>, vector<1x4096xf32>
    %get3A_37 = arith.constant 3 : index
    %get3A_38 = arith.constant 0 : index
    %get3A_39 = vector.load %arg3[%get3A_37, %get3A_38] : memref<4x16384xf32, #tpu.memory_space<vmem>>, vector<1x4096xf32>
    %min3A = vector.broadcast %slice3A_7 : vector<20x1xf32> to vector<20x4096xf32>
    %min3A_40 = vector.broadcast %get3A_36 : vector<1x4096xf32> to vector<20x4096xf32>
    %min3A_41 = arith.minimumf %min3A, %min3A_40 : vector<20x4096xf32>
    %max3A = vector.broadcast %slice3A : vector<20x1xf32> to vector<20x4096xf32>
    %max3A_42 = vector.broadcast %get3A_30 : vector<1x4096xf32> to vector<20x4096xf32>
    %max3A_43 = arith.maximumf %max3A, %max3A_42 : vector<20x4096xf32>
    %sub3A_44 = arith.subf %min3A_41, %max3A_43 : vector<20x4096xf32>
    %max3A_45 = arith.constant 0.000000e+00 : f32
    %max3A_46 = vector.broadcast %max3A_45 : f32 to vector<20x4096xf32>
    %max3A_47 = arith.maximumf %sub3A_44, %max3A_46 : vector<20x4096xf32>
    %min3A_48 = vector.broadcast %slice3A_8 : vector<20x1xf32> to vector<20x4096xf32>
    %min3A_49 = vector.broadcast %get3A_39 : vector<1x4096xf32> to vector<20x4096xf32>
    %min3A_50 = arith.minimumf %min3A_48, %min3A_49 : vector<20x4096xf32>
    %max3A_51 = vector.broadcast %slice3A_6 : vector<20x1xf32> to vector<20x4096xf32>
    %max3A_52 = vector.broadcast %get3A_33 : vector<1x4096xf32> to vector<20x4096xf32>
    %max3A_53 = arith.maximumf %max3A_51, %max3A_52 : vector<20x4096xf32>
    %sub3A_54 = arith.subf %min3A_50, %max3A_53 : vector<20x4096xf32>
    %max3A_55 = arith.constant 0.000000e+00 : f32
    %max3A_56 = vector.broadcast %max3A_55 : f32 to vector<20x4096xf32>
    %max3A_57 = arith.maximumf %sub3A_54, %max3A_56 : vector<20x4096xf32>
    %mul3A_58 = arith.mulf %max3A_47, %max3A_57 : vector<20x4096xf32>
    %sub3A_59 = arith.subf %get3A_36, %get3A_30 : vector<1x4096xf32>
    %sub3A_60 = arith.subf %get3A_39, %get3A_33 : vector<1x4096xf32>
    %mul3A_61 = arith.mulf %sub3A_59, %sub3A_60 : vector<1x4096xf32>
    %add3A_62 = vector.broadcast %mul3A : vector<20x1xf32> to vector<20x4096xf32>
    %add3A_63 = vector.broadcast %mul3A_61 : vector<1x4096xf32> to vector<20x4096xf32>
    %add3A_64 = arith.addf %add3A_62, %add3A_63 : vector<20x4096xf32>
    %sub3A_65 = arith.subf %add3A_64, %mul3A_58 : vector<20x4096xf32>
    %div3A = arith.divf %mul3A_58, %sub3A_65 : vector<20x4096xf32>
    %reduce_max3A = arith.constant dense<0xFF800000> : vector<4096xf32>
    %reduce_max3A_66 = vector.multi_reduction <maximumf>, %div3A, %reduce_max3A [0] : vector<20x4096xf32> to vector<4096xf32>
    %broadcast_in_dim3A_67 = vector.shape_cast %reduce_max3A_66 : vector<4096xf32> to vector<1x4096xf32>
    %iota3A_68 = tpu.iota {dimensions = array<i32: 0>} : vector<20x4096xi32>
    %convert_element_type3A_69 = arith.sitofp %iota3A_68 : vector<20x4096xi32> to vector<20x4096xf32>
    %eq3A_70 = vector.broadcast %broadcast_in_dim3A_67 : vector<1x4096xf32> to vector<20x4096xf32>
    %eq3A_71 = arith.cmpf oeq, %div3A, %eq3A_70 : vector<20x4096xf32>
    %jit3A = arith.constant 1.000000e+09 : f32
    %broadcast_in_dim3A_72 = vector.broadcast %jit3A : f32 to vector<20x4096xf32>
    %select_n3A = arith.select %eq3A_71, %convert_element_type3A_69, %broadcast_in_dim3A_72 : vector<20x4096xi1>, vector<20x4096xf32>
    %reduce_min3A = arith.constant dense<0x7F800000> : vector<4096xf32>
    %reduce_min3A_73 = vector.multi_reduction <minimumf>, %select_n3A, %reduce_min3A [0] : vector<20x4096xf32> to vector<4096xf32>
    %broadcast_in_dim3A_74 = vector.shape_cast %reduce_min3A_73 : vector<4096xf32> to vector<1x4096xf32>
    %swap3A = arith.constant 0 : index
    %swap3A_75 = arith.constant 0 : index
    %swap3A_76 = vector.load %arg8[%swap3A, %swap3A_75] : memref<1x16384xf32, #tpu.memory_space<vmem>>, vector<1x4096xf32>
    tpu.vector_store %arg8[%swap3A, %swap3A_75], %broadcast_in_dim3A_67 {strides = array<i32>} : memref<1x16384xf32, #tpu.memory_space<vmem>>, vector<1x4096xf32>,
    %swap3A_77 = arith.constant 0 : index
    %swap3A_78 = arith.constant 0 : index
    %swap3A_79 = vector.load %arg9[%swap3A_77, %swap3A_78] : memref<1x16384xf32, #tpu.memory_space<vmem>>, vector<1x4096xf32>
    tpu.vector_store %arg9[%swap3A_77, %swap3A_78], %broadcast_in_dim3A_74 {strides = array<i32>} : memref<1x16384xf32, #tpu.memory_space<vmem>>, vector<1x4096xf32>,
    %reduce_max3A_80 = arith.constant dense<0xFF800000> : vector<20xf32>
    %reduce_max3A_81 = vector.multi_reduction <maximumf>, %div3A, %reduce_max3A_80 [1] : vector<20x4096xf32> to vector<20xf32>
    %broadcast_in_dim3A_82 = vector.shape_cast %reduce_max3A_81 : vector<20xf32> to vector<20x1xf32>
    %iota3A_83 = tpu.iota {dimensions = array<i32: 1>} : vector<20x4096xi32>
    %convert_element_type3A_84 = arith.sitofp %iota3A_83 : vector<20x4096xi32> to vector<20x4096xf32>
    %add3A_85 = arith.constant 0.000000e+00 : f32
    %add3A_86 = vector.broadcast %add3A_85 : f32 to vector<20x4096xf32>
    %add3A_87 = arith.addf %convert_element_type3A_84, %add3A_86 : vector<20x4096xf32>
    %eq3A_88 = vector.broadcast %broadcast_in_dim3A_82 : vector<20x1xf32> to vector<20x4096xf32>
    %eq3A_89 = arith.cmpf oeq, %div3A, %eq3A_88 : vector<20x4096xf32>
    %jit3A_90 = arith.constant 1.000000e+09 : f32
    %broadcast_in_dim3A_91 = vector.broadcast %jit3A_90 : f32 to vector<20x4096xf32>
    %select_n3A_92 = arith.select %eq3A_89, %add3A_87, %broadcast_in_dim3A_91 : vector<20x4096xi1>, vector<20x4096xf32>
    %reduce_min3A_93 = arith.constant dense<0x7F800000> : vector<20xf32>
    %reduce_min3A_94 = vector.multi_reduction <minimumf>, %select_n3A_92, %reduce_min3A_93 [1] : vector<20x4096xf32> to vector<20xf32>
    %broadcast_in_dim3A_95 = vector.shape_cast %reduce_min3A_94 : vector<20xf32> to vector<20x1xf32>
    %gt3A = arith.cmpf ogt, %broadcast_in_dim3A_82, %broadcast_in_dim3A_25 : vector<20x1xf32>
    %select_n3A_96 = arith.select %gt3A, %broadcast_in_dim3A_82, %broadcast_in_dim3A_25 : vector<20x1xi1>, vector<20x1xf32>
    %select_n3A_97 = arith.select %gt3A, %broadcast_in_dim3A_95, %broadcast_in_dim3A_27 : vector<20x1xi1>, vector<20x1xf32>
    %get3A_98 = arith.constant 0 : index
    %get3A_99 = arith.constant 4096 : index
    %get3A_100 = vector.load %arg3[%get3A_98, %get3A_99] : memref<4x16384xf32, #tpu.memory_space<vmem>>, vector<1x4096xf32>
    %get3A_101 = arith.constant 1 : index
    %get3A_102 = arith.constant 4096 : index
    %get3A_103 = vector.load %arg3[%get3A_101, %get3A_102] : memref<4x16384xf32, #tpu.memory_space<vmem>>, vector<1x4096xf32>
    %get3A_104 = arith.constant 2 : index
    %get3A_105 = arith.constant 4096 : index
    %get3A_106 = vector.load %arg3[%get3A_104, %get3A_105] : memref<4x16384xf32, #tpu.memory_space<vmem>>, vector<1x4096xf32>
    %get3A_107 = arith.constant 3 : index
    %get3A_108 = arith.constant 4096 : index
    %get3A_109 = vector.load %arg3[%get3A_107, %get3A_108] : memref<4x16384xf32, #tpu.memory_space<vmem>>, vector<1x4096xf32>
    %min3A_110 = vector.broadcast %slice3A_7 : vector<20x1xf32> to vector<20x4096xf32>
    %min3A_111 = vector.broadcast %get3A_106 : vector<1x4096xf32> to vector<20x4096xf32>
    %min3A_112 = arith.minimumf %min3A_110, %min3A_111 : vector<20x4096xf32>
    %max3A_113 = vector.broadcast %slice3A : vector<20x1xf32> to vector<20x4096xf32>
    %max3A_114 = vector.broadcast %get3A_100 : vector<1x4096xf32> to vector<20x4096xf32>
    %max3A_115 = arith.maximumf %max3A_113, %max3A_114 : vector<20x4096xf32>
    %sub3A_116 = arith.subf %min3A_112, %max3A_115 : vector<20x4096xf32>
    %max3A_117 = arith.constant 0.000000e+00 : f32
    %max3A_118 = vector.broadcast %max3A_117 : f32 to vector<20x4096xf32>
    %max3A_119 = arith.maximumf %sub3A_116, %max3A_118 : vector<20x4096xf32>
    %min3A_120 = vector.broadcast %slice3A_8 : vector<20x1xf32> to vector<20x4096xf32>
    %min3A_121 = vector.broadcast %get3A_109 : vector<1x4096xf32> to vector<20x4096xf32>
    %min3A_122 = arith.minimumf %min3A_120, %min3A_121 : vector<20x4096xf32>
    %max3A_123 = vector.broadcast %slice3A_6 : vector<20x1xf32> to vector<20x4096xf32>
    %max3A_124 = vector.broadcast %get3A_103 : vector<1x4096xf32> to vector<20x4096xf32>
    %max3A_125 = arith.maximumf %max3A_123, %max3A_124 : vector<20x4096xf32>
    %sub3A_126 = arith.subf %min3A_122, %max3A_125 : vector<20x4096xf32>
    %max3A_127 = arith.constant 0.000000e+00 : f32
    %max3A_128 = vector.broadcast %max3A_127 : f32 to vector<20x4096xf32>
    %max3A_129 = arith.maximumf %sub3A_126, %max3A_128 : vector<20x4096xf32>
    %mul3A_130 = arith.mulf %max3A_119, %max3A_129 : vector<20x4096xf32>
    %sub3A_131 = arith.subf %get3A_106, %get3A_100 : vector<1x4096xf32>
    %sub3A_132 = arith.subf %get3A_109, %get3A_103 : vector<1x4096xf32>
    %mul3A_133 = arith.mulf %sub3A_131, %sub3A_132 : vector<1x4096xf32>
    %add3A_134 = vector.broadcast %mul3A : vector<20x1xf32> to vector<20x4096xf32>
    %add3A_135 = vector.broadcast %mul3A_133 : vector<1x4096xf32> to vector<20x4096xf32>
    %add3A_136 = arith.addf %add3A_134, %add3A_135 : vector<20x4096xf32>
    %sub3A_137 = arith.subf %add3A_136, %mul3A_130 : vector<20x4096xf32>
    %div3A_138 = arith.divf %mul3A_130, %sub3A_137 : vector<20x4096xf32>
    %reduce_max3A_139 = arith.constant dense<0xFF800000> : vector<4096xf32>
    %reduce_max3A_140 = vector.multi_reduction <maximumf>, %div3A_138, %reduce_max3A_139 [0] : vector<20x4096xf32> to vector<4096xf32>
    %broadcast_in_dim3A_141 = vector.shape_cast %reduce_max3A_140 : vector<4096xf32> to vector<1x4096xf32>
    %iota3A_142 = tpu.iota {dimensions = array<i32: 0>} : vector<20x4096xi32>
    %convert_element_type3A_143 = arith.sitofp %iota3A_142 : vector<20x4096xi32> to vector<20x4096xf32>
    %eq3A_144 = vector.broadcast %broadcast_in_dim3A_141 : vector<1x4096xf32> to vector<20x4096xf32>
    %eq3A_145 = arith.cmpf oeq, %div3A_138, %eq3A_144 : vector<20x4096xf32>
    %jit3A_146 = arith.constant 1.000000e+09 : f32
    %broadcast_in_dim3A_147 = vector.broadcast %jit3A_146 : f32 to vector<20x4096xf32>
    %select_n3A_148 = arith.select %eq3A_145, %convert_element_type3A_143, %broadcast_in_dim3A_147 : vector<20x4096xi1>, vector<20x4096xf32>
    %reduce_min3A_149 = arith.constant dense<0x7F800000> : vector<4096xf32>
    %reduce_min3A_150 = vector.multi_reduction <minimumf>, %select_n3A_148, %reduce_min3A_149 [0] : vector<20x4096xf32> to vector<4096xf32>
    %broadcast_in_dim3A_151 = vector.shape_cast %reduce_min3A_150 : vector<4096xf32> to vector<1x4096xf32>
    %swap3A_152 = arith.constant 0 : index
    %swap3A_153 = arith.constant 4096 : index
    %swap3A_154 = vector.load %arg8[%swap3A_152, %swap3A_153] : memref<1x16384xf32, #tpu.memory_space<vmem>>, vector<1x4096xf32>
    tpu.vector_store %arg8[%swap3A_152, %swap3A_153], %broadcast_in_dim3A_141 {strides = array<i32>} : memref<1x16384xf32, #tpu.memory_space<vmem>>, vector<1x4096xf32>,
    %swap3A_155 = arith.constant 0 : index
    %swap3A_156 = arith.constant 4096 : index
    %swap3A_157 = vector.load %arg9[%swap3A_155, %swap3A_156] : memref<1x16384xf32, #tpu.memory_space<vmem>>, vector<1x4096xf32>
    tpu.vector_store %arg9[%swap3A_155, %swap3A_156], %broadcast_in_dim3A_151 {strides = array<i32>} : memref<1x16384xf32, #tpu.memory_space<vmem>>, vector<1x4096xf32>,
    %reduce_max3A_158 = arith.constant dense<0xFF800000> : vector<20xf32>
    %reduce_max3A_159 = vector.multi_reduction <maximumf>, %div3A_138, %reduce_max3A_158 [1] : vector<20x4096xf32> to vector<20xf32>
    %broadcast_in_dim3A_160 = vector.shape_cast %reduce_max3A_159 : vector<20xf32> to vector<20x1xf32>
    %iota3A_161 = tpu.iota {dimensions = array<i32: 1>} : vector<20x4096xi32>
    %convert_element_type3A_162 = arith.sitofp %iota3A_161 : vector<20x4096xi32> to vector<20x4096xf32>
    %add3A_163 = arith.constant 4.096000e+03 : f32
    %add3A_164 = vector.broadcast %add3A_163 : f32 to vector<20x4096xf32>
    %add3A_165 = arith.addf %convert_element_type3A_162, %add3A_164 : vector<20x4096xf32>
    %eq3A_166 = vector.broadcast %broadcast_in_dim3A_160 : vector<20x1xf32> to vector<20x4096xf32>
    %eq3A_167 = arith.cmpf oeq, %div3A_138, %eq3A_166 : vector<20x4096xf32>
    %jit3A_168 = arith.constant 1.000000e+09 : f32
    %broadcast_in_dim3A_169 = vector.broadcast %jit3A_168 : f32 to vector<20x4096xf32>
    %select_n3A_170 = arith.select %eq3A_167, %add3A_165, %broadcast_in_dim3A_169 : vector<20x4096xi1>, vector<20x4096xf32>
    %reduce_min3A_171 = arith.constant dense<0x7F800000> : vector<20xf32>
    %reduce_min3A_172 = vector.multi_reduction <minimumf>, %select_n3A_170, %reduce_min3A_171 [1] : vector<20x4096xf32> to vector<20xf32>
    %broadcast_in_dim3A_173 = vector.shape_cast %reduce_min3A_172 : vector<20xf32> to vector<20x1xf32>
    %gt3A_174 = arith.cmpf ogt, %broadcast_in_dim3A_160, %select_n3A_96 : vector<20x1xf32>
    %select_n3A_175 = arith.select %gt3A_174, %broadcast_in_dim3A_160, %select_n3A_96 : vector<20x1xi1>, vector<20x1xf32>
    %select_n3A_176 = arith.select %gt3A_174, %broadcast_in_dim3A_173, %select_n3A_97 : vector<20x1xi1>, vector<20x1xf32>
    %get3A_177 = arith.constant 0 : index
    %get3A_178 = arith.constant 8192 : index
    %get3A_179 = vector.load %arg3[%get3A_177, %get3A_178] : memref<4x16384xf32, #tpu.memory_space<vmem>>, vector<1x4096xf32>
    %get3A_180 = arith.constant 1 : index
    %get3A_181 = arith.constant 8192 : index
    %get3A_182 = vector.load %arg3[%get3A_180, %get3A_181] : memref<4x16384xf32, #tpu.memory_space<vmem>>, vector<1x4096xf32>
    %get3A_183 = arith.constant 2 : index
    %get3A_184 = arith.constant 8192 : index
    %get3A_185 = vector.load %arg3[%get3A_183, %get3A_184] : memref<4x16384xf32, #tpu.memory_space<vmem>>, vector<1x4096xf32>
    %get3A_186 = arith.constant 3 : index
    %get3A_187 = arith.constant 8192 : index
    %get3A_188 = vector.load %arg3[%get3A_186, %get3A_187] : memref<4x16384xf32, #tpu.memory_space<vmem>>, vector<1x4096xf32>
    %min3A_189 = vector.broadcast %slice3A_7 : vector<20x1xf32> to vector<20x4096xf32>
    %min3A_190 = vector.broadcast %get3A_185 : vector<1x4096xf32> to vector<20x4096xf32>
    %min3A_191 = arith.minimumf %min3A_189, %min3A_190 : vector<20x4096xf32>
    %max3A_192 = vector.broadcast %slice3A : vector<20x1xf32> to vector<20x4096xf32>
    %max3A_193 = vector.broadcast %get3A_179 : vector<1x4096xf32> to vector<20x4096xf32>
    %max3A_194 = arith.maximumf %max3A_192, %max3A_193 : vector<20x4096xf32>
    %sub3A_195 = arith.subf %min3A_191, %max3A_194 : vector<20x4096xf32>
    %max3A_196 = arith.constant 0.000000e+00 : f32
    %max3A_197 = vector.broadcast %max3A_196 : f32 to vector<20x4096xf32>
    %max3A_198 = arith.maximumf %sub3A_195, %max3A_197 : vector<20x4096xf32>
    %min3A_199 = vector.broadcast %slice3A_8 : vector<20x1xf32> to vector<20x4096xf32>
    %min3A_200 = vector.broadcast %get3A_188 : vector<1x4096xf32> to vector<20x4096xf32>
    %min3A_201 = arith.minimumf %min3A_199, %min3A_200 : vector<20x4096xf32>
    %max3A_202 = vector.broadcast %slice3A_6 : vector<20x1xf32> to vector<20x4096xf32>
    %max3A_203 = vector.broadcast %get3A_182 : vector<1x4096xf32> to vector<20x4096xf32>
    %max3A_204 = arith.maximumf %max3A_202, %max3A_203 : vector<20x4096xf32>
    %sub3A_205 = arith.subf %min3A_201, %max3A_204 : vector<20x4096xf32>
    %max3A_206 = arith.constant 0.000000e+00 : f32
    %max3A_207 = vector.broadcast %max3A_206 : f32 to vector<20x4096xf32>
    %max3A_208 = arith.maximumf %sub3A_205, %max3A_207 : vector<20x4096xf32>
    %mul3A_209 = arith.mulf %max3A_198, %max3A_208 : vector<20x4096xf32>
    %sub3A_210 = arith.subf %get3A_185, %get3A_179 : vector<1x4096xf32>
    %sub3A_211 = arith.subf %get3A_188, %get3A_182 : vector<1x4096xf32>
    %mul3A_212 = arith.mulf %sub3A_210, %sub3A_211 : vector<1x4096xf32>
    %add3A_213 = vector.broadcast %mul3A : vector<20x1xf32> to vector<20x4096xf32>
    %add3A_214 = vector.broadcast %mul3A_212 : vector<1x4096xf32> to vector<20x4096xf32>
    %add3A_215 = arith.addf %add3A_213, %add3A_214 : vector<20x4096xf32>
    %sub3A_216 = arith.subf %add3A_215, %mul3A_209 : vector<20x4096xf32>
    %div3A_217 = arith.divf %mul3A_209, %sub3A_216 : vector<20x4096xf32>
    %reduce_max3A_218 = arith.constant dense<0xFF800000> : vector<4096xf32>
    %reduce_max3A_219 = vector.multi_reduction <maximumf>, %div3A_217, %reduce_max3A_218 [0] : vector<20x4096xf32> to vector<4096xf32>
    %broadcast_in_dim3A_220 = vector.shape_cast %reduce_max3A_219 : vector<4096xf32> to vector<1x4096xf32>
    %iota3A_221 = tpu.iota {dimensions = array<i32: 0>} : vector<20x4096xi32>
    %convert_element_type3A_222 = arith.sitofp %iota3A_221 : vector<20x4096xi32> to vector<20x4096xf32>
    %eq3A_223 = vector.broadcast %broadcast_in_dim3A_220 : vector<1x4096xf32> to vector<20x4096xf32>
    %eq3A_224 = arith.cmpf oeq, %div3A_217, %eq3A_223 : vector<20x4096xf32>
    %jit3A_225 = arith.constant 1.000000e+09 : f32
    %broadcast_in_dim3A_226 = vector.broadcast %jit3A_225 : f32 to vector<20x4096xf32>
    %select_n3A_227 = arith.select %eq3A_224, %convert_element_type3A_222, %broadcast_in_dim3A_226 : vector<20x4096xi1>, vector<20x4096xf32>
    %reduce_min3A_228 = arith.constant dense<0x7F800000> : vector<4096xf32>
    %reduce_min3A_229 = vector.multi_reduction <minimumf>, %select_n3A_227, %reduce_min3A_228 [0] : vector<20x4096xf32> to vector<4096xf32>
    %broadcast_in_dim3A_230 = vector.shape_cast %reduce_min3A_229 : vector<4096xf32> to vector<1x4096xf32>
    %swap3A_231 = arith.constant 0 : index
    %swap3A_232 = arith.constant 8192 : index
    %swap3A_233 = vector.load %arg8[%swap3A_231, %swap3A_232] : memref<1x16384xf32, #tpu.memory_space<vmem>>, vector<1x4096xf32>
    tpu.vector_store %arg8[%swap3A_231, %swap3A_232], %broadcast_in_dim3A_220 {strides = array<i32>} : memref<1x16384xf32, #tpu.memory_space<vmem>>, vector<1x4096xf32>,
    %swap3A_234 = arith.constant 0 : index
    %swap3A_235 = arith.constant 8192 : index
    %swap3A_236 = vector.load %arg9[%swap3A_234, %swap3A_235] : memref<1x16384xf32, #tpu.memory_space<vmem>>, vector<1x4096xf32>
    tpu.vector_store %arg9[%swap3A_234, %swap3A_235], %broadcast_in_dim3A_230 {strides = array<i32>} : memref<1x16384xf32, #tpu.memory_space<vmem>>, vector<1x4096xf32>,
    %reduce_max3A_237 = arith.constant dense<0xFF800000> : vector<20xf32>
    %reduce_max3A_238 = vector.multi_reduction <maximumf>, %div3A_217, %reduce_max3A_237 [1] : vector<20x4096xf32> to vector<20xf32>
    %broadcast_in_dim3A_239 = vector.shape_cast %reduce_max3A_238 : vector<20xf32> to vector<20x1xf32>
    %iota3A_240 = tpu.iota {dimensions = array<i32: 1>} : vector<20x4096xi32>
    %convert_element_type3A_241 = arith.sitofp %iota3A_240 : vector<20x4096xi32> to vector<20x4096xf32>
    %add3A_242 = arith.constant 8.192000e+03 : f32
    %add3A_243 = vector.broadcast %add3A_242 : f32 to vector<20x4096xf32>
    %add3A_244 = arith.addf %convert_element_type3A_241, %add3A_243 : vector<20x4096xf32>
    %eq3A_245 = vector.broadcast %broadcast_in_dim3A_239 : vector<20x1xf32> to vector<20x4096xf32>
    %eq3A_246 = arith.cmpf oeq, %div3A_217, %eq3A_245 : vector<20x4096xf32>
    %jit3A_247 = arith.constant 1.000000e+09 : f32
    %broadcast_in_dim3A_248 = vector.broadcast %jit3A_247 : f32 to vector<20x4096xf32>
    %select_n3A_249 = arith.select %eq3A_246, %add3A_244, %broadcast_in_dim3A_248 : vector<20x4096xi1>, vector<20x4096xf32>
    %reduce_min3A_250 = arith.constant dense<0x7F800000> : vector<20xf32>
    %reduce_min3A_251 = vector.multi_reduction <minimumf>, %select_n3A_249, %reduce_min3A_250 [1] : vector<20x4096xf32> to vector<20xf32>
    %broadcast_in_dim3A_252 = vector.shape_cast %reduce_min3A_251 : vector<20xf32> to vector<20x1xf32>
    %gt3A_253 = arith.cmpf ogt, %broadcast_in_dim3A_239, %select_n3A_175 : vector<20x1xf32>
    %select_n3A_254 = arith.select %gt3A_253, %broadcast_in_dim3A_239, %select_n3A_175 : vector<20x1xi1>, vector<20x1xf32>
    %select_n3A_255 = arith.select %gt3A_253, %broadcast_in_dim3A_252, %select_n3A_176 : vector<20x1xi1>, vector<20x1xf32>
    %get3A_256 = arith.constant 0 : index
    %get3A_257 = arith.constant 12288 : index
    %get3A_258 = vector.load %arg3[%get3A_256, %get3A_257] : memref<4x16384xf32, #tpu.memory_space<vmem>>, vector<1x4096xf32>
    %get3A_259 = arith.constant 1 : index
    %get3A_260 = arith.constant 12288 : index
    %get3A_261 = vector.load %arg3[%get3A_259, %get3A_260] : memref<4x16384xf32, #tpu.memory_space<vmem>>, vector<1x4096xf32>
    %get3A_262 = arith.constant 2 : index
    %get3A_263 = arith.constant 12288 : index
    %get3A_264 = vector.load %arg3[%get3A_262, %get3A_263] : memref<4x16384xf32, #tpu.memory_space<vmem>>, vector<1x4096xf32>
    %get3A_265 = arith.constant 3 : index
    %get3A_266 = arith.constant 12288 : index
    %get3A_267 = vector.load %arg3[%get3A_265, %get3A_266] : memref<4x16384xf32, #tpu.memory_space<vmem>>, vector<1x4096xf32>
    %min3A_268 = vector.broadcast %slice3A_7 : vector<20x1xf32> to vector<20x4096xf32>
    %min3A_269 = vector.broadcast %get3A_264 : vector<1x4096xf32> to vector<20x4096xf32>
    %min3A_270 = arith.minimumf %min3A_268, %min3A_269 : vector<20x4096xf32>
    %max3A_271 = vector.broadcast %slice3A : vector<20x1xf32> to vector<20x4096xf32>
    %max3A_272 = vector.broadcast %get3A_258 : vector<1x4096xf32> to vector<20x4096xf32>
    %max3A_273 = arith.maximumf %max3A_271, %max3A_272 : vector<20x4096xf32>
    %sub3A_274 = arith.subf %min3A_270, %max3A_273 : vector<20x4096xf32>
    %max3A_275 = arith.constant 0.000000e+00 : f32
    %max3A_276 = vector.broadcast %max3A_275 : f32 to vector<20x4096xf32>
    %max3A_277 = arith.maximumf %sub3A_274, %max3A_276 : vector<20x4096xf32>
    %min3A_278 = vector.broadcast %slice3A_8 : vector<20x1xf32> to vector<20x4096xf32>
    %min3A_279 = vector.broadcast %get3A_267 : vector<1x4096xf32> to vector<20x4096xf32>
    %min3A_280 = arith.minimumf %min3A_278, %min3A_279 : vector<20x4096xf32>
    %max3A_281 = vector.broadcast %slice3A_6 : vector<20x1xf32> to vector<20x4096xf32>
    %max3A_282 = vector.broadcast %get3A_261 : vector<1x4096xf32> to vector<20x4096xf32>
    %max3A_283 = arith.maximumf %max3A_281, %max3A_282 : vector<20x4096xf32>
    %sub3A_284 = arith.subf %min3A_280, %max3A_283 : vector<20x4096xf32>
    %max3A_285 = arith.constant 0.000000e+00 : f32
    %max3A_286 = vector.broadcast %max3A_285 : f32 to vector<20x4096xf32>
    %max3A_287 = arith.maximumf %sub3A_284, %max3A_286 : vector<20x4096xf32>
    %mul3A_288 = arith.mulf %max3A_277, %max3A_287 : vector<20x4096xf32>
    %sub3A_289 = arith.subf %get3A_264, %get3A_258 : vector<1x4096xf32>
    %sub3A_290 = arith.subf %get3A_267, %get3A_261 : vector<1x4096xf32>
    %mul3A_291 = arith.mulf %sub3A_289, %sub3A_290 : vector<1x4096xf32>
    %add3A_292 = vector.broadcast %mul3A : vector<20x1xf32> to vector<20x4096xf32>
    %add3A_293 = vector.broadcast %mul3A_291 : vector<1x4096xf32> to vector<20x4096xf32>
    %add3A_294 = arith.addf %add3A_292, %add3A_293 : vector<20x4096xf32>
    %sub3A_295 = arith.subf %add3A_294, %mul3A_288 : vector<20x4096xf32>
    %div3A_296 = arith.divf %mul3A_288, %sub3A_295 : vector<20x4096xf32>
    %reduce_max3A_297 = arith.constant dense<0xFF800000> : vector<4096xf32>
    %reduce_max3A_298 = vector.multi_reduction <maximumf>, %div3A_296, %reduce_max3A_297 [0] : vector<20x4096xf32> to vector<4096xf32>
    %broadcast_in_dim3A_299 = vector.shape_cast %reduce_max3A_298 : vector<4096xf32> to vector<1x4096xf32>
    %iota3A_300 = tpu.iota {dimensions = array<i32: 0>} : vector<20x4096xi32>
    %convert_element_type3A_301 = arith.sitofp %iota3A_300 : vector<20x4096xi32> to vector<20x4096xf32>
    %eq3A_302 = vector.broadcast %broadcast_in_dim3A_299 : vector<1x4096xf32> to vector<20x4096xf32>
    %eq3A_303 = arith.cmpf oeq, %div3A_296, %eq3A_302 : vector<20x4096xf32>
    %jit3A_304 = arith.constant 1.000000e+09 : f32
    %broadcast_in_dim3A_305 = vector.broadcast %jit3A_304 : f32 to vector<20x4096xf32>
    %select_n3A_306 = arith.select %eq3A_303, %convert_element_type3A_301, %broadcast_in_dim3A_305 : vector<20x4096xi1>, vector<20x4096xf32>
    %reduce_min3A_307 = arith.constant dense<0x7F800000> : vector<4096xf32>
    %reduce_min3A_308 = vector.multi_reduction <minimumf>, %select_n3A_306, %reduce_min3A_307 [0] : vector<20x4096xf32> to vector<4096xf32>
    %broadcast_in_dim3A_309 = vector.shape_cast %reduce_min3A_308 : vector<4096xf32> to vector<1x4096xf32>
    %swap3A_310 = arith.constant 0 : index
    %swap3A_311 = arith.constant 12288 : index
    %swap3A_312 = vector.load %arg8[%swap3A_310, %swap3A_311] : memref<1x16384xf32, #tpu.memory_space<vmem>>, vector<1x4096xf32>
    tpu.vector_store %arg8[%swap3A_310, %swap3A_311], %broadcast_in_dim3A_299 {strides = array<i32>} : memref<1x16384xf32, #tpu.memory_space<vmem>>, vector<1x4096xf32>,
    %swap3A_313 = arith.constant 0 : index
    %swap3A_314 = arith.constant 12288 : index
    %swap3A_315 = vector.load %arg9[%swap3A_313, %swap3A_314] : memref<1x16384xf32, #tpu.memory_space<vmem>>, vector<1x4096xf32>
    tpu.vector_store %arg9[%swap3A_313, %swap3A_314], %broadcast_in_dim3A_309 {strides = array<i32>} : memref<1x16384xf32, #tpu.memory_space<vmem>>, vector<1x4096xf32>,
    %reduce_max3A_316 = arith.constant dense<0xFF800000> : vector<20xf32>
    %reduce_max3A_317 = vector.multi_reduction <maximumf>, %div3A_296, %reduce_max3A_316 [1] : vector<20x4096xf32> to vector<20xf32>
    %broadcast_in_dim3A_318 = vector.shape_cast %reduce_max3A_317 : vector<20xf32> to vector<20x1xf32>
    %iota3A_319 = tpu.iota {dimensions = array<i32: 1>} : vector<20x4096xi32>
    %convert_element_type3A_320 = arith.sitofp %iota3A_319 : vector<20x4096xi32> to vector<20x4096xf32>
    %add3A_321 = arith.constant 1.228800e+04 : f32
    %add3A_322 = vector.broadcast %add3A_321 : f32 to vector<20x4096xf32>
    %add3A_323 = arith.addf %convert_element_type3A_320, %add3A_322 : vector<20x4096xf32>
    %eq3A_324 = vector.broadcast %broadcast_in_dim3A_318 : vector<20x1xf32> to vector<20x4096xf32>
    %eq3A_325 = arith.cmpf oeq, %div3A_296, %eq3A_324 : vector<20x4096xf32>
    %jit3A_326 = arith.constant 1.000000e+09 : f32
    %broadcast_in_dim3A_327 = vector.broadcast %jit3A_326 : f32 to vector<20x4096xf32>
    %select_n3A_328 = arith.select %eq3A_325, %add3A_323, %broadcast_in_dim3A_327 : vector<20x4096xi1>, vector<20x4096xf32>
    %reduce_min3A_329 = arith.constant dense<0x7F800000> : vector<20xf32>
    %reduce_min3A_330 = vector.multi_reduction <minimumf>, %select_n3A_328, %reduce_min3A_329 [1] : vector<20x4096xf32> to vector<20xf32>
    %broadcast_in_dim3A_331 = vector.shape_cast %reduce_min3A_330 : vector<20xf32> to vector<20x1xf32>
    %gt3A_332 = arith.cmpf ogt, %broadcast_in_dim3A_318, %select_n3A_254 : vector<20x1xf32>
    %select_n3A_333 = arith.select %gt3A_332, %broadcast_in_dim3A_331, %select_n3A_255 : vector<20x1xi1>, vector<20x1xf32>
    %get3A_334 = arith.constant 0 : index
    %get3A_335 = arith.constant 0 : index
    %get3A_336 = arith.constant 0 : index
    %get3A_337 = vector.load %arg4[%get3A_334, %get3A_335, %get3A_336] : memref<1x4x16384xf32, #tpu.memory_space<vmem>>, vector<1x4x16384xf32>
    %get3A_338 = vector.shape_cast %get3A_337 : vector<1x4x16384xf32> to vector<4x16384xf32>
    %get3A_339 = arith.constant 0 : index
    %get3A_340 = arith.constant 0 : index
    %get3A_341 = vector.load %arg8[%get3A_339, %get3A_340] : memref<1x16384xf32, #tpu.memory_space<vmem>>, vector<1x4096xf32>
    %get3A_342 = arith.constant 0 : index
    %get3A_343 = arith.constant 0 : index
    %get3A_344 = vector.load %arg9[%get3A_342, %get3A_343] : memref<1x16384xf32, #tpu.memory_space<vmem>>, vector<1x4096xf32>
    %iota3A_345 = tpu.iota {dimensions = array<i32: 1>} : vector<1x4096xi32>
    %convert_element_type3A_346 = arith.sitofp %iota3A_345 : vector<1x4096xi32> to vector<1x4096xf32>
    %add3A_347 = arith.constant 0.000000e+00 : f32
    %add3A_348 = vector.broadcast %add3A_347 : f32 to vector<1x4096xf32>
    %add3A_349 = arith.addf %convert_element_type3A_346, %add3A_348 : vector<1x4096xf32>
    %eq3A_350 = vector.broadcast %select_n3A_333 : vector<20x1xf32> to vector<20x4096xf32>
    %eq3A_351 = vector.broadcast %add3A_349 : vector<1x4096xf32> to vector<20x4096xf32>
    %eq3A_352 = arith.cmpf oeq, %eq3A_350, %eq3A_351 : vector<20x4096xf32>
    %jit3A_353 = arith.constant -1.000000e+00 : f32
    %broadcast_in_dim3A_354 = vector.shape_cast %convert_element_type3A_24 : vector<20x1xf32> to vector<20x1xf32>
    %broadcast_in_dim3A_355 = vector.broadcast %broadcast_in_dim3A_354 : vector<20x1xf32> to vector<20x4096xf32>
    %broadcast_in_dim3A_356 = vector.broadcast %jit3A_353 : f32 to vector<20x4096xf32>
    %select_n3A_357 = arith.select %eq3A_352, %broadcast_in_dim3A_355, %broadcast_in_dim3A_356 : vector<20x4096xi1>, vector<20x4096xf32>
    %reduce_max3A_358 = arith.constant dense<0xFF800000> : vector<4096xf32>
    %reduce_max3A_359 = vector.multi_reduction <maximumf>, %select_n3A_357, %reduce_max3A_358 [0] : vector<20x4096xf32> to vector<4096xf32>
    %broadcast_in_dim3A_360 = vector.shape_cast %reduce_max3A_359 : vector<4096xf32> to vector<1x4096xf32>
    %ge3A = arith.constant 0.000000e+00 : f32
    %ge3A_361 = vector.broadcast %ge3A : f32 to vector<1x4096xf32>
    %ge3A_362 = arith.cmpf oge, %broadcast_in_dim3A_360, %ge3A_361 : vector<1x4096xf32>
    %select_n3A_363 = arith.select %ge3A_362, %broadcast_in_dim3A_360, %get3A_344 : vector<1x4096xi1>, vector<1x4096xf32>
    %jit3A_364 = arith.constant 1.000000e+00 : f32
    %broadcast_in_dim3A_365 = vector.broadcast %jit3A_364 : f32 to vector<1x4096xf32>
    %select_n3A_366 = arith.select %ge3A_362, %broadcast_in_dim3A_365, %get3A_341 : vector<1x4096xi1>, vector<1x4096xf32>
    %ge3A_367 = arith.constant 5.000000e-01 : f32
    %ge3A_368 = vector.broadcast %ge3A_367 : f32 to vector<1x4096xf32>
    %ge3A_369 = arith.cmpf oge, %select_n3A_366, %ge3A_368 : vector<1x4096xf32>
    %convert_element_type3A_370 = arith.extui %ge3A_369 : vector<1x4096xi1> to vector<1x4096xi32>
    %convert_element_type3A_371 = arith.sitofp %convert_element_type3A_370 : vector<1x4096xi32> to vector<1x4096xf32>
    %eq3A_372 = vector.broadcast %select_n3A_363 : vector<1x4096xf32> to vector<20x4096xf32>
    %eq3A_373 = vector.broadcast %convert_element_type3A_24 : vector<20x1xf32> to vector<20x4096xf32>
    %eq3A_374 = arith.cmpf oeq, %eq3A_372, %eq3A_373 : vector<20x4096xf32>
    %convert_element_type3A_375 = arith.extui %eq3A_374 : vector<20x4096xi1> to vector<20x4096xi32>
    %convert_element_type3A_376 = arith.sitofp %convert_element_type3A_375 : vector<20x4096xi32> to vector<20x4096xf32>
    %mul3A_377 = vector.broadcast %get3A_23 : vector<20x1xf32> to vector<20x4096xf32>
    %mul3A_378 = arith.mulf %convert_element_type3A_376, %mul3A_377 : vector<20x4096xf32>
    %reduce_sum3A = arith.constant dense<0.000000e+00> : vector<4096xf32>
    %reduce_sum3A_379 = vector.multi_reduction <add>, %mul3A_378, %reduce_sum3A [0] : vector<20x4096xf32> to vector<4096xf32>
    %broadcast_in_dim3A_380 = vector.shape_cast %reduce_sum3A_379 : vector<4096xf32> to vector<1x4096xf32>
    %gt3A_381 = arith.constant 0.000000e+00 : f32
    %gt3A_382 = vector.broadcast %gt3A_381 : f32 to vector<1x4096xf32>
    %gt3A_383 = arith.cmpf ogt, %convert_element_type3A_371, %gt3A_382 : vector<1x4096xf32>
    %jit3A_384 = arith.constant -1.000000e+00 : f32
    %broadcast_in_dim3A_385 = vector.broadcast %jit3A_384 : f32 to vector<1x4096xf32>
    %select_n3A_386 = arith.select %gt3A_383, %broadcast_in_dim3A_380, %broadcast_in_dim3A_385 : vector<1x4096xi1>, vector<1x4096xf32>
    %swap3A_387 = arith.constant 0 : index
    %swap3A_388 = arith.constant 0 : index
    %swap3A_389 = arith.constant 0 : index
    %swap3A_390 = vector.load %arg7[%swap3A_387, %swap3A_388, %swap3A_389] : memref<1x1x16384xf32, #tpu.memory_space<vmem>>, vector<1x1x4096xf32>
    %swap3A_391 = vector.shape_cast %swap3A_390 : vector<1x1x4096xf32> to vector<1x4096xf32>
    %swap3A_392 = vector.shape_cast %select_n3A_386 : vector<1x4096xf32> to vector<1x1x4096xf32>
    tpu.vector_store %arg7[%swap3A_387, %swap3A_388, %swap3A_389], %swap3A_392 {strides = array<i32>} : memref<1x1x16384xf32, #tpu.memory_space<vmem>>, vector<1x1x4096xf32>,
    %mul3A_393 = vector.broadcast %mul3A_12 : vector<20x1xf32> to vector<20x4096xf32>
    %mul3A_394 = arith.mulf %convert_element_type3A_376, %mul3A_393 : vector<20x4096xf32>
    %reduce_sum3A_395 = arith.constant dense<0.000000e+00> : vector<4096xf32>
    %reduce_sum3A_396 = vector.multi_reduction <add>, %mul3A_394, %reduce_sum3A_395 [0] : vector<20x4096xf32> to vector<4096xf32>
    %broadcast_in_dim3A_397 = vector.shape_cast %reduce_sum3A_396 : vector<4096xf32> to vector<1x4096xf32>
    %mul3A_398 = vector.broadcast %mul3A_16 : vector<20x1xf32> to vector<20x4096xf32>
    %mul3A_399 = arith.mulf %convert_element_type3A_376, %mul3A_398 : vector<20x4096xf32>
    %reduce_sum3A_400 = arith.constant dense<0.000000e+00> : vector<4096xf32>
    %reduce_sum3A_401 = vector.multi_reduction <add>, %mul3A_399, %reduce_sum3A_400 [0] : vector<20x4096xf32> to vector<4096xf32>
    %broadcast_in_dim3A_402 = vector.shape_cast %reduce_sum3A_401 : vector<4096xf32> to vector<1x4096xf32>
    %mul3A_403 = vector.broadcast %sub3A_17 : vector<20x1xf32> to vector<20x4096xf32>
    %mul3A_404 = arith.mulf %convert_element_type3A_376, %mul3A_403 : vector<20x4096xf32>
    %reduce_sum3A_405 = arith.constant dense<0.000000e+00> : vector<4096xf32>
    %reduce_sum3A_406 = vector.multi_reduction <add>, %mul3A_404, %reduce_sum3A_405 [0] : vector<20x4096xf32> to vector<4096xf32>
    %broadcast_in_dim3A_407 = vector.shape_cast %reduce_sum3A_406 : vector<4096xf32> to vector<1x4096xf32>
    %mul3A_408 = vector.broadcast %sub3A_18 : vector<20x1xf32> to vector<20x4096xf32>
    %mul3A_409 = arith.mulf %convert_element_type3A_376, %mul3A_408 : vector<20x4096xf32>
    %reduce_sum3A_410 = arith.constant dense<0.000000e+00> : vector<4096xf32>
    %reduce_sum3A_411 = vector.multi_reduction <add>, %mul3A_409, %reduce_sum3A_410 [0] : vector<20x4096xf32> to vector<4096xf32>
    %broadcast_in_dim3A_412 = vector.shape_cast %reduce_sum3A_411 : vector<4096xf32> to vector<1x4096xf32>
    %get3A_413 = arith.constant 0 : index
    %get3A_414 = arith.constant 0 : index
    %get3A_415 = vector.load %arg3[%get3A_413, %get3A_414] : memref<4x16384xf32, #tpu.memory_space<vmem>>, vector<1x4096xf32>
    %get3A_416 = arith.constant 1 : index
    %get3A_417 = arith.constant 0 : index
    %get3A_418 = vector.load %arg3[%get3A_416, %get3A_417] : memref<4x16384xf32, #tpu.memory_space<vmem>>, vector<1x4096xf32>
    %get3A_419 = arith.constant 2 : index
    %get3A_420 = arith.constant 0 : index
    %get3A_421 = vector.load %arg3[%get3A_419, %get3A_420] : memref<4x16384xf32, #tpu.memory_space<vmem>>, vector<1x4096xf32>
    %get3A_422 = arith.constant 3 : index
    %get3A_423 = arith.constant 0 : index
    %get3A_424 = vector.load %arg3[%get3A_422, %get3A_423] : memref<4x16384xf32, #tpu.memory_space<vmem>>, vector<1x4096xf32>
    %add3A_425 = arith.addf %get3A_415, %get3A_421 : vector<1x4096xf32>
    %mul3A_426 = arith.constant 5.000000e-01 : f32
    %mul3A_427 = vector.broadcast %mul3A_426 : f32 to vector<1x4096xf32>
    %mul3A_428 = arith.mulf %add3A_425, %mul3A_427 : vector<1x4096xf32>
    %add3A_429 = arith.addf %get3A_418, %get3A_424 : vector<1x4096xf32>
    %mul3A_430 = arith.constant 5.000000e-01 : f32
    %mul3A_431 = vector.broadcast %mul3A_430 : f32 to vector<1x4096xf32>
    %mul3A_432 = arith.mulf %add3A_429, %mul3A_431 : vector<1x4096xf32>
    %sub3A_433 = arith.subf %get3A_421, %get3A_415 : vector<1x4096xf32>
    %sub3A_434 = arith.subf %get3A_424, %get3A_418 : vector<1x4096xf32>
    %sub3A_435 = arith.subf %broadcast_in_dim3A_397, %mul3A_428 : vector<1x4096xf32>
    %mul3A_436 = arith.constant 1.000000e-01 : f32
    %mul3A_437 = vector.broadcast %mul3A_436 : f32 to vector<1x4096xf32>
    %mul3A_438 = arith.mulf %sub3A_433, %mul3A_437 : vector<1x4096xf32>
    %div3A_439 = arith.divf %sub3A_435, %mul3A_438 : vector<1x4096xf32>
    %sub3A_440 = arith.subf %broadcast_in_dim3A_402, %mul3A_432 : vector<1x4096xf32>
    %mul3A_441 = arith.constant 1.000000e-01 : f32
    %mul3A_442 = vector.broadcast %mul3A_441 : f32 to vector<1x4096xf32>
    %mul3A_443 = arith.mulf %sub3A_434, %mul3A_442 : vector<1x4096xf32>
    %div3A_444 = arith.divf %sub3A_440, %mul3A_443 : vector<1x4096xf32>
    %div3A_445 = arith.divf %broadcast_in_dim3A_407, %sub3A_433 : vector<1x4096xf32>
    %log3A = math.log %div3A_445 : vector<1x4096xf32>
    %mul3A_446 = arith.constant 5.000000e+00 : f32
    %mul3A_447 = vector.broadcast %mul3A_446 : f32 to vector<1x4096xf32>
    %mul3A_448 = arith.mulf %log3A, %mul3A_447 : vector<1x4096xf32>
    %div3A_449 = arith.divf %broadcast_in_dim3A_412, %sub3A_434 : vector<1x4096xf32>
    %log3A_450 = math.log %div3A_449 : vector<1x4096xf32>
    %mul3A_451 = arith.constant 5.000000e+00 : f32
    %mul3A_452 = vector.broadcast %mul3A_451 : f32 to vector<1x4096xf32>
    %mul3A_453 = arith.mulf %log3A_450, %mul3A_452 : vector<1x4096xf32>
    %concatenate3A = tpu.concatenate %div3A_439, %div3A_444, %mul3A_448, %mul3A_453 in 0 : vector<1x4096xf32>, vector<1x4096xf32>, vector<1x4096xf32>, vector<1x4096xf32> -> vector<4x4096xf32>
    %slice3A_454 = vector.extract_strided_slice %get3A_338 {offsets = [0, 0], sizes = [4, 4096], strides = [1, 1]} : vector<4x16384xf32> to vector<4x4096xf32>
    %sub3A_455 = arith.subf %slice3A_454, %concatenate3A : vector<4x4096xf32>
    %abs3A = math.absf %sub3A_455 : vector<4x4096xf32>
    %lt3A = arith.constant 1.000000e+00 : f32
    %lt3A_456 = vector.broadcast %lt3A : f32 to vector<4x4096xf32>
    %lt3A_457 = arith.cmpf olt, %abs3A, %lt3A_456 : vector<4x4096xf32>
    %mul3A_458 = arith.constant 5.000000e-01 : f32
    %mul3A_459 = vector.broadcast %mul3A_458 : f32 to vector<4x4096xf32>
    %mul3A_460 = arith.mulf %mul3A_459, %sub3A_455 : vector<4x4096xf32>
    %mul3A_461 = arith.mulf %mul3A_460, %sub3A_455 : vector<4x4096xf32>
    %sub3A_462 = arith.constant 5.000000e-01 : f32
    %sub3A_463 = vector.broadcast %sub3A_462 : f32 to vector<4x4096xf32>
    %sub3A_464 = arith.subf %abs3A, %sub3A_463 : vector<4x4096xf32>
    %select_n3A_465 = arith.select %lt3A_457, %mul3A_461, %sub3A_464 : vector<4x4096xi1>, vector<4x4096xf32>
    %mul3A_466 = vector.broadcast %convert_element_type3A_371 : vector<1x4096xf32> to vector<4x4096xf32>
    %mul3A_467 = arith.mulf %select_n3A_465, %mul3A_466 : vector<4x4096xf32>
    %reduce_sum3A_468 = vector.shape_cast %mul3A_467 : vector<4x4096xf32> to vector<1x4x4096xf32>
    %reduce_sum3A_469 = arith.constant dense<0.000000e+00> : vector<1xf32>
    %reduce_sum3A_470 = vector.multi_reduction <add>, %reduce_sum3A_468, %reduce_sum3A_469 [1, 2] : vector<1x4x4096xf32> to vector<1xf32>
    %reduce_sum3A_471 = vector.shape_cast %reduce_sum3A_470 : vector<1xf32> to vector<1x1x1xf32>
    %reduce_sum3A_472 = vector.extract %reduce_sum3A_471[0, 0, 0] : f32 from vector<1x1x1xf32>
    %add3A_473 = arith.constant 0.000000e+00 : f32
    %add3A_474 = arith.addf %add3A_473, %reduce_sum3A_472 : f32
    %get3A_475 = arith.constant 0 : index
    %get3A_476 = arith.constant 0 : index
    %get3A_477 = arith.constant 0 : index
    %get3A_478 = vector.load %arg5[%get3A_475, %get3A_476, %get3A_477] : memref<1x1x16384xf32, #tpu.memory_space<vmem>>, vector<1x1x4096xf32>
    %get3A_479 = vector.shape_cast %get3A_478 : vector<1x1x4096xf32> to vector<1x4096xf32>
    %sub3A_480 = arith.subf %get3A_479, %convert_element_type3A_371 : vector<1x4096xf32>
    %integer_pow3A = arith.mulf %sub3A_480, %sub3A_480 : vector<1x4096xf32>
    %mul3A_481 = arith.mulf %integer_pow3A, %convert_element_type3A_371 : vector<1x4096xf32>
    %reduce_sum3A_482 = vector.shape_cast %mul3A_481 : vector<1x4096xf32> to vector<1x1x4096xf32>
    %reduce_sum3A_483 = arith.constant dense<0.000000e+00> : vector<1xf32>
    %reduce_sum3A_484 = vector.multi_reduction <add>, %reduce_sum3A_482, %reduce_sum3A_483 [1, 2] : vector<1x1x4096xf32> to vector<1xf32>
    %reduce_sum3A_485 = vector.shape_cast %reduce_sum3A_484 : vector<1xf32> to vector<1x1x1xf32>
    %reduce_sum3A_486 = vector.extract %reduce_sum3A_485[0, 0, 0] : f32 from vector<1x1x1xf32>
    %add3A_487 = arith.constant 0.000000e+00 : f32
    %add3A_488 = arith.addf %add3A_487, %reduce_sum3A_486 : f32
    %gt3A_489 = arith.constant 0.000000e+00 : f32
    %gt3A_490 = vector.broadcast %gt3A_489 : f32 to vector<1x4096xf32>
    %gt3A_491 = arith.cmpf ogt, %convert_element_type3A_371, %gt3A_490 : vector<1x4096xf32>
    %jit3A_492 = arith.constant 0.000000e+00 : f32
    %broadcast_in_dim3A_493 = vector.broadcast %jit3A_492 : f32 to vector<1x4096xf32>
    %select_n3A_494 = arith.select %gt3A_491, %broadcast_in_dim3A_493, %integer_pow3A : vector<1x4096xi1>, vector<1x4096xf32>
    %swap3A_495 = arith.index_cast %arg0 : i32 to index
    %swap3A_496 = arith.constant 0 : index
    %swap3A_497 = vector.load %arg10[%swap3A_495, %swap3A_496] : memref<16x16384xf32, #tpu.memory_space<vmem>>, vector<1x4096xf32>
    tpu.vector_store %arg10[%swap3A_495, %swap3A_496], %select_n3A_494 {strides = array<i32>} : memref<16x16384xf32, #tpu.memory_space<vmem>>, vector<1x4096xf32>,
    %swap3A_498 = arith.index_cast %arg0 : i32 to index
    %swap3A_499 = arith.constant 0 : index
    %swap3A_500 = vector.load %arg11[%swap3A_498, %swap3A_499] : memref<16x16384xf32, #tpu.memory_space<vmem>>, vector<1x4096xf32>
    tpu.vector_store %arg11[%swap3A_498, %swap3A_499], %convert_element_type3A_371 {strides = array<i32>} : memref<16x16384xf32, #tpu.memory_space<vmem>>, vector<1x4096xf32>,
    %get3A_501 = arith.constant 0 : index
    %get3A_502 = arith.constant 4096 : index
    %get3A_503 = vector.load %arg8[%get3A_501, %get3A_502] : memref<1x16384xf32, #tpu.memory_space<vmem>>, vector<1x4096xf32>
    %get3A_504 = arith.constant 0 : index
    %get3A_505 = arith.constant 4096 : index
    %get3A_506 = vector.load %arg9[%get3A_504, %get3A_505] : memref<1x16384xf32, #tpu.memory_space<vmem>>, vector<1x4096xf32>
    %iota3A_507 = tpu.iota {dimensions = array<i32: 1>} : vector<1x4096xi32>
    %convert_element_type3A_508 = arith.sitofp %iota3A_507 : vector<1x4096xi32> to vector<1x4096xf32>
    %add3A_509 = arith.constant 4.096000e+03 : f32
    %add3A_510 = vector.broadcast %add3A_509 : f32 to vector<1x4096xf32>
    %add3A_511 = arith.addf %convert_element_type3A_508, %add3A_510 : vector<1x4096xf32>
    %eq3A_512 = vector.broadcast %select_n3A_333 : vector<20x1xf32> to vector<20x4096xf32>
    %eq3A_513 = vector.broadcast %add3A_511 : vector<1x4096xf32> to vector<20x4096xf32>
    %eq3A_514 = arith.cmpf oeq, %eq3A_512, %eq3A_513 : vector<20x4096xf32>
    %jit3A_515 = arith.constant -1.000000e+00 : f32
    %broadcast_in_dim3A_516 = vector.shape_cast %convert_element_type3A_24 : vector<20x1xf32> to vector<20x1xf32>
    %broadcast_in_dim3A_517 = vector.broadcast %broadcast_in_dim3A_516 : vector<20x1xf32> to vector<20x4096xf32>
    %broadcast_in_dim3A_518 = vector.broadcast %jit3A_515 : f32 to vector<20x4096xf32>
    %select_n3A_519 = arith.select %eq3A_514, %broadcast_in_dim3A_517, %broadcast_in_dim3A_518 : vector<20x4096xi1>, vector<20x4096xf32>
    %reduce_max3A_520 = arith.constant dense<0xFF800000> : vector<4096xf32>
    %reduce_max3A_521 = vector.multi_reduction <maximumf>, %select_n3A_519, %reduce_max3A_520 [0] : vector<20x4096xf32> to vector<4096xf32>
    %broadcast_in_dim3A_522 = vector.shape_cast %reduce_max3A_521 : vector<4096xf32> to vector<1x4096xf32>
    %ge3A_523 = arith.constant 0.000000e+00 : f32
    %ge3A_524 = vector.broadcast %ge3A_523 : f32 to vector<1x4096xf32>
    %ge3A_525 = arith.cmpf oge, %broadcast_in_dim3A_522, %ge3A_524 : vector<1x4096xf32>
    %select_n3A_526 = arith.select %ge3A_525, %broadcast_in_dim3A_522, %get3A_506 : vector<1x4096xi1>, vector<1x4096xf32>
    %jit3A_527 = arith.constant 1.000000e+00 : f32
    %broadcast_in_dim3A_528 = vector.broadcast %jit3A_527 : f32 to vector<1x4096xf32>
    %select_n3A_529 = arith.select %ge3A_525, %broadcast_in_dim3A_528, %get3A_503 : vector<1x4096xi1>, vector<1x4096xf32>
    %ge3A_530 = arith.constant 5.000000e-01 : f32
    %ge3A_531 = vector.broadcast %ge3A_530 : f32 to vector<1x4096xf32>
    %ge3A_532 = arith.cmpf oge, %select_n3A_529, %ge3A_531 : vector<1x4096xf32>
    %convert_element_type3A_533 = arith.extui %ge3A_532 : vector<1x4096xi1> to vector<1x4096xi32>
    %convert_element_type3A_534 = arith.sitofp %convert_element_type3A_533 : vector<1x4096xi32> to vector<1x4096xf32>
    %eq3A_535 = vector.broadcast %select_n3A_526 : vector<1x4096xf32> to vector<20x4096xf32>
    %eq3A_536 = vector.broadcast %convert_element_type3A_24 : vector<20x1xf32> to vector<20x4096xf32>
    %eq3A_537 = arith.cmpf oeq, %eq3A_535, %eq3A_536 : vector<20x4096xf32>
    %convert_element_type3A_538 = arith.extui %eq3A_537 : vector<20x4096xi1> to vector<20x4096xi32>
    %convert_element_type3A_539 = arith.sitofp %convert_element_type3A_538 : vector<20x4096xi32> to vector<20x4096xf32>
    %mul3A_540 = vector.broadcast %get3A_23 : vector<20x1xf32> to vector<20x4096xf32>
    %mul3A_541 = arith.mulf %convert_element_type3A_539, %mul3A_540 : vector<20x4096xf32>
    %reduce_sum3A_542 = arith.constant dense<0.000000e+00> : vector<4096xf32>
    %reduce_sum3A_543 = vector.multi_reduction <add>, %mul3A_541, %reduce_sum3A_542 [0] : vector<20x4096xf32> to vector<4096xf32>
    %broadcast_in_dim3A_544 = vector.shape_cast %reduce_sum3A_543 : vector<4096xf32> to vector<1x4096xf32>
    %gt3A_545 = arith.constant 0.000000e+00 : f32
    %gt3A_546 = vector.broadcast %gt3A_545 : f32 to vector<1x4096xf32>
    %gt3A_547 = arith.cmpf ogt, %convert_element_type3A_534, %gt3A_546 : vector<1x4096xf32>
    %jit3A_548 = arith.constant -1.000000e+00 : f32
    %broadcast_in_dim3A_549 = vector.broadcast %jit3A_548 : f32 to vector<1x4096xf32>
    %select_n3A_550 = arith.select %gt3A_547, %broadcast_in_dim3A_544, %broadcast_in_dim3A_549 : vector<1x4096xi1>, vector<1x4096xf32>
    %swap3A_551 = arith.constant 0 : index
    %swap3A_552 = arith.constant 0 : index
    %swap3A_553 = arith.constant 4096 : index
    %swap3A_554 = vector.load %arg7[%swap3A_551, %swap3A_552, %swap3A_553] : memref<1x1x16384xf32, #tpu.memory_space<vmem>>, vector<1x1x4096xf32>
    %swap3A_555 = vector.shape_cast %swap3A_554 : vector<1x1x4096xf32> to vector<1x4096xf32>
    %swap3A_556 = vector.shape_cast %select_n3A_550 : vector<1x4096xf32> to vector<1x1x4096xf32>
    tpu.vector_store %arg7[%swap3A_551, %swap3A_552, %swap3A_553], %swap3A_556 {strides = array<i32>} : memref<1x1x16384xf32, #tpu.memory_space<vmem>>, vector<1x1x4096xf32>,
    %mul3A_557 = vector.broadcast %mul3A_12 : vector<20x1xf32> to vector<20x4096xf32>
    %mul3A_558 = arith.mulf %convert_element_type3A_539, %mul3A_557 : vector<20x4096xf32>
    %reduce_sum3A_559 = arith.constant dense<0.000000e+00> : vector<4096xf32>
    %reduce_sum3A_560 = vector.multi_reduction <add>, %mul3A_558, %reduce_sum3A_559 [0] : vector<20x4096xf32> to vector<4096xf32>
    %broadcast_in_dim3A_561 = vector.shape_cast %reduce_sum3A_560 : vector<4096xf32> to vector<1x4096xf32>
    %mul3A_562 = vector.broadcast %mul3A_16 : vector<20x1xf32> to vector<20x4096xf32>
    %mul3A_563 = arith.mulf %convert_element_type3A_539, %mul3A_562 : vector<20x4096xf32>
    %reduce_sum3A_564 = arith.constant dense<0.000000e+00> : vector<4096xf32>
    %reduce_sum3A_565 = vector.multi_reduction <add>, %mul3A_563, %reduce_sum3A_564 [0] : vector<20x4096xf32> to vector<4096xf32>
    %broadcast_in_dim3A_566 = vector.shape_cast %reduce_sum3A_565 : vector<4096xf32> to vector<1x4096xf32>
    %mul3A_567 = vector.broadcast %sub3A_17 : vector<20x1xf32> to vector<20x4096xf32>
    %mul3A_568 = arith.mulf %convert_element_type3A_539, %mul3A_567 : vector<20x4096xf32>
    %reduce_sum3A_569 = arith.constant dense<0.000000e+00> : vector<4096xf32>
    %reduce_sum3A_570 = vector.multi_reduction <add>, %mul3A_568, %reduce_sum3A_569 [0] : vector<20x4096xf32> to vector<4096xf32>
    %broadcast_in_dim3A_571 = vector.shape_cast %reduce_sum3A_570 : vector<4096xf32> to vector<1x4096xf32>
    %mul3A_572 = vector.broadcast %sub3A_18 : vector<20x1xf32> to vector<20x4096xf32>
    %mul3A_573 = arith.mulf %convert_element_type3A_539, %mul3A_572 : vector<20x4096xf32>
    %reduce_sum3A_574 = arith.constant dense<0.000000e+00> : vector<4096xf32>
    %reduce_sum3A_575 = vector.multi_reduction <add>, %mul3A_573, %reduce_sum3A_574 [0] : vector<20x4096xf32> to vector<4096xf32>
    %broadcast_in_dim3A_576 = vector.shape_cast %reduce_sum3A_575 : vector<4096xf32> to vector<1x4096xf32>
    %get3A_577 = arith.constant 0 : index
    %get3A_578 = arith.constant 4096 : index
    %get3A_579 = vector.load %arg3[%get3A_577, %get3A_578] : memref<4x16384xf32, #tpu.memory_space<vmem>>, vector<1x4096xf32>
    %get3A_580 = arith.constant 1 : index
    %get3A_581 = arith.constant 4096 : index
    %get3A_582 = vector.load %arg3[%get3A_580, %get3A_581] : memref<4x16384xf32, #tpu.memory_space<vmem>>, vector<1x4096xf32>
    %get3A_583 = arith.constant 2 : index
    %get3A_584 = arith.constant 4096 : index
    %get3A_585 = vector.load %arg3[%get3A_583, %get3A_584] : memref<4x16384xf32, #tpu.memory_space<vmem>>, vector<1x4096xf32>
    %get3A_586 = arith.constant 3 : index
    %get3A_587 = arith.constant 4096 : index
    %get3A_588 = vector.load %arg3[%get3A_586, %get3A_587] : memref<4x16384xf32, #tpu.memory_space<vmem>>, vector<1x4096xf32>
    %add3A_589 = arith.addf %get3A_579, %get3A_585 : vector<1x4096xf32>
    %mul3A_590 = arith.constant 5.000000e-01 : f32
    %mul3A_591 = vector.broadcast %mul3A_590 : f32 to vector<1x4096xf32>
    %mul3A_592 = arith.mulf %add3A_589, %mul3A_591 : vector<1x4096xf32>
    %add3A_593 = arith.addf %get3A_582, %get3A_588 : vector<1x4096xf32>
    %mul3A_594 = arith.constant 5.000000e-01 : f32
    %mul3A_595 = vector.broadcast %mul3A_594 : f32 to vector<1x4096xf32>
    %mul3A_596 = arith.mulf %add3A_593, %mul3A_595 : vector<1x4096xf32>
    %sub3A_597 = arith.subf %get3A_585, %get3A_579 : vector<1x4096xf32>
    %sub3A_598 = arith.subf %get3A_588, %get3A_582 : vector<1x4096xf32>
    %sub3A_599 = arith.subf %broadcast_in_dim3A_561, %mul3A_592 : vector<1x4096xf32>
    %mul3A_600 = arith.constant 1.000000e-01 : f32
    %mul3A_601 = vector.broadcast %mul3A_600 : f32 to vector<1x4096xf32>
    %mul3A_602 = arith.mulf %sub3A_597, %mul3A_601 : vector<1x4096xf32>
    %div3A_603 = arith.divf %sub3A_599, %mul3A_602 : vector<1x4096xf32>
    %sub3A_604 = arith.subf %broadcast_in_dim3A_566, %mul3A_596 : vector<1x4096xf32>
    %mul3A_605 = arith.constant 1.000000e-01 : f32
    %mul3A_606 = vector.broadcast %mul3A_605 : f32 to vector<1x4096xf32>
    %mul3A_607 = arith.mulf %sub3A_598, %mul3A_606 : vector<1x4096xf32>
    %div3A_608 = arith.divf %sub3A_604, %mul3A_607 : vector<1x4096xf32>
    %div3A_609 = arith.divf %broadcast_in_dim3A_571, %sub3A_597 : vector<1x4096xf32>
    %log3A_610 = math.log %div3A_609 : vector<1x4096xf32>
    %mul3A_611 = arith.constant 5.000000e+00 : f32
    %mul3A_612 = vector.broadcast %mul3A_611 : f32 to vector<1x4096xf32>
    %mul3A_613 = arith.mulf %log3A_610, %mul3A_612 : vector<1x4096xf32>
    %div3A_614 = arith.divf %broadcast_in_dim3A_576, %sub3A_598 : vector<1x4096xf32>
    %log3A_615 = math.log %div3A_614 : vector<1x4096xf32>
    %mul3A_616 = arith.constant 5.000000e+00 : f32
    %mul3A_617 = vector.broadcast %mul3A_616 : f32 to vector<1x4096xf32>
    %mul3A_618 = arith.mulf %log3A_615, %mul3A_617 : vector<1x4096xf32>
    %concatenate3A_619 = tpu.concatenate %div3A_603, %div3A_608, %mul3A_613, %mul3A_618 in 0 : vector<1x4096xf32>, vector<1x4096xf32>, vector<1x4096xf32>, vector<1x4096xf32> -> vector<4x4096xf32>
    %slice3A_620 = vector.extract_strided_slice %get3A_338 {offsets = [0, 4096], sizes = [4, 4096], strides = [1, 1]} : vector<4x16384xf32> to vector<4x4096xf32>
    %sub3A_621 = arith.subf %slice3A_620, %concatenate3A_619 : vector<4x4096xf32>
    %abs3A_622 = math.absf %sub3A_621 : vector<4x4096xf32>
    %lt3A_623 = arith.constant 1.000000e+00 : f32
    %lt3A_624 = vector.broadcast %lt3A_623 : f32 to vector<4x4096xf32>
    %lt3A_625 = arith.cmpf olt, %abs3A_622, %lt3A_624 : vector<4x4096xf32>
    %mul3A_626 = arith.constant 5.000000e-01 : f32
    %mul3A_627 = vector.broadcast %mul3A_626 : f32 to vector<4x4096xf32>
    %mul3A_628 = arith.mulf %mul3A_627, %sub3A_621 : vector<4x4096xf32>
    %mul3A_629 = arith.mulf %mul3A_628, %sub3A_621 : vector<4x4096xf32>
    %sub3A_630 = arith.constant 5.000000e-01 : f32
    %sub3A_631 = vector.broadcast %sub3A_630 : f32 to vector<4x4096xf32>
    %sub3A_632 = arith.subf %abs3A_622, %sub3A_631 : vector<4x4096xf32>
    %select_n3A_633 = arith.select %lt3A_625, %mul3A_629, %sub3A_632 : vector<4x4096xi1>, vector<4x4096xf32>
    %mul3A_634 = vector.broadcast %convert_element_type3A_534 : vector<1x4096xf32> to vector<4x4096xf32>
    %mul3A_635 = arith.mulf %select_n3A_633, %mul3A_634 : vector<4x4096xf32>
    %reduce_sum3A_636 = vector.shape_cast %mul3A_635 : vector<4x4096xf32> to vector<1x4x4096xf32>
    %reduce_sum3A_637 = arith.constant dense<0.000000e+00> : vector<1xf32>
    %reduce_sum3A_638 = vector.multi_reduction <add>, %reduce_sum3A_636, %reduce_sum3A_637 [1, 2] : vector<1x4x4096xf32> to vector<1xf32>
    %reduce_sum3A_639 = vector.shape_cast %reduce_sum3A_638 : vector<1xf32> to vector<1x1x1xf32>
    %reduce_sum3A_640 = vector.extract %reduce_sum3A_639[0, 0, 0] : f32 from vector<1x1x1xf32>
    %add3A_641 = arith.addf %add3A_474, %reduce_sum3A_640 : f32
    %get3A_642 = arith.constant 0 : index
    %get3A_643 = arith.constant 0 : index
    %get3A_644 = arith.constant 4096 : index
    %get3A_645 = vector.load %arg5[%get3A_642, %get3A_643, %get3A_644] : memref<1x1x16384xf32, #tpu.memory_space<vmem>>, vector<1x1x4096xf32>
    %get3A_646 = vector.shape_cast %get3A_645 : vector<1x1x4096xf32> to vector<1x4096xf32>
    %sub3A_647 = arith.subf %get3A_646, %convert_element_type3A_534 : vector<1x4096xf32>
    %integer_pow3A_648 = arith.mulf %sub3A_647, %sub3A_647 : vector<1x4096xf32>
    %mul3A_649 = arith.mulf %integer_pow3A_648, %convert_element_type3A_534 : vector<1x4096xf32>
    %reduce_sum3A_650 = vector.shape_cast %mul3A_649 : vector<1x4096xf32> to vector<1x1x4096xf32>
    %reduce_sum3A_651 = arith.constant dense<0.000000e+00> : vector<1xf32>
    %reduce_sum3A_652 = vector.multi_reduction <add>, %reduce_sum3A_650, %reduce_sum3A_651 [1, 2] : vector<1x1x4096xf32> to vector<1xf32>
    %reduce_sum3A_653 = vector.shape_cast %reduce_sum3A_652 : vector<1xf32> to vector<1x1x1xf32>
    %reduce_sum3A_654 = vector.extract %reduce_sum3A_653[0, 0, 0] : f32 from vector<1x1x1xf32>
    %add3A_655 = arith.addf %add3A_488, %reduce_sum3A_654 : f32
    %gt3A_656 = arith.constant 0.000000e+00 : f32
    %gt3A_657 = vector.broadcast %gt3A_656 : f32 to vector<1x4096xf32>
    %gt3A_658 = arith.cmpf ogt, %convert_element_type3A_534, %gt3A_657 : vector<1x4096xf32>
    %jit3A_659 = arith.constant 0.000000e+00 : f32
    %broadcast_in_dim3A_660 = vector.broadcast %jit3A_659 : f32 to vector<1x4096xf32>
    %select_n3A_661 = arith.select %gt3A_658, %broadcast_in_dim3A_660, %integer_pow3A_648 : vector<1x4096xi1>, vector<1x4096xf32>
    %swap3A_662 = arith.index_cast %arg0 : i32 to index
    %swap3A_663 = arith.constant 4096 : index
    %swap3A_664 = vector.load %arg10[%swap3A_662, %swap3A_663] : memref<16x16384xf32, #tpu.memory_space<vmem>>, vector<1x4096xf32>
    tpu.vector_store %arg10[%swap3A_662, %swap3A_663], %select_n3A_661 {strides = array<i32>} : memref<16x16384xf32, #tpu.memory_space<vmem>>, vector<1x4096xf32>,
    %swap3A_665 = arith.index_cast %arg0 : i32 to index
    %swap3A_666 = arith.constant 4096 : index
    %swap3A_667 = vector.load %arg11[%swap3A_665, %swap3A_666] : memref<16x16384xf32, #tpu.memory_space<vmem>>, vector<1x4096xf32>
    tpu.vector_store %arg11[%swap3A_665, %swap3A_666], %convert_element_type3A_534 {strides = array<i32>} : memref<16x16384xf32, #tpu.memory_space<vmem>>, vector<1x4096xf32>,
    %get3A_668 = arith.constant 0 : index
    %get3A_669 = arith.constant 8192 : index
    %get3A_670 = vector.load %arg8[%get3A_668, %get3A_669] : memref<1x16384xf32, #tpu.memory_space<vmem>>, vector<1x4096xf32>
    %get3A_671 = arith.constant 0 : index
    %get3A_672 = arith.constant 8192 : index
    %get3A_673 = vector.load %arg9[%get3A_671, %get3A_672] : memref<1x16384xf32, #tpu.memory_space<vmem>>, vector<1x4096xf32>
    %iota3A_674 = tpu.iota {dimensions = array<i32: 1>} : vector<1x4096xi32>
    %convert_element_type3A_675 = arith.sitofp %iota3A_674 : vector<1x4096xi32> to vector<1x4096xf32>
    %add3A_676 = arith.constant 8.192000e+03 : f32
    %add3A_677 = vector.broadcast %add3A_676 : f32 to vector<1x4096xf32>
    %add3A_678 = arith.addf %convert_element_type3A_675, %add3A_677 : vector<1x4096xf32>
    %eq3A_679 = vector.broadcast %select_n3A_333 : vector<20x1xf32> to vector<20x4096xf32>
    %eq3A_680 = vector.broadcast %add3A_678 : vector<1x4096xf32> to vector<20x4096xf32>
    %eq3A_681 = arith.cmpf oeq, %eq3A_679, %eq3A_680 : vector<20x4096xf32>
    %jit3A_682 = arith.constant -1.000000e+00 : f32
    %broadcast_in_dim3A_683 = vector.shape_cast %convert_element_type3A_24 : vector<20x1xf32> to vector<20x1xf32>
    %broadcast_in_dim3A_684 = vector.broadcast %broadcast_in_dim3A_683 : vector<20x1xf32> to vector<20x4096xf32>
    %broadcast_in_dim3A_685 = vector.broadcast %jit3A_682 : f32 to vector<20x4096xf32>
    %select_n3A_686 = arith.select %eq3A_681, %broadcast_in_dim3A_684, %broadcast_in_dim3A_685 : vector<20x4096xi1>, vector<20x4096xf32>
    %reduce_max3A_687 = arith.constant dense<0xFF800000> : vector<4096xf32>
    %reduce_max3A_688 = vector.multi_reduction <maximumf>, %select_n3A_686, %reduce_max3A_687 [0] : vector<20x4096xf32> to vector<4096xf32>
    %broadcast_in_dim3A_689 = vector.shape_cast %reduce_max3A_688 : vector<4096xf32> to vector<1x4096xf32>
    %ge3A_690 = arith.constant 0.000000e+00 : f32
    %ge3A_691 = vector.broadcast %ge3A_690 : f32 to vector<1x4096xf32>
    %ge3A_692 = arith.cmpf oge, %broadcast_in_dim3A_689, %ge3A_691 : vector<1x4096xf32>
    %select_n3A_693 = arith.select %ge3A_692, %broadcast_in_dim3A_689, %get3A_673 : vector<1x4096xi1>, vector<1x4096xf32>
    %jit3A_694 = arith.constant 1.000000e+00 : f32
    %broadcast_in_dim3A_695 = vector.broadcast %jit3A_694 : f32 to vector<1x4096xf32>
    %select_n3A_696 = arith.select %ge3A_692, %broadcast_in_dim3A_695, %get3A_670 : vector<1x4096xi1>, vector<1x4096xf32>
    %ge3A_697 = arith.constant 5.000000e-01 : f32
    %ge3A_698 = vector.broadcast %ge3A_697 : f32 to vector<1x4096xf32>
    %ge3A_699 = arith.cmpf oge, %select_n3A_696, %ge3A_698 : vector<1x4096xf32>
    %convert_element_type3A_700 = arith.extui %ge3A_699 : vector<1x4096xi1> to vector<1x4096xi32>
    %convert_element_type3A_701 = arith.sitofp %convert_element_type3A_700 : vector<1x4096xi32> to vector<1x4096xf32>
    %eq3A_702 = vector.broadcast %select_n3A_693 : vector<1x4096xf32> to vector<20x4096xf32>
    %eq3A_703 = vector.broadcast %convert_element_type3A_24 : vector<20x1xf32> to vector<20x4096xf32>
    %eq3A_704 = arith.cmpf oeq, %eq3A_702, %eq3A_703 : vector<20x4096xf32>
    %convert_element_type3A_705 = arith.extui %eq3A_704 : vector<20x4096xi1> to vector<20x4096xi32>
    %convert_element_type3A_706 = arith.sitofp %convert_element_type3A_705 : vector<20x4096xi32> to vector<20x4096xf32>
    %mul3A_707 = vector.broadcast %get3A_23 : vector<20x1xf32> to vector<20x4096xf32>
    %mul3A_708 = arith.mulf %convert_element_type3A_706, %mul3A_707 : vector<20x4096xf32>
    %reduce_sum3A_709 = arith.constant dense<0.000000e+00> : vector<4096xf32>
    %reduce_sum3A_710 = vector.multi_reduction <add>, %mul3A_708, %reduce_sum3A_709 [0] : vector<20x4096xf32> to vector<4096xf32>
    %broadcast_in_dim3A_711 = vector.shape_cast %reduce_sum3A_710 : vector<4096xf32> to vector<1x4096xf32>
    %gt3A_712 = arith.constant 0.000000e+00 : f32
    %gt3A_713 = vector.broadcast %gt3A_712 : f32 to vector<1x4096xf32>
    %gt3A_714 = arith.cmpf ogt, %convert_element_type3A_701, %gt3A_713 : vector<1x4096xf32>
    %jit3A_715 = arith.constant -1.000000e+00 : f32
    %broadcast_in_dim3A_716 = vector.broadcast %jit3A_715 : f32 to vector<1x4096xf32>
    %select_n3A_717 = arith.select %gt3A_714, %broadcast_in_dim3A_711, %broadcast_in_dim3A_716 : vector<1x4096xi1>, vector<1x4096xf32>
    %swap3A_718 = arith.constant 0 : index
    %swap3A_719 = arith.constant 0 : index
    %swap3A_720 = arith.constant 8192 : index
    %swap3A_721 = vector.load %arg7[%swap3A_718, %swap3A_719, %swap3A_720] : memref<1x1x16384xf32, #tpu.memory_space<vmem>>, vector<1x1x4096xf32>
    %swap3A_722 = vector.shape_cast %swap3A_721 : vector<1x1x4096xf32> to vector<1x4096xf32>
    %swap3A_723 = vector.shape_cast %select_n3A_717 : vector<1x4096xf32> to vector<1x1x4096xf32>
    tpu.vector_store %arg7[%swap3A_718, %swap3A_719, %swap3A_720], %swap3A_723 {strides = array<i32>} : memref<1x1x16384xf32, #tpu.memory_space<vmem>>, vector<1x1x4096xf32>,
    %mul3A_724 = vector.broadcast %mul3A_12 : vector<20x1xf32> to vector<20x4096xf32>
    %mul3A_725 = arith.mulf %convert_element_type3A_706, %mul3A_724 : vector<20x4096xf32>
    %reduce_sum3A_726 = arith.constant dense<0.000000e+00> : vector<4096xf32>
    %reduce_sum3A_727 = vector.multi_reduction <add>, %mul3A_725, %reduce_sum3A_726 [0] : vector<20x4096xf32> to vector<4096xf32>
    %broadcast_in_dim3A_728 = vector.shape_cast %reduce_sum3A_727 : vector<4096xf32> to vector<1x4096xf32>
    %mul3A_729 = vector.broadcast %mul3A_16 : vector<20x1xf32> to vector<20x4096xf32>
    %mul3A_730 = arith.mulf %convert_element_type3A_706, %mul3A_729 : vector<20x4096xf32>
    %reduce_sum3A_731 = arith.constant dense<0.000000e+00> : vector<4096xf32>
    %reduce_sum3A_732 = vector.multi_reduction <add>, %mul3A_730, %reduce_sum3A_731 [0] : vector<20x4096xf32> to vector<4096xf32>
    %broadcast_in_dim3A_733 = vector.shape_cast %reduce_sum3A_732 : vector<4096xf32> to vector<1x4096xf32>
    %mul3A_734 = vector.broadcast %sub3A_17 : vector<20x1xf32> to vector<20x4096xf32>
    %mul3A_735 = arith.mulf %convert_element_type3A_706, %mul3A_734 : vector<20x4096xf32>
    %reduce_sum3A_736 = arith.constant dense<0.000000e+00> : vector<4096xf32>
    %reduce_sum3A_737 = vector.multi_reduction <add>, %mul3A_735, %reduce_sum3A_736 [0] : vector<20x4096xf32> to vector<4096xf32>
    %broadcast_in_dim3A_738 = vector.shape_cast %reduce_sum3A_737 : vector<4096xf32> to vector<1x4096xf32>
    %mul3A_739 = vector.broadcast %sub3A_18 : vector<20x1xf32> to vector<20x4096xf32>
    %mul3A_740 = arith.mulf %convert_element_type3A_706, %mul3A_739 : vector<20x4096xf32>
    %reduce_sum3A_741 = arith.constant dense<0.000000e+00> : vector<4096xf32>
    %reduce_sum3A_742 = vector.multi_reduction <add>, %mul3A_740, %reduce_sum3A_741 [0] : vector<20x4096xf32> to vector<4096xf32>
    %broadcast_in_dim3A_743 = vector.shape_cast %reduce_sum3A_742 : vector<4096xf32> to vector<1x4096xf32>
    %get3A_744 = arith.constant 0 : index
    %get3A_745 = arith.constant 8192 : index
    %get3A_746 = vector.load %arg3[%get3A_744, %get3A_745] : memref<4x16384xf32, #tpu.memory_space<vmem>>, vector<1x4096xf32>
    %get3A_747 = arith.constant 1 : index
    %get3A_748 = arith.constant 8192 : index
    %get3A_749 = vector.load %arg3[%get3A_747, %get3A_748] : memref<4x16384xf32, #tpu.memory_space<vmem>>, vector<1x4096xf32>
    %get3A_750 = arith.constant 2 : index
    %get3A_751 = arith.constant 8192 : index
    %get3A_752 = vector.load %arg3[%get3A_750, %get3A_751] : memref<4x16384xf32, #tpu.memory_space<vmem>>, vector<1x4096xf32>
    %get3A_753 = arith.constant 3 : index
    %get3A_754 = arith.constant 8192 : index
    %get3A_755 = vector.load %arg3[%get3A_753, %get3A_754] : memref<4x16384xf32, #tpu.memory_space<vmem>>, vector<1x4096xf32>
    %add3A_756 = arith.addf %get3A_746, %get3A_752 : vector<1x4096xf32>
    %mul3A_757 = arith.constant 5.000000e-01 : f32
    %mul3A_758 = vector.broadcast %mul3A_757 : f32 to vector<1x4096xf32>
    %mul3A_759 = arith.mulf %add3A_756, %mul3A_758 : vector<1x4096xf32>
    %add3A_760 = arith.addf %get3A_749, %get3A_755 : vector<1x4096xf32>
    %mul3A_761 = arith.constant 5.000000e-01 : f32
    %mul3A_762 = vector.broadcast %mul3A_761 : f32 to vector<1x4096xf32>
    %mul3A_763 = arith.mulf %add3A_760, %mul3A_762 : vector<1x4096xf32>
    %sub3A_764 = arith.subf %get3A_752, %get3A_746 : vector<1x4096xf32>
    %sub3A_765 = arith.subf %get3A_755, %get3A_749 : vector<1x4096xf32>
    %sub3A_766 = arith.subf %broadcast_in_dim3A_728, %mul3A_759 : vector<1x4096xf32>
    %mul3A_767 = arith.constant 1.000000e-01 : f32
    %mul3A_768 = vector.broadcast %mul3A_767 : f32 to vector<1x4096xf32>
    %mul3A_769 = arith.mulf %sub3A_764, %mul3A_768 : vector<1x4096xf32>
    %div3A_770 = arith.divf %sub3A_766, %mul3A_769 : vector<1x4096xf32>
    %sub3A_771 = arith.subf %broadcast_in_dim3A_733, %mul3A_763 : vector<1x4096xf32>
    %mul3A_772 = arith.constant 1.000000e-01 : f32
    %mul3A_773 = vector.broadcast %mul3A_772 : f32 to vector<1x4096xf32>
    %mul3A_774 = arith.mulf %sub3A_765, %mul3A_773 : vector<1x4096xf32>
    %div3A_775 = arith.divf %sub3A_771, %mul3A_774 : vector<1x4096xf32>
    %div3A_776 = arith.divf %broadcast_in_dim3A_738, %sub3A_764 : vector<1x4096xf32>
    %log3A_777 = math.log %div3A_776 : vector<1x4096xf32>
    %mul3A_778 = arith.constant 5.000000e+00 : f32
    %mul3A_779 = vector.broadcast %mul3A_778 : f32 to vector<1x4096xf32>
    %mul3A_780 = arith.mulf %log3A_777, %mul3A_779 : vector<1x4096xf32>
    %div3A_781 = arith.divf %broadcast_in_dim3A_743, %sub3A_765 : vector<1x4096xf32>
    %log3A_782 = math.log %div3A_781 : vector<1x4096xf32>
    %mul3A_783 = arith.constant 5.000000e+00 : f32
    %mul3A_784 = vector.broadcast %mul3A_783 : f32 to vector<1x4096xf32>
    %mul3A_785 = arith.mulf %log3A_782, %mul3A_784 : vector<1x4096xf32>
    %concatenate3A_786 = tpu.concatenate %div3A_770, %div3A_775, %mul3A_780, %mul3A_785 in 0 : vector<1x4096xf32>, vector<1x4096xf32>, vector<1x4096xf32>, vector<1x4096xf32> -> vector<4x4096xf32>
    %slice3A_787 = vector.extract_strided_slice %get3A_338 {offsets = [0, 8192], sizes = [4, 4096], strides = [1, 1]} : vector<4x16384xf32> to vector<4x4096xf32>
    %sub3A_788 = arith.subf %slice3A_787, %concatenate3A_786 : vector<4x4096xf32>
    %abs3A_789 = math.absf %sub3A_788 : vector<4x4096xf32>
    %lt3A_790 = arith.constant 1.000000e+00 : f32
    %lt3A_791 = vector.broadcast %lt3A_790 : f32 to vector<4x4096xf32>
    %lt3A_792 = arith.cmpf olt, %abs3A_789, %lt3A_791 : vector<4x4096xf32>
    %mul3A_793 = arith.constant 5.000000e-01 : f32
    %mul3A_794 = vector.broadcast %mul3A_793 : f32 to vector<4x4096xf32>
    %mul3A_795 = arith.mulf %mul3A_794, %sub3A_788 : vector<4x4096xf32>
    %mul3A_796 = arith.mulf %mul3A_795, %sub3A_788 : vector<4x4096xf32>
    %sub3A_797 = arith.constant 5.000000e-01 : f32
    %sub3A_798 = vector.broadcast %sub3A_797 : f32 to vector<4x4096xf32>
    %sub3A_799 = arith.subf %abs3A_789, %sub3A_798 : vector<4x4096xf32>
    %select_n3A_800 = arith.select %lt3A_792, %mul3A_796, %sub3A_799 : vector<4x4096xi1>, vector<4x4096xf32>
    %mul3A_801 = vector.broadcast %convert_element_type3A_701 : vector<1x4096xf32> to vector<4x4096xf32>
    %mul3A_802 = arith.mulf %select_n3A_800, %mul3A_801 : vector<4x4096xf32>
    %reduce_sum3A_803 = vector.shape_cast %mul3A_802 : vector<4x4096xf32> to vector<1x4x4096xf32>
    %reduce_sum3A_804 = arith.constant dense<0.000000e+00> : vector<1xf32>
    %reduce_sum3A_805 = vector.multi_reduction <add>, %reduce_sum3A_803, %reduce_sum3A_804 [1, 2] : vector<1x4x4096xf32> to vector<1xf32>
    %reduce_sum3A_806 = vector.shape_cast %reduce_sum3A_805 : vector<1xf32> to vector<1x1x1xf32>
    %reduce_sum3A_807 = vector.extract %reduce_sum3A_806[0, 0, 0] : f32 from vector<1x1x1xf32>
    %add3A_808 = arith.addf %add3A_641, %reduce_sum3A_807 : f32
    %get3A_809 = arith.constant 0 : index
    %get3A_810 = arith.constant 0 : index
    %get3A_811 = arith.constant 8192 : index
    %get3A_812 = vector.load %arg5[%get3A_809, %get3A_810, %get3A_811] : memref<1x1x16384xf32, #tpu.memory_space<vmem>>, vector<1x1x4096xf32>
    %get3A_813 = vector.shape_cast %get3A_812 : vector<1x1x4096xf32> to vector<1x4096xf32>
    %sub3A_814 = arith.subf %get3A_813, %convert_element_type3A_701 : vector<1x4096xf32>
    %integer_pow3A_815 = arith.mulf %sub3A_814, %sub3A_814 : vector<1x4096xf32>
    %mul3A_816 = arith.mulf %integer_pow3A_815, %convert_element_type3A_701 : vector<1x4096xf32>
    %reduce_sum3A_817 = vector.shape_cast %mul3A_816 : vector<1x4096xf32> to vector<1x1x4096xf32>
    %reduce_sum3A_818 = arith.constant dense<0.000000e+00> : vector<1xf32>
    %reduce_sum3A_819 = vector.multi_reduction <add>, %reduce_sum3A_817, %reduce_sum3A_818 [1, 2] : vector<1x1x4096xf32> to vector<1xf32>
    %reduce_sum3A_820 = vector.shape_cast %reduce_sum3A_819 : vector<1xf32> to vector<1x1x1xf32>
    %reduce_sum3A_821 = vector.extract %reduce_sum3A_820[0, 0, 0] : f32 from vector<1x1x1xf32>
    %add3A_822 = arith.addf %add3A_655, %reduce_sum3A_821 : f32
    %gt3A_823 = arith.constant 0.000000e+00 : f32
    %gt3A_824 = vector.broadcast %gt3A_823 : f32 to vector<1x4096xf32>
    %gt3A_825 = arith.cmpf ogt, %convert_element_type3A_701, %gt3A_824 : vector<1x4096xf32>
    %jit3A_826 = arith.constant 0.000000e+00 : f32
    %broadcast_in_dim3A_827 = vector.broadcast %jit3A_826 : f32 to vector<1x4096xf32>
    %select_n3A_828 = arith.select %gt3A_825, %broadcast_in_dim3A_827, %integer_pow3A_815 : vector<1x4096xi1>, vector<1x4096xf32>
    %swap3A_829 = arith.index_cast %arg0 : i32 to index
    %swap3A_830 = arith.constant 8192 : index
    %swap3A_831 = vector.load %arg10[%swap3A_829, %swap3A_830] : memref<16x16384xf32, #tpu.memory_space<vmem>>, vector<1x4096xf32>
    tpu.vector_store %arg10[%swap3A_829, %swap3A_830], %select_n3A_828 {strides = array<i32>} : memref<16x16384xf32, #tpu.memory_space<vmem>>, vector<1x4096xf32>,
    %swap3A_832 = arith.index_cast %arg0 : i32 to index
    %swap3A_833 = arith.constant 8192 : index
    %swap3A_834 = vector.load %arg11[%swap3A_832, %swap3A_833] : memref<16x16384xf32, #tpu.memory_space<vmem>>, vector<1x4096xf32>
    tpu.vector_store %arg11[%swap3A_832, %swap3A_833], %convert_element_type3A_701 {strides = array<i32>} : memref<16x16384xf32, #tpu.memory_space<vmem>>, vector<1x4096xf32>,
    %get3A_835 = arith.constant 0 : index
    %get3A_836 = arith.constant 12288 : index
    %get3A_837 = vector.load %arg8[%get3A_835, %get3A_836] : memref<1x16384xf32, #tpu.memory_space<vmem>>, vector<1x4096xf32>
    %get3A_838 = arith.constant 0 : index
    %get3A_839 = arith.constant 12288 : index
    %get3A_840 = vector.load %arg9[%get3A_838, %get3A_839] : memref<1x16384xf32, #tpu.memory_space<vmem>>, vector<1x4096xf32>
    %iota3A_841 = tpu.iota {dimensions = array<i32: 1>} : vector<1x4096xi32>
    %convert_element_type3A_842 = arith.sitofp %iota3A_841 : vector<1x4096xi32> to vector<1x4096xf32>
    %add3A_843 = arith.constant 1.228800e+04 : f32
    %add3A_844 = vector.broadcast %add3A_843 : f32 to vector<1x4096xf32>
    %add3A_845 = arith.addf %convert_element_type3A_842, %add3A_844 : vector<1x4096xf32>
    %eq3A_846 = vector.broadcast %select_n3A_333 : vector<20x1xf32> to vector<20x4096xf32>
    %eq3A_847 = vector.broadcast %add3A_845 : vector<1x4096xf32> to vector<20x4096xf32>
    %eq3A_848 = arith.cmpf oeq, %eq3A_846, %eq3A_847 : vector<20x4096xf32>
    %jit3A_849 = arith.constant -1.000000e+00 : f32
    %broadcast_in_dim3A_850 = vector.shape_cast %convert_element_type3A_24 : vector<20x1xf32> to vector<20x1xf32>
    %broadcast_in_dim3A_851 = vector.broadcast %broadcast_in_dim3A_850 : vector<20x1xf32> to vector<20x4096xf32>
    %broadcast_in_dim3A_852 = vector.broadcast %jit3A_849 : f32 to vector<20x4096xf32>
    %select_n3A_853 = arith.select %eq3A_848, %broadcast_in_dim3A_851, %broadcast_in_dim3A_852 : vector<20x4096xi1>, vector<20x4096xf32>
    %reduce_max3A_854 = arith.constant dense<0xFF800000> : vector<4096xf32>
    %reduce_max3A_855 = vector.multi_reduction <maximumf>, %select_n3A_853, %reduce_max3A_854 [0] : vector<20x4096xf32> to vector<4096xf32>
    %broadcast_in_dim3A_856 = vector.shape_cast %reduce_max3A_855 : vector<4096xf32> to vector<1x4096xf32>
    %ge3A_857 = arith.constant 0.000000e+00 : f32
    %ge3A_858 = vector.broadcast %ge3A_857 : f32 to vector<1x4096xf32>
    %ge3A_859 = arith.cmpf oge, %broadcast_in_dim3A_856, %ge3A_858 : vector<1x4096xf32>
    %select_n3A_860 = arith.select %ge3A_859, %broadcast_in_dim3A_856, %get3A_840 : vector<1x4096xi1>, vector<1x4096xf32>
    %jit3A_861 = arith.constant 1.000000e+00 : f32
    %broadcast_in_dim3A_862 = vector.broadcast %jit3A_861 : f32 to vector<1x4096xf32>
    %select_n3A_863 = arith.select %ge3A_859, %broadcast_in_dim3A_862, %get3A_837 : vector<1x4096xi1>, vector<1x4096xf32>
    %ge3A_864 = arith.constant 5.000000e-01 : f32
    %ge3A_865 = vector.broadcast %ge3A_864 : f32 to vector<1x4096xf32>
    %ge3A_866 = arith.cmpf oge, %select_n3A_863, %ge3A_865 : vector<1x4096xf32>
    %convert_element_type3A_867 = arith.extui %ge3A_866 : vector<1x4096xi1> to vector<1x4096xi32>
    %convert_element_type3A_868 = arith.sitofp %convert_element_type3A_867 : vector<1x4096xi32> to vector<1x4096xf32>
    %eq3A_869 = vector.broadcast %select_n3A_860 : vector<1x4096xf32> to vector<20x4096xf32>
    %eq3A_870 = vector.broadcast %convert_element_type3A_24 : vector<20x1xf32> to vector<20x4096xf32>
    %eq3A_871 = arith.cmpf oeq, %eq3A_869, %eq3A_870 : vector<20x4096xf32>
    %convert_element_type3A_872 = arith.extui %eq3A_871 : vector<20x4096xi1> to vector<20x4096xi32>
    %convert_element_type3A_873 = arith.sitofp %convert_element_type3A_872 : vector<20x4096xi32> to vector<20x4096xf32>
    %mul3A_874 = vector.broadcast %get3A_23 : vector<20x1xf32> to vector<20x4096xf32>
    %mul3A_875 = arith.mulf %convert_element_type3A_873, %mul3A_874 : vector<20x4096xf32>
    %reduce_sum3A_876 = arith.constant dense<0.000000e+00> : vector<4096xf32>
    %reduce_sum3A_877 = vector.multi_reduction <add>, %mul3A_875, %reduce_sum3A_876 [0] : vector<20x4096xf32> to vector<4096xf32>
    %broadcast_in_dim3A_878 = vector.shape_cast %reduce_sum3A_877 : vector<4096xf32> to vector<1x4096xf32>
    %gt3A_879 = arith.constant 0.000000e+00 : f32
    %gt3A_880 = vector.broadcast %gt3A_879 : f32 to vector<1x4096xf32>
    %gt3A_881 = arith.cmpf ogt, %convert_element_type3A_868, %gt3A_880 : vector<1x4096xf32>
    %jit3A_882 = arith.constant -1.000000e+00 : f32
    %broadcast_in_dim3A_883 = vector.broadcast %jit3A_882 : f32 to vector<1x4096xf32>
    %select_n3A_884 = arith.select %gt3A_881, %broadcast_in_dim3A_878, %broadcast_in_dim3A_883 : vector<1x4096xi1>, vector<1x4096xf32>
    %swap3A_885 = arith.constant 0 : index
    %swap3A_886 = arith.constant 0 : index
    %swap3A_887 = arith.constant 12288 : index
    %swap3A_888 = vector.load %arg7[%swap3A_885, %swap3A_886, %swap3A_887] : memref<1x1x16384xf32, #tpu.memory_space<vmem>>, vector<1x1x4096xf32>
    %swap3A_889 = vector.shape_cast %swap3A_888 : vector<1x1x4096xf32> to vector<1x4096xf32>
    %swap3A_890 = vector.shape_cast %select_n3A_884 : vector<1x4096xf32> to vector<1x1x4096xf32>
    tpu.vector_store %arg7[%swap3A_885, %swap3A_886, %swap3A_887], %swap3A_890 {strides = array<i32>} : memref<1x1x16384xf32, #tpu.memory_space<vmem>>, vector<1x1x4096xf32>,
    %mul3A_891 = vector.broadcast %mul3A_12 : vector<20x1xf32> to vector<20x4096xf32>
    %mul3A_892 = arith.mulf %convert_element_type3A_873, %mul3A_891 : vector<20x4096xf32>
    %reduce_sum3A_893 = arith.constant dense<0.000000e+00> : vector<4096xf32>
    %reduce_sum3A_894 = vector.multi_reduction <add>, %mul3A_892, %reduce_sum3A_893 [0] : vector<20x4096xf32> to vector<4096xf32>
    %broadcast_in_dim3A_895 = vector.shape_cast %reduce_sum3A_894 : vector<4096xf32> to vector<1x4096xf32>
    %mul3A_896 = vector.broadcast %mul3A_16 : vector<20x1xf32> to vector<20x4096xf32>
    %mul3A_897 = arith.mulf %convert_element_type3A_873, %mul3A_896 : vector<20x4096xf32>
    %reduce_sum3A_898 = arith.constant dense<0.000000e+00> : vector<4096xf32>
    %reduce_sum3A_899 = vector.multi_reduction <add>, %mul3A_897, %reduce_sum3A_898 [0] : vector<20x4096xf32> to vector<4096xf32>
    %broadcast_in_dim3A_900 = vector.shape_cast %reduce_sum3A_899 : vector<4096xf32> to vector<1x4096xf32>
    %mul3A_901 = vector.broadcast %sub3A_17 : vector<20x1xf32> to vector<20x4096xf32>
    %mul3A_902 = arith.mulf %convert_element_type3A_873, %mul3A_901 : vector<20x4096xf32>
    %reduce_sum3A_903 = arith.constant dense<0.000000e+00> : vector<4096xf32>
    %reduce_sum3A_904 = vector.multi_reduction <add>, %mul3A_902, %reduce_sum3A_903 [0] : vector<20x4096xf32> to vector<4096xf32>
    %broadcast_in_dim3A_905 = vector.shape_cast %reduce_sum3A_904 : vector<4096xf32> to vector<1x4096xf32>
    %mul3A_906 = vector.broadcast %sub3A_18 : vector<20x1xf32> to vector<20x4096xf32>
    %mul3A_907 = arith.mulf %convert_element_type3A_873, %mul3A_906 : vector<20x4096xf32>
    %reduce_sum3A_908 = arith.constant dense<0.000000e+00> : vector<4096xf32>
    %reduce_sum3A_909 = vector.multi_reduction <add>, %mul3A_907, %reduce_sum3A_908 [0] : vector<20x4096xf32> to vector<4096xf32>
    %broadcast_in_dim3A_910 = vector.shape_cast %reduce_sum3A_909 : vector<4096xf32> to vector<1x4096xf32>
    %get3A_911 = arith.constant 0 : index
    %get3A_912 = arith.constant 12288 : index
    %get3A_913 = vector.load %arg3[%get3A_911, %get3A_912] : memref<4x16384xf32, #tpu.memory_space<vmem>>, vector<1x4096xf32>
    %get3A_914 = arith.constant 1 : index
    %get3A_915 = arith.constant 12288 : index
    %get3A_916 = vector.load %arg3[%get3A_914, %get3A_915] : memref<4x16384xf32, #tpu.memory_space<vmem>>, vector<1x4096xf32>
    %get3A_917 = arith.constant 2 : index
    %get3A_918 = arith.constant 12288 : index
    %get3A_919 = vector.load %arg3[%get3A_917, %get3A_918] : memref<4x16384xf32, #tpu.memory_space<vmem>>, vector<1x4096xf32>
    %get3A_920 = arith.constant 3 : index
    %get3A_921 = arith.constant 12288 : index
    %get3A_922 = vector.load %arg3[%get3A_920, %get3A_921] : memref<4x16384xf32, #tpu.memory_space<vmem>>, vector<1x4096xf32>
    %add3A_923 = arith.addf %get3A_913, %get3A_919 : vector<1x4096xf32>
    %mul3A_924 = arith.constant 5.000000e-01 : f32
    %mul3A_925 = vector.broadcast %mul3A_924 : f32 to vector<1x4096xf32>
    %mul3A_926 = arith.mulf %add3A_923, %mul3A_925 : vector<1x4096xf32>
    %add3A_927 = arith.addf %get3A_916, %get3A_922 : vector<1x4096xf32>
    %mul3A_928 = arith.constant 5.000000e-01 : f32
    %mul3A_929 = vector.broadcast %mul3A_928 : f32 to vector<1x4096xf32>
    %mul3A_930 = arith.mulf %add3A_927, %mul3A_929 : vector<1x4096xf32>
    %sub3A_931 = arith.subf %get3A_919, %get3A_913 : vector<1x4096xf32>
    %sub3A_932 = arith.subf %get3A_922, %get3A_916 : vector<1x4096xf32>
    %sub3A_933 = arith.subf %broadcast_in_dim3A_895, %mul3A_926 : vector<1x4096xf32>
    %mul3A_934 = arith.constant 1.000000e-01 : f32
    %mul3A_935 = vector.broadcast %mul3A_934 : f32 to vector<1x4096xf32>
    %mul3A_936 = arith.mulf %sub3A_931, %mul3A_935 : vector<1x4096xf32>
    %div3A_937 = arith.divf %sub3A_933, %mul3A_936 : vector<1x4096xf32>
    %sub3A_938 = arith.subf %broadcast_in_dim3A_900, %mul3A_930 : vector<1x4096xf32>
    %mul3A_939 = arith.constant 1.000000e-01 : f32
    %mul3A_940 = vector.broadcast %mul3A_939 : f32 to vector<1x4096xf32>
    %mul3A_941 = arith.mulf %sub3A_932, %mul3A_940 : vector<1x4096xf32>
    %div3A_942 = arith.divf %sub3A_938, %mul3A_941 : vector<1x4096xf32>
    %div3A_943 = arith.divf %broadcast_in_dim3A_905, %sub3A_931 : vector<1x4096xf32>
    %log3A_944 = math.log %div3A_943 : vector<1x4096xf32>
    %mul3A_945 = arith.constant 5.000000e+00 : f32
    %mul3A_946 = vector.broadcast %mul3A_945 : f32 to vector<1x4096xf32>
    %mul3A_947 = arith.mulf %log3A_944, %mul3A_946 : vector<1x4096xf32>
    %div3A_948 = arith.divf %broadcast_in_dim3A_910, %sub3A_932 : vector<1x4096xf32>
    %log3A_949 = math.log %div3A_948 : vector<1x4096xf32>
    %mul3A_950 = arith.constant 5.000000e+00 : f32
    %mul3A_951 = vector.broadcast %mul3A_950 : f32 to vector<1x4096xf32>
    %mul3A_952 = arith.mulf %log3A_949, %mul3A_951 : vector<1x4096xf32>
    %concatenate3A_953 = tpu.concatenate %div3A_937, %div3A_942, %mul3A_947, %mul3A_952 in 0 : vector<1x4096xf32>, vector<1x4096xf32>, vector<1x4096xf32>, vector<1x4096xf32> -> vector<4x4096xf32>
    %slice3A_954 = vector.extract_strided_slice %get3A_338 {offsets = [0, 12288], sizes = [4, 4096], strides = [1, 1]} : vector<4x16384xf32> to vector<4x4096xf32>
    %sub3A_955 = arith.subf %slice3A_954, %concatenate3A_953 : vector<4x4096xf32>
    %abs3A_956 = math.absf %sub3A_955 : vector<4x4096xf32>
    %lt3A_957 = arith.constant 1.000000e+00 : f32
    %lt3A_958 = vector.broadcast %lt3A_957 : f32 to vector<4x4096xf32>
    %lt3A_959 = arith.cmpf olt, %abs3A_956, %lt3A_958 : vector<4x4096xf32>
    %mul3A_960 = arith.constant 5.000000e-01 : f32
    %mul3A_961 = vector.broadcast %mul3A_960 : f32 to vector<4x4096xf32>
    %mul3A_962 = arith.mulf %mul3A_961, %sub3A_955 : vector<4x4096xf32>
    %mul3A_963 = arith.mulf %mul3A_962, %sub3A_955 : vector<4x4096xf32>
    %sub3A_964 = arith.constant 5.000000e-01 : f32
    %sub3A_965 = vector.broadcast %sub3A_964 : f32 to vector<4x4096xf32>
    %sub3A_966 = arith.subf %abs3A_956, %sub3A_965 : vector<4x4096xf32>
    %select_n3A_967 = arith.select %lt3A_959, %mul3A_963, %sub3A_966 : vector<4x4096xi1>, vector<4x4096xf32>
    %mul3A_968 = vector.broadcast %convert_element_type3A_868 : vector<1x4096xf32> to vector<4x4096xf32>
    %mul3A_969 = arith.mulf %select_n3A_967, %mul3A_968 : vector<4x4096xf32>
    %reduce_sum3A_970 = vector.shape_cast %mul3A_969 : vector<4x4096xf32> to vector<1x4x4096xf32>
    %reduce_sum3A_971 = arith.constant dense<0.000000e+00> : vector<1xf32>
    %reduce_sum3A_972 = vector.multi_reduction <add>, %reduce_sum3A_970, %reduce_sum3A_971 [1, 2] : vector<1x4x4096xf32> to vector<1xf32>
    %reduce_sum3A_973 = vector.shape_cast %reduce_sum3A_972 : vector<1xf32> to vector<1x1x1xf32>
    %reduce_sum3A_974 = vector.extract %reduce_sum3A_973[0, 0, 0] : f32 from vector<1x1x1xf32>
    %add3A_975 = arith.addf %add3A_808, %reduce_sum3A_974 : f32
    %get3A_976 = arith.constant 0 : index
    %get3A_977 = arith.constant 0 : index
    %get3A_978 = arith.constant 12288 : index
    %get3A_979 = vector.load %arg5[%get3A_976, %get3A_977, %get3A_978] : memref<1x1x16384xf32, #tpu.memory_space<vmem>>, vector<1x1x4096xf32>
    %get3A_980 = vector.shape_cast %get3A_979 : vector<1x1x4096xf32> to vector<1x4096xf32>
    %sub3A_981 = arith.subf %get3A_980, %convert_element_type3A_868 : vector<1x4096xf32>
    %integer_pow3A_982 = arith.mulf %sub3A_981, %sub3A_981 : vector<1x4096xf32>
    %mul3A_983 = arith.mulf %integer_pow3A_982, %convert_element_type3A_868 : vector<1x4096xf32>
    %reduce_sum3A_984 = vector.shape_cast %mul3A_983 : vector<1x4096xf32> to vector<1x1x4096xf32>
    %reduce_sum3A_985 = arith.constant dense<0.000000e+00> : vector<1xf32>
    %reduce_sum3A_986 = vector.multi_reduction <add>, %reduce_sum3A_984, %reduce_sum3A_985 [1, 2] : vector<1x1x4096xf32> to vector<1xf32>
    %reduce_sum3A_987 = vector.shape_cast %reduce_sum3A_986 : vector<1xf32> to vector<1x1x1xf32>
    %reduce_sum3A_988 = vector.extract %reduce_sum3A_987[0, 0, 0] : f32 from vector<1x1x1xf32>
    %add3A_989 = arith.addf %add3A_822, %reduce_sum3A_988 : f32
    %gt3A_990 = arith.constant 0.000000e+00 : f32
    %gt3A_991 = vector.broadcast %gt3A_990 : f32 to vector<1x4096xf32>
    %gt3A_992 = arith.cmpf ogt, %convert_element_type3A_868, %gt3A_991 : vector<1x4096xf32>
    %jit3A_993 = arith.constant 0.000000e+00 : f32
    %broadcast_in_dim3A_994 = vector.broadcast %jit3A_993 : f32 to vector<1x4096xf32>
    %select_n3A_995 = arith.select %gt3A_992, %broadcast_in_dim3A_994, %integer_pow3A_982 : vector<1x4096xi1>, vector<1x4096xf32>
    %swap3A_996 = arith.index_cast %arg0 : i32 to index
    %swap3A_997 = arith.constant 12288 : index
    %swap3A_998 = vector.load %arg10[%swap3A_996, %swap3A_997] : memref<16x16384xf32, #tpu.memory_space<vmem>>, vector<1x4096xf32>
    tpu.vector_store %arg10[%swap3A_996, %swap3A_997], %select_n3A_995 {strides = array<i32>} : memref<16x16384xf32, #tpu.memory_space<vmem>>, vector<1x4096xf32>,
    %swap3A_999 = arith.index_cast %arg0 : i32 to index
    %swap3A_1000 = arith.constant 12288 : index
    %swap3A_1001 = vector.load %arg11[%swap3A_999, %swap3A_1000] : memref<16x16384xf32, #tpu.memory_space<vmem>>, vector<1x4096xf32>
    tpu.vector_store %arg11[%swap3A_999, %swap3A_1000], %convert_element_type3A_868 {strides = array<i32>} : memref<16x16384xf32, #tpu.memory_space<vmem>>, vector<1x4096xf32>,
    %get3A_1002 = arith.constant 0 : index
    %get3A_1003 = memref.load %arg12[%get3A_1002] : memref<4xf32, #tpu.memory_space<smem>>
    %add3A_1004 = arith.addf %get3A_1003, %add3A_975 : f32
    %swap3A_1005 = arith.constant 0 : index
    %swap3A_1006 = memref.load %arg12[%swap3A_1005] : memref<4xf32, #tpu.memory_space<smem>>
    memref.store %add3A_1004, %arg12[%swap3A_1005] : memref<4xf32, #tpu.memory_space<smem>>
    %get3A_1007 = arith.constant 1 : index
    %get3A_1008 = memref.load %arg12[%get3A_1007] : memref<4xf32, #tpu.memory_space<smem>>
    %add3A_1009 = arith.addf %get3A_1008, %add3A_989 : f32
    %swap3A_1010 = arith.constant 1 : index
    %swap3A_1011 = memref.load %arg12[%swap3A_1010] : memref<4xf32, #tpu.memory_space<smem>>
    memref.store %add3A_1009, %arg12[%swap3A_1010] : memref<4xf32, #tpu.memory_space<smem>>
    %eq3A_1012 = arith.constant 15 : i32
    %eq3A_1013 = arith.cmpi eq, %arg0, %eq3A_1012 : i32
    %convert_element_type3A_1014 = arith.extui %eq3A_1013 : i1 to i32
    %cond3A_1015 = arith.constant 0 : i32
    %cond3A_1016 = arith.cmpi ne, %convert_element_type3A_1014, %cond3A_1015 : i32
    scf.if %cond3A_1016 {
      %get3A_1017 = arith.constant 0 : index
      %get3A_1018 = arith.constant 0 : index
      %get3A_1019 = vector.load %arg10[%get3A_1017, %get3A_1018] : memref<16x16384xf32, #tpu.memory_space<vmem>>, vector<16x16384xf32>
      %get3A_1020 = arith.constant 0 : index
      %get3A_1021 = arith.constant 0 : index
      %get3A_1022 = vector.load %arg11[%get3A_1020, %get3A_1021] : memref<16x16384xf32, #tpu.memory_space<vmem>>, vector<16x16384xf32>
      %reduce_sum3A_1023 = arith.constant dense<0.000000e+00> : vector<16xf32>
      %reduce_sum3A_1024 = vector.multi_reduction <add>, %get3A_1022, %reduce_sum3A_1023 [1] : vector<16x16384xf32> to vector<16xf32>
      %broadcast_in_dim3A_1025 = vector.shape_cast %reduce_sum3A_1024 : vector<16xf32> to vector<16x1xf32>
      %mul3A_1026 = arith.constant 3.000000e+00 : f32
      %mul3A_1027 = vector.broadcast %mul3A_1026 : f32 to vector<16x1xf32>
      %mul3A_1028 = arith.mulf %mul3A_1027, %broadcast_in_dim3A_1025 : vector<16x1xf32>
      %min3A_1029 = arith.constant 1.638400e+04 : f32
      %min3A_1030 = vector.broadcast %min3A_1029 : f32 to vector<16x1xf32>
      %min3A_1031 = arith.minimumf %mul3A_1028, %min3A_1030 : vector<16x1xf32>
      %bitcast_convert_type3A = tpu.bitcast %get3A_1019 : vector<16x16384xf32> -> vector<16x16384xi32>
      %broadcast_in_dim3A_1032 = arith.constant 0 : i32
      %broadcast_in_dim3A_1033 = vector.broadcast %broadcast_in_dim3A_1032 : i32 to vector<16x1xi32>
      %reduce_max3A_1034 = arith.constant dense<-2147483648> : vector<16xi32>
      %reduce_max3A_1035 = vector.multi_reduction <maxsi>, %bitcast_convert_type3A, %reduce_max3A_1034 [1] : vector<16x16384xi32> to vector<16xi32>
      %broadcast_in_dim3A_1036 = vector.shape_cast %reduce_max3A_1035 : vector<16xi32> to vector<16x1xi32>
      %sub3A_1037 = arith.subi %broadcast_in_dim3A_1036, %broadcast_in_dim3A_1033 : vector<16x1xi32>
      %add3A_1038 = arith.constant 1 : i32
      %add3A_1039 = vector.broadcast %add3A_1038 : i32 to vector<16x1xi32>
      %add3A_1040 = arith.addi %sub3A_1037, %add3A_1039 : vector<16x1xi32>
      %div3A_1041 = arith.constant 2 : i32
      %div3A_1042 = vector.broadcast %div3A_1041 : i32 to vector<16x1xi32>
      %div3A_1043 = arith.divsi %add3A_1040, %div3A_1042 : vector<16x1xi32>
      %add3A_1044 = arith.addi %broadcast_in_dim3A_1033, %div3A_1043 : vector<16x1xi32>
      %ge3A_1045 = vector.broadcast %add3A_1044 : vector<16x1xi32> to vector<16x16384xi32>
      %ge3A_1046 = arith.cmpi sge, %bitcast_convert_type3A, %ge3A_1045 : vector<16x16384xi32>
      %convert_element_type3A_1047 = arith.extui %ge3A_1046 : vector<16x16384xi1> to vector<16x16384xi32>
      %convert_element_type3A_1048 = arith.sitofp %convert_element_type3A_1047 : vector<16x16384xi32> to vector<16x16384xf32>
      %reduce_sum3A_1049 = arith.constant dense<0.000000e+00> : vector<16xf32>
      %reduce_sum3A_1050 = vector.multi_reduction <add>, %convert_element_type3A_1048, %reduce_sum3A_1049 [1] : vector<16x16384xf32> to vector<16xf32>
      %broadcast_in_dim3A_1051 = vector.shape_cast %reduce_sum3A_1050 : vector<16xf32> to vector<16x1xf32>
      %ge3A_1052 = arith.cmpf oge, %broadcast_in_dim3A_1051, %min3A_1031 : vector<16x1xf32>
      %select_n3A_1053 = arith.select %ge3A_1052, %add3A_1044, %broadcast_in_dim3A_1033 : vector<16x1xi1>, vector<16x1xi32>
      %sub3A_1054 = arith.constant 1 : i32
      %sub3A_1055 = vector.broadcast %sub3A_1054 : i32 to vector<16x1xi32>
      %sub3A_1056 = arith.subi %add3A_1044, %sub3A_1055 : vector<16x1xi32>
      %select_n3A_1057 = arith.select %ge3A_1052, %broadcast_in_dim3A_1036, %sub3A_1056 : vector<16x1xi1>, vector<16x1xi32>
      %sub3A_1058 = arith.subi %select_n3A_1057, %select_n3A_1053 : vector<16x1xi32>
      %add3A_1059 = arith.constant 1 : i32
      %add3A_1060 = vector.broadcast %add3A_1059 : i32 to vector<16x1xi32>
      %add3A_1061 = arith.addi %sub3A_1058, %add3A_1060 : vector<16x1xi32>
      %div3A_1062 = arith.constant 2 : i32
      %div3A_1063 = vector.broadcast %div3A_1062 : i32 to vector<16x1xi32>
      %div3A_1064 = arith.divsi %add3A_1061, %div3A_1063 : vector<16x1xi32>
      %add3A_1065 = arith.addi %select_n3A_1053, %div3A_1064 : vector<16x1xi32>
      %ge3A_1066 = vector.broadcast %add3A_1065 : vector<16x1xi32> to vector<16x16384xi32>
      %ge3A_1067 = arith.cmpi sge, %bitcast_convert_type3A, %ge3A_1066 : vector<16x16384xi32>
      %convert_element_type3A_1068 = arith.extui %ge3A_1067 : vector<16x16384xi1> to vector<16x16384xi32>
      %convert_element_type3A_1069 = arith.sitofp %convert_element_type3A_1068 : vector<16x16384xi32> to vector<16x16384xf32>
      %reduce_sum3A_1070 = arith.constant dense<0.000000e+00> : vector<16xf32>
      %reduce_sum3A_1071 = vector.multi_reduction <add>, %convert_element_type3A_1069, %reduce_sum3A_1070 [1] : vector<16x16384xf32> to vector<16xf32>
      %broadcast_in_dim3A_1072 = vector.shape_cast %reduce_sum3A_1071 : vector<16xf32> to vector<16x1xf32>
      %ge3A_1073 = arith.cmpf oge, %broadcast_in_dim3A_1072, %min3A_1031 : vector<16x1xf32>
      %select_n3A_1074 = arith.select %ge3A_1073, %add3A_1065, %select_n3A_1053 : vector<16x1xi1>, vector<16x1xi32>
      %sub3A_1075 = arith.constant 1 : i32
      %sub3A_1076 = vector.broadcast %sub3A_1075 : i32 to vector<16x1xi32>
      %sub3A_1077 = arith.subi %add3A_1065, %sub3A_1076 : vector<16x1xi32>
      %select_n3A_1078 = arith.select %ge3A_1073, %select_n3A_1057, %sub3A_1077 : vector<16x1xi1>, vector<16x1xi32>
      %sub3A_1079 = arith.subi %select_n3A_1078, %select_n3A_1074 : vector<16x1xi32>
      %add3A_1080 = arith.constant 1 : i32
      %add3A_1081 = vector.broadcast %add3A_1080 : i32 to vector<16x1xi32>
      %add3A_1082 = arith.addi %sub3A_1079, %add3A_1081 : vector<16x1xi32>
      %div3A_1083 = arith.constant 2 : i32
      %div3A_1084 = vector.broadcast %div3A_1083 : i32 to vector<16x1xi32>
      %div3A_1085 = arith.divsi %add3A_1082, %div3A_1084 : vector<16x1xi32>
      %add3A_1086 = arith.addi %select_n3A_1074, %div3A_1085 : vector<16x1xi32>
      %ge3A_1087 = vector.broadcast %add3A_1086 : vector<16x1xi32> to vector<16x16384xi32>
      %ge3A_1088 = arith.cmpi sge, %bitcast_convert_type3A, %ge3A_1087 : vector<16x16384xi32>
      %convert_element_type3A_1089 = arith.extui %ge3A_1088 : vector<16x16384xi1> to vector<16x16384xi32>
      %convert_element_type3A_1090 = arith.sitofp %convert_element_type3A_1089 : vector<16x16384xi32> to vector<16x16384xf32>
      %reduce_sum3A_1091 = arith.constant dense<0.000000e+00> : vector<16xf32>
      %reduce_sum3A_1092 = vector.multi_reduction <add>, %convert_element_type3A_1090, %reduce_sum3A_1091 [1] : vector<16x16384xf32> to vector<16xf32>
      %broadcast_in_dim3A_1093 = vector.shape_cast %reduce_sum3A_1092 : vector<16xf32> to vector<16x1xf32>
      %ge3A_1094 = arith.cmpf oge, %broadcast_in_dim3A_1093, %min3A_1031 : vector<16x1xf32>
      %select_n3A_1095 = arith.select %ge3A_1094, %add3A_1086, %select_n3A_1074 : vector<16x1xi1>, vector<16x1xi32>
      %sub3A_1096 = arith.constant 1 : i32
      %sub3A_1097 = vector.broadcast %sub3A_1096 : i32 to vector<16x1xi32>
      %sub3A_1098 = arith.subi %add3A_1086, %sub3A_1097 : vector<16x1xi32>
      %select_n3A_1099 = arith.select %ge3A_1094, %select_n3A_1078, %sub3A_1098 : vector<16x1xi1>, vector<16x1xi32>
      %sub3A_1100 = arith.subi %select_n3A_1099, %select_n3A_1095 : vector<16x1xi32>
      %add3A_1101 = arith.constant 1 : i32
      %add3A_1102 = vector.broadcast %add3A_1101 : i32 to vector<16x1xi32>
      %add3A_1103 = arith.addi %sub3A_1100, %add3A_1102 : vector<16x1xi32>
      %div3A_1104 = arith.constant 2 : i32
      %div3A_1105 = vector.broadcast %div3A_1104 : i32 to vector<16x1xi32>
      %div3A_1106 = arith.divsi %add3A_1103, %div3A_1105 : vector<16x1xi32>
      %add3A_1107 = arith.addi %select_n3A_1095, %div3A_1106 : vector<16x1xi32>
      %ge3A_1108 = vector.broadcast %add3A_1107 : vector<16x1xi32> to vector<16x16384xi32>
      %ge3A_1109 = arith.cmpi sge, %bitcast_convert_type3A, %ge3A_1108 : vector<16x16384xi32>
      %convert_element_type3A_1110 = arith.extui %ge3A_1109 : vector<16x16384xi1> to vector<16x16384xi32>
      %convert_element_type3A_1111 = arith.sitofp %convert_element_type3A_1110 : vector<16x16384xi32> to vector<16x16384xf32>
      %reduce_sum3A_1112 = arith.constant dense<0.000000e+00> : vector<16xf32>
      %reduce_sum3A_1113 = vector.multi_reduction <add>, %convert_element_type3A_1111, %reduce_sum3A_1112 [1] : vector<16x16384xf32> to vector<16xf32>
      %broadcast_in_dim3A_1114 = vector.shape_cast %reduce_sum3A_1113 : vector<16xf32> to vector<16x1xf32>
      %ge3A_1115 = arith.cmpf oge, %broadcast_in_dim3A_1114, %min3A_1031 : vector<16x1xf32>
      %select_n3A_1116 = arith.select %ge3A_1115, %add3A_1107, %select_n3A_1095 : vector<16x1xi1>, vector<16x1xi32>
      %sub3A_1117 = arith.constant 1 : i32
      %sub3A_1118 = vector.broadcast %sub3A_1117 : i32 to vector<16x1xi32>
      %sub3A_1119 = arith.subi %add3A_1107, %sub3A_1118 : vector<16x1xi32>
      %select_n3A_1120 = arith.select %ge3A_1115, %select_n3A_1099, %sub3A_1119 : vector<16x1xi1>, vector<16x1xi32>
      %sub3A_1121 = arith.subi %select_n3A_1120, %select_n3A_1116 : vector<16x1xi32>
      %add3A_1122 = arith.constant 1 : i32
      %add3A_1123 = vector.broadcast %add3A_1122 : i32 to vector<16x1xi32>
      %add3A_1124 = arith.addi %sub3A_1121, %add3A_1123 : vector<16x1xi32>
      %div3A_1125 = arith.constant 2 : i32
      %div3A_1126 = vector.broadcast %div3A_1125 : i32 to vector<16x1xi32>
      %div3A_1127 = arith.divsi %add3A_1124, %div3A_1126 : vector<16x1xi32>
      %add3A_1128 = arith.addi %select_n3A_1116, %div3A_1127 : vector<16x1xi32>
      %ge3A_1129 = vector.broadcast %add3A_1128 : vector<16x1xi32> to vector<16x16384xi32>
      %ge3A_1130 = arith.cmpi sge, %bitcast_convert_type3A, %ge3A_1129 : vector<16x16384xi32>
      %convert_element_type3A_1131 = arith.extui %ge3A_1130 : vector<16x16384xi1> to vector<16x16384xi32>
      %convert_element_type3A_1132 = arith.sitofp %convert_element_type3A_1131 : vector<16x16384xi32> to vector<16x16384xf32>
      %reduce_sum3A_1133 = arith.constant dense<0.000000e+00> : vector<16xf32>
      %reduce_sum3A_1134 = vector.multi_reduction <add>, %convert_element_type3A_1132, %reduce_sum3A_1133 [1] : vector<16x16384xf32> to vector<16xf32>
      %broadcast_in_dim3A_1135 = vector.shape_cast %reduce_sum3A_1134 : vector<16xf32> to vector<16x1xf32>
      %ge3A_1136 = arith.cmpf oge, %broadcast_in_dim3A_1135, %min3A_1031 : vector<16x1xf32>
      %select_n3A_1137 = arith.select %ge3A_1136, %add3A_1128, %select_n3A_1116 : vector<16x1xi1>, vector<16x1xi32>
      %sub3A_1138 = arith.constant 1 : i32
      %sub3A_1139 = vector.broadcast %sub3A_1138 : i32 to vector<16x1xi32>
      %sub3A_1140 = arith.subi %add3A_1128, %sub3A_1139 : vector<16x1xi32>
      %select_n3A_1141 = arith.select %ge3A_1136, %select_n3A_1120, %sub3A_1140 : vector<16x1xi1>, vector<16x1xi32>
      %sub3A_1142 = arith.subi %select_n3A_1141, %select_n3A_1137 : vector<16x1xi32>
      %add3A_1143 = arith.constant 1 : i32
      %add3A_1144 = vector.broadcast %add3A_1143 : i32 to vector<16x1xi32>
      %add3A_1145 = arith.addi %sub3A_1142, %add3A_1144 : vector<16x1xi32>
      %div3A_1146 = arith.constant 2 : i32
      %div3A_1147 = vector.broadcast %div3A_1146 : i32 to vector<16x1xi32>
      %div3A_1148 = arith.divsi %add3A_1145, %div3A_1147 : vector<16x1xi32>
      %add3A_1149 = arith.addi %select_n3A_1137, %div3A_1148 : vector<16x1xi32>
      %ge3A_1150 = vector.broadcast %add3A_1149 : vector<16x1xi32> to vector<16x16384xi32>
      %ge3A_1151 = arith.cmpi sge, %bitcast_convert_type3A, %ge3A_1150 : vector<16x16384xi32>
      %convert_element_type3A_1152 = arith.extui %ge3A_1151 : vector<16x16384xi1> to vector<16x16384xi32>
      %convert_element_type3A_1153 = arith.sitofp %convert_element_type3A_1152 : vector<16x16384xi32> to vector<16x16384xf32>
      %reduce_sum3A_1154 = arith.constant dense<0.000000e+00> : vector<16xf32>
      %reduce_sum3A_1155 = vector.multi_reduction <add>, %convert_element_type3A_1153, %reduce_sum3A_1154 [1] : vector<16x16384xf32> to vector<16xf32>
      %broadcast_in_dim3A_1156 = vector.shape_cast %reduce_sum3A_1155 : vector<16xf32> to vector<16x1xf32>
      %ge3A_1157 = arith.cmpf oge, %broadcast_in_dim3A_1156, %min3A_1031 : vector<16x1xf32>
      %select_n3A_1158 = arith.select %ge3A_1157, %add3A_1149, %select_n3A_1137 : vector<16x1xi1>, vector<16x1xi32>
      %sub3A_1159 = arith.constant 1 : i32
      %sub3A_1160 = vector.broadcast %sub3A_1159 : i32 to vector<16x1xi32>
      %sub3A_1161 = arith.subi %add3A_1149, %sub3A_1160 : vector<16x1xi32>
      %select_n3A_1162 = arith.select %ge3A_1157, %select_n3A_1141, %sub3A_1161 : vector<16x1xi1>, vector<16x1xi32>
      %sub3A_1163 = arith.subi %select_n3A_1162, %select_n3A_1158 : vector<16x1xi32>
      %add3A_1164 = arith.constant 1 : i32
      %add3A_1165 = vector.broadcast %add3A_1164 : i32 to vector<16x1xi32>
      %add3A_1166 = arith.addi %sub3A_1163, %add3A_1165 : vector<16x1xi32>
      %div3A_1167 = arith.constant 2 : i32
      %div3A_1168 = vector.broadcast %div3A_1167 : i32 to vector<16x1xi32>
      %div3A_1169 = arith.divsi %add3A_1166, %div3A_1168 : vector<16x1xi32>
      %add3A_1170 = arith.addi %select_n3A_1158, %div3A_1169 : vector<16x1xi32>
      %ge3A_1171 = vector.broadcast %add3A_1170 : vector<16x1xi32> to vector<16x16384xi32>
      %ge3A_1172 = arith.cmpi sge, %bitcast_convert_type3A, %ge3A_1171 : vector<16x16384xi32>
      %convert_element_type3A_1173 = arith.extui %ge3A_1172 : vector<16x16384xi1> to vector<16x16384xi32>
      %convert_element_type3A_1174 = arith.sitofp %convert_element_type3A_1173 : vector<16x16384xi32> to vector<16x16384xf32>
      %reduce_sum3A_1175 = arith.constant dense<0.000000e+00> : vector<16xf32>
      %reduce_sum3A_1176 = vector.multi_reduction <add>, %convert_element_type3A_1174, %reduce_sum3A_1175 [1] : vector<16x16384xf32> to vector<16xf32>
      %broadcast_in_dim3A_1177 = vector.shape_cast %reduce_sum3A_1176 : vector<16xf32> to vector<16x1xf32>
      %ge3A_1178 = arith.cmpf oge, %broadcast_in_dim3A_1177, %min3A_1031 : vector<16x1xf32>
      %select_n3A_1179 = arith.select %ge3A_1178, %add3A_1170, %select_n3A_1158 : vector<16x1xi1>, vector<16x1xi32>
      %sub3A_1180 = arith.constant 1 : i32
      %sub3A_1181 = vector.broadcast %sub3A_1180 : i32 to vector<16x1xi32>
      %sub3A_1182 = arith.subi %add3A_1170, %sub3A_1181 : vector<16x1xi32>
      %select_n3A_1183 = arith.select %ge3A_1178, %select_n3A_1162, %sub3A_1182 : vector<16x1xi1>, vector<16x1xi32>
      %sub3A_1184 = arith.subi %select_n3A_1183, %select_n3A_1179 : vector<16x1xi32>
      %add3A_1185 = arith.constant 1 : i32
      %add3A_1186 = vector.broadcast %add3A_1185 : i32 to vector<16x1xi32>
      %add3A_1187 = arith.addi %sub3A_1184, %add3A_1186 : vector<16x1xi32>
      %div3A_1188 = arith.constant 2 : i32
      %div3A_1189 = vector.broadcast %div3A_1188 : i32 to vector<16x1xi32>
      %div3A_1190 = arith.divsi %add3A_1187, %div3A_1189 : vector<16x1xi32>
      %add3A_1191 = arith.addi %select_n3A_1179, %div3A_1190 : vector<16x1xi32>
      %ge3A_1192 = vector.broadcast %add3A_1191 : vector<16x1xi32> to vector<16x16384xi32>
      %ge3A_1193 = arith.cmpi sge, %bitcast_convert_type3A, %ge3A_1192 : vector<16x16384xi32>
      %convert_element_type3A_1194 = arith.extui %ge3A_1193 : vector<16x16384xi1> to vector<16x16384xi32>
      %convert_element_type3A_1195 = arith.sitofp %convert_element_type3A_1194 : vector<16x16384xi32> to vector<16x16384xf32>
      %reduce_sum3A_1196 = arith.constant dense<0.000000e+00> : vector<16xf32>
      %reduce_sum3A_1197 = vector.multi_reduction <add>, %convert_element_type3A_1195, %reduce_sum3A_1196 [1] : vector<16x16384xf32> to vector<16xf32>
      %broadcast_in_dim3A_1198 = vector.shape_cast %reduce_sum3A_1197 : vector<16xf32> to vector<16x1xf32>
      %ge3A_1199 = arith.cmpf oge, %broadcast_in_dim3A_1198, %min3A_1031 : vector<16x1xf32>
      %select_n3A_1200 = arith.select %ge3A_1199, %add3A_1191, %select_n3A_1179 : vector<16x1xi1>, vector<16x1xi32>
      %sub3A_1201 = arith.constant 1 : i32
      %sub3A_1202 = vector.broadcast %sub3A_1201 : i32 to vector<16x1xi32>
      %sub3A_1203 = arith.subi %add3A_1191, %sub3A_1202 : vector<16x1xi32>
      %select_n3A_1204 = arith.select %ge3A_1199, %select_n3A_1183, %sub3A_1203 : vector<16x1xi1>, vector<16x1xi32>
      %sub3A_1205 = arith.subi %select_n3A_1204, %select_n3A_1200 : vector<16x1xi32>
      %add3A_1206 = arith.constant 1 : i32
      %add3A_1207 = vector.broadcast %add3A_1206 : i32 to vector<16x1xi32>
      %add3A_1208 = arith.addi %sub3A_1205, %add3A_1207 : vector<16x1xi32>
      %div3A_1209 = arith.constant 2 : i32
      %div3A_1210 = vector.broadcast %div3A_1209 : i32 to vector<16x1xi32>
      %div3A_1211 = arith.divsi %add3A_1208, %div3A_1210 : vector<16x1xi32>
      %add3A_1212 = arith.addi %select_n3A_1200, %div3A_1211 : vector<16x1xi32>
      %ge3A_1213 = vector.broadcast %add3A_1212 : vector<16x1xi32> to vector<16x16384xi32>
      %ge3A_1214 = arith.cmpi sge, %bitcast_convert_type3A, %ge3A_1213 : vector<16x16384xi32>
      %convert_element_type3A_1215 = arith.extui %ge3A_1214 : vector<16x16384xi1> to vector<16x16384xi32>
      %convert_element_type3A_1216 = arith.sitofp %convert_element_type3A_1215 : vector<16x16384xi32> to vector<16x16384xf32>
      %reduce_sum3A_1217 = arith.constant dense<0.000000e+00> : vector<16xf32>
      %reduce_sum3A_1218 = vector.multi_reduction <add>, %convert_element_type3A_1216, %reduce_sum3A_1217 [1] : vector<16x16384xf32> to vector<16xf32>
      %broadcast_in_dim3A_1219 = vector.shape_cast %reduce_sum3A_1218 : vector<16xf32> to vector<16x1xf32>
      %ge3A_1220 = arith.cmpf oge, %broadcast_in_dim3A_1219, %min3A_1031 : vector<16x1xf32>
      %select_n3A_1221 = arith.select %ge3A_1220, %add3A_1212, %select_n3A_1200 : vector<16x1xi1>, vector<16x1xi32>
      %sub3A_1222 = arith.constant 1 : i32
      %sub3A_1223 = vector.broadcast %sub3A_1222 : i32 to vector<16x1xi32>
      %sub3A_1224 = arith.subi %add3A_1212, %sub3A_1223 : vector<16x1xi32>
      %select_n3A_1225 = arith.select %ge3A_1220, %select_n3A_1204, %sub3A_1224 : vector<16x1xi1>, vector<16x1xi32>
      %sub3A_1226 = arith.subi %select_n3A_1225, %select_n3A_1221 : vector<16x1xi32>
      %add3A_1227 = arith.constant 1 : i32
      %add3A_1228 = vector.broadcast %add3A_1227 : i32 to vector<16x1xi32>
      %add3A_1229 = arith.addi %sub3A_1226, %add3A_1228 : vector<16x1xi32>
      %div3A_1230 = arith.constant 2 : i32
      %div3A_1231 = vector.broadcast %div3A_1230 : i32 to vector<16x1xi32>
      %div3A_1232 = arith.divsi %add3A_1229, %div3A_1231 : vector<16x1xi32>
      %add3A_1233 = arith.addi %select_n3A_1221, %div3A_1232 : vector<16x1xi32>
      %ge3A_1234 = vector.broadcast %add3A_1233 : vector<16x1xi32> to vector<16x16384xi32>
      %ge3A_1235 = arith.cmpi sge, %bitcast_convert_type3A, %ge3A_1234 : vector<16x16384xi32>
      %convert_element_type3A_1236 = arith.extui %ge3A_1235 : vector<16x16384xi1> to vector<16x16384xi32>
      %convert_element_type3A_1237 = arith.sitofp %convert_element_type3A_1236 : vector<16x16384xi32> to vector<16x16384xf32>
      %reduce_sum3A_1238 = arith.constant dense<0.000000e+00> : vector<16xf32>
      %reduce_sum3A_1239 = vector.multi_reduction <add>, %convert_element_type3A_1237, %reduce_sum3A_1238 [1] : vector<16x16384xf32> to vector<16xf32>
      %broadcast_in_dim3A_1240 = vector.shape_cast %reduce_sum3A_1239 : vector<16xf32> to vector<16x1xf32>
      %ge3A_1241 = arith.cmpf oge, %broadcast_in_dim3A_1240, %min3A_1031 : vector<16x1xf32>
      %select_n3A_1242 = arith.select %ge3A_1241, %add3A_1233, %select_n3A_1221 : vector<16x1xi1>, vector<16x1xi32>
      %sub3A_1243 = arith.constant 1 : i32
      %sub3A_1244 = vector.broadcast %sub3A_1243 : i32 to vector<16x1xi32>
      %sub3A_1245 = arith.subi %add3A_1233, %sub3A_1244 : vector<16x1xi32>
      %select_n3A_1246 = arith.select %ge3A_1241, %select_n3A_1225, %sub3A_1245 : vector<16x1xi1>, vector<16x1xi32>
      %sub3A_1247 = arith.subi %select_n3A_1246, %select_n3A_1242 : vector<16x1xi32>
      %add3A_1248 = arith.constant 1 : i32
      %add3A_1249 = vector.broadcast %add3A_1248 : i32 to vector<16x1xi32>
      %add3A_1250 = arith.addi %sub3A_1247, %add3A_1249 : vector<16x1xi32>
      %div3A_1251 = arith.constant 2 : i32
      %div3A_1252 = vector.broadcast %div3A_1251 : i32 to vector<16x1xi32>
      %div3A_1253 = arith.divsi %add3A_1250, %div3A_1252 : vector<16x1xi32>
      %add3A_1254 = arith.addi %select_n3A_1242, %div3A_1253 : vector<16x1xi32>
      %ge3A_1255 = vector.broadcast %add3A_1254 : vector<16x1xi32> to vector<16x16384xi32>
      %ge3A_1256 = arith.cmpi sge, %bitcast_convert_type3A, %ge3A_1255 : vector<16x16384xi32>
      %convert_element_type3A_1257 = arith.extui %ge3A_1256 : vector<16x16384xi1> to vector<16x16384xi32>
      %convert_element_type3A_1258 = arith.sitofp %convert_element_type3A_1257 : vector<16x16384xi32> to vector<16x16384xf32>
      %reduce_sum3A_1259 = arith.constant dense<0.000000e+00> : vector<16xf32>
      %reduce_sum3A_1260 = vector.multi_reduction <add>, %convert_element_type3A_1258, %reduce_sum3A_1259 [1] : vector<16x16384xf32> to vector<16xf32>
      %broadcast_in_dim3A_1261 = vector.shape_cast %reduce_sum3A_1260 : vector<16xf32> to vector<16x1xf32>
      %ge3A_1262 = arith.cmpf oge, %broadcast_in_dim3A_1261, %min3A_1031 : vector<16x1xf32>
      %select_n3A_1263 = arith.select %ge3A_1262, %add3A_1254, %select_n3A_1242 : vector<16x1xi1>, vector<16x1xi32>
      %sub3A_1264 = arith.constant 1 : i32
      %sub3A_1265 = vector.broadcast %sub3A_1264 : i32 to vector<16x1xi32>
      %sub3A_1266 = arith.subi %add3A_1254, %sub3A_1265 : vector<16x1xi32>
      %select_n3A_1267 = arith.select %ge3A_1262, %select_n3A_1246, %sub3A_1266 : vector<16x1xi1>, vector<16x1xi32>
      %sub3A_1268 = arith.subi %select_n3A_1267, %select_n3A_1263 : vector<16x1xi32>
      %add3A_1269 = arith.constant 1 : i32
      %add3A_1270 = vector.broadcast %add3A_1269 : i32 to vector<16x1xi32>
      %add3A_1271 = arith.addi %sub3A_1268, %add3A_1270 : vector<16x1xi32>
      %div3A_1272 = arith.constant 2 : i32
      %div3A_1273 = vector.broadcast %div3A_1272 : i32 to vector<16x1xi32>
      %div3A_1274 = arith.divsi %add3A_1271, %div3A_1273 : vector<16x1xi32>
      %add3A_1275 = arith.addi %select_n3A_1263, %div3A_1274 : vector<16x1xi32>
      %ge3A_1276 = vector.broadcast %add3A_1275 : vector<16x1xi32> to vector<16x16384xi32>
      %ge3A_1277 = arith.cmpi sge, %bitcast_convert_type3A, %ge3A_1276 : vector<16x16384xi32>
      %convert_element_type3A_1278 = arith.extui %ge3A_1277 : vector<16x16384xi1> to vector<16x16384xi32>
      %convert_element_type3A_1279 = arith.sitofp %convert_element_type3A_1278 : vector<16x16384xi32> to vector<16x16384xf32>
      %reduce_sum3A_1280 = arith.constant dense<0.000000e+00> : vector<16xf32>
      %reduce_sum3A_1281 = vector.multi_reduction <add>, %convert_element_type3A_1279, %reduce_sum3A_1280 [1] : vector<16x16384xf32> to vector<16xf32>
      %broadcast_in_dim3A_1282 = vector.shape_cast %reduce_sum3A_1281 : vector<16xf32> to vector<16x1xf32>
      %ge3A_1283 = arith.cmpf oge, %broadcast_in_dim3A_1282, %min3A_1031 : vector<16x1xf32>
      %select_n3A_1284 = arith.select %ge3A_1283, %add3A_1275, %select_n3A_1263 : vector<16x1xi1>, vector<16x1xi32>
      %sub3A_1285 = arith.constant 1 : i32
      %sub3A_1286 = vector.broadcast %sub3A_1285 : i32 to vector<16x1xi32>
      %sub3A_1287 = arith.subi %add3A_1275, %sub3A_1286 : vector<16x1xi32>
      %select_n3A_1288 = arith.select %ge3A_1283, %select_n3A_1267, %sub3A_1287 : vector<16x1xi1>, vector<16x1xi32>
      %sub3A_1289 = arith.subi %select_n3A_1288, %select_n3A_1284 : vector<16x1xi32>
      %add3A_1290 = arith.constant 1 : i32
      %add3A_1291 = vector.broadcast %add3A_1290 : i32 to vector<16x1xi32>
      %add3A_1292 = arith.addi %sub3A_1289, %add3A_1291 : vector<16x1xi32>
      %div3A_1293 = arith.constant 2 : i32
      %div3A_1294 = vector.broadcast %div3A_1293 : i32 to vector<16x1xi32>
      %div3A_1295 = arith.divsi %add3A_1292, %div3A_1294 : vector<16x1xi32>
      %add3A_1296 = arith.addi %select_n3A_1284, %div3A_1295 : vector<16x1xi32>
      %ge3A_1297 = vector.broadcast %add3A_1296 : vector<16x1xi32> to vector<16x16384xi32>
      %ge3A_1298 = arith.cmpi sge, %bitcast_convert_type3A, %ge3A_1297 : vector<16x16384xi32>
      %convert_element_type3A_1299 = arith.extui %ge3A_1298 : vector<16x16384xi1> to vector<16x16384xi32>
      %convert_element_type3A_1300 = arith.sitofp %convert_element_type3A_1299 : vector<16x16384xi32> to vector<16x16384xf32>
      %reduce_sum3A_1301 = arith.constant dense<0.000000e+00> : vector<16xf32>
      %reduce_sum3A_1302 = vector.multi_reduction <add>, %convert_element_type3A_1300, %reduce_sum3A_1301 [1] : vector<16x16384xf32> to vector<16xf32>
      %broadcast_in_dim3A_1303 = vector.shape_cast %reduce_sum3A_1302 : vector<16xf32> to vector<16x1xf32>
      %ge3A_1304 = arith.cmpf oge, %broadcast_in_dim3A_1303, %min3A_1031 : vector<16x1xf32>
      %select_n3A_1305 = arith.select %ge3A_1304, %add3A_1296, %select_n3A_1284 : vector<16x1xi1>, vector<16x1xi32>
      %sub3A_1306 = arith.constant 1 : i32
      %sub3A_1307 = vector.broadcast %sub3A_1306 : i32 to vector<16x1xi32>
      %sub3A_1308 = arith.subi %add3A_1296, %sub3A_1307 : vector<16x1xi32>
      %select_n3A_1309 = arith.select %ge3A_1304, %select_n3A_1288, %sub3A_1308 : vector<16x1xi1>, vector<16x1xi32>
      %sub3A_1310 = arith.subi %select_n3A_1309, %select_n3A_1305 : vector<16x1xi32>
      %add3A_1311 = arith.constant 1 : i32
      %add3A_1312 = vector.broadcast %add3A_1311 : i32 to vector<16x1xi32>
      %add3A_1313 = arith.addi %sub3A_1310, %add3A_1312 : vector<16x1xi32>
      %div3A_1314 = arith.constant 2 : i32
      %div3A_1315 = vector.broadcast %div3A_1314 : i32 to vector<16x1xi32>
      %div3A_1316 = arith.divsi %add3A_1313, %div3A_1315 : vector<16x1xi32>
      %add3A_1317 = arith.addi %select_n3A_1305, %div3A_1316 : vector<16x1xi32>
      %ge3A_1318 = vector.broadcast %add3A_1317 : vector<16x1xi32> to vector<16x16384xi32>
      %ge3A_1319 = arith.cmpi sge, %bitcast_convert_type3A, %ge3A_1318 : vector<16x16384xi32>
      %convert_element_type3A_1320 = arith.extui %ge3A_1319 : vector<16x16384xi1> to vector<16x16384xi32>
      %convert_element_type3A_1321 = arith.sitofp %convert_element_type3A_1320 : vector<16x16384xi32> to vector<16x16384xf32>
      %reduce_sum3A_1322 = arith.constant dense<0.000000e+00> : vector<16xf32>
      %reduce_sum3A_1323 = vector.multi_reduction <add>, %convert_element_type3A_1321, %reduce_sum3A_1322 [1] : vector<16x16384xf32> to vector<16xf32>
      %broadcast_in_dim3A_1324 = vector.shape_cast %reduce_sum3A_1323 : vector<16xf32> to vector<16x1xf32>
      %ge3A_1325 = arith.cmpf oge, %broadcast_in_dim3A_1324, %min3A_1031 : vector<16x1xf32>
      %select_n3A_1326 = arith.select %ge3A_1325, %add3A_1317, %select_n3A_1305 : vector<16x1xi1>, vector<16x1xi32>
      %sub3A_1327 = arith.constant 1 : i32
      %sub3A_1328 = vector.broadcast %sub3A_1327 : i32 to vector<16x1xi32>
      %sub3A_1329 = arith.subi %add3A_1317, %sub3A_1328 : vector<16x1xi32>
      %select_n3A_1330 = arith.select %ge3A_1325, %select_n3A_1309, %sub3A_1329 : vector<16x1xi1>, vector<16x1xi32>
      %sub3A_1331 = arith.subi %select_n3A_1330, %select_n3A_1326 : vector<16x1xi32>
      %add3A_1332 = arith.constant 1 : i32
      %add3A_1333 = vector.broadcast %add3A_1332 : i32 to vector<16x1xi32>
      %add3A_1334 = arith.addi %sub3A_1331, %add3A_1333 : vector<16x1xi32>
      %div3A_1335 = arith.constant 2 : i32
      %div3A_1336 = vector.broadcast %div3A_1335 : i32 to vector<16x1xi32>
      %div3A_1337 = arith.divsi %add3A_1334, %div3A_1336 : vector<16x1xi32>
      %add3A_1338 = arith.addi %select_n3A_1326, %div3A_1337 : vector<16x1xi32>
      %ge3A_1339 = vector.broadcast %add3A_1338 : vector<16x1xi32> to vector<16x16384xi32>
      %ge3A_1340 = arith.cmpi sge, %bitcast_convert_type3A, %ge3A_1339 : vector<16x16384xi32>
      %convert_element_type3A_1341 = arith.extui %ge3A_1340 : vector<16x16384xi1> to vector<16x16384xi32>
      %convert_element_type3A_1342 = arith.sitofp %convert_element_type3A_1341 : vector<16x16384xi32> to vector<16x16384xf32>
      %reduce_sum3A_1343 = arith.constant dense<0.000000e+00> : vector<16xf32>
      %reduce_sum3A_1344 = vector.multi_reduction <add>, %convert_element_type3A_1342, %reduce_sum3A_1343 [1] : vector<16x16384xf32> to vector<16xf32>
      %broadcast_in_dim3A_1345 = vector.shape_cast %reduce_sum3A_1344 : vector<16xf32> to vector<16x1xf32>
      %ge3A_1346 = arith.cmpf oge, %broadcast_in_dim3A_1345, %min3A_1031 : vector<16x1xf32>
      %select_n3A_1347 = arith.select %ge3A_1346, %add3A_1338, %select_n3A_1326 : vector<16x1xi1>, vector<16x1xi32>
      %sub3A_1348 = arith.constant 1 : i32
      %sub3A_1349 = vector.broadcast %sub3A_1348 : i32 to vector<16x1xi32>
      %sub3A_1350 = arith.subi %add3A_1338, %sub3A_1349 : vector<16x1xi32>
      %select_n3A_1351 = arith.select %ge3A_1346, %select_n3A_1330, %sub3A_1350 : vector<16x1xi1>, vector<16x1xi32>
      %sub3A_1352 = arith.subi %select_n3A_1351, %select_n3A_1347 : vector<16x1xi32>
      %add3A_1353 = arith.constant 1 : i32
      %add3A_1354 = vector.broadcast %add3A_1353 : i32 to vector<16x1xi32>
      %add3A_1355 = arith.addi %sub3A_1352, %add3A_1354 : vector<16x1xi32>
      %div3A_1356 = arith.constant 2 : i32
      %div3A_1357 = vector.broadcast %div3A_1356 : i32 to vector<16x1xi32>
      %div3A_1358 = arith.divsi %add3A_1355, %div3A_1357 : vector<16x1xi32>
      %add3A_1359 = arith.addi %select_n3A_1347, %div3A_1358 : vector<16x1xi32>
      %ge3A_1360 = vector.broadcast %add3A_1359 : vector<16x1xi32> to vector<16x16384xi32>
      %ge3A_1361 = arith.cmpi sge, %bitcast_convert_type3A, %ge3A_1360 : vector<16x16384xi32>
      %convert_element_type3A_1362 = arith.extui %ge3A_1361 : vector<16x16384xi1> to vector<16x16384xi32>
      %convert_element_type3A_1363 = arith.sitofp %convert_element_type3A_1362 : vector<16x16384xi32> to vector<16x16384xf32>
      %reduce_sum3A_1364 = arith.constant dense<0.000000e+00> : vector<16xf32>
      %reduce_sum3A_1365 = vector.multi_reduction <add>, %convert_element_type3A_1363, %reduce_sum3A_1364 [1] : vector<16x16384xf32> to vector<16xf32>
      %broadcast_in_dim3A_1366 = vector.shape_cast %reduce_sum3A_1365 : vector<16xf32> to vector<16x1xf32>
      %ge3A_1367 = arith.cmpf oge, %broadcast_in_dim3A_1366, %min3A_1031 : vector<16x1xf32>
      %select_n3A_1368 = arith.select %ge3A_1367, %add3A_1359, %select_n3A_1347 : vector<16x1xi1>, vector<16x1xi32>
      %sub3A_1369 = arith.constant 1 : i32
      %sub3A_1370 = vector.broadcast %sub3A_1369 : i32 to vector<16x1xi32>
      %sub3A_1371 = arith.subi %add3A_1359, %sub3A_1370 : vector<16x1xi32>
      %select_n3A_1372 = arith.select %ge3A_1367, %select_n3A_1351, %sub3A_1371 : vector<16x1xi1>, vector<16x1xi32>
      %sub3A_1373 = arith.subi %select_n3A_1372, %select_n3A_1368 : vector<16x1xi32>
      %add3A_1374 = arith.constant 1 : i32
      %add3A_1375 = vector.broadcast %add3A_1374 : i32 to vector<16x1xi32>
      %add3A_1376 = arith.addi %sub3A_1373, %add3A_1375 : vector<16x1xi32>
      %div3A_1377 = arith.constant 2 : i32
      %div3A_1378 = vector.broadcast %div3A_1377 : i32 to vector<16x1xi32>
      %div3A_1379 = arith.divsi %add3A_1376, %div3A_1378 : vector<16x1xi32>
      %add3A_1380 = arith.addi %select_n3A_1368, %div3A_1379 : vector<16x1xi32>
      %ge3A_1381 = vector.broadcast %add3A_1380 : vector<16x1xi32> to vector<16x16384xi32>
      %ge3A_1382 = arith.cmpi sge, %bitcast_convert_type3A, %ge3A_1381 : vector<16x16384xi32>
      %convert_element_type3A_1383 = arith.extui %ge3A_1382 : vector<16x16384xi1> to vector<16x16384xi32>
      %convert_element_type3A_1384 = arith.sitofp %convert_element_type3A_1383 : vector<16x16384xi32> to vector<16x16384xf32>
      %reduce_sum3A_1385 = arith.constant dense<0.000000e+00> : vector<16xf32>
      %reduce_sum3A_1386 = vector.multi_reduction <add>, %convert_element_type3A_1384, %reduce_sum3A_1385 [1] : vector<16x16384xf32> to vector<16xf32>
      %broadcast_in_dim3A_1387 = vector.shape_cast %reduce_sum3A_1386 : vector<16xf32> to vector<16x1xf32>
      %ge3A_1388 = arith.cmpf oge, %broadcast_in_dim3A_1387, %min3A_1031 : vector<16x1xf32>
      %select_n3A_1389 = arith.select %ge3A_1388, %add3A_1380, %select_n3A_1368 : vector<16x1xi1>, vector<16x1xi32>
      %sub3A_1390 = arith.constant 1 : i32
      %sub3A_1391 = vector.broadcast %sub3A_1390 : i32 to vector<16x1xi32>
      %sub3A_1392 = arith.subi %add3A_1380, %sub3A_1391 : vector<16x1xi32>
      %select_n3A_1393 = arith.select %ge3A_1388, %select_n3A_1372, %sub3A_1392 : vector<16x1xi1>, vector<16x1xi32>
      %sub3A_1394 = arith.subi %select_n3A_1393, %select_n3A_1389 : vector<16x1xi32>
      %add3A_1395 = arith.constant 1 : i32
      %add3A_1396 = vector.broadcast %add3A_1395 : i32 to vector<16x1xi32>
      %add3A_1397 = arith.addi %sub3A_1394, %add3A_1396 : vector<16x1xi32>
      %div3A_1398 = arith.constant 2 : i32
      %div3A_1399 = vector.broadcast %div3A_1398 : i32 to vector<16x1xi32>
      %div3A_1400 = arith.divsi %add3A_1397, %div3A_1399 : vector<16x1xi32>
      %add3A_1401 = arith.addi %select_n3A_1389, %div3A_1400 : vector<16x1xi32>
      %ge3A_1402 = vector.broadcast %add3A_1401 : vector<16x1xi32> to vector<16x16384xi32>
      %ge3A_1403 = arith.cmpi sge, %bitcast_convert_type3A, %ge3A_1402 : vector<16x16384xi32>
      %convert_element_type3A_1404 = arith.extui %ge3A_1403 : vector<16x16384xi1> to vector<16x16384xi32>
      %convert_element_type3A_1405 = arith.sitofp %convert_element_type3A_1404 : vector<16x16384xi32> to vector<16x16384xf32>
      %reduce_sum3A_1406 = arith.constant dense<0.000000e+00> : vector<16xf32>
      %reduce_sum3A_1407 = vector.multi_reduction <add>, %convert_element_type3A_1405, %reduce_sum3A_1406 [1] : vector<16x16384xf32> to vector<16xf32>
      %broadcast_in_dim3A_1408 = vector.shape_cast %reduce_sum3A_1407 : vector<16xf32> to vector<16x1xf32>
      %ge3A_1409 = arith.cmpf oge, %broadcast_in_dim3A_1408, %min3A_1031 : vector<16x1xf32>
      %select_n3A_1410 = arith.select %ge3A_1409, %add3A_1401, %select_n3A_1389 : vector<16x1xi1>, vector<16x1xi32>
      %sub3A_1411 = arith.constant 1 : i32
      %sub3A_1412 = vector.broadcast %sub3A_1411 : i32 to vector<16x1xi32>
      %sub3A_1413 = arith.subi %add3A_1401, %sub3A_1412 : vector<16x1xi32>
      %select_n3A_1414 = arith.select %ge3A_1409, %select_n3A_1393, %sub3A_1413 : vector<16x1xi1>, vector<16x1xi32>
      %sub3A_1415 = arith.subi %select_n3A_1414, %select_n3A_1410 : vector<16x1xi32>
      %add3A_1416 = arith.constant 1 : i32
      %add3A_1417 = vector.broadcast %add3A_1416 : i32 to vector<16x1xi32>
      %add3A_1418 = arith.addi %sub3A_1415, %add3A_1417 : vector<16x1xi32>
      %div3A_1419 = arith.constant 2 : i32
      %div3A_1420 = vector.broadcast %div3A_1419 : i32 to vector<16x1xi32>
      %div3A_1421 = arith.divsi %add3A_1418, %div3A_1420 : vector<16x1xi32>
      %add3A_1422 = arith.addi %select_n3A_1410, %div3A_1421 : vector<16x1xi32>
      %ge3A_1423 = vector.broadcast %add3A_1422 : vector<16x1xi32> to vector<16x16384xi32>
      %ge3A_1424 = arith.cmpi sge, %bitcast_convert_type3A, %ge3A_1423 : vector<16x16384xi32>
      %convert_element_type3A_1425 = arith.extui %ge3A_1424 : vector<16x16384xi1> to vector<16x16384xi32>
      %convert_element_type3A_1426 = arith.sitofp %convert_element_type3A_1425 : vector<16x16384xi32> to vector<16x16384xf32>
      %reduce_sum3A_1427 = arith.constant dense<0.000000e+00> : vector<16xf32>
      %reduce_sum3A_1428 = vector.multi_reduction <add>, %convert_element_type3A_1426, %reduce_sum3A_1427 [1] : vector<16x16384xf32> to vector<16xf32>
      %broadcast_in_dim3A_1429 = vector.shape_cast %reduce_sum3A_1428 : vector<16xf32> to vector<16x1xf32>
      %ge3A_1430 = arith.cmpf oge, %broadcast_in_dim3A_1429, %min3A_1031 : vector<16x1xf32>
      %select_n3A_1431 = arith.select %ge3A_1430, %add3A_1422, %select_n3A_1410 : vector<16x1xi1>, vector<16x1xi32>
      %sub3A_1432 = arith.constant 1 : i32
      %sub3A_1433 = vector.broadcast %sub3A_1432 : i32 to vector<16x1xi32>
      %sub3A_1434 = arith.subi %add3A_1422, %sub3A_1433 : vector<16x1xi32>
      %select_n3A_1435 = arith.select %ge3A_1430, %select_n3A_1414, %sub3A_1434 : vector<16x1xi1>, vector<16x1xi32>
      %sub3A_1436 = arith.subi %select_n3A_1435, %select_n3A_1431 : vector<16x1xi32>
      %add3A_1437 = arith.constant 1 : i32
      %add3A_1438 = vector.broadcast %add3A_1437 : i32 to vector<16x1xi32>
      %add3A_1439 = arith.addi %sub3A_1436, %add3A_1438 : vector<16x1xi32>
      %div3A_1440 = arith.constant 2 : i32
      %div3A_1441 = vector.broadcast %div3A_1440 : i32 to vector<16x1xi32>
      %div3A_1442 = arith.divsi %add3A_1439, %div3A_1441 : vector<16x1xi32>
      %add3A_1443 = arith.addi %select_n3A_1431, %div3A_1442 : vector<16x1xi32>
      %ge3A_1444 = vector.broadcast %add3A_1443 : vector<16x1xi32> to vector<16x16384xi32>
      %ge3A_1445 = arith.cmpi sge, %bitcast_convert_type3A, %ge3A_1444 : vector<16x16384xi32>
      %convert_element_type3A_1446 = arith.extui %ge3A_1445 : vector<16x16384xi1> to vector<16x16384xi32>
      %convert_element_type3A_1447 = arith.sitofp %convert_element_type3A_1446 : vector<16x16384xi32> to vector<16x16384xf32>
      %reduce_sum3A_1448 = arith.constant dense<0.000000e+00> : vector<16xf32>
      %reduce_sum3A_1449 = vector.multi_reduction <add>, %convert_element_type3A_1447, %reduce_sum3A_1448 [1] : vector<16x16384xf32> to vector<16xf32>
      %broadcast_in_dim3A_1450 = vector.shape_cast %reduce_sum3A_1449 : vector<16xf32> to vector<16x1xf32>
      %ge3A_1451 = arith.cmpf oge, %broadcast_in_dim3A_1450, %min3A_1031 : vector<16x1xf32>
      %select_n3A_1452 = arith.select %ge3A_1451, %add3A_1443, %select_n3A_1431 : vector<16x1xi1>, vector<16x1xi32>
      %sub3A_1453 = arith.constant 1 : i32
      %sub3A_1454 = vector.broadcast %sub3A_1453 : i32 to vector<16x1xi32>
      %sub3A_1455 = arith.subi %add3A_1443, %sub3A_1454 : vector<16x1xi32>
      %select_n3A_1456 = arith.select %ge3A_1451, %select_n3A_1435, %sub3A_1455 : vector<16x1xi1>, vector<16x1xi32>
      %sub3A_1457 = arith.subi %select_n3A_1456, %select_n3A_1452 : vector<16x1xi32>
      %add3A_1458 = arith.constant 1 : i32
      %add3A_1459 = vector.broadcast %add3A_1458 : i32 to vector<16x1xi32>
      %add3A_1460 = arith.addi %sub3A_1457, %add3A_1459 : vector<16x1xi32>
      %div3A_1461 = arith.constant 2 : i32
      %div3A_1462 = vector.broadcast %div3A_1461 : i32 to vector<16x1xi32>
      %div3A_1463 = arith.divsi %add3A_1460, %div3A_1462 : vector<16x1xi32>
      %add3A_1464 = arith.addi %select_n3A_1452, %div3A_1463 : vector<16x1xi32>
      %ge3A_1465 = vector.broadcast %add3A_1464 : vector<16x1xi32> to vector<16x16384xi32>
      %ge3A_1466 = arith.cmpi sge, %bitcast_convert_type3A, %ge3A_1465 : vector<16x16384xi32>
      %convert_element_type3A_1467 = arith.extui %ge3A_1466 : vector<16x16384xi1> to vector<16x16384xi32>
      %convert_element_type3A_1468 = arith.sitofp %convert_element_type3A_1467 : vector<16x16384xi32> to vector<16x16384xf32>
      %reduce_sum3A_1469 = arith.constant dense<0.000000e+00> : vector<16xf32>
      %reduce_sum3A_1470 = vector.multi_reduction <add>, %convert_element_type3A_1468, %reduce_sum3A_1469 [1] : vector<16x16384xf32> to vector<16xf32>
      %broadcast_in_dim3A_1471 = vector.shape_cast %reduce_sum3A_1470 : vector<16xf32> to vector<16x1xf32>
      %ge3A_1472 = arith.cmpf oge, %broadcast_in_dim3A_1471, %min3A_1031 : vector<16x1xf32>
      %select_n3A_1473 = arith.select %ge3A_1472, %add3A_1464, %select_n3A_1452 : vector<16x1xi1>, vector<16x1xi32>
      %sub3A_1474 = arith.constant 1 : i32
      %sub3A_1475 = vector.broadcast %sub3A_1474 : i32 to vector<16x1xi32>
      %sub3A_1476 = arith.subi %add3A_1464, %sub3A_1475 : vector<16x1xi32>
      %select_n3A_1477 = arith.select %ge3A_1472, %select_n3A_1456, %sub3A_1476 : vector<16x1xi1>, vector<16x1xi32>
      %sub3A_1478 = arith.subi %select_n3A_1477, %select_n3A_1473 : vector<16x1xi32>
      %add3A_1479 = arith.constant 1 : i32
      %add3A_1480 = vector.broadcast %add3A_1479 : i32 to vector<16x1xi32>
      %add3A_1481 = arith.addi %sub3A_1478, %add3A_1480 : vector<16x1xi32>
      %div3A_1482 = arith.constant 2 : i32
      %div3A_1483 = vector.broadcast %div3A_1482 : i32 to vector<16x1xi32>
      %div3A_1484 = arith.divsi %add3A_1481, %div3A_1483 : vector<16x1xi32>
      %add3A_1485 = arith.addi %select_n3A_1473, %div3A_1484 : vector<16x1xi32>
      %ge3A_1486 = vector.broadcast %add3A_1485 : vector<16x1xi32> to vector<16x16384xi32>
      %ge3A_1487 = arith.cmpi sge, %bitcast_convert_type3A, %ge3A_1486 : vector<16x16384xi32>
      %convert_element_type3A_1488 = arith.extui %ge3A_1487 : vector<16x16384xi1> to vector<16x16384xi32>
      %convert_element_type3A_1489 = arith.sitofp %convert_element_type3A_1488 : vector<16x16384xi32> to vector<16x16384xf32>
      %reduce_sum3A_1490 = arith.constant dense<0.000000e+00> : vector<16xf32>
      %reduce_sum3A_1491 = vector.multi_reduction <add>, %convert_element_type3A_1489, %reduce_sum3A_1490 [1] : vector<16x16384xf32> to vector<16xf32>
      %broadcast_in_dim3A_1492 = vector.shape_cast %reduce_sum3A_1491 : vector<16xf32> to vector<16x1xf32>
      %ge3A_1493 = arith.cmpf oge, %broadcast_in_dim3A_1492, %min3A_1031 : vector<16x1xf32>
      %select_n3A_1494 = arith.select %ge3A_1493, %add3A_1485, %select_n3A_1473 : vector<16x1xi1>, vector<16x1xi32>
      %sub3A_1495 = arith.constant 1 : i32
      %sub3A_1496 = vector.broadcast %sub3A_1495 : i32 to vector<16x1xi32>
      %sub3A_1497 = arith.subi %add3A_1485, %sub3A_1496 : vector<16x1xi32>
      %select_n3A_1498 = arith.select %ge3A_1493, %select_n3A_1477, %sub3A_1497 : vector<16x1xi1>, vector<16x1xi32>
      %sub3A_1499 = arith.subi %select_n3A_1498, %select_n3A_1494 : vector<16x1xi32>
      %add3A_1500 = arith.constant 1 : i32
      %add3A_1501 = vector.broadcast %add3A_1500 : i32 to vector<16x1xi32>
      %add3A_1502 = arith.addi %sub3A_1499, %add3A_1501 : vector<16x1xi32>
      %div3A_1503 = arith.constant 2 : i32
      %div3A_1504 = vector.broadcast %div3A_1503 : i32 to vector<16x1xi32>
      %div3A_1505 = arith.divsi %add3A_1502, %div3A_1504 : vector<16x1xi32>
      %add3A_1506 = arith.addi %select_n3A_1494, %div3A_1505 : vector<16x1xi32>
      %ge3A_1507 = vector.broadcast %add3A_1506 : vector<16x1xi32> to vector<16x16384xi32>
      %ge3A_1508 = arith.cmpi sge, %bitcast_convert_type3A, %ge3A_1507 : vector<16x16384xi32>
      %convert_element_type3A_1509 = arith.extui %ge3A_1508 : vector<16x16384xi1> to vector<16x16384xi32>
      %convert_element_type3A_1510 = arith.sitofp %convert_element_type3A_1509 : vector<16x16384xi32> to vector<16x16384xf32>
      %reduce_sum3A_1511 = arith.constant dense<0.000000e+00> : vector<16xf32>
      %reduce_sum3A_1512 = vector.multi_reduction <add>, %convert_element_type3A_1510, %reduce_sum3A_1511 [1] : vector<16x16384xf32> to vector<16xf32>
      %broadcast_in_dim3A_1513 = vector.shape_cast %reduce_sum3A_1512 : vector<16xf32> to vector<16x1xf32>
      %ge3A_1514 = arith.cmpf oge, %broadcast_in_dim3A_1513, %min3A_1031 : vector<16x1xf32>
      %select_n3A_1515 = arith.select %ge3A_1514, %add3A_1506, %select_n3A_1494 : vector<16x1xi1>, vector<16x1xi32>
      %sub3A_1516 = arith.constant 1 : i32
      %sub3A_1517 = vector.broadcast %sub3A_1516 : i32 to vector<16x1xi32>
      %sub3A_1518 = arith.subi %add3A_1506, %sub3A_1517 : vector<16x1xi32>
      %select_n3A_1519 = arith.select %ge3A_1514, %select_n3A_1498, %sub3A_1518 : vector<16x1xi1>, vector<16x1xi32>
      %sub3A_1520 = arith.subi %select_n3A_1519, %select_n3A_1515 : vector<16x1xi32>
      %add3A_1521 = arith.constant 1 : i32
      %add3A_1522 = vector.broadcast %add3A_1521 : i32 to vector<16x1xi32>
      %add3A_1523 = arith.addi %sub3A_1520, %add3A_1522 : vector<16x1xi32>
      %div3A_1524 = arith.constant 2 : i32
      %div3A_1525 = vector.broadcast %div3A_1524 : i32 to vector<16x1xi32>
      %div3A_1526 = arith.divsi %add3A_1523, %div3A_1525 : vector<16x1xi32>
      %add3A_1527 = arith.addi %select_n3A_1515, %div3A_1526 : vector<16x1xi32>
      %ge3A_1528 = vector.broadcast %add3A_1527 : vector<16x1xi32> to vector<16x16384xi32>
      %ge3A_1529 = arith.cmpi sge, %bitcast_convert_type3A, %ge3A_1528 : vector<16x16384xi32>
      %convert_element_type3A_1530 = arith.extui %ge3A_1529 : vector<16x16384xi1> to vector<16x16384xi32>
      %convert_element_type3A_1531 = arith.sitofp %convert_element_type3A_1530 : vector<16x16384xi32> to vector<16x16384xf32>
      %reduce_sum3A_1532 = arith.constant dense<0.000000e+00> : vector<16xf32>
      %reduce_sum3A_1533 = vector.multi_reduction <add>, %convert_element_type3A_1531, %reduce_sum3A_1532 [1] : vector<16x16384xf32> to vector<16xf32>
      %broadcast_in_dim3A_1534 = vector.shape_cast %reduce_sum3A_1533 : vector<16xf32> to vector<16x1xf32>
      %ge3A_1535 = arith.cmpf oge, %broadcast_in_dim3A_1534, %min3A_1031 : vector<16x1xf32>
      %select_n3A_1536 = arith.select %ge3A_1535, %add3A_1527, %select_n3A_1515 : vector<16x1xi1>, vector<16x1xi32>
      %sub3A_1537 = arith.constant 1 : i32
      %sub3A_1538 = vector.broadcast %sub3A_1537 : i32 to vector<16x1xi32>
      %sub3A_1539 = arith.subi %add3A_1527, %sub3A_1538 : vector<16x1xi32>
      %select_n3A_1540 = arith.select %ge3A_1535, %select_n3A_1519, %sub3A_1539 : vector<16x1xi1>, vector<16x1xi32>
      %sub3A_1541 = arith.subi %select_n3A_1540, %select_n3A_1536 : vector<16x1xi32>
      %add3A_1542 = arith.constant 1 : i32
      %add3A_1543 = vector.broadcast %add3A_1542 : i32 to vector<16x1xi32>
      %add3A_1544 = arith.addi %sub3A_1541, %add3A_1543 : vector<16x1xi32>
      %div3A_1545 = arith.constant 2 : i32
      %div3A_1546 = vector.broadcast %div3A_1545 : i32 to vector<16x1xi32>
      %div3A_1547 = arith.divsi %add3A_1544, %div3A_1546 : vector<16x1xi32>
      %add3A_1548 = arith.addi %select_n3A_1536, %div3A_1547 : vector<16x1xi32>
      %ge3A_1549 = vector.broadcast %add3A_1548 : vector<16x1xi32> to vector<16x16384xi32>
      %ge3A_1550 = arith.cmpi sge, %bitcast_convert_type3A, %ge3A_1549 : vector<16x16384xi32>
      %convert_element_type3A_1551 = arith.extui %ge3A_1550 : vector<16x16384xi1> to vector<16x16384xi32>
      %convert_element_type3A_1552 = arith.sitofp %convert_element_type3A_1551 : vector<16x16384xi32> to vector<16x16384xf32>
      %reduce_sum3A_1553 = arith.constant dense<0.000000e+00> : vector<16xf32>
      %reduce_sum3A_1554 = vector.multi_reduction <add>, %convert_element_type3A_1552, %reduce_sum3A_1553 [1] : vector<16x16384xf32> to vector<16xf32>
      %broadcast_in_dim3A_1555 = vector.shape_cast %reduce_sum3A_1554 : vector<16xf32> to vector<16x1xf32>
      %ge3A_1556 = arith.cmpf oge, %broadcast_in_dim3A_1555, %min3A_1031 : vector<16x1xf32>
      %select_n3A_1557 = arith.select %ge3A_1556, %add3A_1548, %select_n3A_1536 : vector<16x1xi1>, vector<16x1xi32>
      %sub3A_1558 = arith.constant 1 : i32
      %sub3A_1559 = vector.broadcast %sub3A_1558 : i32 to vector<16x1xi32>
      %sub3A_1560 = arith.subi %add3A_1548, %sub3A_1559 : vector<16x1xi32>
      %select_n3A_1561 = arith.select %ge3A_1556, %select_n3A_1540, %sub3A_1560 : vector<16x1xi1>, vector<16x1xi32>
      %sub3A_1562 = arith.subi %select_n3A_1561, %select_n3A_1557 : vector<16x1xi32>
      %add3A_1563 = arith.constant 1 : i32
      %add3A_1564 = vector.broadcast %add3A_1563 : i32 to vector<16x1xi32>
      %add3A_1565 = arith.addi %sub3A_1562, %add3A_1564 : vector<16x1xi32>
      %div3A_1566 = arith.constant 2 : i32
      %div3A_1567 = vector.broadcast %div3A_1566 : i32 to vector<16x1xi32>
      %div3A_1568 = arith.divsi %add3A_1565, %div3A_1567 : vector<16x1xi32>
      %add3A_1569 = arith.addi %select_n3A_1557, %div3A_1568 : vector<16x1xi32>
      %ge3A_1570 = vector.broadcast %add3A_1569 : vector<16x1xi32> to vector<16x16384xi32>
      %ge3A_1571 = arith.cmpi sge, %bitcast_convert_type3A, %ge3A_1570 : vector<16x16384xi32>
      %convert_element_type3A_1572 = arith.extui %ge3A_1571 : vector<16x16384xi1> to vector<16x16384xi32>
      %convert_element_type3A_1573 = arith.sitofp %convert_element_type3A_1572 : vector<16x16384xi32> to vector<16x16384xf32>
      %reduce_sum3A_1574 = arith.constant dense<0.000000e+00> : vector<16xf32>
      %reduce_sum3A_1575 = vector.multi_reduction <add>, %convert_element_type3A_1573, %reduce_sum3A_1574 [1] : vector<16x16384xf32> to vector<16xf32>
      %broadcast_in_dim3A_1576 = vector.shape_cast %reduce_sum3A_1575 : vector<16xf32> to vector<16x1xf32>
      %ge3A_1577 = arith.cmpf oge, %broadcast_in_dim3A_1576, %min3A_1031 : vector<16x1xf32>
      %select_n3A_1578 = arith.select %ge3A_1577, %add3A_1569, %select_n3A_1557 : vector<16x1xi1>, vector<16x1xi32>
      %sub3A_1579 = arith.constant 1 : i32
      %sub3A_1580 = vector.broadcast %sub3A_1579 : i32 to vector<16x1xi32>
      %sub3A_1581 = arith.subi %add3A_1569, %sub3A_1580 : vector<16x1xi32>
      %select_n3A_1582 = arith.select %ge3A_1577, %select_n3A_1561, %sub3A_1581 : vector<16x1xi1>, vector<16x1xi32>
      %sub3A_1583 = arith.subi %select_n3A_1582, %select_n3A_1578 : vector<16x1xi32>
      %add3A_1584 = arith.constant 1 : i32
      %add3A_1585 = vector.broadcast %add3A_1584 : i32 to vector<16x1xi32>
      %add3A_1586 = arith.addi %sub3A_1583, %add3A_1585 : vector<16x1xi32>
      %div3A_1587 = arith.constant 2 : i32
      %div3A_1588 = vector.broadcast %div3A_1587 : i32 to vector<16x1xi32>
      %div3A_1589 = arith.divsi %add3A_1586, %div3A_1588 : vector<16x1xi32>
      %add3A_1590 = arith.addi %select_n3A_1578, %div3A_1589 : vector<16x1xi32>
      %ge3A_1591 = vector.broadcast %add3A_1590 : vector<16x1xi32> to vector<16x16384xi32>
      %ge3A_1592 = arith.cmpi sge, %bitcast_convert_type3A, %ge3A_1591 : vector<16x16384xi32>
      %convert_element_type3A_1593 = arith.extui %ge3A_1592 : vector<16x16384xi1> to vector<16x16384xi32>
      %convert_element_type3A_1594 = arith.sitofp %convert_element_type3A_1593 : vector<16x16384xi32> to vector<16x16384xf32>
      %reduce_sum3A_1595 = arith.constant dense<0.000000e+00> : vector<16xf32>
      %reduce_sum3A_1596 = vector.multi_reduction <add>, %convert_element_type3A_1594, %reduce_sum3A_1595 [1] : vector<16x16384xf32> to vector<16xf32>
      %broadcast_in_dim3A_1597 = vector.shape_cast %reduce_sum3A_1596 : vector<16xf32> to vector<16x1xf32>
      %ge3A_1598 = arith.cmpf oge, %broadcast_in_dim3A_1597, %min3A_1031 : vector<16x1xf32>
      %select_n3A_1599 = arith.select %ge3A_1598, %add3A_1590, %select_n3A_1578 : vector<16x1xi1>, vector<16x1xi32>
      %sub3A_1600 = arith.constant 1 : i32
      %sub3A_1601 = vector.broadcast %sub3A_1600 : i32 to vector<16x1xi32>
      %sub3A_1602 = arith.subi %add3A_1590, %sub3A_1601 : vector<16x1xi32>
      %select_n3A_1603 = arith.select %ge3A_1598, %select_n3A_1582, %sub3A_1602 : vector<16x1xi1>, vector<16x1xi32>
      %sub3A_1604 = arith.subi %select_n3A_1603, %select_n3A_1599 : vector<16x1xi32>
      %add3A_1605 = arith.constant 1 : i32
      %add3A_1606 = vector.broadcast %add3A_1605 : i32 to vector<16x1xi32>
      %add3A_1607 = arith.addi %sub3A_1604, %add3A_1606 : vector<16x1xi32>
      %div3A_1608 = arith.constant 2 : i32
      %div3A_1609 = vector.broadcast %div3A_1608 : i32 to vector<16x1xi32>
      %div3A_1610 = arith.divsi %add3A_1607, %div3A_1609 : vector<16x1xi32>
      %add3A_1611 = arith.addi %select_n3A_1599, %div3A_1610 : vector<16x1xi32>
      %ge3A_1612 = vector.broadcast %add3A_1611 : vector<16x1xi32> to vector<16x16384xi32>
      %ge3A_1613 = arith.cmpi sge, %bitcast_convert_type3A, %ge3A_1612 : vector<16x16384xi32>
      %convert_element_type3A_1614 = arith.extui %ge3A_1613 : vector<16x16384xi1> to vector<16x16384xi32>
      %convert_element_type3A_1615 = arith.sitofp %convert_element_type3A_1614 : vector<16x16384xi32> to vector<16x16384xf32>
      %reduce_sum3A_1616 = arith.constant dense<0.000000e+00> : vector<16xf32>
      %reduce_sum3A_1617 = vector.multi_reduction <add>, %convert_element_type3A_1615, %reduce_sum3A_1616 [1] : vector<16x16384xf32> to vector<16xf32>
      %broadcast_in_dim3A_1618 = vector.shape_cast %reduce_sum3A_1617 : vector<16xf32> to vector<16x1xf32>
      %ge3A_1619 = arith.cmpf oge, %broadcast_in_dim3A_1618, %min3A_1031 : vector<16x1xf32>
      %select_n3A_1620 = arith.select %ge3A_1619, %add3A_1611, %select_n3A_1599 : vector<16x1xi1>, vector<16x1xi32>
      %sub3A_1621 = arith.constant 1 : i32
      %sub3A_1622 = vector.broadcast %sub3A_1621 : i32 to vector<16x1xi32>
      %sub3A_1623 = arith.subi %add3A_1611, %sub3A_1622 : vector<16x1xi32>
      %select_n3A_1624 = arith.select %ge3A_1619, %select_n3A_1603, %sub3A_1623 : vector<16x1xi1>, vector<16x1xi32>
      %sub3A_1625 = arith.subi %select_n3A_1624, %select_n3A_1620 : vector<16x1xi32>
      %add3A_1626 = arith.constant 1 : i32
      %add3A_1627 = vector.broadcast %add3A_1626 : i32 to vector<16x1xi32>
      %add3A_1628 = arith.addi %sub3A_1625, %add3A_1627 : vector<16x1xi32>
      %div3A_1629 = arith.constant 2 : i32
      %div3A_1630 = vector.broadcast %div3A_1629 : i32 to vector<16x1xi32>
      %div3A_1631 = arith.divsi %add3A_1628, %div3A_1630 : vector<16x1xi32>
      %add3A_1632 = arith.addi %select_n3A_1620, %div3A_1631 : vector<16x1xi32>
      %ge3A_1633 = vector.broadcast %add3A_1632 : vector<16x1xi32> to vector<16x16384xi32>
      %ge3A_1634 = arith.cmpi sge, %bitcast_convert_type3A, %ge3A_1633 : vector<16x16384xi32>
      %convert_element_type3A_1635 = arith.extui %ge3A_1634 : vector<16x16384xi1> to vector<16x16384xi32>
      %convert_element_type3A_1636 = arith.sitofp %convert_element_type3A_1635 : vector<16x16384xi32> to vector<16x16384xf32>
      %reduce_sum3A_1637 = arith.constant dense<0.000000e+00> : vector<16xf32>
      %reduce_sum3A_1638 = vector.multi_reduction <add>, %convert_element_type3A_1636, %reduce_sum3A_1637 [1] : vector<16x16384xf32> to vector<16xf32>
      %broadcast_in_dim3A_1639 = vector.shape_cast %reduce_sum3A_1638 : vector<16xf32> to vector<16x1xf32>
      %ge3A_1640 = arith.cmpf oge, %broadcast_in_dim3A_1639, %min3A_1031 : vector<16x1xf32>
      %select_n3A_1641 = arith.select %ge3A_1640, %add3A_1632, %select_n3A_1620 : vector<16x1xi1>, vector<16x1xi32>
      %sub3A_1642 = arith.constant 1 : i32
      %sub3A_1643 = vector.broadcast %sub3A_1642 : i32 to vector<16x1xi32>
      %sub3A_1644 = arith.subi %add3A_1632, %sub3A_1643 : vector<16x1xi32>
      %select_n3A_1645 = arith.select %ge3A_1640, %select_n3A_1624, %sub3A_1644 : vector<16x1xi1>, vector<16x1xi32>
      %sub3A_1646 = arith.subi %select_n3A_1645, %select_n3A_1641 : vector<16x1xi32>
      %add3A_1647 = arith.constant 1 : i32
      %add3A_1648 = vector.broadcast %add3A_1647 : i32 to vector<16x1xi32>
      %add3A_1649 = arith.addi %sub3A_1646, %add3A_1648 : vector<16x1xi32>
      %div3A_1650 = arith.constant 2 : i32
      %div3A_1651 = vector.broadcast %div3A_1650 : i32 to vector<16x1xi32>
      %div3A_1652 = arith.divsi %add3A_1649, %div3A_1651 : vector<16x1xi32>
      %add3A_1653 = arith.addi %select_n3A_1641, %div3A_1652 : vector<16x1xi32>
      %ge3A_1654 = vector.broadcast %add3A_1653 : vector<16x1xi32> to vector<16x16384xi32>
      %ge3A_1655 = arith.cmpi sge, %bitcast_convert_type3A, %ge3A_1654 : vector<16x16384xi32>
      %convert_element_type3A_1656 = arith.extui %ge3A_1655 : vector<16x16384xi1> to vector<16x16384xi32>
      %convert_element_type3A_1657 = arith.sitofp %convert_element_type3A_1656 : vector<16x16384xi32> to vector<16x16384xf32>
      %reduce_sum3A_1658 = arith.constant dense<0.000000e+00> : vector<16xf32>
      %reduce_sum3A_1659 = vector.multi_reduction <add>, %convert_element_type3A_1657, %reduce_sum3A_1658 [1] : vector<16x16384xf32> to vector<16xf32>
      %broadcast_in_dim3A_1660 = vector.shape_cast %reduce_sum3A_1659 : vector<16xf32> to vector<16x1xf32>
      %ge3A_1661 = arith.cmpf oge, %broadcast_in_dim3A_1660, %min3A_1031 : vector<16x1xf32>
      %select_n3A_1662 = arith.select %ge3A_1661, %add3A_1653, %select_n3A_1641 : vector<16x1xi1>, vector<16x1xi32>
      %sub3A_1663 = arith.constant 1 : i32
      %sub3A_1664 = vector.broadcast %sub3A_1663 : i32 to vector<16x1xi32>
      %sub3A_1665 = arith.subi %add3A_1653, %sub3A_1664 : vector<16x1xi32>
      %select_n3A_1666 = arith.select %ge3A_1661, %select_n3A_1645, %sub3A_1665 : vector<16x1xi1>, vector<16x1xi32>
      %sub3A_1667 = arith.subi %select_n3A_1666, %select_n3A_1662 : vector<16x1xi32>
      %add3A_1668 = arith.constant 1 : i32
      %add3A_1669 = vector.broadcast %add3A_1668 : i32 to vector<16x1xi32>
      %add3A_1670 = arith.addi %sub3A_1667, %add3A_1669 : vector<16x1xi32>
      %div3A_1671 = arith.constant 2 : i32
      %div3A_1672 = vector.broadcast %div3A_1671 : i32 to vector<16x1xi32>
      %div3A_1673 = arith.divsi %add3A_1670, %div3A_1672 : vector<16x1xi32>
      %add3A_1674 = arith.addi %select_n3A_1662, %div3A_1673 : vector<16x1xi32>
      %ge3A_1675 = vector.broadcast %add3A_1674 : vector<16x1xi32> to vector<16x16384xi32>
      %ge3A_1676 = arith.cmpi sge, %bitcast_convert_type3A, %ge3A_1675 : vector<16x16384xi32>
      %convert_element_type3A_1677 = arith.extui %ge3A_1676 : vector<16x16384xi1> to vector<16x16384xi32>
      %convert_element_type3A_1678 = arith.sitofp %convert_element_type3A_1677 : vector<16x16384xi32> to vector<16x16384xf32>
      %reduce_sum3A_1679 = arith.constant dense<0.000000e+00> : vector<16xf32>
      %reduce_sum3A_1680 = vector.multi_reduction <add>, %convert_element_type3A_1678, %reduce_sum3A_1679 [1] : vector<16x16384xf32> to vector<16xf32>
      %broadcast_in_dim3A_1681 = vector.shape_cast %reduce_sum3A_1680 : vector<16xf32> to vector<16x1xf32>
      %ge3A_1682 = arith.cmpf oge, %broadcast_in_dim3A_1681, %min3A_1031 : vector<16x1xf32>
      %select_n3A_1683 = arith.select %ge3A_1682, %add3A_1674, %select_n3A_1662 : vector<16x1xi1>, vector<16x1xi32>
      %le3A = vector.broadcast %select_n3A_1683 : vector<16x1xi32> to vector<16x16384xi32>
      %le3A_1684 = arith.cmpi sle, %bitcast_convert_type3A, %le3A : vector<16x16384xi32>
      %jit3A_1685 = arith.constant -1.000000e+00 : f32
      %broadcast_in_dim3A_1686 = vector.broadcast %jit3A_1685 : f32 to vector<16x16384xf32>
      %select_n3A_1687 = arith.select %le3A_1684, %get3A_1019, %broadcast_in_dim3A_1686 : vector<16x16384xi1>, vector<16x16384xf32>
      %reduce_max3A_1688 = arith.constant dense<0xFF800000> : vector<16xf32>
      %reduce_max3A_1689 = vector.multi_reduction <maximumf>, %select_n3A_1687, %reduce_max3A_1688 [1] : vector<16x16384xf32> to vector<16xf32>
      %broadcast_in_dim3A_1690 = vector.shape_cast %reduce_max3A_1689 : vector<16xf32> to vector<16x1xf32>
      %gt3A_1691 = vector.broadcast %select_n3A_1683 : vector<16x1xi32> to vector<16x16384xi32>
      %gt3A_1692 = arith.cmpi sgt, %bitcast_convert_type3A, %gt3A_1691 : vector<16x16384xi32>
      %jit3A_1693 = arith.constant 1.000000e+00 : f32
      %jit3A_1694 = arith.constant 0.000000e+00 : f32
      %broadcast_in_dim3A_1695 = vector.broadcast %jit3A_1693 : f32 to vector<16x16384xf32>
      %broadcast_in_dim3A_1696 = vector.broadcast %jit3A_1694 : f32 to vector<16x16384xf32>
      %select_n3A_1697 = arith.select %gt3A_1692, %broadcast_in_dim3A_1695, %broadcast_in_dim3A_1696 : vector<16x16384xi1>, vector<16x16384xf32>
      %reduce_sum3A_1698 = arith.constant dense<0.000000e+00> : vector<16xf32>
      %reduce_sum3A_1699 = vector.multi_reduction <add>, %select_n3A_1697, %reduce_sum3A_1698 [1] : vector<16x16384xf32> to vector<16xf32>
      %broadcast_in_dim3A_1700 = vector.shape_cast %reduce_sum3A_1699 : vector<16xf32> to vector<16x1xf32>
      %gt3A_1701 = vector.broadcast %select_n3A_1683 : vector<16x1xi32> to vector<16x16384xi32>
      %gt3A_1702 = arith.cmpi sgt, %bitcast_convert_type3A, %gt3A_1701 : vector<16x16384xi32>
      %jit3A_1703 = arith.constant 0.000000e+00 : f32
      %broadcast_in_dim3A_1704 = vector.broadcast %jit3A_1703 : f32 to vector<16x16384xf32>
      %select_n3A_1705 = arith.select %gt3A_1702, %get3A_1019, %broadcast_in_dim3A_1704 : vector<16x16384xi1>, vector<16x16384xf32>
      %reduce_sum3A_1706 = arith.constant dense<0.000000e+00> : vector<16xf32>
      %reduce_sum3A_1707 = vector.multi_reduction <add>, %select_n3A_1705, %reduce_sum3A_1706 [1] : vector<16x16384xf32> to vector<16xf32>
      %broadcast_in_dim3A_1708 = vector.shape_cast %reduce_sum3A_1707 : vector<16xf32> to vector<16x1xf32>
      %sub3A_1709 = arith.subf %min3A_1031, %broadcast_in_dim3A_1700 : vector<16x1xf32>
      %mul3A_1710 = arith.mulf %sub3A_1709, %broadcast_in_dim3A_1690 : vector<16x1xf32>
      %add3A_1711 = arith.addf %broadcast_in_dim3A_1708, %mul3A_1710 : vector<16x1xf32>
      %gt3A_1712 = arith.constant 0.000000e+00 : f32
      %gt3A_1713 = vector.broadcast %gt3A_1712 : f32 to vector<16x1xf32>
      %gt3A_1714 = arith.cmpf ogt, %min3A_1031, %gt3A_1713 : vector<16x1xf32>
      %jit3A_1715 = arith.constant 0.000000e+00 : f32
      %broadcast_in_dim3A_1716 = vector.broadcast %jit3A_1715 : f32 to vector<16x1xf32>
      %select_n3A_1717 = arith.select %gt3A_1714, %add3A_1711, %broadcast_in_dim3A_1716 : vector<16x1xi1>, vector<16x1xf32>
      %iota3A_1718 = tpu.iota {dimensions = array<i32: 1>} : vector<1x128xi32>
      %convert_element_type3A_1719 = arith.sitofp %iota3A_1718 : vector<1x128xi32> to vector<1x128xf32>
      %eq3A_1720 = arith.constant 0.000000e+00 : f32
      %eq3A_1721 = vector.broadcast %eq3A_1720 : f32 to vector<1x128xf32>
      %eq3A_1722 = arith.cmpf oeq, %convert_element_type3A_1719, %eq3A_1721 : vector<1x128xf32>
      %get3A_1723 = arith.constant 0 : index
      %get3A_1724 = memref.load %arg12[%get3A_1723] : memref<4xf32, #tpu.memory_space<smem>>
      %jit3A_1725 = arith.constant 0.000000e+00 : f32
      %broadcast_in_dim3A_1726 = vector.broadcast %get3A_1724 : f32 to vector<1x128xf32>
      %broadcast_in_dim3A_1727 = vector.broadcast %jit3A_1725 : f32 to vector<1x128xf32>
      %select_n3A_1728 = arith.select %eq3A_1722, %broadcast_in_dim3A_1726, %broadcast_in_dim3A_1727 : vector<1x128xi1>, vector<1x128xf32>
      %eq3A_1729 = arith.constant 1.000000e+00 : f32
      %eq3A_1730 = vector.broadcast %eq3A_1729 : f32 to vector<1x128xf32>
      %eq3A_1731 = arith.cmpf oeq, %convert_element_type3A_1719, %eq3A_1730 : vector<1x128xf32>
      %get3A_1732 = arith.constant 1 : index
      %get3A_1733 = memref.load %arg12[%get3A_1732] : memref<4xf32, #tpu.memory_space<smem>>
      %jit3A_1734 = arith.constant 0.000000e+00 : f32
      %broadcast_in_dim3A_1735 = vector.broadcast %get3A_1733 : f32 to vector<1x128xf32>
      %broadcast_in_dim3A_1736 = vector.broadcast %jit3A_1734 : f32 to vector<1x128xf32>
      %select_n3A_1737 = arith.select %eq3A_1731, %broadcast_in_dim3A_1735, %broadcast_in_dim3A_1736 : vector<1x128xi1>, vector<1x128xf32>
      %add3A_1738 = arith.addf %select_n3A_1728, %select_n3A_1737 : vector<1x128xf32>
      %eq3A_1739 = arith.constant 2.000000e+00 : f32
      %eq3A_1740 = vector.broadcast %eq3A_1739 : f32 to vector<1x128xf32>
      %eq3A_1741 = arith.cmpf oeq, %convert_element_type3A_1719, %eq3A_1740 : vector<1x128xf32>
      %reduce_sum3A_1742 = vector.shape_cast %select_n3A_1717 : vector<16x1xf32> to vector<1x16x1xf32>
      %reduce_sum3A_1743 = arith.constant dense<0.000000e+00> : vector<1xf32>
      %reduce_sum3A_1744 = vector.multi_reduction <add>, %reduce_sum3A_1742, %reduce_sum3A_1743 [1, 2] : vector<1x16x1xf32> to vector<1xf32>
      %reduce_sum3A_1745 = vector.shape_cast %reduce_sum3A_1744 : vector<1xf32> to vector<1x1x1xf32>
      %reduce_sum3A_1746 = vector.extract %reduce_sum3A_1745[0, 0, 0] : f32 from vector<1x1x1xf32>
      %jit3A_1747 = arith.constant 0.000000e+00 : f32
      %broadcast_in_dim3A_1748 = vector.broadcast %reduce_sum3A_1746 : f32 to vector<1x128xf32>
      %broadcast_in_dim3A_1749 = vector.broadcast %jit3A_1747 : f32 to vector<1x128xf32>
      %select_n3A_1750 = arith.select %eq3A_1741, %broadcast_in_dim3A_1748, %broadcast_in_dim3A_1749 : vector<1x128xi1>, vector<1x128xf32>
      %add3A_1751 = arith.addf %add3A_1738, %select_n3A_1750 : vector<1x128xf32>
      %eq3A_1752 = arith.constant 3.000000e+00 : f32
      %eq3A_1753 = vector.broadcast %eq3A_1752 : f32 to vector<1x128xf32>
      %eq3A_1754 = arith.cmpf oeq, %convert_element_type3A_1719, %eq3A_1753 : vector<1x128xf32>
      %reduce_sum3A_1755 = vector.shape_cast %broadcast_in_dim3A_1025 : vector<16x1xf32> to vector<1x16x1xf32>
      %reduce_sum3A_1756 = arith.constant dense<0.000000e+00> : vector<1xf32>
      %reduce_sum3A_1757 = vector.multi_reduction <add>, %reduce_sum3A_1755, %reduce_sum3A_1756 [1, 2] : vector<1x16x1xf32> to vector<1xf32>
      %reduce_sum3A_1758 = vector.shape_cast %reduce_sum3A_1757 : vector<1xf32> to vector<1x1x1xf32>
      %reduce_sum3A_1759 = vector.extract %reduce_sum3A_1758[0, 0, 0] : f32 from vector<1x1x1xf32>
      %jit3A_1760 = arith.constant 0.000000e+00 : f32
      %broadcast_in_dim3A_1761 = vector.broadcast %reduce_sum3A_1759 : f32 to vector<1x128xf32>
      %broadcast_in_dim3A_1762 = vector.broadcast %jit3A_1760 : f32 to vector<1x128xf32>
      %select_n3A_1763 = arith.select %eq3A_1754, %broadcast_in_dim3A_1761, %broadcast_in_dim3A_1762 : vector<1x128xi1>, vector<1x128xf32>
      %add3A_1764 = arith.addf %add3A_1751, %select_n3A_1763 : vector<1x128xf32>
      %eq3A_1765 = arith.constant 4.000000e+00 : f32
      %eq3A_1766 = vector.broadcast %eq3A_1765 : f32 to vector<1x128xf32>
      %eq3A_1767 = arith.cmpf oeq, %convert_element_type3A_1719, %eq3A_1766 : vector<1x128xf32>
      %reduce_sum3A_1768 = vector.shape_cast %min3A_1031 : vector<16x1xf32> to vector<1x16x1xf32>
      %reduce_sum3A_1769 = arith.constant dense<0.000000e+00> : vector<1xf32>
      %reduce_sum3A_1770 = vector.multi_reduction <add>, %reduce_sum3A_1768, %reduce_sum3A_1769 [1, 2] : vector<1x16x1xf32> to vector<1xf32>
      %reduce_sum3A_1771 = vector.shape_cast %reduce_sum3A_1770 : vector<1xf32> to vector<1x1x1xf32>
      %reduce_sum3A_1772 = vector.extract %reduce_sum3A_1771[0, 0, 0] : f32 from vector<1x1x1xf32>
      %jit3A_1773 = arith.constant 0.000000e+00 : f32
      %broadcast_in_dim3A_1774 = vector.broadcast %reduce_sum3A_1772 : f32 to vector<1x128xf32>
      %broadcast_in_dim3A_1775 = vector.broadcast %jit3A_1773 : f32 to vector<1x128xf32>
      %select_n3A_1776 = arith.select %eq3A_1767, %broadcast_in_dim3A_1774, %broadcast_in_dim3A_1775 : vector<1x128xi1>, vector<1x128xf32>
      %add3A_1777 = arith.addf %add3A_1764, %select_n3A_1776 : vector<1x128xf32>
      %swap3A_1778 = arith.constant 0 : index
      %swap3A_1779 = arith.constant 0 : index
      %swap3A_1780 = vector.load %arg6[%swap3A_1778, %swap3A_1779] : memref<1x128xf32, #tpu.memory_space<vmem>>, vector<1x128xf32>
      tpu.vector_store %arg6[%swap3A_1778, %swap3A_1779], %add3A_1777 {strides = array<i32>} : memref<1x128xf32, #tpu.memory_space<vmem>>, vector<1x128xf32>,
    } else {
    }
    return
  }
  func.func @transform_0(%arg0: i32) -> (i32, i32, i32) {
    %c0_i32 = arith.constant 0 : i32
    %c0_i32_0 = arith.constant 0 : i32
    %c0_i32_1 = arith.constant 0 : i32
    return %arg0, %c0_i32, %c0_i32_0 : i32, i32, i32
  }
  func.func @transform_1(%arg0: i32) -> (i32, i32, i32) {
    %c0_i32 = arith.constant 0 : i32
    %c0_i32_0 = arith.constant 0 : i32
    %c0_i32_1 = arith.constant 0 : i32
    return %arg0, %c0_i32, %c0_i32_0 : i32, i32, i32
  }
  func.func @transform_2(%arg0: i32) -> (i32, i32) {
    %c0_i32 = arith.constant 0 : i32
    %c0_i32_0 = arith.constant 0 : i32
    %c0_i32_1 = arith.constant 0 : i32
    return %c0_i32, %c0_i32_0 : i32, i32
  }
  func.func @transform_3(%arg0: i32) -> (i32, i32, i32) {
    %c0_i32 = arith.constant 0 : i32
    %c0_i32_0 = arith.constant 0 : i32
    %c0_i32_1 = arith.constant 0 : i32
    return %arg0, %c0_i32, %c0_i32_0 : i32, i32, i32
  }
  func.func @transform_4(%arg0: i32) -> (i32, i32, i32) {
    %c0_i32 = arith.constant 0 : i32
    %c0_i32_0 = arith.constant 0 : i32
    %c0_i32_1 = arith.constant 0 : i32
    return %arg0, %c0_i32, %c0_i32_0 : i32, i32, i32
  }
  func.func @transform_5(%arg0: i32) -> (i32, i32) {
    %c0_i32 = arith.constant 0 : i32
    %c0_i32_0 = arith.constant 0 : i32
    %c0_i32_1 = arith.constant 0 : i32
    return %c0_i32, %c0_i32_0 : i32, i32
  }
  func.func @transform_6(%arg0: i32) -> (i32, i32, i32) {
    %c0_i32 = arith.constant 0 : i32
    %c0_i32_0 = arith.constant 0 : i32
    %c0_i32_1 = arith.constant 0 : i32
    return %arg0, %c0_i32, %c0_i32_0 : i32, i32, i32
  }
}

module attributes {stable_mosaic.version = 14 : i64} {
  func.func @_reduce_kernel(%arg0: i32, %arg1: memref<512xi32, #tpu.memory_space<smem>>, %arg2: memref<512x128xf32, #tpu.memory_space<vmem>>, %arg3: memref<512x1xf32, #tpu.memory_space<vmem>>, %arg4: memref<1x128xf32, #tpu.memory_space<vmem>>) attributes {dimension_semantics = [#tpu.dimension_semantics<arbitrary>], iteration_bounds = array<i64: 128>, scalar_prefetch = 1 : i64, scratch_operands = 0 : i64, tpu.core_type = #tpu.core_type<tc>, window_params = [{transform_indices = @transform_0, window_bounds = array<i64: 512, 128>}, {transform_indices = @transform_1, window_bounds = array<i64: 512, 1>}, {pipeline_mode = #tpu.pipeline_mode<synchronous>, transform_indices = @transform_2, window_bounds = array<i64: 1, 128>}]} {
    %jit3A = arith.constant 4 : i32
    %div3A = arith.divsi %arg0, %jit3A : i32
    %sign3A = arith.constant 0 : i32
    %sign3A_0 = arith.cmpi sgt, %arg0, %sign3A : i32
    %sign3A_1 = arith.extui %sign3A_0 : i1 to i32
    %sign3A_2 = arith.constant 0 : i32
    %sign3A_3 = arith.cmpi slt, %arg0, %sign3A_2 : i32
    %sign3A_4 = arith.extui %sign3A_3 : i1 to i32
    %sign3A_5 = arith.subi %sign3A_1, %sign3A_4 : i32
    %sign3A_6 = arith.constant 0 : i32
    %sign3A_7 = arith.cmpi sgt, %jit3A, %sign3A_6 : i32
    %sign3A_8 = arith.extui %sign3A_7 : i1 to i32
    %sign3A_9 = arith.constant 0 : i32
    %sign3A_10 = arith.cmpi slt, %jit3A, %sign3A_9 : i32
    %sign3A_11 = arith.extui %sign3A_10 : i1 to i32
    %sign3A_12 = arith.subi %sign3A_8, %sign3A_11 : i32
    %ne3A = arith.cmpi ne, %sign3A_5, %sign3A_12 : i32
    %rem3A = arith.remsi %arg0, %jit3A : i32
    %ne3A_13 = arith.constant 0 : i32
    %ne3A_14 = arith.cmpi ne, %rem3A, %ne3A_13 : i32
    %and3A = arith.andi %ne3A, %ne3A_14 : i1
    %sub3A = arith.constant 1 : i32
    %sub3A_15 = arith.subi %div3A, %sub3A : i32
    %select_n3A = arith.select %and3A, %sub3A_15, %div3A : i32
    %jit3A_16 = arith.constant 4 : i32
    %eq3A = arith.constant 0 : i32
    %eq3A_17 = arith.cmpi eq, %jit3A_16, %eq3A : i32
    %jit3A_18 = arith.constant 1 : i32
    %select_n3A_19 = arith.select %eq3A_17, %jit3A_18, %jit3A_16 : i32
    %rem3A_20 = arith.remsi %arg0, %select_n3A_19 : i32
    %ne3A_21 = arith.constant 0 : i32
    %ne3A_22 = arith.cmpi ne, %rem3A_20, %ne3A_21 : i32
    %lt3A = arith.constant 0 : i32
    %lt3A_23 = arith.cmpi slt, %rem3A_20, %lt3A : i32
    %lt3A_24 = arith.constant 0 : i32
    %lt3A_25 = arith.cmpi slt, %select_n3A_19, %lt3A_24 : i32
    %ne3A_26 = arith.xori %lt3A_23, %lt3A_25 : i1
    %and3A_27 = arith.andi %ne3A_26, %ne3A_22 : i1
    %add3A = arith.addi %rem3A_20, %select_n3A_19 : i32
    %select_n3A_28 = arith.select %and3A_27, %add3A, %rem3A_20 : i32
    %mul3A = arith.constant 512 : i32
    %mul3A_29 = arith.muli %select_n3A_28, %mul3A : i32
    %mul3A_30 = arith.constant 16 : i32
    %mul3A_31 = arith.muli %select_n3A, %mul3A_30 : i32
    %get3A = arith.index_cast %mul3A_31 : i32 to index
    %get3A_32 = memref.load %arg1[%get3A] : memref<512xi32, #tpu.memory_space<smem>>
    %lt3A_33 = arith.cmpi slt, %mul3A_29, %get3A_32 : i32
    %eq3A_34 = arith.constant 0 : i32
    %eq3A_35 = arith.cmpi eq, %arg0, %eq3A_34 : i32
    %convert_element_type3A = arith.extui %eq3A_35 : i1 to i32
    %cond3A = arith.constant 0 : i32
    %cond3A_36 = arith.cmpi ne, %convert_element_type3A, %cond3A : i32
    scf.if %cond3A_36 {
      %broadcast_in_dim3A = arith.constant 0.000000e+00 : f32
      %broadcast_in_dim3A_40 = vector.broadcast %broadcast_in_dim3A : f32 to vector<1x128xf32>
      %swap3A = arith.constant 0 : index
      %swap3A_41 = arith.constant 0 : index
      %swap3A_42 = vector.load %arg4[%swap3A, %swap3A_41] : memref<1x128xf32, #tpu.memory_space<vmem>>, vector<1x128xf32>
      tpu.vector_store %arg4[%swap3A, %swap3A_41], %broadcast_in_dim3A_40 {strides = array<i32>} : memref<1x128xf32, #tpu.memory_space<vmem>>, vector<1x128xf32>,
    } else {
    }
    %convert_element_type3A_37 = arith.extui %lt3A_33 : i1 to i32
    %cond3A_38 = arith.constant 0 : i32
    %cond3A_39 = arith.cmpi ne, %convert_element_type3A_37, %cond3A_38 : i32
    scf.if %cond3A_39 {
      %iota3A = tpu.iota {dimensions = array<i32: 1>} : vector<512x128xi32>
      %convert_element_type3A_40 = arith.sitofp %iota3A : vector<512x128xi32> to vector<512x128xf32>
      %lt3A_41 = arith.constant 8.100000e+01 : f32
      %lt3A_42 = vector.broadcast %lt3A_41 : f32 to vector<512x128xf32>
      %lt3A_43 = arith.cmpf olt, %convert_element_type3A_40, %lt3A_42 : vector<512x128xf32>
      %get3A_44 = arith.constant 0 : index
      %get3A_45 = arith.constant 0 : index
      %get3A_46 = vector.load %arg2[%get3A_44, %get3A_45] : memref<512x128xf32, #tpu.memory_space<vmem>>, vector<512x128xf32>
      %jit3A_47 = arith.constant -1.000000e+30 : f32
      %broadcast_in_dim3A = vector.broadcast %jit3A_47 : f32 to vector<512x128xf32>
      %select_n3A_48 = arith.select %lt3A_43, %get3A_46, %broadcast_in_dim3A : vector<512x128xi1>, vector<512x128xf32>
      %reduce_max3A = arith.constant dense<0xFF800000> : vector<512xf32>
      %reduce_max3A_49 = vector.multi_reduction <maximumf>, %select_n3A_48, %reduce_max3A [1] : vector<512x128xf32> to vector<512xf32>
      %broadcast_in_dim3A_50 = vector.shape_cast %reduce_max3A_49 : vector<512xf32> to vector<512x1xf32>
      %sub3A_51 = vector.broadcast %broadcast_in_dim3A_50 : vector<512x1xf32> to vector<512x128xf32>
      %sub3A_52 = arith.subf %select_n3A_48, %sub3A_51 : vector<512x128xf32>
      %exp3A = math.exp %sub3A_52 : vector<512x128xf32>
      %reduce_sum3A = arith.constant dense<0.000000e+00> : vector<512xf32>
      %reduce_sum3A_53 = vector.multi_reduction <add>, %exp3A, %reduce_sum3A [1] : vector<512x128xf32> to vector<512xf32>
      %broadcast_in_dim3A_54 = vector.shape_cast %reduce_sum3A_53 : vector<512xf32> to vector<512x1xf32>
      %log3A = math.log %broadcast_in_dim3A_54 : vector<512x1xf32>
      %add3A_55 = arith.addf %broadcast_in_dim3A_50, %log3A : vector<512x1xf32>
      %get3A_56 = arith.constant 0 : index
      %get3A_57 = arith.constant 0 : index
      %get3A_58 = vector.load %arg3[%get3A_56, %get3A_57] : memref<512x1xf32, #tpu.memory_space<vmem>>, vector<512x1xf32>
      %eq3A_59 = vector.broadcast %get3A_58 : vector<512x1xf32> to vector<512x128xf32>
      %eq3A_60 = arith.cmpf oeq, %convert_element_type3A_40, %eq3A_59 : vector<512x128xf32>
      %jit3A_61 = arith.constant 0.000000e+00 : f32
      %broadcast_in_dim3A_62 = vector.broadcast %jit3A_61 : f32 to vector<512x128xf32>
      %select_n3A_63 = arith.select %eq3A_60, %select_n3A_48, %broadcast_in_dim3A_62 : vector<512x128xi1>, vector<512x128xf32>
      %reduce_sum3A_64 = arith.constant dense<0.000000e+00> : vector<512xf32>
      %reduce_sum3A_65 = vector.multi_reduction <add>, %select_n3A_63, %reduce_sum3A_64 [1] : vector<512x128xf32> to vector<512xf32>
      %broadcast_in_dim3A_66 = vector.shape_cast %reduce_sum3A_65 : vector<512xf32> to vector<512x1xf32>
      %sub3A_67 = arith.subf %add3A_55, %broadcast_in_dim3A_66 : vector<512x1xf32>
      %iota3A_68 = tpu.iota {dimensions = array<i32: 0>} : vector<512x1xi32>
      %add3A_69 = vector.broadcast %mul3A_29 : i32 to vector<512x1xi32>
      %add3A_70 = arith.addi %iota3A_68, %add3A_69 : vector<512x1xi32>
      %ge3A = arith.constant 0.000000e+00 : f32
      %ge3A_71 = vector.broadcast %ge3A : f32 to vector<512x1xf32>
      %ge3A_72 = arith.cmpf oge, %get3A_58, %ge3A_71 : vector<512x1xf32>
      %lt3A_73 = vector.broadcast %get3A_32 : i32 to vector<512x1xi32>
      %lt3A_74 = arith.cmpi slt, %add3A_70, %lt3A_73 : vector<512x1xi32>
      %and3A_75 = arith.andi %ge3A_72, %lt3A_74 : vector<512x1xi1>
      %jit3A_76 = arith.constant 0.000000e+00 : f32
      %broadcast_in_dim3A_77 = vector.broadcast %jit3A_76 : f32 to vector<512x1xf32>
      %select_n3A_78 = arith.select %and3A_75, %sub3A_67, %broadcast_in_dim3A_77 : vector<512x1xi1>, vector<512x1xf32>
      %reduce_sum3A_79 = vector.shape_cast %select_n3A_78 : vector<512x1xf32> to vector<1x512x1xf32>
      %reduce_sum3A_80 = arith.constant dense<0.000000e+00> : vector<1xf32>
      %reduce_sum3A_81 = vector.multi_reduction <add>, %reduce_sum3A_79, %reduce_sum3A_80 [1, 2] : vector<1x512x1xf32> to vector<1xf32>
      %reduce_sum3A_82 = vector.shape_cast %reduce_sum3A_81 : vector<1xf32> to vector<1x1x1xf32>
      %reduce_sum3A_83 = vector.extract %reduce_sum3A_82[0, 0, 0] : f32 from vector<1x1x1xf32>
      %iota3A_84 = tpu.iota {dimensions = array<i32: 1>} : vector<1x128xi32>
      %convert_element_type3A_85 = arith.sitofp %iota3A_84 : vector<1x128xi32> to vector<1x128xf32>
      %get3A_86 = arith.constant 0 : index
      %get3A_87 = arith.constant 0 : index
      %get3A_88 = vector.load %arg4[%get3A_86, %get3A_87] : memref<1x128xf32, #tpu.memory_space<vmem>>, vector<1x128xf32>
      %eq3A_89 = arith.constant 0.000000e+00 : f32
      %eq3A_90 = vector.broadcast %eq3A_89 : f32 to vector<1x128xf32>
      %eq3A_91 = arith.cmpf oeq, %convert_element_type3A_85, %eq3A_90 : vector<1x128xf32>
      %jit3A_92 = arith.constant 0.000000e+00 : f32
      %broadcast_in_dim3A_93 = vector.broadcast %reduce_sum3A_83 : f32 to vector<1x128xf32>
      %broadcast_in_dim3A_94 = vector.broadcast %jit3A_92 : f32 to vector<1x128xf32>
      %select_n3A_95 = arith.select %eq3A_91, %broadcast_in_dim3A_93, %broadcast_in_dim3A_94 : vector<1x128xi1>, vector<1x128xf32>
      %add3A_96 = arith.addf %get3A_88, %select_n3A_95 : vector<1x128xf32>
      %swap3A = arith.constant 0 : index
      %swap3A_97 = arith.constant 0 : index
      %swap3A_98 = vector.load %arg4[%swap3A, %swap3A_97] : memref<1x128xf32, #tpu.memory_space<vmem>>, vector<1x128xf32>
      tpu.vector_store %arg4[%swap3A, %swap3A_97], %add3A_96 {strides = array<i32>} : memref<1x128xf32, #tpu.memory_space<vmem>>, vector<1x128xf32>,
    } else {
    }
    return
  }
  func.func @transform_0(%arg0: i32, %arg1: memref<512xi32, #tpu.memory_space<smem>>) -> (i32, i32) {
    %jit3A = arith.constant 4 : i32
    %div3A = arith.divsi %arg0, %jit3A : i32
    %sign3A = arith.constant 0 : i32
    %sign3A_0 = arith.cmpi sgt, %arg0, %sign3A : i32
    %sign3A_1 = arith.extui %sign3A_0 : i1 to i32
    %sign3A_2 = arith.constant 0 : i32
    %sign3A_3 = arith.cmpi slt, %arg0, %sign3A_2 : i32
    %sign3A_4 = arith.extui %sign3A_3 : i1 to i32
    %sign3A_5 = arith.subi %sign3A_1, %sign3A_4 : i32
    %sign3A_6 = arith.constant 0 : i32
    %sign3A_7 = arith.cmpi sgt, %jit3A, %sign3A_6 : i32
    %sign3A_8 = arith.extui %sign3A_7 : i1 to i32
    %sign3A_9 = arith.constant 0 : i32
    %sign3A_10 = arith.cmpi slt, %jit3A, %sign3A_9 : i32
    %sign3A_11 = arith.extui %sign3A_10 : i1 to i32
    %sign3A_12 = arith.subi %sign3A_8, %sign3A_11 : i32
    %ne3A = arith.cmpi ne, %sign3A_5, %sign3A_12 : i32
    %rem3A = arith.remsi %arg0, %jit3A : i32
    %ne3A_13 = arith.constant 0 : i32
    %ne3A_14 = arith.cmpi ne, %rem3A, %ne3A_13 : i32
    %and3A = arith.andi %ne3A, %ne3A_14 : i1
    %sub3A = arith.constant 1 : i32
    %sub3A_15 = arith.subi %div3A, %sub3A : i32
    %select_n3A = arith.select %and3A, %sub3A_15, %div3A : i32
    %jit3A_16 = arith.constant 4 : i32
    %eq3A = arith.constant 0 : i32
    %eq3A_17 = arith.cmpi eq, %jit3A_16, %eq3A : i32
    %jit3A_18 = arith.constant 1 : i32
    %select_n3A_19 = arith.select %eq3A_17, %jit3A_18, %jit3A_16 : i32
    %rem3A_20 = arith.remsi %arg0, %select_n3A_19 : i32
    %ne3A_21 = arith.constant 0 : i32
    %ne3A_22 = arith.cmpi ne, %rem3A_20, %ne3A_21 : i32
    %lt3A = arith.constant 0 : i32
    %lt3A_23 = arith.cmpi slt, %rem3A_20, %lt3A : i32
    %lt3A_24 = arith.constant 0 : i32
    %lt3A_25 = arith.cmpi slt, %select_n3A_19, %lt3A_24 : i32
    %ne3A_26 = arith.xori %lt3A_23, %lt3A_25 : i1
    %and3A_27 = arith.andi %ne3A_26, %ne3A_22 : i1
    %add3A = arith.addi %rem3A_20, %select_n3A_19 : i32
    %select_n3A_28 = arith.select %and3A_27, %add3A, %rem3A_20 : i32
    %mul3A = arith.constant 512 : i32
    %mul3A_29 = arith.muli %select_n3A_28, %mul3A : i32
    %mul3A_30 = arith.constant 16 : i32
    %mul3A_31 = arith.muli %select_n3A, %mul3A_30 : i32
    %get3A = arith.index_cast %mul3A_31 : i32 to index
    %get3A_32 = memref.load %arg1[%get3A] : memref<512xi32, #tpu.memory_space<smem>>
    %lt3A_33 = arith.cmpi slt, %mul3A_29, %get3A_32 : i32
    %mul3A_34 = arith.constant 4 : i32
    %mul3A_35 = arith.muli %select_n3A, %mul3A_34 : i32
    %select_n3A_36 = arith.select %lt3A_33, %arg0, %mul3A_35 : i32
    %c0_i32 = arith.constant 0 : i32
    %c0_i32_37 = arith.constant 0 : i32
    return %select_n3A_36, %c0_i32 : i32, i32
  }
  func.func @transform_1(%arg0: i32, %arg1: memref<512xi32, #tpu.memory_space<smem>>) -> (i32, i32) {
    %jit3A = arith.constant 4 : i32
    %div3A = arith.divsi %arg0, %jit3A : i32
    %sign3A = arith.constant 0 : i32
    %sign3A_0 = arith.cmpi sgt, %arg0, %sign3A : i32
    %sign3A_1 = arith.extui %sign3A_0 : i1 to i32
    %sign3A_2 = arith.constant 0 : i32
    %sign3A_3 = arith.cmpi slt, %arg0, %sign3A_2 : i32
    %sign3A_4 = arith.extui %sign3A_3 : i1 to i32
    %sign3A_5 = arith.subi %sign3A_1, %sign3A_4 : i32
    %sign3A_6 = arith.constant 0 : i32
    %sign3A_7 = arith.cmpi sgt, %jit3A, %sign3A_6 : i32
    %sign3A_8 = arith.extui %sign3A_7 : i1 to i32
    %sign3A_9 = arith.constant 0 : i32
    %sign3A_10 = arith.cmpi slt, %jit3A, %sign3A_9 : i32
    %sign3A_11 = arith.extui %sign3A_10 : i1 to i32
    %sign3A_12 = arith.subi %sign3A_8, %sign3A_11 : i32
    %ne3A = arith.cmpi ne, %sign3A_5, %sign3A_12 : i32
    %rem3A = arith.remsi %arg0, %jit3A : i32
    %ne3A_13 = arith.constant 0 : i32
    %ne3A_14 = arith.cmpi ne, %rem3A, %ne3A_13 : i32
    %and3A = arith.andi %ne3A, %ne3A_14 : i1
    %sub3A = arith.constant 1 : i32
    %sub3A_15 = arith.subi %div3A, %sub3A : i32
    %select_n3A = arith.select %and3A, %sub3A_15, %div3A : i32
    %jit3A_16 = arith.constant 4 : i32
    %eq3A = arith.constant 0 : i32
    %eq3A_17 = arith.cmpi eq, %jit3A_16, %eq3A : i32
    %jit3A_18 = arith.constant 1 : i32
    %select_n3A_19 = arith.select %eq3A_17, %jit3A_18, %jit3A_16 : i32
    %rem3A_20 = arith.remsi %arg0, %select_n3A_19 : i32
    %ne3A_21 = arith.constant 0 : i32
    %ne3A_22 = arith.cmpi ne, %rem3A_20, %ne3A_21 : i32
    %lt3A = arith.constant 0 : i32
    %lt3A_23 = arith.cmpi slt, %rem3A_20, %lt3A : i32
    %lt3A_24 = arith.constant 0 : i32
    %lt3A_25 = arith.cmpi slt, %select_n3A_19, %lt3A_24 : i32
    %ne3A_26 = arith.xori %lt3A_23, %lt3A_25 : i1
    %and3A_27 = arith.andi %ne3A_26, %ne3A_22 : i1
    %add3A = arith.addi %rem3A_20, %select_n3A_19 : i32
    %select_n3A_28 = arith.select %and3A_27, %add3A, %rem3A_20 : i32
    %mul3A = arith.constant 512 : i32
    %mul3A_29 = arith.muli %select_n3A_28, %mul3A : i32
    %mul3A_30 = arith.constant 16 : i32
    %mul3A_31 = arith.muli %select_n3A, %mul3A_30 : i32
    %get3A = arith.index_cast %mul3A_31 : i32 to index
    %get3A_32 = memref.load %arg1[%get3A] : memref<512xi32, #tpu.memory_space<smem>>
    %lt3A_33 = arith.cmpi slt, %mul3A_29, %get3A_32 : i32
    %mul3A_34 = arith.constant 4 : i32
    %mul3A_35 = arith.muli %select_n3A, %mul3A_34 : i32
    %select_n3A_36 = arith.select %lt3A_33, %arg0, %mul3A_35 : i32
    %c0_i32 = arith.constant 0 : i32
    %c0_i32_37 = arith.constant 0 : i32
    return %select_n3A_36, %c0_i32 : i32, i32
  }
  func.func @transform_2(%arg0: i32, %arg1: memref<512xi32, #tpu.memory_space<smem>>) -> (i32, i32) {
    %c0_i32 = arith.constant 0 : i32
    %c0_i32_0 = arith.constant 0 : i32
    %c0_i32_1 = arith.constant 0 : i32
    return %c0_i32, %c0_i32_0 : i32, i32
  }
}

</mosaic_0001>

<sc_bundles>
// kernel: kernel.5.cloned.1.call-start
scs
__scs_entry_jumppad:
0x0: {  	(pc) =	sbr.rel $0x88, $3  }
0x1: {  	(tag) =	ssettag $0x0;
	lr =	simm.s32 $0x1  }
0x2: {  	[smem:$0x3F9B] =	sst lr;
	_ =	strace $0xD0000000  }
0x3: {  	_ = 	snop  }
0x4: {  	_ = 	snop  }
0x5: {  	_ = 	snop  }
0x6: {  	_ = 	snop  }
0x7: {  	_ = 	snop  }
__scs_overlays_trampoline_lowered:
0x8: {  	[smem:$0x3FAA] =	sst s0  }
0x9: {  	[smem:$0x3FAB] =	sst s1  }
0xa: {  	[smem:$0x3FAC] =	sst s2  }
0xb: {  	[smem:$0x3FAD] =	sst s3  }
0xc: {  	[smem:$0x3FAE] =	sst s4  }
0xd: {  	[smem:$0x3FAF] =	sst s5  }
0xe: {  	[smem:$0x3FB0] =	sst s6  }
0xf: {  	[smem:$0x3FB1] =	sst s7  }
0x10: {  	[smem:$0x3FB2] =	sst s8  }
0x11: {  	[smem:$0x3FB3] =	sst s9;
	s0 =	simm.s32 @!p0 $0x0  }
0x12: {  	s1 =	sld [smem:$0x3F99];
	s0 =	simm.s32 @p0 $0x1  }
0x13: {  	[smem:$0x3FB4] =	sst s0;
	s0 =	simm.s32 @!p1 $0x0  }
0x14: {  	s2 =	sld [smem:$0x3F98];
	s0 =	simm.s32 @p1 $0x1  }
0x15: {  	[smem:$0x3FB5] =	sst s0;
	s0 =	simm.s32 @!p2 $0x0  }
0x16: {  	s3 =	sld [smem:$0x3FDB];
	s0 =	simm.s32 @p2 $0x1  }
0x17: {  	s4 =	simm.s32 $0x1BF5;
	[smem:$0x3FB7] =	sst s0  }
0x18: {  	s0 =	sld [smem:$0x3F9A];
	_ =	swait.ge [sflag:s4], $0x0  }
0x19: {  	s7 =	sld [smem:$0x3F9B]  }
0x1a: {  	s8 =	sadd.s32 $0xFFFFE003, lr  }
0x1b: {  	s9 =	sadd.s32 $0xFFFFFEF7, lr;
	s5 =	simm.s32 $0xFFFFFFFF;
	p2 =	slt.u32 s8, $0xFFFFF086  }
0x1c: {  	p1 =	slt.u32 s9, $0xF7A;
	s5 =	simm.s32 @!p2 $0x0  }
0x1d: {  	s5 =	simm.s32 @p1 $0x1;
	p0 =	seq.s32 s7, s2  }
0x1e: {  	s7 =	smul.u32 @!p0 $0xF7A, s2;
	p2 =	seq.s32 @!p0 s5, $0x0  }
0x1f: {  	s9 =	smul.u32 $0xF7A, s1;
	s8 =	simm.s32 @!p0 $0x1BF5;
	p2 =	por !p2, p0  }
0x20: {  	[sflag:s8] =	ssyncset.s32 @!p0 $0xFFFFF086;
	s6 =	sadd.s32 @!p0 s3, s7;
	s7 =	simm.s32 @!p0 $0x108  }
0x21: {  	s3 =	sadd.s32 s3, s9;
	s6 =	sadd.s32 @!p0 $0x88, s6;
	s7 =	simm.s32 @p2 $0x1082  }
0x22: {  	[simem:s7], [sflag:s8] =	dma.local @!p0 [hbm:s6], $0xF7A  }
0x23: {  	s9 =	sor.u32 $0xD0000000, s2;
	s6 =	simm.s32 $0x108;
	_ =	swait.ge @!p0 [sflag:s8], $0x0  }
0x24: {  	s3 =	sadd.s32 $0x88, s3;
	s6 =	simm.s32 @!p1 $0x1082;
	[sflag:s4] =	ssyncset.s32 $0xFFFFF086  }
0x25: {  	[simem:s6], [sflag:s4] =	dma.local [hbm:s3], $0xF7A  }
0x26: {  	[smem:$0x3F9B] =	sst s1;
	(tag) =	ssettag s2;
	_ =	strace s9  }
0x27: {  	s1 =	sld [smem:$0x3FAB]  }
0x28: {  	s2 =	sld [smem:$0x3FAC]  }
0x29: {  	s4 =	sld [smem:$0x3FAE]  }
0x2a: {  	p0 =	seq.s32 s5, $0x0;
	s5 =	sld [smem:$0x3FAF]  }
0x2b: {  	s6 =	sld [smem:$0x3FB0]  }
0x2c: {  	s7 =	sld [smem:$0x3FB1]  }
0x2d: {  	s3 =	simm.s32 $0x108;
	s8 =	sld [smem:$0x3FB2]  }
0x2e: {  	s3 =	simm.s32 @!p0 $0x1082;
	s9 =	sld [smem:$0x3FB3]  }
0x2f: {  	lr =	sadd.s32 s0, s3;
	s0 =	sld [smem:$0x3FAA]  }
0x30: {  	s3 =	sld [smem:$0x3FAD]  }
0x31: {  	[smem:$0x3FB6] =	sst s10  }
0x32: {  	s10 =	sld [smem:$0x3FB4];
	_ =	sdelay $0x3  }
0x33: {  	p0 =	seq.s32 s10, $0x1;
	s10 =	sld [smem:$0x3FB6];
	_ =	sdelay $0x3  }
0x34: {  	[smem:$0x3FB6] =	sst s10  }
0x35: {  	s10 =	sld [smem:$0x3FB5];
	_ =	sdelay $0x3  }
0x36: {  	p1 =	seq.s32 s10, $0x1;
	s10 =	sld [smem:$0x3FB6];
	_ =	sdelay $0x3  }
0x37: {  	[smem:$0x3FB6] =	sst s10  }
0x38: {  	s10 =	sld [smem:$0x3FB7]  }
0x39: {  	_ = 	snop;
	(pc) =	sbr.ind lr, $3  }
0x3a: {  	_ = 	snop  }
0x3b: {  	_ = 	snop  }
0x3c: {  	p2 =	seq.s32 s10, $0x1;
	s10 =	sld [smem:$0x3FB6]  }
0x3d: {  	_ =	shalt  }
0x3e: {  	_ =	shalt  }
0x3f: {  	_ =	shalt  }
0x40: {  	_ =	shalt  }
0x41: {  	_ =	shalt  }
0x42: {  	_ =	shalt  }
0x43: {  	_ =	shalt  }
0x44: {  	_ =	shalt  }
0x45: {  	_ =	shalt  }
0x46: {  	_ =	shalt  }
0x47: {  	_ =	shalt  }
0x48: {  	_ =	shalt  }
0x49: {  	_ =	shalt  }
0x4a: {  	_ =	shalt  }
0x4b: {  	_ =	shalt  }
0x4c: {  	_ =	shalt  }
0x4d: {  	_ =	shalt  }
0x4e: {  	_ =	shalt  }
0x4f: {  	_ =	shalt  }
0x50: {  	_ =	shalt  }
0x51: {  	_ =	shalt  }
0x52: {  	_ =	shalt  }
0x53: {  	_ =	shalt  }
0x54: {  	_ =	shalt  }
0x55: {  	_ =	shalt  }
0x56: {  	_ =	shalt  }
0x57: {  	_ =	shalt  }
0x58: {  	_ =	shalt  }
0x59: {  	_ =	shalt  }
0x5a: {  	_ =	shalt  }
0x5b: {  	_ =	shalt  }
0x5c: {  	_ =	shalt  }
0x5d: {  	_ =	shalt  }
0x5e: {  	_ =	shalt  }
0x5f: {  	_ =	shalt  }
0x60: {  	_ =	shalt  }
0x61: {  	_ =	shalt  }
0x62: {  	_ =	shalt  }
0x63: {  	_ =	shalt  }
0x64: {  	_ =	shalt  }
0x65: {  	_ =	shalt  }
0x66: {  	_ =	shalt  }
0x67: {  	_ =	shalt  }
0x68: {  	_ =	shalt  }
0x69: {  	_ =	shalt  }
0x6a: {  	_ =	shalt  }
0x6b: {  	_ =	shalt  }
0x6c: {  	_ =	shalt  }
0x6d: {  	_ =	shalt  }
0x6e: {  	_ =	shalt  }
0x6f: {  	_ =	shalt  }
0x70: {  	_ =	shalt  }
0x71: {  	_ =	shalt  }
0x72: {  	_ =	shalt  }
0x73: {  	_ =	shalt  }
0x74: {  	_ =	shalt  }
0x75: {  	_ =	shalt  }
0x76: {  	_ =	shalt  }
0x77: {  	_ =	shalt  }
0x78: {  	_ =	shalt  }
0x79: {  	_ =	shalt  }
0x7a: {  	_ =	shalt  }
0x7b: {  	_ =	shalt  }
0x7c: {  	_ =	shalt  }
0x7d: {  	_ =	shalt  }
0x7e: {  	_ =	shalt  }
0x7f: {  	_ =	shalt  }
0x80: {  	_ =	shalt  }
0x81: {  	_ =	shalt  }
0x82: {  	_ =	shalt  }
0x83: {  	_ =	shalt  }
0x84: {  	_ =	shalt  }
0x85: {  	_ =	shalt  }
0x86: {  	_ =	shalt  }
0x87: {  	_ =	shalt  }
.Lfunc_end0:
.L_simem_size_0:
called_computation.1_lowered:
.L_overlay_start_0:
0x88: {  	s2 =	sld [smem:$0x3FD9]  }
0x89: {  	s3 =	sld [smem:$0x3FFE];
	_ =	sdelay $0x1  }
0x8a: {  	s1 =	srdreg.scid  }
0x8b: {  	s0 =	sand.u32 $0x1, s1  }
0x8c: {  	s16 =	sshll.u32 s0, $0xA;
	s2 =	sadd.s32 s3, s2  }
0x8d: {  	s2 =	sadd.s32 s2, s16  }
0x8e: {  	[smem:$0x3FC2] =	sst s2  }
0x8f: {  	_ = 	snop  }
0x90: {  	(tm) =	ssettm $0x1  }
0x91: {  	s17 =	sld [smem:$0x3FFB];
	_ =	sdelay $0x3  }
0x92: {  	_ =	strace s17  }
0x93: {  	s2 =	sld [smem:$0x3FFC];
	_ =	sdelay $0x3  }
0x94: {  	_ =	strace s2  }
0x95: {  	s2 =	sld [smem:$0x3FFD];
	_ =	sdelay $0x3  }
0x96: {  	_ =	strace s2  }
0x97: {  	_ =	strace $0x8FFFFFFF  }
0x98: {  	s18 =	sld [smem:$0x3FDB];
	_ =	sdelay $0x1  }
0x99: {  	s19 =	simm.s32 $_scs_section_size  }
0x9a: {  	s4 =	simm.s32 $_size__tile_overlayer_lowered;
	s5 =	simm.s32 $_tile_overlayer_lowered  }
0x9b: {  	s22 =	simm.s32 $0x1BFF;
	s21 =	sshll.u32 s5, $0x1;
	s2 =	sadd.s32 s19, s18  }
0x9c: {  	s6 =	simm.s32 $0x0;
	s20 =	sshll.u32 s4, $0x1;
	s4 =	sadd.s32 s21, s2  }
0x9d: {  	[timem:s6], [sflag:s22] =	dma.local [hbm:s4], s20  }
0x9e: {  	_ =	swait.ge [sflag:s22], s20  }
0x9f: {  	s3 =	ssub.s32 $0x0, s20;
	[sflag:s22] =	ssyncset.done $0x0  }
0xa0: {  	[sflag:s22] =	ssyncadd.s32 s3;
	_ =	sdelay $0x1  }
0xa1: {  	s23 =	simm.s32 $0x1B8B  }
0xa2: {  	_ =	swait.ge [sflag:s23], $0x1  }
0xa3: {  	[sflag:s23] =	ssyncset.done $0x0  }
0xa4: {  	s25 =	simm.s32 $0x1B8E;
	s24 =	sld [smem:$0x3FFE];
	[sflag:s23] =	ssyncadd.s32 $0xFFFFFFFF  }
0xa5: {  	s26 =	simm.s32 $execute0_lowered;
	[smem:$0x3FD2] =	sst s25  }
0xa6: {  	s4 =	sshll.u32 s26, $0x1;
	_ =	strace $0x80000049;
	[dreg:$0x1] =	wrdreg $0xFFFFFFFF  }
0xa7: {  	s28 =	simm.s32 $_size_execute0_lowered;
	s2 =	sadd.s32 s2, s4;
	[dreg:$0x0] =	wrdreg $0x0  }
0xa8: {  	s4 =	sshll.u32 s28, $0x1;
	[dreg:$0x2] =	wrdreg s2  }
0xa9: {  	[dreg:$0x3] =	wrdreg s4  }
0xaa: {  	[dreg:$0x4] =	wrdreg $0xC0  }
0xab: {  	_ =	task [dreg:s6], $0x5FFFF  }
0xac: {  	[dreg:$0x1] =	wrdreg $0xFFFFFFFF  }
0xad: {  	[dreg:$0x0] =	wrdreg $0x60  }
0xae: {  	[dreg:$0x2] =	wrdreg s24  }
0xaf: {  	[dreg:$0x3] =	wrdreg $0x9  }
0xb0: {  	_ =	task.clear_ibuf [dreg:s6], $0x4FFFF;
	_ =	strace $0x90000049  }
0xb1: {  	s29 =	simm.s32 $0x9;
	_ =	strace $0x8000004B  }
0xb2: {  	_ =	swait.ge [sflag:s29], $0x1  }
0xb3: {  	[sflag:s29] =	ssyncadd.s32 $0xFFFFFFFF  }
0xb4: {  	_ =	strace $0x9000004B  }
0xb5: {  	_ =	sfence  }
0xb6: {  	s30 =	sld [smem:$0x0];
	_ =	sdelay $0x2  }
0xb7: {  	s31 =	sshll.u32 s1, $0xD;
	s1 =	sshrl.u32 s1, $0x2  }
0xb8: {  	s3 =	sand.u32 $0x4000, s31;
	s1 =	sadd.s32 s1, s30  }
0xb9: {  	s0 =	sor.u32 s3, s0;
	s1 =	sshll.u32 s1, $0x11  }
0xba: {  	s0 =	sor.u32 s1, s0  }
0xbb: {  	s0 =	sadd.s32 $0x8F2B, s0  }
0xbc: {  	[sflag:s0] =	ssyncadd.remote.s32 $0x1  }
0xbd: {  	_ =	sfence.sel $0xFFFF  }
0xbe: {  	[dreg:$0x0] =	wrdreg $0xFFFFFFFF;
	(pc) =	sbr.abs _section_cstart, $3  }
0xbf: {  	[dreg:$0x1] =	wrdreg $0xFFFFFFFF  }
0xc0: {  	_ =	task.clear_ibuf [dreg:s6], $0x2FFFF;
	_ =	strace $0x9FFFFFFF  }
0xc1: {  	(tm) =	ssettm $0x7FFFFFFF  }
tec
execute0_lowered:
.L_overlay_start_1:
0x0: {  	(tag) =	ssettag $0x1  }
0x1: {  	s4 =	rddreg [dreg:$0x0]  }
0x2: {  	s1 =	srdreg.scid;
	s0 =	rddreg [dreg:$0x1]  }
0x3: {  	s2 =	simm.s32 $0x0;
	v0 =	vimm.s32 $0xEFCDAB89;
	s12 =	simm.s32 $0x80;
	s13 =	simm.s32 $0x6200  }
0x4: {  	v1 =	vimm.s32 $0x67452301;
	v2 =	vimm.s32 $0xDCFE98BA;
	s14 =	simm.s32 $0xA200;
	s15 =	simm.s32 $0x0;
	s7 =	sand.u32 $0x1, s1  }
0x5: {  	v3 =	vimm.s32 $0x54761032;
	v4 =	vimm.s32 $0xBA98FEDC;
	s1 =	stileid.u32;
	[smem:$0x7FF] =	sst s2;
	s3 =	sshll.u32 s7, $0x4  }
0x6: {  	v5 =	vimm.s32 $0xFEDCBA98;
	_ =	strace $0x8000004A;
	s8 =	sshll.u32 s7, $0xF;
	s9 =	sshll.u32 s1, $0xB  }
0x7: {  	v6 =	vimm.s32 $0x32107654;
	v7 =	vimm.s32 $0x76543210;
	s10 =	sshll.u32 s7, $0x13;
	s28 =	ssub.s32 $0x2, s7;
	s30 =	sshll.u32 s1, $0xF  }
0x8: {  	v0 =	vunpack.c.l.s4.s8 v0;
	v1 =	vunpack.c.l.s4.s8 v1;
	v2 =	vunpack.c.l.s4.s8 v2;
	s7 =	sshll.u32 s7, $0x11;
	s31 =	sshll.u32 s1, $0xD;
	s5 =	sor.u32 s1, s3  }
0x9: {  	v3 =	vunpack.c.l.s4.s8 v3;
	v5 =	vunpack.c.l.s4.s8 v5;
	v4 =	vunpack.c.l.s4.s8 v4;
	s8 =	sor.u32 s9, s8;
	s26 =	sadd.s32 s10, s4;
	s29 =	sshrl.u32 s28, $0x1  }
0xa: {  	v6 =	vunpack.c.l.s4.s8 v6;
	v7 =	vunpack.c.l.s4.s8 v7;
	v0 =	vunpack.c.0.s8.s32 v0;
	s7 =	sor.u32 s31, s7;
	s10 =	simm.s32 $0x2;
	s3 =	sshll.u32 s5, $0xA  }
.Ltmp0:
0xb: {  	v1 =	vunpack.c.0.s8.s32 v1;
	v2 =	vunpack.c.0.s8.s32 v2;
	v3 =	vunpack.c.0.s8.s32 v3;
	s8 =	sshrl.u32 s8, $0x3;
	s5 =	sshll.u32 s5, $0x1;
	(pc) =	sbr.rel .LBB2_1-.Ltmp0, $4  }
0xc: {  	v5 =	vunpack.c.0.s8.s32 v5;
	v4 =	vunpack.c.0.s8.s32 v4;
	v6 =	vunpack.c.0.s8.s32 v6;
	s6 =	sadd.s32 s3, s4;
	s3 =	sadd.s32 $0x40A200, s4;
	s11 =	sadd.s32 s8, s4  }
0xd: {  	vm0 =	vcmask $0x300;
	v7 =	vunpack.c.0.s8.s32 v7;
	s5 =	sadd.s32 s5, s4;
	s8 =	ssub.s32 s28, s29;
	v0 =	vcombine.low v1, v0;
	s4 =	sadd.s32 $0x402200, s6  }
0xe: {  	v1 =	vcombine.low v3, v2;
	v3 =	vand.u32 $0xF, v5;
	v2 =	vcombine.low v6, v4;
	s5 =	sadd.s32 $0x4200, s5;
	s6 =	smax.u32 s8, $0x1;
	s8 =	sadd.s32 s30, s26  }
0xf: {  	v4 =	vimm.s32 $0x0;
	v5 =	vimm.f32 $-1.000000000e+00;
	s9 =	sadd.s32 $0x2200, s11;
	v3 =	vcombine.low v3, v7;
	s11 =	simm.s32 $0x1;
	s8 =	sadd.s32 $0x4400, s8  }
.LBB2_10:
0x10: {  	[sflag:s10] =	ssyncadd.s32 $0xFFFFFF80  }
.LBB2_11:
0x11: {  	v6 =	vmov s16;
	s15 =	sadd.s32 $0x1, s15  }
0x12: {  	v6 =	vnsel vm0, $0x0, v6;
	p0 =	sne.s32 s15, s6  }
.Ltmp1:
0x13: {  	[tilespmem:$0xA200] =	vst v6;
	(pc) =	sbr.rel @!p0 .LBB2_12-.Ltmp1, $4  }
0x14: {  	[hbm4b:s5+s2] =	stream.linear.scatter [tilespmem:s14], [sflag:$0x2], $0x10, $0x38;
	[tilespmem:$0xA280] =	vst v63  }
0x15: {  	_ =	swait.ge [sflag:s10], $0x10  }
0x16: {  	[sflag:s10] =	ssyncset.done $0x0  }
0x17: {  	[sflag:s10] =	ssyncadd.s32 $0xFFFFFFF0  }
.LBB2_1:
.Ltmp2:
0x18: {  	(pc) =	sbr.rel .LBB2_2-.Ltmp2, $4  }
0x19: {  	[tilespmem:s2], [sflag:$0x2] =	stream.linear.gather [hbm4b:s4+s2], $0x2000, $0x38;
	[tilespmem:$0xA280] =	vst v63  }
0x1a: {  	_ =	swait.ge [sflag:s10], $0x2000  }
0x1b: {  	s17 =	smov.u32 s7;
	[sflag:s10] =	ssyncset.done $0x0  }
0x1c: {  	s16 =	simm.s32 $0x0;
	s18 =	simm.s32 $0x0;
	[sflag:s10] =	ssyncadd.s32 $0xFFFFE000  }
.LBB2_6:
0x1d: {  	s18 =	sadd.s32 $0x1, s18  }
0x1e: {  	p0 =	sne.s32 s18, $0x20  }
.Ltmp3:
0x1f: {  	_ = 	snop;
	(pc) =	sbr.rel @!p0 .LBB2_7-.Ltmp3, $2  }
0x20: {  	_ =	sdelay $0x2  }
0x21: {  	s17 =	sadd.s32 $0x100, s17  }
.LBB2_2:
0x22: {  	s19 =	sshll.u32 s18, $0x8  }
0x23: {  	v6 =	vld [tilespmem:s19+$0x0]  }
0x24: {  	v7 =	vld [tilespmem:s19+$0x10]  }
0x25: {  	v8 =	vld [tilespmem:s19+$0x20]  }
0x26: {  	v9 =	vld [tilespmem:s19+$0x30]  }
0x27: {  	v10 =	vld [tilespmem:s19+$0x40]  }
0x28: {  	v11 =	vld [tilespmem:s19+$0x50]  }
0x29: {  	v6 =	vmax.f32 v6, v7;
	v7 =	vld [tilespmem:s19+$0x60]  }
0x2a: {  	v56 =	vld [tilespmem:s19+$0x70];
	v6 =	vmax.f32 v6, v8  }
0x2b: {  	v57 =	vld [tilespmem:s19+$0x80];
	v6 =	vmax.f32 v6, v9  }
0x2c: {  	v58 =	vld [tilespmem:s19+$0x90];
	v6 =	vmax.f32 v6, v10  }
0x2d: {  	v59 =	vld [tilespmem:s19+$0xA0];
	v6 =	vmax.f32 v6, v11  }
0x2e: {  	v6 =	vmax.f32 v6, v7;
	v7 =	vld [tilespmem:s19+$0xB0]  }
0x2f: {  	v60 =	vld [tilespmem:s19+$0xC0];
	v6 =	vmax.f32 v6, v56  }
0x30: {  	v61 =	vld [tilespmem:s19+$0xD0];
	v6 =	vmax.f32 v6, v57  }
0x31: {  	v62 =	vld [tilespmem:s19+$0xE0];
	v6 =	vmax.f32 v6, v58  }
0x32: {  	v63 =	vld [tilespmem:s19+$0xF0];
	v6 =	vmax.f32 v6, v59  }
0x33: {  	v6 =	vmax.f32 v6, v7  }
0x34: {  	v6 =	vmax.f32 v6, v60  }
0x35: {  	v6 =	vmax.f32 v6, v61  }
0x36: {  	v6 =	vmax.f32 v6, v62  }
0x37: {  	v6 =	vmax.f32 v6, v63  }
0x38: {  	v7 =	vperm.xlane v6, v0;
	_ =	sdelay $0x1  }
0x39: {  	v6 =	vmax.f32 v6, v7  }
0x3a: {  	v7 =	vperm.xlane v6, v1;
	_ =	sdelay $0x1  }
0x3b: {  	v6 =	vmax.f32 v6, v7  }
0x3c: {  	v7 =	vperm.xlane v6, v2;
	_ =	sdelay $0x1  }
0x3d: {  	v6 =	vmax.f32 v6, v7  }
0x3e: {  	v7 =	vperm.xlane v6, v3;
	_ =	sdelay $0x1  }
0x3f: {  	v6 =	vmax.f32 v6, v7  }
0x40: {  	(v2sf) =	vpush v6, $0x0;
	_ =	sdelay $0xe  }
0x41: {  	s20 =	spop (v2sf)  }
0x42: {  	p0 =	sge.f32 s20, $0.0e+00  }
.Ltmp4:
0x43: {  	_ = 	snop;
	(pc) =	sbr.rel @!p0 .LBB2_6-.Ltmp4, $4  }
.Ltmp5:
0x44: {  	_ = 	snop;
	(pc) =	sbr.rel @p0 .LBB2_3-.Ltmp5, $4  }
0x45: {  	_ = 	snop  }
0x46: {  	_ = 	snop  }
0x47: {  	s20 =	simm.s32 $0x0  }
0x48: {  	_ = 	snop  }
.LBB2_5:
0x49: {  	s20 =	sadd.s32 $0x10, s20  }
0x4a: {  	p0 =	sne.s32 s20, $0x100  }
.Ltmp6:
0x4b: {  	_ = 	snop;
	(pc) =	sbr.rel @!p0 .LBB2_6-.Ltmp6, $1  }
0x4c: {  	_ =	sdelay $0x3  }
.LBB2_3:
0x4d: {  	s21 =	sand.u32 $0x80, s20  }
0x4e: {  	s22 =	sand.u32 $0x70, s20;
	s21 =	sadd.s32 s21, s19  }
0x4f: {  	s21 =	sadd.s32 s22, s21  }
0x50: {  	v6 =	vld [tilespmem:s21+$0x0];
	_ =	sdelay $0x4  }
0x51: {  	v7 =	vperm.xlane v6, v0;
	_ =	sdelay $0x1  }
0x52: {  	v7 =	vmax.f32 v6, v7  }
0x53: {  	v8 =	vperm.xlane v7, v1;
	_ =	sdelay $0x1  }
0x54: {  	v7 =	vmax.f32 v7, v8  }
0x55: {  	v8 =	vperm.xlane v7, v2;
	_ =	sdelay $0x1  }
0x56: {  	v7 =	vmax.f32 v7, v8  }
0x57: {  	v8 =	vperm.xlane v7, v3;
	_ =	sdelay $0x1  }
0x58: {  	v7 =	vmax.f32 v7, v8  }
0x59: {  	(v2sf) =	vpush v7, $0x0;
	_ =	sdelay $0xe  }
0x5a: {  	s31 =	spop (v2sf)  }
0x5b: {  	p0 =	sge.f32 s31, $0.0e+00  }
.Ltmp7:
0x5c: {  	_ = 	snop;
	(pc) =	sbr.rel @!p0 .LBB2_5-.Ltmp7, $1  }
0x5d: {  	_ =	sdelay $0x3  }
0x5e: {  	(v2sf) =	vpush v6, $0x0;
	_ =	sdelay $0xe  }
0x5f: {  	s21 =	spop (v2sf);
	(v2sf) =	vpush v6, $0x1;
	_ =	sdelay $0xe  }
0x60: {  	s25 =	spop (v2sf);
	(v2sf) =	vpush v6, $0x2;
	_ =	sdelay $0xe  }
0x61: {  	s26 =	spop (v2sf);
	(v2sf) =	vpush v6, $0x3  }
0x62: {  	p1 =	sge.f32 s21, $0.0e+00;
	_ =	sdelay $0x1  }
0x63: {  	v7 =	vld @p1 [tilespmem:s16+$0x2000];
	_ =	sdelay $0x2  }
0x64: {  	v8 =	vlaneseq.u32 @p1  }
0x65: {  	s21 =	sadd.s32 @p1 s20, s17;
	vm1 =	veq.s32 @p1 v8, $0x0  }
0x66: {  	v7 =	vsel @p1 vm1, s21, v7  }
0x67: {  	[tilespmem:s16+$0x2000] =	vst @p1 v7;
	v7 =	vld @p1 [tilespmem:s16+$0x4100];
	_ =	sdelay $0x3  }
0x68: {  	vm1 =	vmmov @p1 $0x1  }
0x69: {  	s21 =	sadd.s32 @p1 $0x1, s16;
	v7 =	vsel @p1 vm1, v6, v7;
	p0 =	sge.f32 s25, $0.0e+00  }
0x6a: {  	[tilespmem:s16+$0x4100] =	vst @p1 v7;
	s16 =	smov.u32 @p1 s21;
	s28 =	spop (v2sf);
	(v2sf) =	vpush v6, $0x4  }
0x6b: {  	v7 =	vld @p0 [tilespmem:s16+$0x2000];
	_ =	sdelay $0x2  }
0x6c: {  	s21 =	sadd.s32 @p0 s20, s17;
	v8 =	vlaneseq.u32 @p0  }
0x6d: {  	s21 =	sadd.s32 @p0 $0x1, s21;
	vm1 =	veq.s32 @p0 v8, $0x0  }
0x6e: {  	v7 =	vsel @p0 vm1, s21, v7  }
0x6f: {  	[tilespmem:s16+$0x2000] =	vst @p0 v7;
	v7 =	vld @p0 [tilespmem:s16+$0x4100];
	_ =	sdelay $0x2  }
0x70: {  	v8 =	vbroadcast @p0 v6, $0x1  }
0x71: {  	vm1 =	vmmov @p0 $0x1  }
0x72: {  	s21 =	sadd.s32 @p0 $0x1, s16;
	v7 =	vsel @p0 vm1, v8, v7;
	p1 =	sge.f32 s26, $0.0e+00  }
0x73: {  	[tilespmem:s16+$0x4100] =	vst @p0 v7;
	s16 =	smov.u32 @p0 s21  }
0x74: {  	v7 =	vld @p1 [tilespmem:s16+$0x2000]  }
0x75: {  	s29 =	spop (v2sf);
	(v2sf) =	vpush v6, $0x5;
	_ =	sdelay $0x1  }
0x76: {  	s21 =	sadd.s32 @p1 s20, s17;
	v8 =	vlaneseq.u32 @p1  }
0x77: {  	s21 =	sadd.s32 @p1 $0x2, s21;
	vm1 =	veq.s32 @p1 v8, $0x0  }
0x78: {  	v7 =	vsel @p1 vm1, s21, v7  }
0x79: {  	[tilespmem:s16+$0x2000] =	vst @p1 v7;
	v7 =	vld @p1 [tilespmem:s16+$0x4100];
	_ =	sdelay $0x2  }
0x7a: {  	v8 =	vbroadcast @p1 v6, $0x2  }
0x7b: {  	vm1 =	vmmov @p1 $0x1  }
0x7c: {  	s21 =	sadd.s32 @p1 $0x1, s16;
	v7 =	vsel @p1 vm1, v8, v7;
	p0 =	sge.f32 s28, $0.0e+00  }
0x7d: {  	[tilespmem:s16+$0x4100] =	vst @p1 v7;
	s16 =	smov.u32 @p1 s21  }
0x7e: {  	v7 =	vld @p0 [tilespmem:s16+$0x2000];
	_ =	sdelay $0x2  }
0x7f: {  	s21 =	sadd.s32 @p0 s20, s17;
	v8 =	vlaneseq.u32 @p0;
	s30 =	spop (v2sf);
	(v2sf) =	vpush v6, $0x6  }
0x80: {  	s21 =	sadd.s32 @p0 $0x3, s21;
	vm1 =	veq.s32 @p0 v8, $0x0  }
0x81: {  	v7 =	vsel @p0 vm1, s21, v7  }
0x82: {  	[tilespmem:s16+$0x2000] =	vst @p0 v7;
	v7 =	vld @p0 [tilespmem:s16+$0x4100];
	_ =	sdelay $0x2  }
0x83: {  	v8 =	vbroadcast @p0 v6, $0x3  }
0x84: {  	vm1 =	vmmov @p0 $0x1  }
0x85: {  	s21 =	sadd.s32 @p0 $0x1, s16;
	v7 =	vsel @p0 vm1, v8, v7;
	p1 =	sge.f32 s29, $0.0e+00  }
0x86: {  	[tilespmem:s16+$0x4100] =	vst @p0 v7;
	s16 =	smov.u32 @p0 s21  }
0x87: {  	v7 =	vld @p1 [tilespmem:s16+$0x2000];
	_ =	sdelay $0x2  }
0x88: {  	s21 =	sadd.s32 @p1 s20, s17;
	v8 =	vlaneseq.u32 @p1  }
0x89: {  	s21 =	sadd.s32 @p1 $0x4, s21;
	vm1 =	veq.s32 @p1 v8, $0x0  }
0x8a: {  	v7 =	vsel @p1 vm1, s21, v7;
	s31 =	spop (v2sf);
	(v2sf) =	vpush v6, $0x7  }
0x8b: {  	[tilespmem:s16+$0x2000] =	vst @p1 v7;
	v7 =	vld @p1 [tilespmem:s16+$0x4100];
	_ =	sdelay $0x2  }
0x8c: {  	v8 =	vbroadcast @p1 v6, $0x4  }
0x8d: {  	vm1 =	vmmov @p1 $0x1  }
0x8e: {  	s21 =	sadd.s32 @p1 $0x1, s16;
	v7 =	vsel @p1 vm1, v8, v7;
	p0 =	sge.f32 s30, $0.0e+00  }
0x8f: {  	[tilespmem:s16+$0x4100] =	vst @p1 v7;
	s16 =	smov.u32 @p1 s21  }
0x90: {  	v7 =	vld @p0 [tilespmem:s16+$0x2000];
	_ =	sdelay $0x2  }
0x91: {  	s21 =	sadd.s32 @p0 s20, s17;
	v8 =	vlaneseq.u32 @p0  }
0x92: {  	s21 =	sadd.s32 @p0 $0x5, s21;
	vm1 =	veq.s32 @p0 v8, $0x0  }
0x93: {  	v7 =	vsel @p0 vm1, s21, v7  }
0x94: {  	[tilespmem:s16+$0x2000] =	vst @p0 v7;
	v7 =	vld @p0 [tilespmem:s16+$0x4100]  }
0x95: {  	s22 =	spop (v2sf);
	(v2sf) =	vpush v6, $0x8;
	_ =	sdelay $0x1  }
0x96: {  	v8 =	vbroadcast @p0 v6, $0x5  }
0x97: {  	vm1 =	vmmov @p0 $0x1  }
0x98: {  	s21 =	sadd.s32 @p0 $0x1, s16;
	v7 =	vsel @p0 vm1, v8, v7;
	p1 =	sge.f32 s31, $0.0e+00  }
0x99: {  	[tilespmem:s16+$0x4100] =	vst @p0 v7;
	s16 =	smov.u32 @p0 s21  }
0x9a: {  	v7 =	vld @p1 [tilespmem:s16+$0x2000];
	_ =	sdelay $0x2  }
0x9b: {  	s21 =	sadd.s32 @p1 s20, s17;
	v8 =	vlaneseq.u32 @p1  }
0x9c: {  	s21 =	sadd.s32 @p1 $0x6, s21;
	vm1 =	veq.s32 @p1 v8, $0x0  }
0x9d: {  	v7 =	vsel @p1 vm1, s21, v7  }
0x9e: {  	[tilespmem:s16+$0x2000] =	vst @p1 v7;
	v7 =	vld @p1 [tilespmem:s16+$0x4100];
	_ =	sdelay $0x2  }
0x9f: {  	v8 =	vbroadcast @p1 v6, $0x6;
	s23 =	spop (v2sf);
	(v2sf) =	vpush v6, $0x9  }
0xa0: {  	vm1 =	vmmov @p1 $0x1  }
0xa1: {  	s21 =	sadd.s32 @p1 $0x1, s16;
	v7 =	vsel @p1 vm1, v8, v7;
	p0 =	sge.f32 s22, $0.0e+00  }
0xa2: {  	[tilespmem:s16+$0x4100] =	vst @p1 v7;
	s16 =	smov.u32 @p1 s21  }
0xa3: {  	v7 =	vld @p0 [tilespmem:s16+$0x2000];
	_ =	sdelay $0x2  }
0xa4: {  	s21 =	sadd.s32 @p0 s20, s17;
	v8 =	vlaneseq.u32 @p0  }
0xa5: {  	s21 =	sadd.s32 @p0 $0x7, s21;
	vm1 =	veq.s32 @p0 v8, $0x0  }
0xa6: {  	v7 =	vsel @p0 vm1, s21, v7  }
0xa7: {  	[tilespmem:s16+$0x2000] =	vst @p0 v7;
	v7 =	vld @p0 [tilespmem:s16+$0x4100];
	_ =	sdelay $0x2  }
0xa8: {  	v8 =	vbroadcast @p0 v6, $0x7  }
0xa9: {  	vm1 =	vmmov @p0 $0x1  }
0xaa: {  	s21 =	sadd.s32 @p0 $0x1, s16;
	v7 =	vsel @p0 vm1, v8, v7;
	p1 =	sge.f32 s23, $0.0e+00;
	s24 =	spop (v2sf);
	(v2sf) =	vpush v6, $0xA  }
0xab: {  	[tilespmem:s16+$0x4100] =	vst @p0 v7;
	s16 =	smov.u32 @p0 s21  }
0xac: {  	v7 =	vld @p1 [tilespmem:s16+$0x2000];
	_ =	sdelay $0x2  }
0xad: {  	s21 =	sadd.s32 @p1 s20, s17;
	v8 =	vlaneseq.u32 @p1  }
0xae: {  	s21 =	sadd.s32 @p1 $0x8, s21;
	vm1 =	veq.s32 @p1 v8, $0x0  }
0xaf: {  	v7 =	vsel @p1 vm1, s21, v7  }
0xb0: {  	[tilespmem:s16+$0x2000] =	vst @p1 v7;
	v7 =	vld @p1 [tilespmem:s16+$0x4100];
	_ =	sdelay $0x2  }
0xb1: {  	v8 =	vbroadcast @p1 v6, $0x8  }
0xb2: {  	vm1 =	vmmov @p1 $0x1  }
0xb3: {  	s21 =	sadd.s32 @p1 $0x1, s16;
	v7 =	vsel @p1 vm1, v8, v7;
	p0 =	sge.f32 s24, $0.0e+00  }
0xb4: {  	[tilespmem:s16+$0x4100] =	vst @p1 v7;
	s16 =	smov.u32 @p1 s21  }
0xb5: {  	v7 =	vld @p0 [tilespmem:s16+$0x2000];
	s25 =	spop (v2sf);
	(v2sf) =	vpush v6, $0xB;
	_ =	sdelay $0x2  }
0xb6: {  	s21 =	sadd.s32 @p0 s20, s17;
	v8 =	vlaneseq.u32 @p0  }
0xb7: {  	s21 =	sadd.s32 @p0 $0x9, s21;
	vm1 =	veq.s32 @p0 v8, $0x0  }
0xb8: {  	v7 =	vsel @p0 vm1, s21, v7  }
0xb9: {  	[tilespmem:s16+$0x2000] =	vst @p0 v7;
	v7 =	vld @p0 [tilespmem:s16+$0x4100];
	_ =	sdelay $0x2  }
0xba: {  	v8 =	vbroadcast @p0 v6, $0x9  }
0xbb: {  	vm1 =	vmmov @p0 $0x1  }
0xbc: {  	s21 =	sadd.s32 @p0 $0x1, s16;
	v7 =	vsel @p0 vm1, v8, v7;
	p1 =	sge.f32 s25, $0.0e+00  }
0xbd: {  	[tilespmem:s16+$0x4100] =	vst @p0 v7;
	s16 =	smov.u32 @p0 s21  }
0xbe: {  	v7 =	vld @p1 [tilespmem:s16+$0x2000];
	_ =	sdelay $0x1  }
0xbf: {  	s26 =	spop (v2sf);
	(v2sf) =	vpush v6, $0xC  }
0xc0: {  	s21 =	sadd.s32 @p1 s20, s17;
	v8 =	vlaneseq.u32 @p1  }
0xc1: {  	s21 =	sadd.s32 @p1 $0xA, s21;
	vm1 =	veq.s32 @p1 v8, $0x0  }
0xc2: {  	v7 =	vsel @p1 vm1, s21, v7  }
0xc3: {  	[tilespmem:s16+$0x2000] =	vst @p1 v7;
	v7 =	vld @p1 [tilespmem:s16+$0x4100];
	_ =	sdelay $0x2  }
0xc4: {  	v8 =	vbroadcast @p1 v6, $0xA  }
0xc5: {  	vm1 =	vmmov @p1 $0x1  }
0xc6: {  	s21 =	sadd.s32 @p1 $0x1, s16;
	v7 =	vsel @p1 vm1, v8, v7;
	p0 =	sge.f32 s26, $0.0e+00  }
0xc7: {  	[tilespmem:s16+$0x4100] =	vst @p1 v7;
	s16 =	smov.u32 @p1 s21  }
0xc8: {  	v7 =	vld @p0 [tilespmem:s16+$0x2000];
	_ =	sdelay $0x2  }
0xc9: {  	s21 =	sadd.s32 @p0 s20, s17;
	v8 =	vlaneseq.u32 @p0  }
0xca: {  	s21 =	sadd.s32 @p0 $0xB, s21;
	vm1 =	veq.s32 @p0 v8, $0x0;
	s28 =	spop (v2sf);
	(v2sf) =	vpush v6, $0xD  }
0xcb: {  	v7 =	vsel @p0 vm1, s21, v7  }
0xcc: {  	[tilespmem:s16+$0x2000] =	vst @p0 v7;
	v7 =	vld @p0 [tilespmem:s16+$0x4100];
	_ =	sdelay $0x2  }
0xcd: {  	v8 =	vbroadcast @p0 v6, $0xB  }
0xce: {  	vm1 =	vmmov @p0 $0x1  }
0xcf: {  	s21 =	sadd.s32 @p0 $0x1, s16;
	v7 =	vsel @p0 vm1, v8, v7;
	p1 =	sge.f32 s28, $0.0e+00  }
0xd0: {  	[tilespmem:s16+$0x4100] =	vst @p0 v7;
	s16 =	smov.u32 @p0 s21  }
0xd1: {  	v7 =	vld @p1 [tilespmem:s16+$0x2000];
	_ =	sdelay $0x2  }
0xd2: {  	s21 =	sadd.s32 @p1 s20, s17;
	v8 =	vlaneseq.u32 @p1  }
0xd3: {  	s21 =	sadd.s32 @p1 $0xC, s21;
	vm1 =	veq.s32 @p1 v8, $0x0  }
0xd4: {  	v7 =	vsel @p1 vm1, s21, v7  }
0xd5: {  	[tilespmem:s16+$0x2000] =	vst @p1 v7;
	v7 =	vld @p1 [tilespmem:s16+$0x4100];
	s29 =	spop (v2sf);
	(v2sf) =	vpush v6, $0xE;
	_ =	sdelay $0x2  }
0xd6: {  	v8 =	vbroadcast @p1 v6, $0xC  }
0xd7: {  	vm1 =	vmmov @p1 $0x1  }
0xd8: {  	s21 =	sadd.s32 @p1 $0x1, s16;
	v7 =	vsel @p1 vm1, v8, v7;
	p0 =	sge.f32 s29, $0.0e+00  }
0xd9: {  	[tilespmem:s16+$0x4100] =	vst @p1 v7;
	s16 =	smov.u32 @p1 s21  }
0xda: {  	v7 =	vld @p0 [tilespmem:s16+$0x2000];
	_ =	sdelay $0x2  }
0xdb: {  	s21 =	sadd.s32 @p0 s20, s17;
	v8 =	vlaneseq.u32 @p0  }
0xdc: {  	s21 =	sadd.s32 @p0 $0xD, s21;
	vm1 =	veq.s32 @p0 v8, $0x0  }
0xdd: {  	v7 =	vsel @p0 vm1, s21, v7  }
0xde: {  	[tilespmem:s16+$0x2000] =	vst @p0 v7;
	v7 =	vld @p0 [tilespmem:s16+$0x4100];
	_ =	sdelay $0x1  }
0xdf: {  	s30 =	spop (v2sf);
	(v2sf) =	vpush v6, $0xF  }
0xe0: {  	v8 =	vbroadcast @p0 v6, $0xD  }
0xe1: {  	vm1 =	vmmov @p0 $0x1  }
0xe2: {  	s21 =	sadd.s32 @p0 $0x1, s16;
	v7 =	vsel @p0 vm1, v8, v7;
	p1 =	sge.f32 s30, $0.0e+00  }
0xe3: {  	[tilespmem:s16+$0x4100] =	vst @p0 v7;
	s16 =	smov.u32 @p0 s21  }
0xe4: {  	v7 =	vld @p1 [tilespmem:s16+$0x2000];
	_ =	sdelay $0x2  }
0xe5: {  	s21 =	sadd.s32 @p1 s20, s17;
	v8 =	vlaneseq.u32 @p1  }
0xe6: {  	s21 =	sadd.s32 @p1 $0xE, s21;
	vm1 =	veq.s32 @p1 v8, $0x0  }
0xe7: {  	v7 =	vsel @p1 vm1, s21, v7  }
0xe8: {  	[tilespmem:s16+$0x2000] =	vst @p1 v7;
	v7 =	vld @p1 [tilespmem:s16+$0x4100];
	_ =	sdelay $0x2  }
0xe9: {  	v8 =	vbroadcast @p1 v6, $0xE  }
0xea: {  	vm1 =	vmmov @p1 $0x1;
	s31 =	spop (v2sf)  }
0xeb: {  	s21 =	sadd.s32 @p1 $0x1, s16;
	v7 =	vsel @p1 vm1, v8, v7;
	p0 =	sge.f32 s31, $0.0e+00  }
0xec: {  	[tilespmem:s16+$0x4100] =	vst @p1 v7;
	s16 =	smov.u32 @p1 s21  }
0xed: {  	v7 =	vld @p0 [tilespmem:s16+$0x2000];
	_ =	sdelay $0x2  }
0xee: {  	s21 =	sadd.s32 @p0 s20, s17;
	v8 =	vlaneseq.u32 @p0  }
0xef: {  	s21 =	sadd.s32 @p0 $0xF, s21;
	vm1 =	veq.s32 @p0 v8, $0x0  }
0xf0: {  	v7 =	vsel @p0 vm1, s21, v7  }
0xf1: {  	[tilespmem:s16+$0x2000] =	vst @p0 v7;
	v7 =	vld @p0 [tilespmem:s16+$0x4100];
	_ =	sdelay $0x1  }
.Ltmp8:
0xf2: {  	_ = 	snop;
	(pc) =	sbr.rel .LBB2_5-.Ltmp8, $4  }
0xf3: {  	v6 =	vbroadcast @p0 v6, $0xF  }
0xf4: {  	vm1 =	vmmov @p0 $0x1  }
0xf5: {  	s21 =	sadd.s32 @p0 $0x1, s16;
	v6 =	vsel @p0 vm1, v6, v7  }
0xf6: {  	[tilespmem:s16+$0x4100] =	vst @p0 v6;
	s16 =	smov.u32 @p0 s21  }
.LBB2_7:
0xf7: {  	s17 =	sadd.s32 $0x7F, s16  }
0xf8: {  	[tilespmem:s16+$0x2000] =	vst v4;
	s18 =	sand.u32 $0x7F, s17  }
0xf9: {  	[tilespmem:s16+$0x4100] =	vst v5;
	s31 =	sshra.s32 s17, $0x1F;
	p1 =	slt.s32 s17, $0x1;
	p0 =	sne.s32 s18, $0x0  }
0xfa: {  	[tilespmem:s16+$0x2010] =	vst v4;
	s18 =	sshrl.u32 s31, $0x19;
	p0 =	por !p1, !p0  }
0xfb: {  	[tilespmem:s16+$0x4110] =	vst v5;
	s17 =	sadd.s32 s18, s17;
	s18 =	simm.s32 $0x1;
	p0 =	por !p0, !p0  }
0xfc: {  	[tilespmem:s16+$0x2020] =	vst v4;
	s17 =	sshrl.u32 s17, $0x7;
	s18 =	simm.s32 @!p0 $0x0  }
0xfd: {  	[tilespmem:s16+$0x4120] =	vst v5;
	s17 =	ssub.s32 s17, s18  }
0xfe: {  	[tilespmem:s16+$0x2030] =	vst v4;
	s17 =	sshll.u32 s17, $0x7  }
0xff: {  	[tilespmem:s16+$0x4130] =	vst v5;
	p0 =	slt.s32 s17, $0x800  }
0x100: {  	[tilespmem:s16+$0x2040] =	vst v4;
	s17 =	simm.s32 @!p0 $0x800  }
0x101: {  	[tilespmem:s16+$0x4140] =	vst v5;
	s19 =	sshra.s32 s17, $0x7  }
0x102: {  	[tilespmem:s16+$0x2050] =	vst v4;
	p0 =	slt.s32 s19, $0x1  }
.Ltmp9:
0x103: {  	[tilespmem:s16+$0x4150] =	vst v5;
	(pc) =	sbr.rel @p0 .LBB2_11-.Ltmp9, $4  }
0x104: {  	[tilespmem:s16+$0x2060] =	vst v4  }
0x105: {  	[tilespmem:s16+$0x4160] =	vst v5  }
0x106: {  	[tilespmem:s16+$0x2070] =	vst v4  }
0x107: {  	[tilespmem:s16+$0x4170] =	vst v5  }
0x108: {  	s17 =	simm.s32 $0x2000  }
0x109: {  	[tilespmem:s13], [sflag:$0x1] =	stream.indirect.gather [hbm4b:s3+s12], $0x80, s17, s12, $0xb8;
	[tilespmem:$0xA280] =	vst v63  }
0x10a: {  	_ =	swait.ge [sflag:s11], $0x4000  }
0x10b: {  	[sflag:s11] =	ssyncset.done $0x0  }
0x10c: {  	[sflag:s11] =	ssyncadd.s32 $0xFFFFC000  }
0x10d: {  	[hbm4b:s8+s2] =	stream.linear.scatter [tilespmem:s13], [sflag:$0x2], $0x4000, $0x38;
	[tilespmem:$0xA280] =	vst v63  }
0x10e: {  	p0 =	sne.s32 s19, $0x1;
	_ =	swait.ge [sflag:s10], $0x4000  }
.Ltmp10:
0x10f: {  	[sflag:s10] =	ssyncset.done $0x0;
	(pc) =	sbr.rel @!p0 .LBB2_10-.Ltmp10, $4  }
0x110: {  	s18 =	simm.s32 $0x4100;
	[sflag:s10] =	ssyncadd.s32 $0xFFFFC000  }
0x111: {  	[hbm4b:s9+s2] =	stream.linear.scatter [tilespmem:s18], [sflag:$0x2], $0x80, $0x38;
	[tilespmem:$0xA280] =	vst v63  }
0x112: {  	s19 =	sadd.s32 $0xFFFFFFFF, s19;
	_ =	swait.ge [sflag:s10], $0x80  }
0x113: {  	s20 =	sadd.s32 $0x800, s8;
	s21 =	sadd.s32 $0x10, s9;
	[sflag:s10] =	ssyncset.done $0x0  }
.LBB2_9:
0x114: {  	[sflag:s10] =	ssyncadd.s32 $0xFFFFFF80;
	s18 =	sadd.s32 $0x80, s18;
	s17 =	sadd.s32 $0x80, s17  }
0x115: {  	[tilespmem:s13], [sflag:$0x1] =	stream.indirect.gather [hbm4b:s3+s12], $0x80, s17, s12, $0xb8;
	[tilespmem:$0xA280] =	vst v63  }
0x116: {  	p0 =	sne.s32 s19, $0x1;
	s19 =	sadd.s32 $0xFFFFFFFF, s19;
	_ =	swait.ge [sflag:s11], $0x4000  }
0x117: {  	[sflag:s11] =	ssyncset.done $0x0  }
0x118: {  	[sflag:s11] =	ssyncadd.s32 $0xFFFFC000  }
0x119: {  	[hbm4b:s20+s2] =	stream.linear.scatter [tilespmem:s13], [sflag:$0x2], $0x4000, $0x38;
	[tilespmem:$0xA280] =	vst v63  }
0x11a: {  	_ =	swait.ge [sflag:s10], $0x4000  }
.Ltmp11:
0x11b: {  	[sflag:s10] =	ssyncset.done $0x0;
	(pc) =	sbr.rel @p0 .LBB2_9-.Ltmp11, $4  }
0x11c: {  	[sflag:s10] =	ssyncadd.s32 $0xFFFFC000  }
0x11d: {  	[hbm4b:s21+s2] =	stream.linear.scatter [tilespmem:s18], [sflag:$0x2], $0x80, $0x38;
	[tilespmem:$0xA280] =	vst v63  }
0x11e: {  	_ =	swait.ge [sflag:s10], $0x80  }
0x11f: {  	s20 =	sadd.s32 $0x800, s20;
	s21 =	sadd.s32 $0x10, s21;
	[sflag:s10] =	ssyncset.done $0x0  }
.Ltmp12:
0x120: {  	_ = 	snop;
	(pc) =	sbr.rel .LBB2_10-.Ltmp12, $1  }
0x121: {  	_ =	sdelay $0x3  }
.LBB2_12:
0x122: {  	_ =	sfence.sel $0x180000  }
0x123: {  	[bflag:$0x0] =	sbarrier.arrive $0xFFFF  }
0x124: {  	p0 =	sne.s32 s1, $0x0;
	_ =	strace $0x9000004A  }
0x125: {  	s0 =	sadd.s32 @!p0 $0x100000, s0;
	[bflag:$0x2] =	sbarrier.arrive $0xFFFF  }
0x126: {  	[sflag:s0] =	ssyncadd.tile.s32 @!p0 $0x1;
	_ =	shalt  }
.Lfunc_end2:
_tile_overlayer_lowered:
.L_overlay_start_2:
0x127: {  	(tag) =	ssettag $0x2  }
0x128: {  	s0 =	rddreg [dreg:$0x0];
	s2 =	stileid.u32  }
0x129: {  	s1 =	rddreg [dreg:$0x1];
	p0 =	sne.s32 s2, $0x0  }
0x12a: {  	s3 =	rddreg [dreg:$0x2];
	[bflag:$0x3] =	sbarrier.arrive $0xFFFF;
	s2 =	simm.s32 @!p0 $0x1C02  }
0x12b: {  	[timem:s3], [sflag:s2] =	dma.local @!p0 [hbm:s0], s1  }
0x12c: {  	s0 =	simm.s32 @!p0 $0x2  }
0x12d: {  	_ =	swait.ge @!p0 [sflag:s0], s1  }
0x12e: {  	s1 =	ssub.s32 @!p0 $0x0, s1;
	[sflag:s0] =	ssyncset.done @!p0 $0x0  }
0x12f: {  	[sflag:s0] =	ssyncadd.s32 @!p0 s1  }
0x130: {  	[bflag:$0x3] =	sbarrier.arrive $0xFFFF  }
0x131: {  	_ =	shalt  }

// kernel: sparse-core-data-format-call.cloned.1.call-start
scs
called_computation_lowered:
.L_overlay_start_0:
0x0: {  	s2 =	sld [smem:$0x3FD9]  }
0x1: {  	s3 =	sld [smem:$0x3FFE];
	_ =	sdelay $0x1  }
0x2: {  	s1 =	srdreg.scid  }
0x3: {  	s0 =	sand.u32 $0x1, s1  }
0x4: {  	s18 =	sshll.u32 s0, $0xA;
	s2 =	sadd.s32 s3, s2  }
0x5: {  	s2 =	sadd.s32 s2, s18  }
0x6: {  	[smem:$0x3FC2] =	sst s2  }
0x7: {  	_ = 	snop  }
0x8: {  	s2 =	sld [smem:$0x3FC8];
	(tm) =	ssettm $0x1  }
0x9: {  	s19 =	sld [smem:$0x3FFB];
	_ =	sdelay $0x3  }
0xa: {  	_ =	strace s19  }
0xb: {  	s3 =	sld [smem:$0x3FFC];
	_ =	sdelay $0x3  }
0xc: {  	_ =	strace s3  }
0xd: {  	s3 =	sld [smem:$0x3FFD];
	_ =	sdelay $0x3  }
0xe: {  	_ =	strace s3  }
0xf: {  	_ =	strace $0x8FFFFFFF  }
0x10: {  	s20 =	sld [smem:$0x3FDB];
	_ =	sdelay $0x1  }
0x11: {  	s4 =	simm.s32 $_scs_section_size  }
0x12: {  	s5 =	simm.s32 $_size__tile_overlayer_lowered;
	s6 =	simm.s32 $_tile_overlayer_lowered  }
0x13: {  	s23 =	simm.s32 $0x1BFF;
	s22 =	sshll.u32 s6, $0x1;
	s3 =	sadd.s32 s4, s20  }
0x14: {  	s7 =	simm.s32 $0x0;
	s21 =	sshll.u32 s5, $0x1;
	s5 =	sadd.s32 s22, s3  }
0x15: {  	[timem:s7], [sflag:s23] =	dma.local [hbm:s5], s21  }
0x16: {  	_ =	swait.ge [sflag:s23], s21  }
0x17: {  	s4 =	ssub.s32 $0x0, s21;
	[sflag:s23] =	ssyncset.done $0x0  }
0x18: {  	[sflag:s23] =	ssyncadd.s32 s4;
	_ =	sdelay $0x1  }
0x19: {  	s24 =	simm.s32 $0x1B8B  }
0x1a: {  	_ =	swait.ge [sflag:s24], $0x1  }
0x1b: {  	[sflag:s24] =	ssyncset.done $0x0  }
0x1c: {  	s26 =	simm.s32 $0x1B8E;
	s25 =	sld [smem:$0x3FFE];
	[sflag:s24] =	ssyncadd.s32 $0xFFFFFFFF  }
0x1d: {  	s27 =	simm.s32 $execute0_lowered;
	[smem:$0x3FD2] =	sst s26  }
0x1e: {  	s5 =	sshll.u32 s27, $0x1;
	_ =	strace $0x80000046;
	[dreg:$0x1] =	wrdreg $0xFFFFFFFF  }
0x1f: {  	s28 =	simm.s32 $_size_execute0_lowered;
	s3 =	sadd.s32 s3, s5;
	[dreg:$0x0] =	wrdreg $0x0  }
0x20: {  	s5 =	sshll.u32 s28, $0x1;
	[dreg:$0x2] =	wrdreg s3  }
0x21: {  	[dreg:$0x3] =	wrdreg s5  }
0x22: {  	[dreg:$0x4] =	wrdreg $0xC0  }
0x23: {  	_ =	task [dreg:s7], $0x5FFFF  }
0x24: {  	[dreg:$0x1] =	wrdreg $0xFFFFFFFF  }
0x25: {  	[dreg:$0x0] =	wrdreg $0x60  }
0x26: {  	[dreg:$0x2] =	wrdreg s2  }
0x27: {  	[dreg:$0x3] =	wrdreg s25  }
0x28: {  	[dreg:$0x4] =	wrdreg $0x9  }
0x29: {  	_ =	task.clear_ibuf [dreg:s7], $0x5FFFF;
	_ =	strace $0x90000046  }
0x2a: {  	s29 =	simm.s32 $0x9;
	_ =	strace $0x80000048  }
0x2b: {  	_ =	swait.ge [sflag:s29], $0x1  }
0x2c: {  	[sflag:s29] =	ssyncadd.s32 $0xFFFFFFFF  }
0x2d: {  	_ =	strace $0x90000048  }
0x2e: {  	_ =	sfence  }
0x2f: {  	s30 =	sld [smem:$0x0];
	_ =	sdelay $0x2  }
0x30: {  	s31 =	sshll.u32 s1, $0xD;
	s1 =	sshrl.u32 s1, $0x2  }
0x31: {  	s3 =	sand.u32 $0x4000, s31;
	s1 =	sadd.s32 s1, s30  }
0x32: {  	s0 =	sor.u32 s3, s0;
	s1 =	sshll.u32 s1, $0x11  }
0x33: {  	s0 =	sor.u32 s1, s0  }
0x34: {  	s0 =	sadd.s32 $0x8F2B, s0  }
0x35: {  	[sflag:s0] =	ssyncadd.remote.s32 $0x1  }
0x36: {  	_ =	sfence.sel $0xFFFF  }
0x37: {  	[dreg:$0x0] =	wrdreg $0xFFFFFFFF;
	(pc) =	sbr.abs _section_cstart, $3  }
0x38: {  	[dreg:$0x1] =	wrdreg $0xFFFFFFFF  }
0x39: {  	_ =	task.clear_ibuf [dreg:s7], $0x2FFFF;
	_ =	strace $0x9FFFFFFF  }
0x3a: {  	(tm) =	ssettm $0x7FFFFFFF  }
0x3b: {  	_ =	shalt  }
tec
execute0_lowered:
.L_overlay_start_1:
0x0: {  	(tag) =	ssettag $0x1  }
0x1: {  	s1 =	rddreg [dreg:$0x0]  }
0x2: {  	s0 =	srdreg.scid;
	s2 =	rddreg [dreg:$0x1];
	s5 =	simm.s32 $0x1  }
0x3: {  	s8 =	simm.s32 $0x2;
	s14 =	simm.s32 $0x0;
	p0 =	por $0x0, $0x0  }
0x4: {  	s13 =	simm.s32 $0x0;
	s12 =	simm.s32 $0x0;
	s3 =	sshll.u32 s0, $0x7  }
0x5: {  	s9 =	stileid.u32;
	s10 =	simm.s32 $0x0;
	s3 =	sand.u32 $0x80, s3  }
.Ltmp0:
0x6: {  	s11 =	simm.s32 $0x0;
	s6 =	ssub.s32 $0x4000, s3;
	(pc) =	sbr.rel .LBB1_1-.Ltmp0, $4  }
0x7: {  	s0 =	rddreg [dreg:$0x2];
	_ =	strace $0x80000047;
	s7 =	sshrl.u32 s6, $0x7  }
0x8: {  	s4 =	sadd.s32 $0x2200, s2;
	s6 =	sshrl.u32 s6, $0x8;
	s7 =	sand.u32 $0x1, s7  }
0x9: {  	s2 =	stileid.u32;
	[sflag:s5] =	ssyncpa.u1 $0x0;
	s6 =	sadd.s32 s6, s7  }
0xa: {  	[sflag:s8] =	ssyncpa.u1 $0x0;
	s8 =	smov.u32 s3;
	s7 =	sadd.s32 $0x1, s6  }
.LBB1_4:
0xb: {  	v5 =	vld [tilespmem:s18+$0xFFFFFFD0];
	[tilespmem:s17+$0x2040 ss:$0x81] =	vst.msk $0xffff, v1  }
0xc: {  	v58 =	vld [tilespmem:s18+$0xFFFFFFE0];
	[tilespmem:s17+$0x2850 ss:$0x81] =	vst.msk $0xffff, v2  }
0xd: {  	s19 =	sshra.s32 s19, $0x2;
	v59 =	vld [tilespmem:s18+$0xFFFFFFF0];
	[tilespmem:s17+$0x3060 ss:$0x81] =	vst.msk $0xffff, v3  }
0xe: {  	v60 =	vld [tilespmem:s18+$0x0];
	[tilespmem:s17+$0x0 ss:$0x81] =	vst.msk $0xffff, v0;
	s16 =	sadd.s32 s19, s16  }
0xf: {  	v61 =	vld [tilespmem:s18+$0x10];
	[tilespmem:s16+$0x3870 ss:$0x81] =	vst.msk $0xffff, v4  }
0x10: {  	v62 =	vld [tilespmem:s18+$0x20];
	s14 =	sshll.u32 s14, $0x7;
	s28 =	sshll.u32 s12, $0x3;
	[tilespmem:s16+$0x810 ss:$0x81] =	vst.msk $0xffff, v5  }
0x11: {  	v63 =	vld [tilespmem:s18+$0xFFFFFFC0];
	s29 =	sand.u32 $0x1FFC00, s14;
	s17 =	sand.u32 $0x1FFC00, s28;
	[tilespmem:s16+$0x1020 ss:$0x81] =	vst.msk $0xffff, v58  }
0x12: {  	s14 =	sand.u32 $0x380, s14;
	s17 =	sadd.s32 s17, s29;
	[tilespmem:s16+$0x1830 ss:$0x81] =	vst.msk $0xffff, v59  }
0x13: {  	s13 =	sshll.u32 s13, $0x12;
	s30 =	sshrl.u32 s12, $0x3;
	s14 =	sor.u32 s14, s17;
	[tilespmem:s16+$0x2040 ss:$0x81] =	vst.msk $0xffff, v60  }
0x14: {  	s13 =	sadd.s32 s4, s13;
	s17 =	sand.u32 $0xF, s30;
	s14 =	sshrl.u32 s14, $0x3;
	[tilespmem:s16+$0x2850 ss:$0x81] =	vst.msk $0xffff, v61  }
0x15: {  	s13 =	sadd.s32 s17, s13;
	[tilespmem:s16+$0x3060 ss:$0x81] =	vst.msk $0xffff, v62;
	s14 =	sand.u32 $0x3FFF0, s14  }
0x16: {  	s31 =	sand.u32 $0x7, s12;
	[tilespmem:s16+$0x0 ss:$0x81] =	vst.msk $0xffff, v63;
	s13 =	sadd.s32 s14, s13  }
0x17: {  	[hbm4b:s13+s31] =	stream.linear.scatter [tilespmem:s15], [sflag:$0x2], $0x4000, $0x20;
	[tilespmem:$0x10100] =	vst v63  }
.LBB1_5:
0x18: {  	s15 =	sadd.s32 $0x100, s8  }
0x19: {  	s12 =	sadd.s32 $0x10, s9;
	s16 =	smov.u32 s9;
	p2 =	sgt.s32 s15, $0x3FFF  }
0x1a: {  	s16 =	smov.u32 @p2 s12  }
0x1b: {  	s18 =	smov.u32 s10;
	s12 =	sadd.s32 $0x80, s10;
	p3 =	sgt.s32 s16, $0xF  }
0x1c: {  	s18 =	smov.u32 @p3 s12  }
0x1d: {  	s15 =	smov.u32 @p2 s3;
	p2 =	sgt.s32 s18, $0x50  }
0x1e: {  	p1 =	slt.u32 s11, $0x2;
	s18 =	simm.s32 @p2 $0x0;
	p2 =	sne.s32 s11, s7  }
.Ltmp1:
0x1f: {  	s17 =	simm.s32 @!p1 $0x2;
	(pc) =	sbr.rel @!p2 .LBB1_6-.Ltmp1, $4  }
0x20: {  	s14 =	smov.u32 s8;
	s13 =	smov.u32 s9;
	_ =	swait.ge @!p1 [sflag:s17], $0x4000  }
0x21: {  	p0 =	por !p0, !p0;
	[sflag:s17] =	ssyncset.done @!p1 $0x0;
	s8 =	smov.u32 s15  }
0x22: {  	s16 =	smov.u32 @p3 s2;
	s12 =	smov.u32 s10;
	[sflag:s17] =	ssyncadd.s32 @!p1 $0xFFFFC000  }
0x23: {  	s9 =	smov.u32 s16;
	s11 =	sadd.s32 $0x1, s11;
	s10 =	smov.u32 s18  }
.LBB1_1:
0x24: {  	p1 =	sge.u32 s11, s6  }
0x25: {  	p2 =	sgt.s32 @!p1 s10, $0xFFFFFFD1  }
0x26: {  	s15 =	smov.u32 s10;
	s16 =	sshra.s32 @!p1 s10, $0x1F;
	p2 =	por !p2, p1  }
0x27: {  	s17 =	smov.u32 s9;
	s16 =	sand.u32 @!p1 s16, s10;
	s15 =	simm.s32 @p2 $0xFFFFFFD1  }
0x28: {  	s19 =	smov.u32 s8;
	p2 =	sgt.s32 @!p1 s9, $0xF;
	s15 =	ssub.s32 @!p1 s15, s16  }
0x29: {  	s31 =	sadd.s32 $0xFFFFFFFF, s11;
	p2 =	por !p2, p1;
	s16 =	sadd.s32 @!p1 $0x2F, s15  }
0x2a: {  	s17 =	simm.s32 @p2 $0xF;
	p2 =	sgt.s32 @!p1 s16, $0x7F;
	s16 =	sshra.s32 @!p1 s9, $0x1F  }
0x2b: {  	s15 =	ssub.s32 @!p1 $0x51, s15;
	p2 =	por !p2, p1;
	s16 =	sand.u32 @!p1 s16, s9  }
0x2c: {  	s15 =	simm.s32 @!p2 $0x0;
	s16 =	ssub.s32 @!p1 s17, s16;
	p2 =	sgt.s32 @!p1 s8, $0x3F80  }
0x2d: {  	s20 =	sshll.u32 @!p1 s9, $0xE;
	s18 =	sadd.s32 @!p1 $0xFFFFFFF1, s16;
	p2 =	por !p2, p1  }
0x2e: {  	s19 =	simm.s32 @p2 $0x3F80;
	p2 =	sgt.s32 @!p1 s18, $0x0;
	s18 =	sshra.s32 @!p1 s8, $0x1F  }
0x2f: {  	s16 =	ssub.s32 @!p1 $0x10, s16;
	p2 =	por !p2, p1;
	s18 =	sand.u32 @!p1 s18, s8  }
0x30: {  	s17 =	sxor.u32 @!p1 $0xFFFFFFFF, s11;
	s16 =	simm.s32 @!p2 $0x0;
	s18 =	ssub.s32 @!p1 s19, s18  }
0x31: {  	s17 =	sshll.u32 @!p1 s17, $0xE;
	s15 =	smul.u32 @!p1 s15, s16;
	s16 =	sadd.s32 @!p1 $0xFFFFC080, s18  }
0x32: {  	s20 =	sand.u32 @!p1 $0x20000, s20;
	s17 =	sand.u32 @!p1 $0x4000, s17;
	p2 =	sgt.s32 @!p1 s16, $0x7F  }
0x33: {  	s18 =	ssub.s32 @!p1 $0x4000, s18;
	s16 =	sshll.u32 @!p1 s9, $0x7;
	p2 =	por !p2, p1  }
0x34: {  	s19 =	sand.u32 @!p1 $0x78, s8;
	s16 =	sand.u32 @!p1 $0x380, s16;
	s18 =	simm.s32 @!p2 $0x0  }
0x35: {  	s16 =	sor.u32 @!p1 s16, s19;
	s19 =	sshll.u32 @!p1 s8, $0x3;
	s15 =	smul.u32 @!p1 s18, s15  }
0x36: {  	s18 =	sand.u32 @!p1 $0x3C00, s19;
	s19 =	sadd.s32 @!p1 s20, s19;
	s20 =	sand.u32 @!p1 $0x7, s8  }
0x37: {  	s16 =	sor.u32 @!p1 s18, s16;
	s18 =	sshll.u32 @!p1 s10, $0xF;
	s19 =	sshrl.u32 @!p1 s19, $0x3  }
0x38: {  	s15 =	sand.u32 @!p1 $0x3FFFFFFF, s15;
	s19 =	sand.u32 @!p1 $0x7800, s19;
	s18 =	sadd.s32 @!p1 s1, s18  }
0x39: {  	s16 =	sshrl.u32 @!p1 s16, $0x3;
	s18 =	sadd.s32 @!p1 s19, s18;
	s19 =	sshll.u32 @!p1 s20, $0x12  }
0x3a: {  	s16 =	sadd.s32 @!p1 s16, s18;
	s18 =	sor.u32 @!p1 $0x80, s19;
	s19 =	simm.s32 @!p1 $0x40000  }
0x3b: {  	[tilespmem:s17], [sflag:$0x1] =	stream.strided.gather @!p1 [hbm4b:s16+s18], s15, s19, s18, $0x38;
	[tilespmem:$0x10100] =	vst v63  }
0x3c: {  	p1 =	sge.u32 s31, s6  }
.Ltmp2:
0x3d: {  	_ = 	snop;
	(pc) =	sbr.rel @p1 .LBB1_5-.Ltmp2, $1  }
0x3e: {  	_ =	sdelay $0x3  }
0x3f: {  	p1 =	sgt.s32 s12, $0xFFFFFFD1;
	s15 =	smov.u32 s12;
	s16 =	sshra.s32 s12, $0x1F  }
0x40: {  	s15 =	simm.s32 @!p1 $0xFFFFFFD1;
	s16 =	sand.u32 s16, s12  }
0x41: {  	s15 =	ssub.s32 s15, s16  }
0x42: {  	p2 =	sgt.s32 s13, $0xF;
	s17 =	sshra.s32 s13, $0x1F;
	s16 =	sadd.s32 $0x2F, s15  }
0x43: {  	s18 =	sshra.s32 s14, $0x1F;
	p1 =	sgt.s32 s16, $0x7F;
	s16 =	smov.u32 s13  }
0x44: {  	s17 =	sand.u32 s17, s13;
	s18 =	sand.u32 s18, s14;
	s16 =	simm.s32 @!p2 $0xF  }
0x45: {  	p2 =	sgt.s32 s14, $0x3F80;
	s16 =	ssub.s32 s16, s17;
	s17 =	smov.u32 s14  }
0x46: {  	s15 =	ssub.s32 $0x51, s15;
	s19 =	sadd.s32 $0xFFFFFFF1, s16;
	s17 =	simm.s32 @!p2 $0x3F80  }
0x47: {  	s16 =	ssub.s32 $0x10, s16;
	p2 =	sgt.s32 s19, $0x0;
	s17 =	ssub.s32 s17, s18  }
0x48: {  	s15 =	simm.s32 @p1 $0x0;
	s16 =	simm.s32 @p2 $0x0;
	s18 =	sadd.s32 $0xFFFFC080, s17  }
0x49: {  	s15 =	smul.u32 s15, s16;
	p1 =	sgt.s32 s18, $0x7F;
	s16 =	ssub.s32 $0x4000, s17  }
0x4a: {  	s16 =	simm.s32 @p1 $0x0  }
0x4b: {  	s15 =	smul.u32 s16, s15;
	_ =	sdelay $0x1  }
0x4c: {  	s16 =	simm.s32 $0x1;
	s15 =	sand.u32 $0x3FFFFFFF, s15  }
0x4d: {  	s16 =	simm.s32 @!p0 $0x0;
	_ =	swait.ge [sflag:s5], s15  }
0x4e: {  	s28 =	sshll.u32 s16, $0xE;
	s15 =	ssub.s32 $0x0, s15;
	[sflag:s5] =	ssyncset.done $0x0  }
0x4f: {  	s29 =	sor.u32 $0x40, s28;
	[sflag:s5] =	ssyncadd.s32 s15  }
0x50: {  	s30 =	smul.u32 $0x10200, s16;
	v0 =	vld [tilespmem:s29+$0x30]  }
0x51: {  	v3 =	vld [tilespmem:s29+$0xFFFFFFD0]  }
0x52: {  	s15 =	sshrl.u32 s30, $0x2;
	v4 =	vld [tilespmem:s29+$0xFFFFFFE0]  }
0x53: {  	s16 =	sor.u32 $0x8000, s15;
	v5 =	vld [tilespmem:s29+$0xFFFFFFF0]  }
0x54: {  	s31 =	sand.u32 $0x1, s11;
	v1 =	vld [tilespmem:s29+$0x0];
	s17 =	sadd.s32 $0x0, s16  }
0x55: {  	s15 =	smul.u32 $0x10200, s31;
	v2 =	vld [tilespmem:s29+$0x10];
	[tilespmem:s17+$0x3870 ss:$0x81] =	vst.msk $0xffff, v0  }
0x56: {  	[tilespmem:s17+$0x810 ss:$0x81] =	vst.msk $0xffff, v3;
	v3 =	vld [tilespmem:s29+$0x20]  }
0x57: {  	s18 =	sadd.s32 $0x80, s29;
	s15 =	sshrl.u32 s15, $0x2;
	v0 =	vld [tilespmem:s29+$0xFFFFFFC0];
	[tilespmem:s17+$0x1020 ss:$0x81] =	vst.msk $0xffff, v4  }
0x58: {  	s20 =	simm.s32 $0x8;
	s19 =	simm.s32 $0x4;
	s15 =	sor.u32 $0x8000, s15;
	v4 =	vld [tilespmem:s18+$0x30];
	[tilespmem:s17+$0x1830 ss:$0x81] =	vst.msk $0xffff, v5  }
.LBB1_3:
0x59: {  	p1 =	sne.s32 s20, $0x1FC;
	v5 =	vld [tilespmem:s18+$0xFFFFFFD0];
	[tilespmem:s17+$0x2040 ss:$0x81] =	vst.msk $0xffff, v1  }
0x5a: {  	v6 =	vld [tilespmem:s18+$0xFFFFFFE0];
	[tilespmem:s17+$0x2850 ss:$0x81] =	vst.msk $0xffff, v2  }
0x5b: {  	s21 =	sshra.s32 s19, $0x2;
	s19 =	smov.u32 s20;
	v7 =	vld [tilespmem:s18+$0xFFFFFFF0];
	[tilespmem:s17+$0x3060 ss:$0x81] =	vst.msk $0xffff, v3  }
.Ltmp3:
0x5c: {  	v1 =	vld [tilespmem:s18+$0x0];
	[tilespmem:s17+$0x0 ss:$0x81] =	vst.msk $0xffff, v0;
	s17 =	sadd.s32 s21, s16;
	(pc) =	sbr.rel @p1 .LBB1_3-.Ltmp3, $4  }
0x5d: {  	v2 =	vld [tilespmem:s18+$0x10];
	[tilespmem:s17+$0x3870 ss:$0x81] =	vst.msk $0xffff, v4  }
0x5e: {  	[tilespmem:s17+$0x810 ss:$0x81] =	vst.msk $0xffff, v5;
	v3 =	vld [tilespmem:s18+$0x20]  }
0x5f: {  	v0 =	vld [tilespmem:s18+$0xFFFFFFC0];
	[tilespmem:s17+$0x1020 ss:$0x81] =	vst.msk $0xffff, v6;
	s18 =	sadd.s32 $0x80, s18  }
0x60: {  	s20 =	sadd.s32 $0x4, s20;
	v4 =	vld [tilespmem:s18+$0x30];
	[tilespmem:s17+$0x1830 ss:$0x81] =	vst.msk $0xffff, v7  }
.Ltmp4:
0x61: {  	_ = 	snop;
	(pc) =	sbr.rel .LBB1_4-.Ltmp4, $1  }
0x62: {  	_ =	sdelay $0x3  }
.LBB1_6:
0x63: {  	_ =	sfence.sel $0x180000  }
0x64: {  	s1 =	simm.s32 $0x1;
	[bflag:$0x0] =	sbarrier.arrive $0xFFFF  }
0x65: {  	s31 =	simm.s32 $0x2;
	[sflag:s1] =	ssyncpa.u1 $0x1  }
0x66: {  	[sflag:s31] =	ssyncpa.u1 $0x1  }
0x67: {  	p0 =	sne.s32 s2, $0x0;
	_ =	strace $0x90000047  }
0x68: {  	s0 =	sadd.s32 @!p0 $0x100000, s0;
	[bflag:$0x2] =	sbarrier.arrive $0xFFFF  }
0x69: {  	[sflag:s0] =	ssyncadd.tile.s32 @!p0 $0x1;
	_ =	shalt  }
.Lfunc_end1:
_tile_overlayer_lowered:
.L_overlay_start_2:
0x6a: {  	(tag) =	ssettag $0x2  }
0x6b: {  	s0 =	rddreg [dreg:$0x0];
	s2 =	stileid.u32  }
0x6c: {  	s1 =	rddreg [dreg:$0x1];
	p0 =	sne.s32 s2, $0x0  }
0x6d: {  	s3 =	rddreg [dreg:$0x2];
	[bflag:$0x3] =	sbarrier.arrive $0xFFFF;
	s2 =	simm.s32 @!p0 $0x1C01  }
0x6e: {  	[timem:s3], [sflag:s2] =	dma.local @!p0 [hbm:s0], s1  }
0x6f: {  	s0 =	simm.s32 @!p0 $0x1  }
0x70: {  	_ =	swait.ge @!p0 [sflag:s0], s1  }
0x71: {  	s1 =	ssub.s32 @!p0 $0x0, s1;
	[sflag:s0] =	ssyncset.done @!p0 $0x0  }
0x72: {  	[sflag:s0] =	ssyncadd.s32 @!p0 s1  }
0x73: {  	[bflag:$0x3] =	sbarrier.arrive $0xFFFF  }
0x74: {  	_ =	shalt  }

</sc_bundles>
